<compile_context>
chip_gen: v7x
topology: tpu7x:2x2x1
jax: 0.10.2.dev20260603
libtpu: 0.0.44.dev20260713+nightly
codegen_flags: <defaults>
</compile_context>

<pallas_src>
import functools

import jax
import jax.numpy as jnp
from jax import lax
from jax.experimental import pallas as pl
from jax.experimental.pallas import tpu as pltpu
from jax.experimental.pallas import tpu_sc as plsc

_B = 4096
_NPN = 12
_ADJ = 20
_D = 100
_DP = 128
_TITLE = 400
_TITLEP = 512
_NW = 32
_BPW = _B // _NW
_SLOTS = _BPW * _NPN
_CS = 16


def _sc_gather_body(nidx, uidx, ndict, adjf, embp, ntab, utab,
                    news_g, user_g, preact,
                    ni, ui, dbuf, nodes, abuf, nvals,
                    gbuf, nbuf, obuf, newsb, userb,
                    sem, sems_news, sems_user, sems_adj, sems_g, sems_n,
                    sems_o):
  wid = lax.axis_index("s") * 2 + lax.axis_index("c")
  base = wid * _BPW
  iot = lax.iota(jnp.int32, 16)

  pltpu.sync_copy(nidx.at[pl.ds(base, _BPW)], ni)
  pltpu.sync_copy(uidx.at[pl.ds(base, _BPW)], ui)

  def astep(i, _):
    pltpu.async_copy(ndict.at[ni.at[pl.ds(i * 16, 16)]], dbuf, sem).wait()
    for j in range(_NPN):
      nodes[pl.ds(j * _BPW + i * 16, 16)] = plsc.load_gather(
          dbuf, [iot, iot * 0 + j])
    return 0
  lax.fori_loop(0, _BPW // 16, astep, 0, unroll=False)

  NEC = _BPW // 8

  def eu_issue(i):
    k2 = lax.rem(i, 2)
    pltpu.async_copy(ntab.at[ni.at[pl.ds(i * 8, 8)]], newsb.at[k2],
                     sems_news.at[k2])
    pltpu.async_copy(utab.at[ui.at[pl.ds(i * 8, 8)]], userb.at[k2],
                     sems_user.at[k2])

  def eu_drain(i):
    k2 = lax.rem(i, 2)
    pltpu.make_async_copy(ntab.at[ni.at[pl.ds(i * 8, 8)]], newsb.at[k2],
                          sems_news.at[k2]).wait()
    pltpu.sync_copy(newsb.at[k2], news_g.at[pl.ds(base + i * 8, 8)])
    pltpu.make_async_copy(utab.at[ui.at[pl.ds(i * 8, 8)]], userb.at[k2],
                          sems_user.at[k2]).wait()
    pltpu.sync_copy(userb.at[k2], user_g.at[pl.ds(base + i * 8, 8)])

  NCH = _SLOTS // _CS

  def build_and_fetch_adj(c):
    k3 = lax.rem(c, 3)
    pltpu.async_copy(adjf.at[nodes.at[pl.ds(c * _CS, _CS)]],
                     abuf.at[pl.ds(k3 * _CS, _CS)], sems_adj.at[k3])

  def fetch_emb(c):
    k3 = lax.rem(c, 3)
    k2 = lax.rem(c, 2)
    pltpu.make_async_copy(adjf.at[nodes.at[pl.ds(c * _CS, _CS)]],
                          abuf.at[pl.ds(k3 * _CS, _CS)], sems_adj.at[k3]).wait()
    for j in range(_ADJ):
      nvals[pl.ds(k3 * (_CS * _ADJ) + j * _CS, _CS)] = plsc.load_gather(
          abuf, [k3 * _CS + iot, iot * 0 + j])
    pltpu.async_copy(embp.at[nvals.at[pl.ds(k3 * (_CS * _ADJ), _CS * _ADJ)]],
                     gbuf.at[k2], sems_g.at[k2])
    pltpu.async_copy(embp.at[nodes.at[pl.ds(c * _CS, _CS)]],
                     nbuf.at[k2], sems_n.at[k2])

  def out_copy(c):
    k2 = lax.rem(c, 2)
    jrow = c // (_BPW // _CS)
    b0 = lax.rem(c, _BPW // _CS) * _CS
    return pltpu.make_async_copy(
        obuf.at[k2], preact.at[jrow, pl.ds(base + b0, _CS)], sems_o.at[k2])

  build_and_fetch_adj(0)
  build_and_fetch_adj(1)
  fetch_emb(0)
  eu_issue(0)

  def dstep(c, _):
    k2 = lax.rem(c, 2)
    k3 = lax.rem(c, 3)

    @pl.when(c + 2 < NCH)
    def _():
      build_and_fetch_adj(c + 2)

    @pl.when(c + 1 < NCH)
    def _():
      fetch_emb(c + 1)

    @pl.when(c + 1 < NEC)
    def _():
      eu_issue(c + 1)

    @pl.when(c < NEC)
    def _():
      eu_drain(c)

    pltpu.make_async_copy(
        embp.at[nvals.at[pl.ds(k3 * (_CS * _ADJ), _CS * _ADJ)]],
        gbuf.at[k2], sems_g.at[k2]).wait()
    pltpu.make_async_copy(embp.at[nodes.at[pl.ds(c * _CS, _CS)]],
                          nbuf.at[k2], sems_n.at[k2]).wait()

    @pl.when(c >= 2)
    def _():
      out_copy(c - 2).wait()

    def sstep(s, _):
      for v in range(_D // 16 + 1):
        sl = pl.ds(v * 16, 16)
        acc = gbuf[k2, s, sl]
        for j in range(1, _ADJ):
          acc = acc + gbuf[k2, j * _CS + s, sl]
        obuf[k2, s, sl] = nbuf[k2, s, sl] + acc * (1.0 / _ADJ)
      return 0
    lax.fori_loop(0, _CS, sstep, 0, unroll=False)
    out_copy(c).start()
    return 0
  lax.fori_loop(0, NCH, dstep, 0, unroll=False)
  out_copy(NCH - 2).wait()
  out_copy(NCH - 1).wait()


def _sc_gather(news_index, user_index, ndict_flat, adj_flat, embp,
               news_table, user_table):
  mesh = plsc.VectorSubcoreMesh(core_axis_name="c", subcore_axis_name="s",
                                num_cores=2, num_subcores=16)
  f = pl.kernel(
      _sc_gather_body,
      compiler_params=pltpu.CompilerParams(needs_layout_passes=False),
      out_type=(
          jax.ShapeDtypeStruct((_B, _TITLEP), jnp.float32),
          jax.ShapeDtypeStruct((_B, _DP), jnp.float32),
          jax.ShapeDtypeStruct((_NPN, _B, _DP), jnp.float32),
      ),
      mesh=mesh,
      scratch_types=(
          pltpu.VMEM((_BPW,), jnp.int32),
          pltpu.VMEM((_BPW,), jnp.int32),
          pltpu.VMEM((16, _DP), jnp.int32),
          pltpu.VMEM((_SLOTS,), jnp.int32),
          pltpu.VMEM((3 * _CS, _DP), jnp.int32),
          pltpu.VMEM((3 * _CS * _ADJ,), jnp.int32),
          pltpu.VMEM((2, _CS * _ADJ, _DP), jnp.float32),
          pltpu.VMEM((2, _CS, _DP), jnp.float32),
          pltpu.VMEM((2, _CS, _DP), jnp.float32),
          pltpu.VMEM((2, 8, _TITLEP), jnp.float32),
          pltpu.VMEM((2, 8, _DP), jnp.float32),
          pltpu.SemaphoreType.DMA,
          pltpu.SemaphoreType.DMA((2,)),
          pltpu.SemaphoreType.DMA((2,)),
          pltpu.SemaphoreType.DMA((3,)),
          pltpu.SemaphoreType.DMA((2,)),
          pltpu.SemaphoreType.DMA((2,)),
          pltpu.SemaphoreType.DMA((2,)),
      ),
  )
  return f(news_index, user_index, ndict_flat, adj_flat, embp,
           news_table, user_table)


def _tc_transpad(xT, out_cols, rows_per_block):
  in_cols, rows = xT.shape
  dtype = xT.dtype
  nblk = (rows + rows_per_block - 1) // rows_per_block

  def body(x_ref, o_ref):
    o_ref[...] = jnp.concatenate(
        [x_ref[...].T,
         jnp.zeros((rows_per_block, out_cols - in_cols), dtype)],
        axis=1)

  return pl.pallas_call(
      body,
      grid=(nblk,),
      in_specs=[pl.BlockSpec((in_cols, rows_per_block), lambda b: (0, b))],
      out_specs=pl.BlockSpec((rows_per_block, out_cols), lambda b: (b, 0)),
      out_shape=jax.ShapeDtypeStruct((rows, out_cols), dtype),
  )(xT)


def _tc_pad(x, out_cols, rows_per_block):
  rows, in_cols = x.shape
  nblk = (rows + rows_per_block - 1) // rows_per_block

  def body(x_ref, o_ref):
    o_ref[...] = jnp.concatenate(
        [x_ref[...],
         jnp.zeros((rows_per_block, out_cols - in_cols), jnp.float32)],
        axis=1)

  return pl.pallas_call(
      body,
      grid=(nblk,),
      in_specs=[pl.BlockSpec((rows_per_block, in_cols), lambda b: (b, 0))],
      out_specs=pl.BlockSpec((rows_per_block, out_cols), lambda b: (b, 0)),
      out_shape=jax.ShapeDtypeStruct((rows, out_cols), jnp.float32),
  )(x)


_BM = 256


def _tc_mlp_body(news_ref, user_ref, pre_ref,
                 W1, b1, W2, b2, aW1t, aW1b, ab1, aW2, ab2, a3, ab3,
                 cW1t, cW1b, cb1, cW2, cb2, c3, cb3,
                 out_a, out_c):
  t = jnp.dot(news_ref[:, :_TITLE], W1[...],
              preferred_element_type=jnp.float32) + b1[...]
  t = jnp.where(t > 0, t, jnp.exp(t) - 1.0)
  ne = jnp.tanh(jnp.dot(t, W2[...],
                        preferred_element_type=jnp.float32) + b2[...])
  state = jnp.concatenate([ne, user_ref[:, :_D]], axis=1)
  sA = jnp.dot(state, aW1t[...],
               preferred_element_type=jnp.float32) + ab1[...]
  sC = jnp.dot(state, cW1t[...],
               preferred_element_type=jnp.float32) + cb1[...]
  sA12 = jnp.broadcast_to(sA[None, :, :], (_NPN, _BM, _D)).reshape(
      _NPN * _BM, _D)
  sC12 = jnp.broadcast_to(sC[None, :, :], (_NPN, _BM, _D)).reshape(
      _NPN * _BM, _D)

  act = jnp.tanh(pre_ref[...].reshape(_NPN * _BM, _DP)[:, :_D])

  ha = jnp.tanh(jnp.dot(act, aW1b[...],
                        preferred_element_type=jnp.float32) + sA12)
  oa = jnp.tanh(jnp.dot(ha, aW2[...],
                        preferred_element_type=jnp.float32) + ab2[...])
  pa = jax.nn.sigmoid(jnp.sum(oa * a3[...], axis=1) + ab3[0, 0])
  out_a[...] = pa.reshape(_NPN, _BM)

  hc = jnp.tanh(jnp.dot(act, cW1b[...],
                        preferred_element_type=jnp.float32) + sC12)
  oc = jnp.tanh(jnp.dot(hc, cW2[...],
                        preferred_element_type=jnp.float32) + cb2[...])
  pc = jax.nn.sigmoid(jnp.sum(oc * c3[...], axis=1) + cb3[0, 0])
  out_c[...] = pc.reshape(_NPN, _BM)


def _tc_mlp(news_g, user_g, pre3, W1, b1, W2, b2,
            aW1t, aW1b, ab1, aW2, ab2, a3, ab3,
            cW1t, cW1b, cb1, cW2, cb2, c3, cb3):
  nb = _B // _BM
  full = lambda shape: pl.BlockSpec(shape, lambda b: (0,) * len(shape))
  return pl.pallas_call(
      _tc_mlp_body,
      grid=(nb,),
      in_specs=[
          pl.BlockSpec((_BM, _TITLEP), lambda b: (b, 0)),
          pl.BlockSpec((_BM, _DP), lambda b: (b, 0)),
          pl.BlockSpec((_NPN, _BM, _DP), lambda b: (0, b, 0)),
          full((_TITLE, _D)), full((1, _D)), full((_D, _D)), full((1, _D)),
          full((2 * _D, _D)), full((_D, _D)), full((1, _D)),
          full((_D, _D)), full((1, _D)), full((1, _D)), full((1, 1)),
          full((2 * _D, _D)), full((_D, _D)), full((1, _D)),
          full((_D, _D)), full((1, _D)), full((1, _D)), full((1, 1)),
      ],
      out_specs=[
          pl.BlockSpec((_NPN, _BM), lambda b: (0, b)),
          pl.BlockSpec((_NPN, _BM), lambda b: (0, b)),
      ],
      out_shape=(
          jax.ShapeDtypeStruct((_NPN, _B), jnp.float32),
          jax.ShapeDtypeStruct((_NPN, _B), jnp.float32),
      ),
  )(news_g, user_g, pre3, W1, b1, W2, b2,
    aW1t, aW1b, ab1, aW2, ab2, a3, ab3,
    cW1t, cW1b, cb1, cW2, cb2, c3, cb3)


def kernel(news_index, user_index, news_node_dict, re_entity_adj, news_table,
           user_table, node_embedding, W1, b1, W2, b2, aW1, ab1, aW2, ab2,
           aW3, ab3, cW1, cb1, cW2, cb2, cW3, cb3):
  ni = news_index.astype(jnp.int32)
  ui = user_index.astype(jnp.int32)
  ndict128 = jnp.maximum(jnp.pad(news_node_dict.astype(jnp.int32),
                                 ((0, 0), (0, _DP - _NPN))), 0)
  adj128 = jnp.maximum(jnp.pad(re_entity_adj.astype(jnp.int32),
                               ((0, 0), (0, _DP - _ADJ))), 0)
  embp = _tc_transpad(node_embedding.T, _DP, 2048)
  ntabp = _tc_transpad(news_table.T, _TITLEP, 2048)
  utabp = _tc_transpad(user_table.T, _DP, 2048)

  news_g, user_g, pre3 = _sc_gather(ni, ui, ndict128, adj128, embp,
                                    ntabp, utabp)

  out_a, out_c = _tc_mlp(
      news_g, user_g, pre3,
      W1, b1.reshape(1, _D), W2, b2.reshape(1, _D),
      aW1[: 2 * _D], aW1[2 * _D:], ab1.reshape(1, _D),
      aW2, ab2.reshape(1, _D), aW3.reshape(1, _D), ab3.reshape(1, 1),
      cW1[: 2 * _D], cW1[2 * _D:], cb1.reshape(1, _D),
      cW2, cb2.reshape(1, _D), cW3.reshape(1, _D), cb3.reshape(1, 1),
  )
  act_probs = out_a.T.reshape(_B, _NPN, 1)
  q_actions = out_c.T.reshape(_B, _NPN, 1)
  return (act_probs, q_actions)

# --- scband reference (transcript-rebuilt; emitter-appended) ---
"""Pipeline reference for scband-mrnnrl-simple-v5-80590766342943 (READ-ONLY COPY).

The authoritative reference and input builder live on the scoring server;
editing this copy changes nothing except your own understanding.
"""

import jax, jax.numpy as jnp
import numpy as np

NEWS_NUM = 50000
USER_NUM = 50000
ENTITY_NUM = 100000
CAT_NUM = 15
SUBCAT_NUM = 270
NODES = ENTITY_NUM + CAT_NUM + SUBCAT_NUM
EMB = 100
TITLE = 400
ADJ = 20
NODES_PER_NEWS = 12
B = 4096


def setup_inputs(seed: int = 0):
    key = jax.random.key(seed)
    ks = jax.random.split(key, 16)
    def n(i, shape, scale=0.02):
        return jax.random.normal(ks[i], shape, dtype=jnp.float32) * scale
    inp = {}
    inp["news_index"] = jax.random.randint(ks[0], (B,), 0, NEWS_NUM)
    inp["user_index"] = jax.random.randint(ks[1], (B,), 0, USER_NUM)
    inp["news_node_dict"] = jax.random.randint(ks[2], (NEWS_NUM, NODES_PER_NEWS), 0, NODES)
    inp["re_entity_adj"] = jax.random.randint(ks[3], (NODES, ADJ), 0, NODES)
    inp["news_table"] = n(4, (NEWS_NUM, TITLE))
    inp["user_table"] = n(5, (USER_NUM, EMB))
    inp["node_embedding"] = n(6, (NODES, EMB))
    inp["W1"] = n(7, (TITLE, EMB), 0.05)
    inp["b1"] = jnp.zeros((EMB,), jnp.float32)
    inp["W2"] = n(8, (EMB, EMB), 0.05)
    inp["b2"] = jnp.zeros((EMB,), jnp.float32)
    inp["aW1"] = n(9, (300, 100), 0.05)
    inp["ab1"] = jnp.zeros((100,), jnp.float32)
    inp["aW2"] = n(10, (100, 100), 0.05)
    inp["ab2"] = jnp.zeros((100,), jnp.float32)
    inp["aW3"] = n(11, (100, 1), 0.05)
    inp["ab3"] = jnp.zeros((1,), jnp.float32)
    inp["cW1"] = n(12, (300, 100), 0.05)
    inp["cb1"] = jnp.zeros((100,), jnp.float32)
    inp["cW2"] = n(13, (100, 100), 0.05)
    inp["cb2"] = jnp.zeros((100,), jnp.float32)
    inp["cW3"] = n(14, (100, 1), 0.05)
    inp["cb3"] = jnp.zeros((1,), jnp.float32)
    return inp


def reference(news_index, user_index, news_node_dict, re_entity_adj, news_table, user_table, node_embedding, W1, b1, W2, b2, aW1, ab1, aW2, ab2, aW3, ab3, cW1, cb1, cW2, cb2, cW3, cb3):
    # trans_news_embedding: news title lookup + 2-layer compress
    news_emb = jnp.tanh(jax.nn.elu(jnp.take(news_table, news_index, axis=0) @ W1 + b1) @ W2 + b2)
    user_emb = jnp.take(user_table, user_index, axis=0)
    # per-news node set (category, subcategory, 10 entities) -> node embeddings
    nodes = jnp.take(news_node_dict, news_index, axis=0)            # [B, 12]
    node_emb = jnp.take(node_embedding, nodes, axis=0)              # [B, 12, 100]
    # one-hop message passing over reconstructed entity adjacency
    neigh_idx = jnp.take(re_entity_adj, nodes, axis=0)              # [B, 12, 20]
    neigh_emb = jnp.take(node_embedding, neigh_idx, axis=0)         # [B, 12, 20, 100]
    agg = jnp.mean(neigh_emb, axis=2)                               # [B, 12, 100]
    action = jnp.tanh(node_emb + agg)
    # policy Net: state expanded over candidate-node axis, cat -> 300
    state = jnp.concatenate([news_emb, user_emb], axis=-1)          # [B, 200]
    state = jnp.broadcast_to(state[:, None, :], (state.shape[0], action.shape[1], state.shape[1]))
    x = jnp.concatenate([state, action], axis=-1)                   # [B, 12, 300]
    actor_x = jnp.tanh(x @ aW1 + ab1)
    actor_out = jnp.tanh(actor_x @ aW2 + ab2)
    act_probs = jax.nn.sigmoid(actor_out @ aW3 + ab3)
    critic_x = jnp.tanh(x @ cW1 + cb1)
    critic_out = jnp.tanh(critic_x @ cW2 + cb2)
    q_actions = jax.nn.sigmoid(critic_out @ cW3 + cb3)
    return (act_probs, q_actions)

if __name__ == "__main__":
    import jax
    _d = setup_inputs()
    print(jax.jit(kernel)(*tuple(_d.values())))

</pallas_src>

<mosaic_0001>
#map = affine_map<(d0, d1) -> (0)>
#map1 = affine_map<(d0, d1) -> (0, 0)>
#map2 = affine_map<(d0, d1) -> (0, 0, 0)>
module attributes {stable_mosaic.version = 14 : i64} {
  func.func @_sc_gather_body(%arg0: i32, %arg1: i32, %arg2: memref<4096xi32, #tpu.memory_space<hbm>>, %arg3: memref<4096xi32, #tpu.memory_space<hbm>>, %arg4: memref<50000x128xi32, #tpu.memory_space<hbm>>, %arg5: memref<100285x128xi32, #tpu.memory_space<hbm>>, %arg6: memref<100285x128xf32, #tpu.memory_space<hbm>>, %arg7: memref<50000x512xf32, #tpu.memory_space<hbm>>, %arg8: memref<50000x128xf32, #tpu.memory_space<hbm>>, %arg9: memref<4096x512xf32, #tpu.memory_space<hbm>>, %arg10: memref<4096x128xf32, #tpu.memory_space<hbm>>, %arg11: memref<12x4096x128xf32, #tpu.memory_space<hbm>>, %arg12: memref<128xi32, #tpu.memory_space<vmem>>, %arg13: memref<128xi32, #tpu.memory_space<vmem>>, %arg14: memref<16x128xi32, #tpu.memory_space<vmem>>, %arg15: memref<1536xi32, #tpu.memory_space<vmem>>, %arg16: memref<48x128xi32, #tpu.memory_space<vmem>>, %arg17: memref<960xi32, #tpu.memory_space<vmem>>, %arg18: memref<2x320x128xf32, #tpu.memory_space<vmem>>, %arg19: memref<2x16x128xf32, #tpu.memory_space<vmem>>, %arg20: memref<2x16x128xf32, #tpu.memory_space<vmem>>, %arg21: memref<2x8x512xf32, #tpu.memory_space<vmem>>, %arg22: memref<2x8x128xf32, #tpu.memory_space<vmem>>, %arg23: memref<!tpu.dma_semaphore, #tpu.memory_space<semaphore_mem>>, %arg24: memref<2x!tpu.dma_semaphore, #tpu.memory_space<semaphore_mem>>, %arg25: memref<2x!tpu.dma_semaphore, #tpu.memory_space<semaphore_mem>>, %arg26: memref<3x!tpu.dma_semaphore, #tpu.memory_space<semaphore_mem>>, %arg27: memref<2x!tpu.dma_semaphore, #tpu.memory_space<semaphore_mem>>, %arg28: memref<2x!tpu.dma_semaphore, #tpu.memory_space<semaphore_mem>>, %arg29: memref<2x!tpu.dma_semaphore, #tpu.memory_space<semaphore_mem>>) attributes {dimension_semantics = [#tpu.dimension_semantics<core_parallel>, #tpu.dimension_semantics<subcore_parallel>], iteration_bounds = array<i64: 2, 16>, scalar_prefetch = 0 : i64, scratch_operands = 18 : i64, tpu.core_type = #tpu.core_type<sc_vector_subcore>, window_params = [{transform_indices = #map}, {transform_indices = #map}, {transform_indices = #map1}, {transform_indices = #map1}, {transform_indices = #map1}, {transform_indices = #map1}, {transform_indices = #map1}, {transform_indices = #map1}, {transform_indices = #map1}, {transform_indices = #map2}]} {
    %mul3A = arith.constant 2 : i32
    %mul3A_0 = arith.muli %arg1, %mul3A : i32
    %add3A = arith.addi %mul3A_0, %arg0 : i32
    %mul3A_1 = arith.constant 128 : i32
    %mul3A_2 = arith.muli %add3A, %mul3A_1 : i32
    %iota3A = tpu.iota {dimensions = array<i32: 0>} : vector<16xi32>
    "tpu.region"() ({
      %run_scoped3A = tpu.sem_alloc : memref<!tpu.dma_semaphore, #tpu.memory_space<semaphore_mem>>
      %dma_start3A_496 = tpu.memref_slice %arg2[%mul3A_2] : memref<4096xi32, #tpu.memory_space<hbm>> -> memref<128xi32, #tpu.memory_space<hbm>>
      %dma_start3A_497 = tpu.memref_slice %arg2[%mul3A_2] : memref<4096xi32, #tpu.memory_space<hbm>> -> memref<128xi32, #tpu.memory_space<hbm>>
      tpu.enqueue_dma source(%dma_start3A_497 : memref<128xi32, #tpu.memory_space<hbm>>) target(%arg12 : memref<128xi32, #tpu.memory_space<vmem>>) target_semaphore(%run_scoped3A : memref<!tpu.dma_semaphore, #tpu.memory_space<semaphore_mem>>)
      %dma_wait3A_498 = tpu.memref_slice %arg2[%mul3A_2] : memref<4096xi32, #tpu.memory_space<hbm>> -> memref<128xi32, #tpu.memory_space<hbm>>
      %dma_wait3A_499 = tpu.memref_slice %arg2[%mul3A_2] : memref<4096xi32, #tpu.memory_space<hbm>> -> memref<128xi32, #tpu.memory_space<hbm>>
      tpu.wait_dma2 semaphore(%run_scoped3A : memref<!tpu.dma_semaphore, #tpu.memory_space<semaphore_mem>>) src(%dma_wait3A_499 : memref<128xi32, #tpu.memory_space<hbm>>) dst(%arg12 : memref<128xi32, #tpu.memory_space<vmem>>)
      tpu.yield
    }) : () -> ()
    "tpu.region"() ({
      %run_scoped3A = tpu.sem_alloc : memref<!tpu.dma_semaphore, #tpu.memory_space<semaphore_mem>>
      %dma_start3A_496 = tpu.memref_slice %arg3[%mul3A_2] : memref<4096xi32, #tpu.memory_space<hbm>> -> memref<128xi32, #tpu.memory_space<hbm>>
      %dma_start3A_497 = tpu.memref_slice %arg3[%mul3A_2] : memref<4096xi32, #tpu.memory_space<hbm>> -> memref<128xi32, #tpu.memory_space<hbm>>
      tpu.enqueue_dma source(%dma_start3A_497 : memref<128xi32, #tpu.memory_space<hbm>>) target(%arg13 : memref<128xi32, #tpu.memory_space<vmem>>) target_semaphore(%run_scoped3A : memref<!tpu.dma_semaphore, #tpu.memory_space<semaphore_mem>>)
      %dma_wait3A_498 = tpu.memref_slice %arg3[%mul3A_2] : memref<4096xi32, #tpu.memory_space<hbm>> -> memref<128xi32, #tpu.memory_space<hbm>>
      %dma_wait3A_499 = tpu.memref_slice %arg3[%mul3A_2] : memref<4096xi32, #tpu.memory_space<hbm>> -> memref<128xi32, #tpu.memory_space<hbm>>
      tpu.wait_dma2 semaphore(%run_scoped3A : memref<!tpu.dma_semaphore, #tpu.memory_space<semaphore_mem>>) src(%dma_wait3A_499 : memref<128xi32, #tpu.memory_space<hbm>>) dst(%arg13 : memref<128xi32, #tpu.memory_space<vmem>>)
      tpu.yield
    }) : () -> ()
    %scan3A = arith.constant 0 : i32
    %scan3A_3 = arith.constant 0 : i32
    %scan3A_4 = arith.constant 8 : i32
    %scan3A_5 = arith.addi %scan3A_3, %scan3A_4 : i32
    %scan3A_6 = arith.constant 1 : i32
    %scan3A_7 = scf.for %scan3A_496 = %scan3A_3 to %scan3A_5 step %scan3A_6 iter_args(%scan3A_497 = %scan3A) -> (i32)  : i32 {
      %mul3A_498 = arith.constant 16 : i32
      %mul3A_499 = arith.muli %scan3A_496, %mul3A_498 : i32
      %dma_start3A_500 = tpu.memref_slice %arg12[%mul3A_499] : memref<128xi32, #tpu.memory_space<vmem>> -> memref<16xi32, #tpu.memory_space<vmem>>
      %dma_start3A_501 = arith.constant 0 : i32
      %dma_start3A_502 = arith.constant 0 : i32
      %dma_start3A_503 = tpu.memref_slice %arg4[%dma_start3A_501, %dma_start3A_502] : memref<50000x128xi32, #tpu.memory_space<hbm>> -> memref<50000x128xi32, #tpu.memory_space<hbm>>
      tpu.enqueue_indirect_dma source(%dma_start3A_503 : memref<50000x128xi32, #tpu.memory_space<hbm>>) target(%arg14 : memref<16x128xi32, #tpu.memory_space<vmem>>) offsets(%dma_start3A_500 : memref<16xi32, #tpu.memory_space<vmem>>) semaphore(%arg23 : memref<!tpu.dma_semaphore, #tpu.memory_space<semaphore_mem>>)
      %dma_wait3A_504 = tpu.memref_slice %arg12[%mul3A_499] : memref<128xi32, #tpu.memory_space<vmem>> -> memref<16xi32, #tpu.memory_space<vmem>>
      %dma_wait3A_505 = arith.constant 0 : i32
      %dma_wait3A_506 = arith.constant 0 : i32
      %dma_wait3A_507 = tpu.memref_slice %arg4[%dma_wait3A_505, %dma_wait3A_506] : memref<50000x128xi32, #tpu.memory_space<hbm>> -> memref<50000x128xi32, #tpu.memory_space<hbm>>
      tpu.wait_indirect_dma semaphore(%arg23 : memref<!tpu.dma_semaphore, #tpu.memory_space<semaphore_mem>>) src(%dma_wait3A_507 : memref<50000x128xi32, #tpu.memory_space<hbm>>) dst(%arg14 : memref<16x128xi32, #tpu.memory_space<vmem>>)
      %mul3A_508 = arith.constant 0 : i32
      %mul3A_509 = vector.broadcast %mul3A_508 : i32 to vector<16xi32>
      %mul3A_510 = arith.muli %iota3A, %mul3A_509 : vector<16xi32>
      %add3A_511 = arith.constant 0 : i32
      %add3A_512 = vector.broadcast %add3A_511 : i32 to vector<16xi32>
      %add3A_513 = arith.addi %mul3A_510, %add3A_512 : vector<16xi32>
      %gather3A_514 = tpu.vector_load_idx %arg14[%iota3A, %add3A_513] : memref<16x128xi32, #tpu.memory_space<vmem>>[vector<16xi32>, vector<16xi32>], vector<16xi32>,
      %mul3A_515 = arith.constant 16 : i32
      %mul3A_516 = arith.muli %scan3A_496, %mul3A_515 : i32
      %add3A_517 = arith.constant 0 : i32
      %add3A_518 = arith.addi %add3A_517, %mul3A_516 : i32
      %swap3A_519 = arith.index_cast %add3A_518 : i32 to index
      %swap3A_520 = tpu.vector_load %arg15[%swap3A_519] {strides = array<i32>} : memref<1536xi32, #tpu.memory_space<vmem>>, vector<16xi32>,
      tpu.vector_store %arg15[%swap3A_519], %gather3A_514 {strides = array<i32>} : memref<1536xi32, #tpu.memory_space<vmem>>, vector<16xi32>,
      %mul3A_521 = arith.constant 0 : i32
      %mul3A_522 = vector.broadcast %mul3A_521 : i32 to vector<16xi32>
      %mul3A_523 = arith.muli %iota3A, %mul3A_522 : vector<16xi32>
      %add3A_524 = arith.constant 1 : i32
      %add3A_525 = vector.broadcast %add3A_524 : i32 to vector<16xi32>
      %add3A_526 = arith.addi %mul3A_523, %add3A_525 : vector<16xi32>
      %gather3A_527 = tpu.vector_load_idx %arg14[%iota3A, %add3A_526] : memref<16x128xi32, #tpu.memory_space<vmem>>[vector<16xi32>, vector<16xi32>], vector<16xi32>,
      %mul3A_528 = arith.constant 16 : i32
      %mul3A_529 = arith.muli %scan3A_496, %mul3A_528 : i32
      %add3A_530 = arith.constant 128 : i32
      %add3A_531 = arith.addi %add3A_530, %mul3A_529 : i32
      %swap3A_532 = arith.index_cast %add3A_531 : i32 to index
      %swap3A_533 = tpu.vector_load %arg15[%swap3A_532] {strides = array<i32>} : memref<1536xi32, #tpu.memory_space<vmem>>, vector<16xi32>,
      tpu.vector_store %arg15[%swap3A_532], %gather3A_527 {strides = array<i32>} : memref<1536xi32, #tpu.memory_space<vmem>>, vector<16xi32>,
      %mul3A_534 = arith.constant 0 : i32
      %mul3A_535 = vector.broadcast %mul3A_534 : i32 to vector<16xi32>
      %mul3A_536 = arith.muli %iota3A, %mul3A_535 : vector<16xi32>
      %add3A_537 = arith.constant 2 : i32
      %add3A_538 = vector.broadcast %add3A_537 : i32 to vector<16xi32>
      %add3A_539 = arith.addi %mul3A_536, %add3A_538 : vector<16xi32>
      %gather3A_540 = tpu.vector_load_idx %arg14[%iota3A, %add3A_539] : memref<16x128xi32, #tpu.memory_space<vmem>>[vector<16xi32>, vector<16xi32>], vector<16xi32>,
      %mul3A_541 = arith.constant 16 : i32
      %mul3A_542 = arith.muli %scan3A_496, %mul3A_541 : i32
      %add3A_543 = arith.constant 256 : i32
      %add3A_544 = arith.addi %add3A_543, %mul3A_542 : i32
      %swap3A_545 = arith.index_cast %add3A_544 : i32 to index
      %swap3A_546 = tpu.vector_load %arg15[%swap3A_545] {strides = array<i32>} : memref<1536xi32, #tpu.memory_space<vmem>>, vector<16xi32>,
      tpu.vector_store %arg15[%swap3A_545], %gather3A_540 {strides = array<i32>} : memref<1536xi32, #tpu.memory_space<vmem>>, vector<16xi32>,
      %mul3A_547 = arith.constant 0 : i32
      %mul3A_548 = vector.broadcast %mul3A_547 : i32 to vector<16xi32>
      %mul3A_549 = arith.muli %iota3A, %mul3A_548 : vector<16xi32>
      %add3A_550 = arith.constant 3 : i32
      %add3A_551 = vector.broadcast %add3A_550 : i32 to vector<16xi32>
      %add3A_552 = arith.addi %mul3A_549, %add3A_551 : vector<16xi32>
      %gather3A_553 = tpu.vector_load_idx %arg14[%iota3A, %add3A_552] : memref<16x128xi32, #tpu.memory_space<vmem>>[vector<16xi32>, vector<16xi32>], vector<16xi32>,
      %mul3A_554 = arith.constant 16 : i32
      %mul3A_555 = arith.muli %scan3A_496, %mul3A_554 : i32
      %add3A_556 = arith.constant 384 : i32
      %add3A_557 = arith.addi %add3A_556, %mul3A_555 : i32
      %swap3A_558 = arith.index_cast %add3A_557 : i32 to index
      %swap3A_559 = tpu.vector_load %arg15[%swap3A_558] {strides = array<i32>} : memref<1536xi32, #tpu.memory_space<vmem>>, vector<16xi32>,
      tpu.vector_store %arg15[%swap3A_558], %gather3A_553 {strides = array<i32>} : memref<1536xi32, #tpu.memory_space<vmem>>, vector<16xi32>,
      %mul3A_560 = arith.constant 0 : i32
      %mul3A_561 = vector.broadcast %mul3A_560 : i32 to vector<16xi32>
      %mul3A_562 = arith.muli %iota3A, %mul3A_561 : vector<16xi32>
      %add3A_563 = arith.constant 4 : i32
      %add3A_564 = vector.broadcast %add3A_563 : i32 to vector<16xi32>
      %add3A_565 = arith.addi %mul3A_562, %add3A_564 : vector<16xi32>
      %gather3A_566 = tpu.vector_load_idx %arg14[%iota3A, %add3A_565] : memref<16x128xi32, #tpu.memory_space<vmem>>[vector<16xi32>, vector<16xi32>], vector<16xi32>,
      %mul3A_567 = arith.constant 16 : i32
      %mul3A_568 = arith.muli %scan3A_496, %mul3A_567 : i32
      %add3A_569 = arith.constant 512 : i32
      %add3A_570 = arith.addi %add3A_569, %mul3A_568 : i32
      %swap3A_571 = arith.index_cast %add3A_570 : i32 to index
      %swap3A_572 = tpu.vector_load %arg15[%swap3A_571] {strides = array<i32>} : memref<1536xi32, #tpu.memory_space<vmem>>, vector<16xi32>,
      tpu.vector_store %arg15[%swap3A_571], %gather3A_566 {strides = array<i32>} : memref<1536xi32, #tpu.memory_space<vmem>>, vector<16xi32>,
      %mul3A_573 = arith.constant 0 : i32
      %mul3A_574 = vector.broadcast %mul3A_573 : i32 to vector<16xi32>
      %mul3A_575 = arith.muli %iota3A, %mul3A_574 : vector<16xi32>
      %add3A_576 = arith.constant 5 : i32
      %add3A_577 = vector.broadcast %add3A_576 : i32 to vector<16xi32>
      %add3A_578 = arith.addi %mul3A_575, %add3A_577 : vector<16xi32>
      %gather3A_579 = tpu.vector_load_idx %arg14[%iota3A, %add3A_578] : memref<16x128xi32, #tpu.memory_space<vmem>>[vector<16xi32>, vector<16xi32>], vector<16xi32>,
      %mul3A_580 = arith.constant 16 : i32
      %mul3A_581 = arith.muli %scan3A_496, %mul3A_580 : i32
      %add3A_582 = arith.constant 640 : i32
      %add3A_583 = arith.addi %add3A_582, %mul3A_581 : i32
      %swap3A_584 = arith.index_cast %add3A_583 : i32 to index
      %swap3A_585 = tpu.vector_load %arg15[%swap3A_584] {strides = array<i32>} : memref<1536xi32, #tpu.memory_space<vmem>>, vector<16xi32>,
      tpu.vector_store %arg15[%swap3A_584], %gather3A_579 {strides = array<i32>} : memref<1536xi32, #tpu.memory_space<vmem>>, vector<16xi32>,
      %mul3A_586 = arith.constant 0 : i32
      %mul3A_587 = vector.broadcast %mul3A_586 : i32 to vector<16xi32>
      %mul3A_588 = arith.muli %iota3A, %mul3A_587 : vector<16xi32>
      %add3A_589 = arith.constant 6 : i32
      %add3A_590 = vector.broadcast %add3A_589 : i32 to vector<16xi32>
      %add3A_591 = arith.addi %mul3A_588, %add3A_590 : vector<16xi32>
      %gather3A_592 = tpu.vector_load_idx %arg14[%iota3A, %add3A_591] : memref<16x128xi32, #tpu.memory_space<vmem>>[vector<16xi32>, vector<16xi32>], vector<16xi32>,
      %mul3A_593 = arith.constant 16 : i32
      %mul3A_594 = arith.muli %scan3A_496, %mul3A_593 : i32
      %add3A_595 = arith.constant 768 : i32
      %add3A_596 = arith.addi %add3A_595, %mul3A_594 : i32
      %swap3A_597 = arith.index_cast %add3A_596 : i32 to index
      %swap3A_598 = tpu.vector_load %arg15[%swap3A_597] {strides = array<i32>} : memref<1536xi32, #tpu.memory_space<vmem>>, vector<16xi32>,
      tpu.vector_store %arg15[%swap3A_597], %gather3A_592 {strides = array<i32>} : memref<1536xi32, #tpu.memory_space<vmem>>, vector<16xi32>,
      %mul3A_599 = arith.constant 0 : i32
      %mul3A_600 = vector.broadcast %mul3A_599 : i32 to vector<16xi32>
      %mul3A_601 = arith.muli %iota3A, %mul3A_600 : vector<16xi32>
      %add3A_602 = arith.constant 7 : i32
      %add3A_603 = vector.broadcast %add3A_602 : i32 to vector<16xi32>
      %add3A_604 = arith.addi %mul3A_601, %add3A_603 : vector<16xi32>
      %gather3A_605 = tpu.vector_load_idx %arg14[%iota3A, %add3A_604] : memref<16x128xi32, #tpu.memory_space<vmem>>[vector<16xi32>, vector<16xi32>], vector<16xi32>,
      %mul3A_606 = arith.constant 16 : i32
      %mul3A_607 = arith.muli %scan3A_496, %mul3A_606 : i32
      %add3A_608 = arith.constant 896 : i32
      %add3A_609 = arith.addi %add3A_608, %mul3A_607 : i32
      %swap3A_610 = arith.index_cast %add3A_609 : i32 to index
      %swap3A_611 = tpu.vector_load %arg15[%swap3A_610] {strides = array<i32>} : memref<1536xi32, #tpu.memory_space<vmem>>, vector<16xi32>,
      tpu.vector_store %arg15[%swap3A_610], %gather3A_605 {strides = array<i32>} : memref<1536xi32, #tpu.memory_space<vmem>>, vector<16xi32>,
      %mul3A_612 = arith.constant 0 : i32
      %mul3A_613 = vector.broadcast %mul3A_612 : i32 to vector<16xi32>
      %mul3A_614 = arith.muli %iota3A, %mul3A_613 : vector<16xi32>
      %add3A_615 = arith.constant 8 : i32
      %add3A_616 = vector.broadcast %add3A_615 : i32 to vector<16xi32>
      %add3A_617 = arith.addi %mul3A_614, %add3A_616 : vector<16xi32>
      %gather3A_618 = tpu.vector_load_idx %arg14[%iota3A, %add3A_617] : memref<16x128xi32, #tpu.memory_space<vmem>>[vector<16xi32>, vector<16xi32>], vector<16xi32>,
      %mul3A_619 = arith.constant 16 : i32
      %mul3A_620 = arith.muli %scan3A_496, %mul3A_619 : i32
      %add3A_621 = arith.constant 1024 : i32
      %add3A_622 = arith.addi %add3A_621, %mul3A_620 : i32
      %swap3A_623 = arith.index_cast %add3A_622 : i32 to index
      %swap3A_624 = tpu.vector_load %arg15[%swap3A_623] {strides = array<i32>} : memref<1536xi32, #tpu.memory_space<vmem>>, vector<16xi32>,
      tpu.vector_store %arg15[%swap3A_623], %gather3A_618 {strides = array<i32>} : memref<1536xi32, #tpu.memory_space<vmem>>, vector<16xi32>,
      %mul3A_625 = arith.constant 0 : i32
      %mul3A_626 = vector.broadcast %mul3A_625 : i32 to vector<16xi32>
      %mul3A_627 = arith.muli %iota3A, %mul3A_626 : vector<16xi32>
      %add3A_628 = arith.constant 9 : i32
      %add3A_629 = vector.broadcast %add3A_628 : i32 to vector<16xi32>
      %add3A_630 = arith.addi %mul3A_627, %add3A_629 : vector<16xi32>
      %gather3A_631 = tpu.vector_load_idx %arg14[%iota3A, %add3A_630] : memref<16x128xi32, #tpu.memory_space<vmem>>[vector<16xi32>, vector<16xi32>], vector<16xi32>,
      %mul3A_632 = arith.constant 16 : i32
      %mul3A_633 = arith.muli %scan3A_496, %mul3A_632 : i32
      %add3A_634 = arith.constant 1152 : i32
      %add3A_635 = arith.addi %add3A_634, %mul3A_633 : i32
      %swap3A_636 = arith.index_cast %add3A_635 : i32 to index
      %swap3A_637 = tpu.vector_load %arg15[%swap3A_636] {strides = array<i32>} : memref<1536xi32, #tpu.memory_space<vmem>>, vector<16xi32>,
      tpu.vector_store %arg15[%swap3A_636], %gather3A_631 {strides = array<i32>} : memref<1536xi32, #tpu.memory_space<vmem>>, vector<16xi32>,
      %mul3A_638 = arith.constant 0 : i32
      %mul3A_639 = vector.broadcast %mul3A_638 : i32 to vector<16xi32>
      %mul3A_640 = arith.muli %iota3A, %mul3A_639 : vector<16xi32>
      %add3A_641 = arith.constant 10 : i32
      %add3A_642 = vector.broadcast %add3A_641 : i32 to vector<16xi32>
      %add3A_643 = arith.addi %mul3A_640, %add3A_642 : vector<16xi32>
      %gather3A_644 = tpu.vector_load_idx %arg14[%iota3A, %add3A_643] : memref<16x128xi32, #tpu.memory_space<vmem>>[vector<16xi32>, vector<16xi32>], vector<16xi32>,
      %mul3A_645 = arith.constant 16 : i32
      %mul3A_646 = arith.muli %scan3A_496, %mul3A_645 : i32
      %add3A_647 = arith.constant 1280 : i32
      %add3A_648 = arith.addi %add3A_647, %mul3A_646 : i32
      %swap3A_649 = arith.index_cast %add3A_648 : i32 to index
      %swap3A_650 = tpu.vector_load %arg15[%swap3A_649] {strides = array<i32>} : memref<1536xi32, #tpu.memory_space<vmem>>, vector<16xi32>,
      tpu.vector_store %arg15[%swap3A_649], %gather3A_644 {strides = array<i32>} : memref<1536xi32, #tpu.memory_space<vmem>>, vector<16xi32>,
      %mul3A_651 = arith.constant 0 : i32
      %mul3A_652 = vector.broadcast %mul3A_651 : i32 to vector<16xi32>
      %mul3A_653 = arith.muli %iota3A, %mul3A_652 : vector<16xi32>
      %add3A_654 = arith.constant 11 : i32
      %add3A_655 = vector.broadcast %add3A_654 : i32 to vector<16xi32>
      %add3A_656 = arith.addi %mul3A_653, %add3A_655 : vector<16xi32>
      %gather3A_657 = tpu.vector_load_idx %arg14[%iota3A, %add3A_656] : memref<16x128xi32, #tpu.memory_space<vmem>>[vector<16xi32>, vector<16xi32>], vector<16xi32>,
      %mul3A_658 = arith.constant 16 : i32
      %mul3A_659 = arith.muli %scan3A_496, %mul3A_658 : i32
      %add3A_660 = arith.constant 1408 : i32
      %add3A_661 = arith.addi %add3A_660, %mul3A_659 : i32
      %swap3A_662 = arith.index_cast %add3A_661 : i32 to index
      %swap3A_663 = tpu.vector_load %arg15[%swap3A_662] {strides = array<i32>} : memref<1536xi32, #tpu.memory_space<vmem>>, vector<16xi32>,
      tpu.vector_store %arg15[%swap3A_662], %gather3A_657 {strides = array<i32>} : memref<1536xi32, #tpu.memory_space<vmem>>, vector<16xi32>,
      %scan3A_664 = arith.constant 0 : i32
      scf.yield %scan3A_664 : i32
    }
    %scan3A_8 = arith.constant 8 : i32
    %rem3A = arith.constant 0 : i32
    %rem3A_9 = arith.constant 3 : i32
    %rem3A_10 = arith.remsi %rem3A, %rem3A_9 : i32
    %mul3A_11 = arith.constant 16 : i32
    %mul3A_12 = arith.muli %rem3A_10, %mul3A_11 : i32
    %dma_start3A = arith.constant 0 : i32
    %dma_start3A_13 = tpu.memref_slice %arg16[%mul3A_12, %dma_start3A] : memref<48x128xi32, #tpu.memory_space<vmem>> -> memref<16x128xi32, #tpu.memory_space<vmem>>
    %dma_start3A_14 = arith.constant 0 : i32
    %dma_start3A_15 = tpu.memref_slice %arg15[%dma_start3A_14] : memref<1536xi32, #tpu.memory_space<vmem>> -> memref<16xi32, #tpu.memory_space<vmem>>
    %dma_start3A_16 = arith.constant 0 : i32
    %dma_start3A_17 = arith.constant 0 : i32
    %dma_start3A_18 = tpu.memref_slice %arg5[%dma_start3A_16, %dma_start3A_17] : memref<100285x128xi32, #tpu.memory_space<hbm>> -> memref<100285x128xi32, #tpu.memory_space<hbm>>
    %dma_start3A_19 = tpu.memref_slice %arg26[%rem3A_10] : memref<3x!tpu.dma_semaphore, #tpu.memory_space<semaphore_mem>> -> memref<1x!tpu.dma_semaphore, #tpu.memory_space<semaphore_mem>>
    %dma_start3A_20 = tpu.memref_squeeze %dma_start3A_19 : memref<1x!tpu.dma_semaphore, #tpu.memory_space<semaphore_mem>> -> memref<!tpu.dma_semaphore, #tpu.memory_space<semaphore_mem>>
    tpu.enqueue_indirect_dma source(%dma_start3A_18 : memref<100285x128xi32, #tpu.memory_space<hbm>>) target(%dma_start3A_13 : memref<16x128xi32, #tpu.memory_space<vmem>>) offsets(%dma_start3A_15 : memref<16xi32, #tpu.memory_space<vmem>>) semaphore(%dma_start3A_20 : memref<!tpu.dma_semaphore, #tpu.memory_space<semaphore_mem>>)
    %rem3A_21 = arith.constant 1 : i32
    %rem3A_22 = arith.constant 3 : i32
    %rem3A_23 = arith.remsi %rem3A_21, %rem3A_22 : i32
    %mul3A_24 = arith.constant 16 : i32
    %mul3A_25 = arith.muli %rem3A_23, %mul3A_24 : i32
    %dma_start3A_26 = arith.constant 0 : i32
    %dma_start3A_27 = tpu.memref_slice %arg16[%mul3A_25, %dma_start3A_26] : memref<48x128xi32, #tpu.memory_space<vmem>> -> memref<16x128xi32, #tpu.memory_space<vmem>>
    %dma_start3A_28 = arith.constant 16 : i32
    %dma_start3A_29 = tpu.memref_slice %arg15[%dma_start3A_28] : memref<1536xi32, #tpu.memory_space<vmem>> -> memref<16xi32, #tpu.memory_space<vmem>>
    %dma_start3A_30 = arith.constant 0 : i32
    %dma_start3A_31 = arith.constant 0 : i32
    %dma_start3A_32 = tpu.memref_slice %arg5[%dma_start3A_30, %dma_start3A_31] : memref<100285x128xi32, #tpu.memory_space<hbm>> -> memref<100285x128xi32, #tpu.memory_space<hbm>>
    %dma_start3A_33 = tpu.memref_slice %arg26[%rem3A_23] : memref<3x!tpu.dma_semaphore, #tpu.memory_space<semaphore_mem>> -> memref<1x!tpu.dma_semaphore, #tpu.memory_space<semaphore_mem>>
    %dma_start3A_34 = tpu.memref_squeeze %dma_start3A_33 : memref<1x!tpu.dma_semaphore, #tpu.memory_space<semaphore_mem>> -> memref<!tpu.dma_semaphore, #tpu.memory_space<semaphore_mem>>
    tpu.enqueue_indirect_dma source(%dma_start3A_32 : memref<100285x128xi32, #tpu.memory_space<hbm>>) target(%dma_start3A_27 : memref<16x128xi32, #tpu.memory_space<vmem>>) offsets(%dma_start3A_29 : memref<16xi32, #tpu.memory_space<vmem>>) semaphore(%dma_start3A_34 : memref<!tpu.dma_semaphore, #tpu.memory_space<semaphore_mem>>)
    %rem3A_35 = arith.constant 0 : i32
    %rem3A_36 = arith.constant 3 : i32
    %rem3A_37 = arith.remsi %rem3A_35, %rem3A_36 : i32
    %rem3A_38 = arith.constant 0 : i32
    %rem3A_39 = arith.constant 2 : i32
    %rem3A_40 = arith.remsi %rem3A_38, %rem3A_39 : i32
    %mul3A_41 = arith.constant 16 : i32
    %mul3A_42 = arith.muli %rem3A_37, %mul3A_41 : i32
    %dma_wait3A = arith.constant 0 : i32
    %dma_wait3A_43 = tpu.memref_slice %arg16[%mul3A_42, %dma_wait3A] : memref<48x128xi32, #tpu.memory_space<vmem>> -> memref<16x128xi32, #tpu.memory_space<vmem>>
    %dma_wait3A_44 = arith.constant 0 : i32
    %dma_wait3A_45 = tpu.memref_slice %arg15[%dma_wait3A_44] : memref<1536xi32, #tpu.memory_space<vmem>> -> memref<16xi32, #tpu.memory_space<vmem>>
    %dma_wait3A_46 = arith.constant 0 : i32
    %dma_wait3A_47 = arith.constant 0 : i32
    %dma_wait3A_48 = tpu.memref_slice %arg5[%dma_wait3A_46, %dma_wait3A_47] : memref<100285x128xi32, #tpu.memory_space<hbm>> -> memref<100285x128xi32, #tpu.memory_space<hbm>>
    %dma_wait3A_49 = tpu.memref_slice %arg26[%rem3A_37] : memref<3x!tpu.dma_semaphore, #tpu.memory_space<semaphore_mem>> -> memref<1x!tpu.dma_semaphore, #tpu.memory_space<semaphore_mem>>
    %dma_wait3A_50 = tpu.memref_squeeze %dma_wait3A_49 : memref<1x!tpu.dma_semaphore, #tpu.memory_space<semaphore_mem>> -> memref<!tpu.dma_semaphore, #tpu.memory_space<semaphore_mem>>
    tpu.wait_indirect_dma semaphore(%dma_wait3A_50 : memref<!tpu.dma_semaphore, #tpu.memory_space<semaphore_mem>>) src(%dma_wait3A_48 : memref<100285x128xi32, #tpu.memory_space<hbm>>) dst(%dma_wait3A_43 : memref<16x128xi32, #tpu.memory_space<vmem>>)
    %mul3A_51 = arith.constant 16 : i32
    %mul3A_52 = arith.muli %rem3A_37, %mul3A_51 : i32
    %add3A_53 = vector.broadcast %mul3A_52 : i32 to vector<16xi32>
    %add3A_54 = arith.addi %add3A_53, %iota3A : vector<16xi32>
    %mul3A_55 = arith.constant 0 : i32
    %mul3A_56 = vector.broadcast %mul3A_55 : i32 to vector<16xi32>
    %mul3A_57 = arith.muli %iota3A, %mul3A_56 : vector<16xi32>
    %add3A_58 = arith.constant 0 : i32
    %add3A_59 = vector.broadcast %add3A_58 : i32 to vector<16xi32>
    %add3A_60 = arith.addi %mul3A_57, %add3A_59 : vector<16xi32>
    %gather3A = tpu.vector_load_idx %arg16[%add3A_54, %add3A_60] : memref<48x128xi32, #tpu.memory_space<vmem>>[vector<16xi32>, vector<16xi32>], vector<16xi32>,
    %mul3A_61 = arith.constant 320 : i32
    %mul3A_62 = arith.muli %rem3A_37, %mul3A_61 : i32
    %add3A_63 = arith.constant 0 : i32
    %add3A_64 = arith.addi %mul3A_62, %add3A_63 : i32
    %swap3A = arith.index_cast %add3A_64 : i32 to index
    %swap3A_65 = tpu.vector_load %arg17[%swap3A] {strides = array<i32>} : memref<960xi32, #tpu.memory_space<vmem>>, vector<16xi32>,
    tpu.vector_store %arg17[%swap3A], %gather3A {strides = array<i32>} : memref<960xi32, #tpu.memory_space<vmem>>, vector<16xi32>,
    %mul3A_66 = arith.constant 16 : i32
    %mul3A_67 = arith.muli %rem3A_37, %mul3A_66 : i32
    %add3A_68 = vector.broadcast %mul3A_67 : i32 to vector<16xi32>
    %add3A_69 = arith.addi %add3A_68, %iota3A : vector<16xi32>
    %mul3A_70 = arith.constant 0 : i32
    %mul3A_71 = vector.broadcast %mul3A_70 : i32 to vector<16xi32>
    %mul3A_72 = arith.muli %iota3A, %mul3A_71 : vector<16xi32>
    %add3A_73 = arith.constant 1 : i32
    %add3A_74 = vector.broadcast %add3A_73 : i32 to vector<16xi32>
    %add3A_75 = arith.addi %mul3A_72, %add3A_74 : vector<16xi32>
    %gather3A_76 = tpu.vector_load_idx %arg16[%add3A_69, %add3A_75] : memref<48x128xi32, #tpu.memory_space<vmem>>[vector<16xi32>, vector<16xi32>], vector<16xi32>,
    %mul3A_77 = arith.constant 320 : i32
    %mul3A_78 = arith.muli %rem3A_37, %mul3A_77 : i32
    %add3A_79 = arith.constant 16 : i32
    %add3A_80 = arith.addi %mul3A_78, %add3A_79 : i32
    %swap3A_81 = arith.index_cast %add3A_80 : i32 to index
    %swap3A_82 = tpu.vector_load %arg17[%swap3A_81] {strides = array<i32>} : memref<960xi32, #tpu.memory_space<vmem>>, vector<16xi32>,
    tpu.vector_store %arg17[%swap3A_81], %gather3A_76 {strides = array<i32>} : memref<960xi32, #tpu.memory_space<vmem>>, vector<16xi32>,
    %mul3A_83 = arith.constant 16 : i32
    %mul3A_84 = arith.muli %rem3A_37, %mul3A_83 : i32
    %add3A_85 = vector.broadcast %mul3A_84 : i32 to vector<16xi32>
    %add3A_86 = arith.addi %add3A_85, %iota3A : vector<16xi32>
    %mul3A_87 = arith.constant 0 : i32
    %mul3A_88 = vector.broadcast %mul3A_87 : i32 to vector<16xi32>
    %mul3A_89 = arith.muli %iota3A, %mul3A_88 : vector<16xi32>
    %add3A_90 = arith.constant 2 : i32
    %add3A_91 = vector.broadcast %add3A_90 : i32 to vector<16xi32>
    %add3A_92 = arith.addi %mul3A_89, %add3A_91 : vector<16xi32>
    %gather3A_93 = tpu.vector_load_idx %arg16[%add3A_86, %add3A_92] : memref<48x128xi32, #tpu.memory_space<vmem>>[vector<16xi32>, vector<16xi32>], vector<16xi32>,
    %mul3A_94 = arith.constant 320 : i32
    %mul3A_95 = arith.muli %rem3A_37, %mul3A_94 : i32
    %add3A_96 = arith.constant 32 : i32
    %add3A_97 = arith.addi %mul3A_95, %add3A_96 : i32
    %swap3A_98 = arith.index_cast %add3A_97 : i32 to index
    %swap3A_99 = tpu.vector_load %arg17[%swap3A_98] {strides = array<i32>} : memref<960xi32, #tpu.memory_space<vmem>>, vector<16xi32>,
    tpu.vector_store %arg17[%swap3A_98], %gather3A_93 {strides = array<i32>} : memref<960xi32, #tpu.memory_space<vmem>>, vector<16xi32>,
    %mul3A_100 = arith.constant 16 : i32
    %mul3A_101 = arith.muli %rem3A_37, %mul3A_100 : i32
    %add3A_102 = vector.broadcast %mul3A_101 : i32 to vector<16xi32>
    %add3A_103 = arith.addi %add3A_102, %iota3A : vector<16xi32>
    %mul3A_104 = arith.constant 0 : i32
    %mul3A_105 = vector.broadcast %mul3A_104 : i32 to vector<16xi32>
    %mul3A_106 = arith.muli %iota3A, %mul3A_105 : vector<16xi32>
    %add3A_107 = arith.constant 3 : i32
    %add3A_108 = vector.broadcast %add3A_107 : i32 to vector<16xi32>
    %add3A_109 = arith.addi %mul3A_106, %add3A_108 : vector<16xi32>
    %gather3A_110 = tpu.vector_load_idx %arg16[%add3A_103, %add3A_109] : memref<48x128xi32, #tpu.memory_space<vmem>>[vector<16xi32>, vector<16xi32>], vector<16xi32>,
    %mul3A_111 = arith.constant 320 : i32
    %mul3A_112 = arith.muli %rem3A_37, %mul3A_111 : i32
    %add3A_113 = arith.constant 48 : i32
    %add3A_114 = arith.addi %mul3A_112, %add3A_113 : i32
    %swap3A_115 = arith.index_cast %add3A_114 : i32 to index
    %swap3A_116 = tpu.vector_load %arg17[%swap3A_115] {strides = array<i32>} : memref<960xi32, #tpu.memory_space<vmem>>, vector<16xi32>,
    tpu.vector_store %arg17[%swap3A_115], %gather3A_110 {strides = array<i32>} : memref<960xi32, #tpu.memory_space<vmem>>, vector<16xi32>,
    %mul3A_117 = arith.constant 16 : i32
    %mul3A_118 = arith.muli %rem3A_37, %mul3A_117 : i32
    %add3A_119 = vector.broadcast %mul3A_118 : i32 to vector<16xi32>
    %add3A_120 = arith.addi %add3A_119, %iota3A : vector<16xi32>
    %mul3A_121 = arith.constant 0 : i32
    %mul3A_122 = vector.broadcast %mul3A_121 : i32 to vector<16xi32>
    %mul3A_123 = arith.muli %iota3A, %mul3A_122 : vector<16xi32>
    %add3A_124 = arith.constant 4 : i32
    %add3A_125 = vector.broadcast %add3A_124 : i32 to vector<16xi32>
    %add3A_126 = arith.addi %mul3A_123, %add3A_125 : vector<16xi32>
    %gather3A_127 = tpu.vector_load_idx %arg16[%add3A_120, %add3A_126] : memref<48x128xi32, #tpu.memory_space<vmem>>[vector<16xi32>, vector<16xi32>], vector<16xi32>,
    %mul3A_128 = arith.constant 320 : i32
    %mul3A_129 = arith.muli %rem3A_37, %mul3A_128 : i32
    %add3A_130 = arith.constant 64 : i32
    %add3A_131 = arith.addi %mul3A_129, %add3A_130 : i32
    %swap3A_132 = arith.index_cast %add3A_131 : i32 to index
    %swap3A_133 = tpu.vector_load %arg17[%swap3A_132] {strides = array<i32>} : memref<960xi32, #tpu.memory_space<vmem>>, vector<16xi32>,
    tpu.vector_store %arg17[%swap3A_132], %gather3A_127 {strides = array<i32>} : memref<960xi32, #tpu.memory_space<vmem>>, vector<16xi32>,
    %mul3A_134 = arith.constant 16 : i32
    %mul3A_135 = arith.muli %rem3A_37, %mul3A_134 : i32
    %add3A_136 = vector.broadcast %mul3A_135 : i32 to vector<16xi32>
    %add3A_137 = arith.addi %add3A_136, %iota3A : vector<16xi32>
    %mul3A_138 = arith.constant 0 : i32
    %mul3A_139 = vector.broadcast %mul3A_138 : i32 to vector<16xi32>
    %mul3A_140 = arith.muli %iota3A, %mul3A_139 : vector<16xi32>
    %add3A_141 = arith.constant 5 : i32
    %add3A_142 = vector.broadcast %add3A_141 : i32 to vector<16xi32>
    %add3A_143 = arith.addi %mul3A_140, %add3A_142 : vector<16xi32>
    %gather3A_144 = tpu.vector_load_idx %arg16[%add3A_137, %add3A_143] : memref<48x128xi32, #tpu.memory_space<vmem>>[vector<16xi32>, vector<16xi32>], vector<16xi32>,
    %mul3A_145 = arith.constant 320 : i32
    %mul3A_146 = arith.muli %rem3A_37, %mul3A_145 : i32
    %add3A_147 = arith.constant 80 : i32
    %add3A_148 = arith.addi %mul3A_146, %add3A_147 : i32
    %swap3A_149 = arith.index_cast %add3A_148 : i32 to index
    %swap3A_150 = tpu.vector_load %arg17[%swap3A_149] {strides = array<i32>} : memref<960xi32, #tpu.memory_space<vmem>>, vector<16xi32>,
    tpu.vector_store %arg17[%swap3A_149], %gather3A_144 {strides = array<i32>} : memref<960xi32, #tpu.memory_space<vmem>>, vector<16xi32>,
    %mul3A_151 = arith.constant 16 : i32
    %mul3A_152 = arith.muli %rem3A_37, %mul3A_151 : i32
    %add3A_153 = vector.broadcast %mul3A_152 : i32 to vector<16xi32>
    %add3A_154 = arith.addi %add3A_153, %iota3A : vector<16xi32>
    %mul3A_155 = arith.constant 0 : i32
    %mul3A_156 = vector.broadcast %mul3A_155 : i32 to vector<16xi32>
    %mul3A_157 = arith.muli %iota3A, %mul3A_156 : vector<16xi32>
    %add3A_158 = arith.constant 6 : i32
    %add3A_159 = vector.broadcast %add3A_158 : i32 to vector<16xi32>
    %add3A_160 = arith.addi %mul3A_157, %add3A_159 : vector<16xi32>
    %gather3A_161 = tpu.vector_load_idx %arg16[%add3A_154, %add3A_160] : memref<48x128xi32, #tpu.memory_space<vmem>>[vector<16xi32>, vector<16xi32>], vector<16xi32>,
    %mul3A_162 = arith.constant 320 : i32
    %mul3A_163 = arith.muli %rem3A_37, %mul3A_162 : i32
    %add3A_164 = arith.constant 96 : i32
    %add3A_165 = arith.addi %mul3A_163, %add3A_164 : i32
    %swap3A_166 = arith.index_cast %add3A_165 : i32 to index
    %swap3A_167 = tpu.vector_load %arg17[%swap3A_166] {strides = array<i32>} : memref<960xi32, #tpu.memory_space<vmem>>, vector<16xi32>,
    tpu.vector_store %arg17[%swap3A_166], %gather3A_161 {strides = array<i32>} : memref<960xi32, #tpu.memory_space<vmem>>, vector<16xi32>,
    %mul3A_168 = arith.constant 16 : i32
    %mul3A_169 = arith.muli %rem3A_37, %mul3A_168 : i32
    %add3A_170 = vector.broadcast %mul3A_169 : i32 to vector<16xi32>
    %add3A_171 = arith.addi %add3A_170, %iota3A : vector<16xi32>
    %mul3A_172 = arith.constant 0 : i32
    %mul3A_173 = vector.broadcast %mul3A_172 : i32 to vector<16xi32>
    %mul3A_174 = arith.muli %iota3A, %mul3A_173 : vector<16xi32>
    %add3A_175 = arith.constant 7 : i32
    %add3A_176 = vector.broadcast %add3A_175 : i32 to vector<16xi32>
    %add3A_177 = arith.addi %mul3A_174, %add3A_176 : vector<16xi32>
    %gather3A_178 = tpu.vector_load_idx %arg16[%add3A_171, %add3A_177] : memref<48x128xi32, #tpu.memory_space<vmem>>[vector<16xi32>, vector<16xi32>], vector<16xi32>,
    %mul3A_179 = arith.constant 320 : i32
    %mul3A_180 = arith.muli %rem3A_37, %mul3A_179 : i32
    %add3A_181 = arith.constant 112 : i32
    %add3A_182 = arith.addi %mul3A_180, %add3A_181 : i32
    %swap3A_183 = arith.index_cast %add3A_182 : i32 to index
    %swap3A_184 = tpu.vector_load %arg17[%swap3A_183] {strides = array<i32>} : memref<960xi32, #tpu.memory_space<vmem>>, vector<16xi32>,
    tpu.vector_store %arg17[%swap3A_183], %gather3A_178 {strides = array<i32>} : memref<960xi32, #tpu.memory_space<vmem>>, vector<16xi32>,
    %mul3A_185 = arith.constant 16 : i32
    %mul3A_186 = arith.muli %rem3A_37, %mul3A_185 : i32
    %add3A_187 = vector.broadcast %mul3A_186 : i32 to vector<16xi32>
    %add3A_188 = arith.addi %add3A_187, %iota3A : vector<16xi32>
    %mul3A_189 = arith.constant 0 : i32
    %mul3A_190 = vector.broadcast %mul3A_189 : i32 to vector<16xi32>
    %mul3A_191 = arith.muli %iota3A, %mul3A_190 : vector<16xi32>
    %add3A_192 = arith.constant 8 : i32
    %add3A_193 = vector.broadcast %add3A_192 : i32 to vector<16xi32>
    %add3A_194 = arith.addi %mul3A_191, %add3A_193 : vector<16xi32>
    %gather3A_195 = tpu.vector_load_idx %arg16[%add3A_188, %add3A_194] : memref<48x128xi32, #tpu.memory_space<vmem>>[vector<16xi32>, vector<16xi32>], vector<16xi32>,
    %mul3A_196 = arith.constant 320 : i32
    %mul3A_197 = arith.muli %rem3A_37, %mul3A_196 : i32
    %add3A_198 = arith.constant 128 : i32
    %add3A_199 = arith.addi %mul3A_197, %add3A_198 : i32
    %swap3A_200 = arith.index_cast %add3A_199 : i32 to index
    %swap3A_201 = tpu.vector_load %arg17[%swap3A_200] {strides = array<i32>} : memref<960xi32, #tpu.memory_space<vmem>>, vector<16xi32>,
    tpu.vector_store %arg17[%swap3A_200], %gather3A_195 {strides = array<i32>} : memref<960xi32, #tpu.memory_space<vmem>>, vector<16xi32>,
    %mul3A_202 = arith.constant 16 : i32
    %mul3A_203 = arith.muli %rem3A_37, %mul3A_202 : i32
    %add3A_204 = vector.broadcast %mul3A_203 : i32 to vector<16xi32>
    %add3A_205 = arith.addi %add3A_204, %iota3A : vector<16xi32>
    %mul3A_206 = arith.constant 0 : i32
    %mul3A_207 = vector.broadcast %mul3A_206 : i32 to vector<16xi32>
    %mul3A_208 = arith.muli %iota3A, %mul3A_207 : vector<16xi32>
    %add3A_209 = arith.constant 9 : i32
    %add3A_210 = vector.broadcast %add3A_209 : i32 to vector<16xi32>
    %add3A_211 = arith.addi %mul3A_208, %add3A_210 : vector<16xi32>
    %gather3A_212 = tpu.vector_load_idx %arg16[%add3A_205, %add3A_211] : memref<48x128xi32, #tpu.memory_space<vmem>>[vector<16xi32>, vector<16xi32>], vector<16xi32>,
    %mul3A_213 = arith.constant 320 : i32
    %mul3A_214 = arith.muli %rem3A_37, %mul3A_213 : i32
    %add3A_215 = arith.constant 144 : i32
    %add3A_216 = arith.addi %mul3A_214, %add3A_215 : i32
    %swap3A_217 = arith.index_cast %add3A_216 : i32 to index
    %swap3A_218 = tpu.vector_load %arg17[%swap3A_217] {strides = array<i32>} : memref<960xi32, #tpu.memory_space<vmem>>, vector<16xi32>,
    tpu.vector_store %arg17[%swap3A_217], %gather3A_212 {strides = array<i32>} : memref<960xi32, #tpu.memory_space<vmem>>, vector<16xi32>,
    %mul3A_219 = arith.constant 16 : i32
    %mul3A_220 = arith.muli %rem3A_37, %mul3A_219 : i32
    %add3A_221 = vector.broadcast %mul3A_220 : i32 to vector<16xi32>
    %add3A_222 = arith.addi %add3A_221, %iota3A : vector<16xi32>
    %mul3A_223 = arith.constant 0 : i32
    %mul3A_224 = vector.broadcast %mul3A_223 : i32 to vector<16xi32>
    %mul3A_225 = arith.muli %iota3A, %mul3A_224 : vector<16xi32>
    %add3A_226 = arith.constant 10 : i32
    %add3A_227 = vector.broadcast %add3A_226 : i32 to vector<16xi32>
    %add3A_228 = arith.addi %mul3A_225, %add3A_227 : vector<16xi32>
    %gather3A_229 = tpu.vector_load_idx %arg16[%add3A_222, %add3A_228] : memref<48x128xi32, #tpu.memory_space<vmem>>[vector<16xi32>, vector<16xi32>], vector<16xi32>,
    %mul3A_230 = arith.constant 320 : i32
    %mul3A_231 = arith.muli %rem3A_37, %mul3A_230 : i32
    %add3A_232 = arith.constant 160 : i32
    %add3A_233 = arith.addi %mul3A_231, %add3A_232 : i32
    %swap3A_234 = arith.index_cast %add3A_233 : i32 to index
    %swap3A_235 = tpu.vector_load %arg17[%swap3A_234] {strides = array<i32>} : memref<960xi32, #tpu.memory_space<vmem>>, vector<16xi32>,
    tpu.vector_store %arg17[%swap3A_234], %gather3A_229 {strides = array<i32>} : memref<960xi32, #tpu.memory_space<vmem>>, vector<16xi32>,
    %mul3A_236 = arith.constant 16 : i32
    %mul3A_237 = arith.muli %rem3A_37, %mul3A_236 : i32
    %add3A_238 = vector.broadcast %mul3A_237 : i32 to vector<16xi32>
    %add3A_239 = arith.addi %add3A_238, %iota3A : vector<16xi32>
    %mul3A_240 = arith.constant 0 : i32
    %mul3A_241 = vector.broadcast %mul3A_240 : i32 to vector<16xi32>
    %mul3A_242 = arith.muli %iota3A, %mul3A_241 : vector<16xi32>
    %add3A_243 = arith.constant 11 : i32
    %add3A_244 = vector.broadcast %add3A_243 : i32 to vector<16xi32>
    %add3A_245 = arith.addi %mul3A_242, %add3A_244 : vector<16xi32>
    %gather3A_246 = tpu.vector_load_idx %arg16[%add3A_239, %add3A_245] : memref<48x128xi32, #tpu.memory_space<vmem>>[vector<16xi32>, vector<16xi32>], vector<16xi32>,
    %mul3A_247 = arith.constant 320 : i32
    %mul3A_248 = arith.muli %rem3A_37, %mul3A_247 : i32
    %add3A_249 = arith.constant 176 : i32
    %add3A_250 = arith.addi %mul3A_248, %add3A_249 : i32
    %swap3A_251 = arith.index_cast %add3A_250 : i32 to index
    %swap3A_252 = tpu.vector_load %arg17[%swap3A_251] {strides = array<i32>} : memref<960xi32, #tpu.memory_space<vmem>>, vector<16xi32>,
    tpu.vector_store %arg17[%swap3A_251], %gather3A_246 {strides = array<i32>} : memref<960xi32, #tpu.memory_space<vmem>>, vector<16xi32>,
    %mul3A_253 = arith.constant 16 : i32
    %mul3A_254 = arith.muli %rem3A_37, %mul3A_253 : i32
    %add3A_255 = vector.broadcast %mul3A_254 : i32 to vector<16xi32>
    %add3A_256 = arith.addi %add3A_255, %iota3A : vector<16xi32>
    %mul3A_257 = arith.constant 0 : i32
    %mul3A_258 = vector.broadcast %mul3A_257 : i32 to vector<16xi32>
    %mul3A_259 = arith.muli %iota3A, %mul3A_258 : vector<16xi32>
    %add3A_260 = arith.constant 12 : i32
    %add3A_261 = vector.broadcast %add3A_260 : i32 to vector<16xi32>
    %add3A_262 = arith.addi %mul3A_259, %add3A_261 : vector<16xi32>
    %gather3A_263 = tpu.vector_load_idx %arg16[%add3A_256, %add3A_262] : memref<48x128xi32, #tpu.memory_space<vmem>>[vector<16xi32>, vector<16xi32>], vector<16xi32>,
    %mul3A_264 = arith.constant 320 : i32
    %mul3A_265 = arith.muli %rem3A_37, %mul3A_264 : i32
    %add3A_266 = arith.constant 192 : i32
    %add3A_267 = arith.addi %mul3A_265, %add3A_266 : i32
    %swap3A_268 = arith.index_cast %add3A_267 : i32 to index
    %swap3A_269 = tpu.vector_load %arg17[%swap3A_268] {strides = array<i32>} : memref<960xi32, #tpu.memory_space<vmem>>, vector<16xi32>,
    tpu.vector_store %arg17[%swap3A_268], %gather3A_263 {strides = array<i32>} : memref<960xi32, #tpu.memory_space<vmem>>, vector<16xi32>,
    %mul3A_270 = arith.constant 16 : i32
    %mul3A_271 = arith.muli %rem3A_37, %mul3A_270 : i32
    %add3A_272 = vector.broadcast %mul3A_271 : i32 to vector<16xi32>
    %add3A_273 = arith.addi %add3A_272, %iota3A : vector<16xi32>
    %mul3A_274 = arith.constant 0 : i32
    %mul3A_275 = vector.broadcast %mul3A_274 : i32 to vector<16xi32>
    %mul3A_276 = arith.muli %iota3A, %mul3A_275 : vector<16xi32>
    %add3A_277 = arith.constant 13 : i32
    %add3A_278 = vector.broadcast %add3A_277 : i32 to vector<16xi32>
    %add3A_279 = arith.addi %mul3A_276, %add3A_278 : vector<16xi32>
    %gather3A_280 = tpu.vector_load_idx %arg16[%add3A_273, %add3A_279] : memref<48x128xi32, #tpu.memory_space<vmem>>[vector<16xi32>, vector<16xi32>], vector<16xi32>,
    %mul3A_281 = arith.constant 320 : i32
    %mul3A_282 = arith.muli %rem3A_37, %mul3A_281 : i32
    %add3A_283 = arith.constant 208 : i32
    %add3A_284 = arith.addi %mul3A_282, %add3A_283 : i32
    %swap3A_285 = arith.index_cast %add3A_284 : i32 to index
    %swap3A_286 = tpu.vector_load %arg17[%swap3A_285] {strides = array<i32>} : memref<960xi32, #tpu.memory_space<vmem>>, vector<16xi32>,
    tpu.vector_store %arg17[%swap3A_285], %gather3A_280 {strides = array<i32>} : memref<960xi32, #tpu.memory_space<vmem>>, vector<16xi32>,
    %mul3A_287 = arith.constant 16 : i32
    %mul3A_288 = arith.muli %rem3A_37, %mul3A_287 : i32
    %add3A_289 = vector.broadcast %mul3A_288 : i32 to vector<16xi32>
    %add3A_290 = arith.addi %add3A_289, %iota3A : vector<16xi32>
    %mul3A_291 = arith.constant 0 : i32
    %mul3A_292 = vector.broadcast %mul3A_291 : i32 to vector<16xi32>
    %mul3A_293 = arith.muli %iota3A, %mul3A_292 : vector<16xi32>
    %add3A_294 = arith.constant 14 : i32
    %add3A_295 = vector.broadcast %add3A_294 : i32 to vector<16xi32>
    %add3A_296 = arith.addi %mul3A_293, %add3A_295 : vector<16xi32>
    %gather3A_297 = tpu.vector_load_idx %arg16[%add3A_290, %add3A_296] : memref<48x128xi32, #tpu.memory_space<vmem>>[vector<16xi32>, vector<16xi32>], vector<16xi32>,
    %mul3A_298 = arith.constant 320 : i32
    %mul3A_299 = arith.muli %rem3A_37, %mul3A_298 : i32
    %add3A_300 = arith.constant 224 : i32
    %add3A_301 = arith.addi %mul3A_299, %add3A_300 : i32
    %swap3A_302 = arith.index_cast %add3A_301 : i32 to index
    %swap3A_303 = tpu.vector_load %arg17[%swap3A_302] {strides = array<i32>} : memref<960xi32, #tpu.memory_space<vmem>>, vector<16xi32>,
    tpu.vector_store %arg17[%swap3A_302], %gather3A_297 {strides = array<i32>} : memref<960xi32, #tpu.memory_space<vmem>>, vector<16xi32>,
    %mul3A_304 = arith.constant 16 : i32
    %mul3A_305 = arith.muli %rem3A_37, %mul3A_304 : i32
    %add3A_306 = vector.broadcast %mul3A_305 : i32 to vector<16xi32>
    %add3A_307 = arith.addi %add3A_306, %iota3A : vector<16xi32>
    %mul3A_308 = arith.constant 0 : i32
    %mul3A_309 = vector.broadcast %mul3A_308 : i32 to vector<16xi32>
    %mul3A_310 = arith.muli %iota3A, %mul3A_309 : vector<16xi32>
    %add3A_311 = arith.constant 15 : i32
    %add3A_312 = vector.broadcast %add3A_311 : i32 to vector<16xi32>
    %add3A_313 = arith.addi %mul3A_310, %add3A_312 : vector<16xi32>
    %gather3A_314 = tpu.vector_load_idx %arg16[%add3A_307, %add3A_313] : memref<48x128xi32, #tpu.memory_space<vmem>>[vector<16xi32>, vector<16xi32>], vector<16xi32>,
    %mul3A_315 = arith.constant 320 : i32
    %mul3A_316 = arith.muli %rem3A_37, %mul3A_315 : i32
    %add3A_317 = arith.constant 240 : i32
    %add3A_318 = arith.addi %mul3A_316, %add3A_317 : i32
    %swap3A_319 = arith.index_cast %add3A_318 : i32 to index
    %swap3A_320 = tpu.vector_load %arg17[%swap3A_319] {strides = array<i32>} : memref<960xi32, #tpu.memory_space<vmem>>, vector<16xi32>,
    tpu.vector_store %arg17[%swap3A_319], %gather3A_314 {strides = array<i32>} : memref<960xi32, #tpu.memory_space<vmem>>, vector<16xi32>,
    %mul3A_321 = arith.constant 16 : i32
    %mul3A_322 = arith.muli %rem3A_37, %mul3A_321 : i32
    %add3A_323 = vector.broadcast %mul3A_322 : i32 to vector<16xi32>
    %add3A_324 = arith.addi %add3A_323, %iota3A : vector<16xi32>
    %mul3A_325 = arith.constant 0 : i32
    %mul3A_326 = vector.broadcast %mul3A_325 : i32 to vector<16xi32>
    %mul3A_327 = arith.muli %iota3A, %mul3A_326 : vector<16xi32>
    %add3A_328 = arith.constant 16 : i32
    %add3A_329 = vector.broadcast %add3A_328 : i32 to vector<16xi32>
    %add3A_330 = arith.addi %mul3A_327, %add3A_329 : vector<16xi32>
    %gather3A_331 = tpu.vector_load_idx %arg16[%add3A_324, %add3A_330] : memref<48x128xi32, #tpu.memory_space<vmem>>[vector<16xi32>, vector<16xi32>], vector<16xi32>,
    %mul3A_332 = arith.constant 320 : i32
    %mul3A_333 = arith.muli %rem3A_37, %mul3A_332 : i32
    %add3A_334 = arith.constant 256 : i32
    %add3A_335 = arith.addi %mul3A_333, %add3A_334 : i32
    %swap3A_336 = arith.index_cast %add3A_335 : i32 to index
    %swap3A_337 = tpu.vector_load %arg17[%swap3A_336] {strides = array<i32>} : memref<960xi32, #tpu.memory_space<vmem>>, vector<16xi32>,
    tpu.vector_store %arg17[%swap3A_336], %gather3A_331 {strides = array<i32>} : memref<960xi32, #tpu.memory_space<vmem>>, vector<16xi32>,
    %mul3A_338 = arith.constant 16 : i32
    %mul3A_339 = arith.muli %rem3A_37, %mul3A_338 : i32
    %add3A_340 = vector.broadcast %mul3A_339 : i32 to vector<16xi32>
    %add3A_341 = arith.addi %add3A_340, %iota3A : vector<16xi32>
    %mul3A_342 = arith.constant 0 : i32
    %mul3A_343 = vector.broadcast %mul3A_342 : i32 to vector<16xi32>
    %mul3A_344 = arith.muli %iota3A, %mul3A_343 : vector<16xi32>
    %add3A_345 = arith.constant 17 : i32
    %add3A_346 = vector.broadcast %add3A_345 : i32 to vector<16xi32>
    %add3A_347 = arith.addi %mul3A_344, %add3A_346 : vector<16xi32>
    %gather3A_348 = tpu.vector_load_idx %arg16[%add3A_341, %add3A_347] : memref<48x128xi32, #tpu.memory_space<vmem>>[vector<16xi32>, vector<16xi32>], vector<16xi32>,
    %mul3A_349 = arith.constant 320 : i32
    %mul3A_350 = arith.muli %rem3A_37, %mul3A_349 : i32
    %add3A_351 = arith.constant 272 : i32
    %add3A_352 = arith.addi %mul3A_350, %add3A_351 : i32
    %swap3A_353 = arith.index_cast %add3A_352 : i32 to index
    %swap3A_354 = tpu.vector_load %arg17[%swap3A_353] {strides = array<i32>} : memref<960xi32, #tpu.memory_space<vmem>>, vector<16xi32>,
    tpu.vector_store %arg17[%swap3A_353], %gather3A_348 {strides = array<i32>} : memref<960xi32, #tpu.memory_space<vmem>>, vector<16xi32>,
    %mul3A_355 = arith.constant 16 : i32
    %mul3A_356 = arith.muli %rem3A_37, %mul3A_355 : i32
    %add3A_357 = vector.broadcast %mul3A_356 : i32 to vector<16xi32>
    %add3A_358 = arith.addi %add3A_357, %iota3A : vector<16xi32>
    %mul3A_359 = arith.constant 0 : i32
    %mul3A_360 = vector.broadcast %mul3A_359 : i32 to vector<16xi32>
    %mul3A_361 = arith.muli %iota3A, %mul3A_360 : vector<16xi32>
    %add3A_362 = arith.constant 18 : i32
    %add3A_363 = vector.broadcast %add3A_362 : i32 to vector<16xi32>
    %add3A_364 = arith.addi %mul3A_361, %add3A_363 : vector<16xi32>
    %gather3A_365 = tpu.vector_load_idx %arg16[%add3A_358, %add3A_364] : memref<48x128xi32, #tpu.memory_space<vmem>>[vector<16xi32>, vector<16xi32>], vector<16xi32>,
    %mul3A_366 = arith.constant 320 : i32
    %mul3A_367 = arith.muli %rem3A_37, %mul3A_366 : i32
    %add3A_368 = arith.constant 288 : i32
    %add3A_369 = arith.addi %mul3A_367, %add3A_368 : i32
    %swap3A_370 = arith.index_cast %add3A_369 : i32 to index
    %swap3A_371 = tpu.vector_load %arg17[%swap3A_370] {strides = array<i32>} : memref<960xi32, #tpu.memory_space<vmem>>, vector<16xi32>,
    tpu.vector_store %arg17[%swap3A_370], %gather3A_365 {strides = array<i32>} : memref<960xi32, #tpu.memory_space<vmem>>, vector<16xi32>,
    %mul3A_372 = arith.constant 16 : i32
    %mul3A_373 = arith.muli %rem3A_37, %mul3A_372 : i32
    %add3A_374 = vector.broadcast %mul3A_373 : i32 to vector<16xi32>
    %add3A_375 = arith.addi %add3A_374, %iota3A : vector<16xi32>
    %mul3A_376 = arith.constant 0 : i32
    %mul3A_377 = vector.broadcast %mul3A_376 : i32 to vector<16xi32>
    %mul3A_378 = arith.muli %iota3A, %mul3A_377 : vector<16xi32>
    %add3A_379 = arith.constant 19 : i32
    %add3A_380 = vector.broadcast %add3A_379 : i32 to vector<16xi32>
    %add3A_381 = arith.addi %mul3A_378, %add3A_380 : vector<16xi32>
    %gather3A_382 = tpu.vector_load_idx %arg16[%add3A_375, %add3A_381] : memref<48x128xi32, #tpu.memory_space<vmem>>[vector<16xi32>, vector<16xi32>], vector<16xi32>,
    %mul3A_383 = arith.constant 320 : i32
    %mul3A_384 = arith.muli %rem3A_37, %mul3A_383 : i32
    %add3A_385 = arith.constant 304 : i32
    %add3A_386 = arith.addi %mul3A_384, %add3A_385 : i32
    %swap3A_387 = arith.index_cast %add3A_386 : i32 to index
    %swap3A_388 = tpu.vector_load %arg17[%swap3A_387] {strides = array<i32>} : memref<960xi32, #tpu.memory_space<vmem>>, vector<16xi32>,
    tpu.vector_store %arg17[%swap3A_387], %gather3A_382 {strides = array<i32>} : memref<960xi32, #tpu.memory_space<vmem>>, vector<16xi32>,
    %mul3A_389 = arith.constant 320 : i32
    %mul3A_390 = arith.muli %rem3A_37, %mul3A_389 : i32
    %dma_start3A_391 = arith.constant 0 : i32
    %dma_start3A_392 = arith.constant 0 : i32
    %dma_start3A_393 = tpu.memref_slice %arg18[%rem3A_40, %dma_start3A_391, %dma_start3A_392] : memref<2x320x128xf32, #tpu.memory_space<vmem>> -> memref<1x320x128xf32, #tpu.memory_space<vmem>>
    %dma_start3A_394 = tpu.memref_squeeze %dma_start3A_393 : memref<1x320x128xf32, #tpu.memory_space<vmem>> -> memref<320x128xf32, #tpu.memory_space<vmem>>
    %dma_start3A_395 = tpu.memref_slice %arg17[%mul3A_390] : memref<960xi32, #tpu.memory_space<vmem>> -> memref<320xi32, #tpu.memory_space<vmem>>
    %dma_start3A_396 = arith.constant 0 : i32
    %dma_start3A_397 = arith.constant 0 : i32
    %dma_start3A_398 = tpu.memref_slice %arg6[%dma_start3A_396, %dma_start3A_397] : memref<100285x128xf32, #tpu.memory_space<hbm>> -> memref<100285x128xf32, #tpu.memory_space<hbm>>
    %dma_start3A_399 = tpu.memref_slice %arg27[%rem3A_40] : memref<2x!tpu.dma_semaphore, #tpu.memory_space<semaphore_mem>> -> memref<1x!tpu.dma_semaphore, #tpu.memory_space<semaphore_mem>>
    %dma_start3A_400 = tpu.memref_squeeze %dma_start3A_399 : memref<1x!tpu.dma_semaphore, #tpu.memory_space<semaphore_mem>> -> memref<!tpu.dma_semaphore, #tpu.memory_space<semaphore_mem>>
    tpu.enqueue_indirect_dma source(%dma_start3A_398 : memref<100285x128xf32, #tpu.memory_space<hbm>>) target(%dma_start3A_394 : memref<320x128xf32, #tpu.memory_space<vmem>>) offsets(%dma_start3A_395 : memref<320xi32, #tpu.memory_space<vmem>>) semaphore(%dma_start3A_400 : memref<!tpu.dma_semaphore, #tpu.memory_space<semaphore_mem>>)
    %dma_start3A_401 = arith.constant 0 : i32
    %dma_start3A_402 = arith.constant 0 : i32
    %dma_start3A_403 = tpu.memref_slice %arg19[%rem3A_40, %dma_start3A_401, %dma_start3A_402] : memref<2x16x128xf32, #tpu.memory_space<vmem>> -> memref<1x16x128xf32, #tpu.memory_space<vmem>>
    %dma_start3A_404 = tpu.memref_squeeze %dma_start3A_403 : memref<1x16x128xf32, #tpu.memory_space<vmem>> -> memref<16x128xf32, #tpu.memory_space<vmem>>
    %dma_start3A_405 = arith.constant 0 : i32
    %dma_start3A_406 = tpu.memref_slice %arg15[%dma_start3A_405] : memref<1536xi32, #tpu.memory_space<vmem>> -> memref<16xi32, #tpu.memory_space<vmem>>
    %dma_start3A_407 = arith.constant 0 : i32
    %dma_start3A_408 = arith.constant 0 : i32
    %dma_start3A_409 = tpu.memref_slice %arg6[%dma_start3A_407, %dma_start3A_408] : memref<100285x128xf32, #tpu.memory_space<hbm>> -> memref<100285x128xf32, #tpu.memory_space<hbm>>
    %dma_start3A_410 = tpu.memref_slice %arg28[%rem3A_40] : memref<2x!tpu.dma_semaphore, #tpu.memory_space<semaphore_mem>> -> memref<1x!tpu.dma_semaphore, #tpu.memory_space<semaphore_mem>>
    %dma_start3A_411 = tpu.memref_squeeze %dma_start3A_410 : memref<1x!tpu.dma_semaphore, #tpu.memory_space<semaphore_mem>> -> memref<!tpu.dma_semaphore, #tpu.memory_space<semaphore_mem>>
    tpu.enqueue_indirect_dma source(%dma_start3A_409 : memref<100285x128xf32, #tpu.memory_space<hbm>>) target(%dma_start3A_404 : memref<16x128xf32, #tpu.memory_space<vmem>>) offsets(%dma_start3A_406 : memref<16xi32, #tpu.memory_space<vmem>>) semaphore(%dma_start3A_411 : memref<!tpu.dma_semaphore, #tpu.memory_space<semaphore_mem>>)
    %rem3A_412 = arith.constant 0 : i32
    %rem3A_413 = arith.constant 2 : i32
    %rem3A_414 = arith.remsi %rem3A_412, %rem3A_413 : i32
    %dma_start3A_415 = arith.constant 0 : i32
    %dma_start3A_416 = arith.constant 0 : i32
    %dma_start3A_417 = tpu.memref_slice %arg21[%rem3A_414, %dma_start3A_415, %dma_start3A_416] : memref<2x8x512xf32, #tpu.memory_space<vmem>> -> memref<1x8x512xf32, #tpu.memory_space<vmem>>
    %dma_start3A_418 = tpu.memref_squeeze %dma_start3A_417 : memref<1x8x512xf32, #tpu.memory_space<vmem>> -> memref<8x512xf32, #tpu.memory_space<vmem>>
    %dma_start3A_419 = arith.constant 0 : i32
    %dma_start3A_420 = tpu.memref_slice %arg12[%dma_start3A_419] : memref<128xi32, #tpu.memory_space<vmem>> -> memref<8xi32, #tpu.memory_space<vmem>>
    %dma_start3A_421 = arith.constant 0 : i32
    %dma_start3A_422 = arith.constant 0 : i32
    %dma_start3A_423 = tpu.memref_slice %arg7[%dma_start3A_421, %dma_start3A_422] : memref<50000x512xf32, #tpu.memory_space<hbm>> -> memref<50000x512xf32, #tpu.memory_space<hbm>>
    %dma_start3A_424 = tpu.memref_slice %arg24[%rem3A_414] : memref<2x!tpu.dma_semaphore, #tpu.memory_space<semaphore_mem>> -> memref<1x!tpu.dma_semaphore, #tpu.memory_space<semaphore_mem>>
    %dma_start3A_425 = tpu.memref_squeeze %dma_start3A_424 : memref<1x!tpu.dma_semaphore, #tpu.memory_space<semaphore_mem>> -> memref<!tpu.dma_semaphore, #tpu.memory_space<semaphore_mem>>
    tpu.enqueue_indirect_dma source(%dma_start3A_423 : memref<50000x512xf32, #tpu.memory_space<hbm>>) target(%dma_start3A_418 : memref<8x512xf32, #tpu.memory_space<vmem>>) offsets(%dma_start3A_420 : memref<8xi32, #tpu.memory_space<vmem>>) semaphore(%dma_start3A_425 : memref<!tpu.dma_semaphore, #tpu.memory_space<semaphore_mem>>)
    %dma_start3A_426 = arith.constant 0 : i32
    %dma_start3A_427 = arith.constant 0 : i32
    %dma_start3A_428 = tpu.memref_slice %arg22[%rem3A_414, %dma_start3A_426, %dma_start3A_427] : memref<2x8x128xf32, #tpu.memory_space<vmem>> -> memref<1x8x128xf32, #tpu.memory_space<vmem>>
    %dma_start3A_429 = tpu.memref_squeeze %dma_start3A_428 : memref<1x8x128xf32, #tpu.memory_space<vmem>> -> memref<8x128xf32, #tpu.memory_space<vmem>>
    %dma_start3A_430 = arith.constant 0 : i32
    %dma_start3A_431 = tpu.memref_slice %arg13[%dma_start3A_430] : memref<128xi32, #tpu.memory_space<vmem>> -> memref<8xi32, #tpu.memory_space<vmem>>
    %dma_start3A_432 = arith.constant 0 : i32
    %dma_start3A_433 = arith.constant 0 : i32
    %dma_start3A_434 = tpu.memref_slice %arg8[%dma_start3A_432, %dma_start3A_433] : memref<50000x128xf32, #tpu.memory_space<hbm>> -> memref<50000x128xf32, #tpu.memory_space<hbm>>
    %dma_start3A_435 = tpu.memref_slice %arg25[%rem3A_414] : memref<2x!tpu.dma_semaphore, #tpu.memory_space<semaphore_mem>> -> memref<1x!tpu.dma_semaphore, #tpu.memory_space<semaphore_mem>>
    %dma_start3A_436 = tpu.memref_squeeze %dma_start3A_435 : memref<1x!tpu.dma_semaphore, #tpu.memory_space<semaphore_mem>> -> memref<!tpu.dma_semaphore, #tpu.memory_space<semaphore_mem>>
    tpu.enqueue_indirect_dma source(%dma_start3A_434 : memref<50000x128xf32, #tpu.memory_space<hbm>>) target(%dma_start3A_429 : memref<8x128xf32, #tpu.memory_space<vmem>>) offsets(%dma_start3A_431 : memref<8xi32, #tpu.memory_space<vmem>>) semaphore(%dma_start3A_436 : memref<!tpu.dma_semaphore, #tpu.memory_space<semaphore_mem>>)
    %scan3A_437 = arith.constant 0 : i32
    %scan3A_438 = arith.constant 0 : i32
    %scan3A_439 = arith.constant 96 : i32
    %scan3A_440 = arith.addi %scan3A_438, %scan3A_439 : i32
    %scan3A_441 = arith.constant 1 : i32
    %scan3A_442 = scf.for %scan3A_496 = %scan3A_438 to %scan3A_440 step %scan3A_441 iter_args(%scan3A_497 = %scan3A_437) -> (i32)  : i32 {
      %rem3A_498 = arith.constant 2 : i32
      %rem3A_499 = arith.remsi %scan3A_496, %rem3A_498 : i32
      %rem3A_500 = arith.constant 3 : i32
      %rem3A_501 = arith.remsi %scan3A_496, %rem3A_500 : i32
      %add3A_502 = arith.constant 2 : i32
      %add3A_503 = arith.addi %scan3A_496, %add3A_502 : i32
      %lt3A = arith.constant 96 : i32
      %lt3A_504 = arith.cmpi slt, %add3A_503, %lt3A : i32
      %convert_element_type3A = arith.extui %lt3A_504 : i1 to i32
      %cond3A = arith.constant 0 : i32
      %cond3A_505 = arith.cmpi ne, %convert_element_type3A, %cond3A : i32
      scf.if %cond3A_505 {
        %add3A_601 = arith.constant 2 : i32
        %add3A_602 = arith.addi %scan3A_496, %add3A_601 : i32
        %rem3A_603 = arith.constant 3 : i32
        %rem3A_604 = arith.remsi %add3A_602, %rem3A_603 : i32
        %mul3A_605 = arith.constant 16 : i32
        %mul3A_606 = arith.muli %add3A_602, %mul3A_605 : i32
        %mul3A_607 = arith.constant 16 : i32
        %mul3A_608 = arith.muli %rem3A_604, %mul3A_607 : i32
        %dma_start3A_609 = arith.constant 0 : i32
        %dma_start3A_610 = tpu.memref_slice %arg16[%mul3A_608, %dma_start3A_609] : memref<48x128xi32, #tpu.memory_space<vmem>> -> memref<16x128xi32, #tpu.memory_space<vmem>>
        %dma_start3A_611 = tpu.memref_slice %arg15[%mul3A_606] : memref<1536xi32, #tpu.memory_space<vmem>> -> memref<16xi32, #tpu.memory_space<vmem>>
        %dma_start3A_612 = arith.constant 0 : i32
        %dma_start3A_613 = arith.constant 0 : i32
        %dma_start3A_614 = tpu.memref_slice %arg5[%dma_start3A_612, %dma_start3A_613] : memref<100285x128xi32, #tpu.memory_space<hbm>> -> memref<100285x128xi32, #tpu.memory_space<hbm>>
        %dma_start3A_615 = tpu.memref_slice %arg26[%rem3A_604] : memref<3x!tpu.dma_semaphore, #tpu.memory_space<semaphore_mem>> -> memref<1x!tpu.dma_semaphore, #tpu.memory_space<semaphore_mem>>
        %dma_start3A_616 = tpu.memref_squeeze %dma_start3A_615 : memref<1x!tpu.dma_semaphore, #tpu.memory_space<semaphore_mem>> -> memref<!tpu.dma_semaphore, #tpu.memory_space<semaphore_mem>>
        tpu.enqueue_indirect_dma source(%dma_start3A_614 : memref<100285x128xi32, #tpu.memory_space<hbm>>) target(%dma_start3A_610 : memref<16x128xi32, #tpu.memory_space<vmem>>) offsets(%dma_start3A_611 : memref<16xi32, #tpu.memory_space<vmem>>) semaphore(%dma_start3A_616 : memref<!tpu.dma_semaphore, #tpu.memory_space<semaphore_mem>>)
      } else {
      }
      %add3A_506 = arith.constant 1 : i32
      %add3A_507 = arith.addi %scan3A_496, %add3A_506 : i32
      %lt3A_508 = arith.constant 96 : i32
      %lt3A_509 = arith.cmpi slt, %add3A_507, %lt3A_508 : i32
      %convert_element_type3A_510 = arith.extui %lt3A_509 : i1 to i32
      %cond3A_511 = arith.constant 0 : i32
      %cond3A_512 = arith.cmpi ne, %convert_element_type3A_510, %cond3A_511 : i32
      scf.if %cond3A_512 {
        %add3A_601 = arith.constant 1 : i32
        %add3A_602 = arith.addi %scan3A_496, %add3A_601 : i32
        %rem3A_603 = arith.constant 3 : i32
        %rem3A_604 = arith.remsi %add3A_602, %rem3A_603 : i32
        %rem3A_605 = arith.constant 2 : i32
        %rem3A_606 = arith.remsi %add3A_602, %rem3A_605 : i32
        %mul3A_607 = arith.constant 16 : i32
        %mul3A_608 = arith.muli %add3A_602, %mul3A_607 : i32
        %mul3A_609 = arith.constant 16 : i32
        %mul3A_610 = arith.muli %rem3A_604, %mul3A_609 : i32
        %dma_wait3A_611 = arith.constant 0 : i32
        %dma_wait3A_612 = tpu.memref_slice %arg16[%mul3A_610, %dma_wait3A_611] : memref<48x128xi32, #tpu.memory_space<vmem>> -> memref<16x128xi32, #tpu.memory_space<vmem>>
        %dma_wait3A_613 = tpu.memref_slice %arg15[%mul3A_608] : memref<1536xi32, #tpu.memory_space<vmem>> -> memref<16xi32, #tpu.memory_space<vmem>>
        %dma_wait3A_614 = arith.constant 0 : i32
        %dma_wait3A_615 = arith.constant 0 : i32
        %dma_wait3A_616 = tpu.memref_slice %arg5[%dma_wait3A_614, %dma_wait3A_615] : memref<100285x128xi32, #tpu.memory_space<hbm>> -> memref<100285x128xi32, #tpu.memory_space<hbm>>
        %dma_wait3A_617 = tpu.memref_slice %arg26[%rem3A_604] : memref<3x!tpu.dma_semaphore, #tpu.memory_space<semaphore_mem>> -> memref<1x!tpu.dma_semaphore, #tpu.memory_space<semaphore_mem>>
        %dma_wait3A_618 = tpu.memref_squeeze %dma_wait3A_617 : memref<1x!tpu.dma_semaphore, #tpu.memory_space<semaphore_mem>> -> memref<!tpu.dma_semaphore, #tpu.memory_space<semaphore_mem>>
        tpu.wait_indirect_dma semaphore(%dma_wait3A_618 : memref<!tpu.dma_semaphore, #tpu.memory_space<semaphore_mem>>) src(%dma_wait3A_616 : memref<100285x128xi32, #tpu.memory_space<hbm>>) dst(%dma_wait3A_612 : memref<16x128xi32, #tpu.memory_space<vmem>>)
        %mul3A_619 = arith.constant 16 : i32
        %mul3A_620 = arith.muli %rem3A_604, %mul3A_619 : i32
        %add3A_621 = vector.broadcast %mul3A_620 : i32 to vector<16xi32>
        %add3A_622 = arith.addi %add3A_621, %iota3A : vector<16xi32>
        %mul3A_623 = arith.constant 0 : i32
        %mul3A_624 = vector.broadcast %mul3A_623 : i32 to vector<16xi32>
        %mul3A_625 = arith.muli %iota3A, %mul3A_624 : vector<16xi32>
        %add3A_626 = arith.constant 0 : i32
        %add3A_627 = vector.broadcast %add3A_626 : i32 to vector<16xi32>
        %add3A_628 = arith.addi %mul3A_625, %add3A_627 : vector<16xi32>
        %gather3A_629 = tpu.vector_load_idx %arg16[%add3A_622, %add3A_628] : memref<48x128xi32, #tpu.memory_space<vmem>>[vector<16xi32>, vector<16xi32>], vector<16xi32>,
        %mul3A_630 = arith.constant 320 : i32
        %mul3A_631 = arith.muli %rem3A_604, %mul3A_630 : i32
        %add3A_632 = arith.constant 0 : i32
        %add3A_633 = arith.addi %mul3A_631, %add3A_632 : i32
        %swap3A_634 = arith.index_cast %add3A_633 : i32 to index
        %swap3A_635 = tpu.vector_load %arg17[%swap3A_634] {strides = array<i32>} : memref<960xi32, #tpu.memory_space<vmem>>, vector<16xi32>,
        tpu.vector_store %arg17[%swap3A_634], %gather3A_629 {strides = array<i32>} : memref<960xi32, #tpu.memory_space<vmem>>, vector<16xi32>,
        %mul3A_636 = arith.constant 16 : i32
        %mul3A_637 = arith.muli %rem3A_604, %mul3A_636 : i32
        %add3A_638 = vector.broadcast %mul3A_637 : i32 to vector<16xi32>
        %add3A_639 = arith.addi %add3A_638, %iota3A : vector<16xi32>
        %mul3A_640 = arith.constant 0 : i32
        %mul3A_641 = vector.broadcast %mul3A_640 : i32 to vector<16xi32>
        %mul3A_642 = arith.muli %iota3A, %mul3A_641 : vector<16xi32>
        %add3A_643 = arith.constant 1 : i32
        %add3A_644 = vector.broadcast %add3A_643 : i32 to vector<16xi32>
        %add3A_645 = arith.addi %mul3A_642, %add3A_644 : vector<16xi32>
        %gather3A_646 = tpu.vector_load_idx %arg16[%add3A_639, %add3A_645] : memref<48x128xi32, #tpu.memory_space<vmem>>[vector<16xi32>, vector<16xi32>], vector<16xi32>,
        %mul3A_647 = arith.constant 320 : i32
        %mul3A_648 = arith.muli %rem3A_604, %mul3A_647 : i32
        %add3A_649 = arith.constant 16 : i32
        %add3A_650 = arith.addi %mul3A_648, %add3A_649 : i32
        %swap3A_651 = arith.index_cast %add3A_650 : i32 to index
        %swap3A_652 = tpu.vector_load %arg17[%swap3A_651] {strides = array<i32>} : memref<960xi32, #tpu.memory_space<vmem>>, vector<16xi32>,
        tpu.vector_store %arg17[%swap3A_651], %gather3A_646 {strides = array<i32>} : memref<960xi32, #tpu.memory_space<vmem>>, vector<16xi32>,
        %mul3A_653 = arith.constant 16 : i32
        %mul3A_654 = arith.muli %rem3A_604, %mul3A_653 : i32
        %add3A_655 = vector.broadcast %mul3A_654 : i32 to vector<16xi32>
        %add3A_656 = arith.addi %add3A_655, %iota3A : vector<16xi32>
        %mul3A_657 = arith.constant 0 : i32
        %mul3A_658 = vector.broadcast %mul3A_657 : i32 to vector<16xi32>
        %mul3A_659 = arith.muli %iota3A, %mul3A_658 : vector<16xi32>
        %add3A_660 = arith.constant 2 : i32
        %add3A_661 = vector.broadcast %add3A_660 : i32 to vector<16xi32>
        %add3A_662 = arith.addi %mul3A_659, %add3A_661 : vector<16xi32>
        %gather3A_663 = tpu.vector_load_idx %arg16[%add3A_656, %add3A_662] : memref<48x128xi32, #tpu.memory_space<vmem>>[vector<16xi32>, vector<16xi32>], vector<16xi32>,
        %mul3A_664 = arith.constant 320 : i32
        %mul3A_665 = arith.muli %rem3A_604, %mul3A_664 : i32
        %add3A_666 = arith.constant 32 : i32
        %add3A_667 = arith.addi %mul3A_665, %add3A_666 : i32
        %swap3A_668 = arith.index_cast %add3A_667 : i32 to index
        %swap3A_669 = tpu.vector_load %arg17[%swap3A_668] {strides = array<i32>} : memref<960xi32, #tpu.memory_space<vmem>>, vector<16xi32>,
        tpu.vector_store %arg17[%swap3A_668], %gather3A_663 {strides = array<i32>} : memref<960xi32, #tpu.memory_space<vmem>>, vector<16xi32>,
        %mul3A_670 = arith.constant 16 : i32
        %mul3A_671 = arith.muli %rem3A_604, %mul3A_670 : i32
        %add3A_672 = vector.broadcast %mul3A_671 : i32 to vector<16xi32>
        %add3A_673 = arith.addi %add3A_672, %iota3A : vector<16xi32>
        %mul3A_674 = arith.constant 0 : i32
        %mul3A_675 = vector.broadcast %mul3A_674 : i32 to vector<16xi32>
        %mul3A_676 = arith.muli %iota3A, %mul3A_675 : vector<16xi32>
        %add3A_677 = arith.constant 3 : i32
        %add3A_678 = vector.broadcast %add3A_677 : i32 to vector<16xi32>
        %add3A_679 = arith.addi %mul3A_676, %add3A_678 : vector<16xi32>
        %gather3A_680 = tpu.vector_load_idx %arg16[%add3A_673, %add3A_679] : memref<48x128xi32, #tpu.memory_space<vmem>>[vector<16xi32>, vector<16xi32>], vector<16xi32>,
        %mul3A_681 = arith.constant 320 : i32
        %mul3A_682 = arith.muli %rem3A_604, %mul3A_681 : i32
        %add3A_683 = arith.constant 48 : i32
        %add3A_684 = arith.addi %mul3A_682, %add3A_683 : i32
        %swap3A_685 = arith.index_cast %add3A_684 : i32 to index
        %swap3A_686 = tpu.vector_load %arg17[%swap3A_685] {strides = array<i32>} : memref<960xi32, #tpu.memory_space<vmem>>, vector<16xi32>,
        tpu.vector_store %arg17[%swap3A_685], %gather3A_680 {strides = array<i32>} : memref<960xi32, #tpu.memory_space<vmem>>, vector<16xi32>,
        %mul3A_687 = arith.constant 16 : i32
        %mul3A_688 = arith.muli %rem3A_604, %mul3A_687 : i32
        %add3A_689 = vector.broadcast %mul3A_688 : i32 to vector<16xi32>
        %add3A_690 = arith.addi %add3A_689, %iota3A : vector<16xi32>
        %mul3A_691 = arith.constant 0 : i32
        %mul3A_692 = vector.broadcast %mul3A_691 : i32 to vector<16xi32>
        %mul3A_693 = arith.muli %iota3A, %mul3A_692 : vector<16xi32>
        %add3A_694 = arith.constant 4 : i32
        %add3A_695 = vector.broadcast %add3A_694 : i32 to vector<16xi32>
        %add3A_696 = arith.addi %mul3A_693, %add3A_695 : vector<16xi32>
        %gather3A_697 = tpu.vector_load_idx %arg16[%add3A_690, %add3A_696] : memref<48x128xi32, #tpu.memory_space<vmem>>[vector<16xi32>, vector<16xi32>], vector<16xi32>,
        %mul3A_698 = arith.constant 320 : i32
        %mul3A_699 = arith.muli %rem3A_604, %mul3A_698 : i32
        %add3A_700 = arith.constant 64 : i32
        %add3A_701 = arith.addi %mul3A_699, %add3A_700 : i32
        %swap3A_702 = arith.index_cast %add3A_701 : i32 to index
        %swap3A_703 = tpu.vector_load %arg17[%swap3A_702] {strides = array<i32>} : memref<960xi32, #tpu.memory_space<vmem>>, vector<16xi32>,
        tpu.vector_store %arg17[%swap3A_702], %gather3A_697 {strides = array<i32>} : memref<960xi32, #tpu.memory_space<vmem>>, vector<16xi32>,
        %mul3A_704 = arith.constant 16 : i32
        %mul3A_705 = arith.muli %rem3A_604, %mul3A_704 : i32
        %add3A_706 = vector.broadcast %mul3A_705 : i32 to vector<16xi32>
        %add3A_707 = arith.addi %add3A_706, %iota3A : vector<16xi32>
        %mul3A_708 = arith.constant 0 : i32
        %mul3A_709 = vector.broadcast %mul3A_708 : i32 to vector<16xi32>
        %mul3A_710 = arith.muli %iota3A, %mul3A_709 : vector<16xi32>
        %add3A_711 = arith.constant 5 : i32
        %add3A_712 = vector.broadcast %add3A_711 : i32 to vector<16xi32>
        %add3A_713 = arith.addi %mul3A_710, %add3A_712 : vector<16xi32>
        %gather3A_714 = tpu.vector_load_idx %arg16[%add3A_707, %add3A_713] : memref<48x128xi32, #tpu.memory_space<vmem>>[vector<16xi32>, vector<16xi32>], vector<16xi32>,
        %mul3A_715 = arith.constant 320 : i32
        %mul3A_716 = arith.muli %rem3A_604, %mul3A_715 : i32
        %add3A_717 = arith.constant 80 : i32
        %add3A_718 = arith.addi %mul3A_716, %add3A_717 : i32
        %swap3A_719 = arith.index_cast %add3A_718 : i32 to index
        %swap3A_720 = tpu.vector_load %arg17[%swap3A_719] {strides = array<i32>} : memref<960xi32, #tpu.memory_space<vmem>>, vector<16xi32>,
        tpu.vector_store %arg17[%swap3A_719], %gather3A_714 {strides = array<i32>} : memref<960xi32, #tpu.memory_space<vmem>>, vector<16xi32>,
        %mul3A_721 = arith.constant 16 : i32
        %mul3A_722 = arith.muli %rem3A_604, %mul3A_721 : i32
        %add3A_723 = vector.broadcast %mul3A_722 : i32 to vector<16xi32>
        %add3A_724 = arith.addi %add3A_723, %iota3A : vector<16xi32>
        %mul3A_725 = arith.constant 0 : i32
        %mul3A_726 = vector.broadcast %mul3A_725 : i32 to vector<16xi32>
        %mul3A_727 = arith.muli %iota3A, %mul3A_726 : vector<16xi32>
        %add3A_728 = arith.constant 6 : i32
        %add3A_729 = vector.broadcast %add3A_728 : i32 to vector<16xi32>
        %add3A_730 = arith.addi %mul3A_727, %add3A_729 : vector<16xi32>
        %gather3A_731 = tpu.vector_load_idx %arg16[%add3A_724, %add3A_730] : memref<48x128xi32, #tpu.memory_space<vmem>>[vector<16xi32>, vector<16xi32>], vector<16xi32>,
        %mul3A_732 = arith.constant 320 : i32
        %mul3A_733 = arith.muli %rem3A_604, %mul3A_732 : i32
        %add3A_734 = arith.constant 96 : i32
        %add3A_735 = arith.addi %mul3A_733, %add3A_734 : i32
        %swap3A_736 = arith.index_cast %add3A_735 : i32 to index
        %swap3A_737 = tpu.vector_load %arg17[%swap3A_736] {strides = array<i32>} : memref<960xi32, #tpu.memory_space<vmem>>, vector<16xi32>,
        tpu.vector_store %arg17[%swap3A_736], %gather3A_731 {strides = array<i32>} : memref<960xi32, #tpu.memory_space<vmem>>, vector<16xi32>,
        %mul3A_738 = arith.constant 16 : i32
        %mul3A_739 = arith.muli %rem3A_604, %mul3A_738 : i32
        %add3A_740 = vector.broadcast %mul3A_739 : i32 to vector<16xi32>
        %add3A_741 = arith.addi %add3A_740, %iota3A : vector<16xi32>
        %mul3A_742 = arith.constant 0 : i32
        %mul3A_743 = vector.broadcast %mul3A_742 : i32 to vector<16xi32>
        %mul3A_744 = arith.muli %iota3A, %mul3A_743 : vector<16xi32>
        %add3A_745 = arith.constant 7 : i32
        %add3A_746 = vector.broadcast %add3A_745 : i32 to vector<16xi32>
        %add3A_747 = arith.addi %mul3A_744, %add3A_746 : vector<16xi32>
        %gather3A_748 = tpu.vector_load_idx %arg16[%add3A_741, %add3A_747] : memref<48x128xi32, #tpu.memory_space<vmem>>[vector<16xi32>, vector<16xi32>], vector<16xi32>,
        %mul3A_749 = arith.constant 320 : i32
        %mul3A_750 = arith.muli %rem3A_604, %mul3A_749 : i32
        %add3A_751 = arith.constant 112 : i32
        %add3A_752 = arith.addi %mul3A_750, %add3A_751 : i32
        %swap3A_753 = arith.index_cast %add3A_752 : i32 to index
        %swap3A_754 = tpu.vector_load %arg17[%swap3A_753] {strides = array<i32>} : memref<960xi32, #tpu.memory_space<vmem>>, vector<16xi32>,
        tpu.vector_store %arg17[%swap3A_753], %gather3A_748 {strides = array<i32>} : memref<960xi32, #tpu.memory_space<vmem>>, vector<16xi32>,
        %mul3A_755 = arith.constant 16 : i32
        %mul3A_756 = arith.muli %rem3A_604, %mul3A_755 : i32
        %add3A_757 = vector.broadcast %mul3A_756 : i32 to vector<16xi32>
        %add3A_758 = arith.addi %add3A_757, %iota3A : vector<16xi32>
        %mul3A_759 = arith.constant 0 : i32
        %mul3A_760 = vector.broadcast %mul3A_759 : i32 to vector<16xi32>
        %mul3A_761 = arith.muli %iota3A, %mul3A_760 : vector<16xi32>
        %add3A_762 = arith.constant 8 : i32
        %add3A_763 = vector.broadcast %add3A_762 : i32 to vector<16xi32>
        %add3A_764 = arith.addi %mul3A_761, %add3A_763 : vector<16xi32>
        %gather3A_765 = tpu.vector_load_idx %arg16[%add3A_758, %add3A_764] : memref<48x128xi32, #tpu.memory_space<vmem>>[vector<16xi32>, vector<16xi32>], vector<16xi32>,
        %mul3A_766 = arith.constant 320 : i32
        %mul3A_767 = arith.muli %rem3A_604, %mul3A_766 : i32
        %add3A_768 = arith.constant 128 : i32
        %add3A_769 = arith.addi %mul3A_767, %add3A_768 : i32
        %swap3A_770 = arith.index_cast %add3A_769 : i32 to index
        %swap3A_771 = tpu.vector_load %arg17[%swap3A_770] {strides = array<i32>} : memref<960xi32, #tpu.memory_space<vmem>>, vector<16xi32>,
        tpu.vector_store %arg17[%swap3A_770], %gather3A_765 {strides = array<i32>} : memref<960xi32, #tpu.memory_space<vmem>>, vector<16xi32>,
        %mul3A_772 = arith.constant 16 : i32
        %mul3A_773 = arith.muli %rem3A_604, %mul3A_772 : i32
        %add3A_774 = vector.broadcast %mul3A_773 : i32 to vector<16xi32>
        %add3A_775 = arith.addi %add3A_774, %iota3A : vector<16xi32>
        %mul3A_776 = arith.constant 0 : i32
        %mul3A_777 = vector.broadcast %mul3A_776 : i32 to vector<16xi32>
        %mul3A_778 = arith.muli %iota3A, %mul3A_777 : vector<16xi32>
        %add3A_779 = arith.constant 9 : i32
        %add3A_780 = vector.broadcast %add3A_779 : i32 to vector<16xi32>
        %add3A_781 = arith.addi %mul3A_778, %add3A_780 : vector<16xi32>
        %gather3A_782 = tpu.vector_load_idx %arg16[%add3A_775, %add3A_781] : memref<48x128xi32, #tpu.memory_space<vmem>>[vector<16xi32>, vector<16xi32>], vector<16xi32>,
        %mul3A_783 = arith.constant 320 : i32
        %mul3A_784 = arith.muli %rem3A_604, %mul3A_783 : i32
        %add3A_785 = arith.constant 144 : i32
        %add3A_786 = arith.addi %mul3A_784, %add3A_785 : i32
        %swap3A_787 = arith.index_cast %add3A_786 : i32 to index
        %swap3A_788 = tpu.vector_load %arg17[%swap3A_787] {strides = array<i32>} : memref<960xi32, #tpu.memory_space<vmem>>, vector<16xi32>,
        tpu.vector_store %arg17[%swap3A_787], %gather3A_782 {strides = array<i32>} : memref<960xi32, #tpu.memory_space<vmem>>, vector<16xi32>,
        %mul3A_789 = arith.constant 16 : i32
        %mul3A_790 = arith.muli %rem3A_604, %mul3A_789 : i32
        %add3A_791 = vector.broadcast %mul3A_790 : i32 to vector<16xi32>
        %add3A_792 = arith.addi %add3A_791, %iota3A : vector<16xi32>
        %mul3A_793 = arith.constant 0 : i32
        %mul3A_794 = vector.broadcast %mul3A_793 : i32 to vector<16xi32>
        %mul3A_795 = arith.muli %iota3A, %mul3A_794 : vector<16xi32>
        %add3A_796 = arith.constant 10 : i32
        %add3A_797 = vector.broadcast %add3A_796 : i32 to vector<16xi32>
        %add3A_798 = arith.addi %mul3A_795, %add3A_797 : vector<16xi32>
        %gather3A_799 = tpu.vector_load_idx %arg16[%add3A_792, %add3A_798] : memref<48x128xi32, #tpu.memory_space<vmem>>[vector<16xi32>, vector<16xi32>], vector<16xi32>,
        %mul3A_800 = arith.constant 320 : i32
        %mul3A_801 = arith.muli %rem3A_604, %mul3A_800 : i32
        %add3A_802 = arith.constant 160 : i32
        %add3A_803 = arith.addi %mul3A_801, %add3A_802 : i32
        %swap3A_804 = arith.index_cast %add3A_803 : i32 to index
        %swap3A_805 = tpu.vector_load %arg17[%swap3A_804] {strides = array<i32>} : memref<960xi32, #tpu.memory_space<vmem>>, vector<16xi32>,
        tpu.vector_store %arg17[%swap3A_804], %gather3A_799 {strides = array<i32>} : memref<960xi32, #tpu.memory_space<vmem>>, vector<16xi32>,
        %mul3A_806 = arith.constant 16 : i32
        %mul3A_807 = arith.muli %rem3A_604, %mul3A_806 : i32
        %add3A_808 = vector.broadcast %mul3A_807 : i32 to vector<16xi32>
        %add3A_809 = arith.addi %add3A_808, %iota3A : vector<16xi32>
        %mul3A_810 = arith.constant 0 : i32
        %mul3A_811 = vector.broadcast %mul3A_810 : i32 to vector<16xi32>
        %mul3A_812 = arith.muli %iota3A, %mul3A_811 : vector<16xi32>
        %add3A_813 = arith.constant 11 : i32
        %add3A_814 = vector.broadcast %add3A_813 : i32 to vector<16xi32>
        %add3A_815 = arith.addi %mul3A_812, %add3A_814 : vector<16xi32>
        %gather3A_816 = tpu.vector_load_idx %arg16[%add3A_809, %add3A_815] : memref<48x128xi32, #tpu.memory_space<vmem>>[vector<16xi32>, vector<16xi32>], vector<16xi32>,
        %mul3A_817 = arith.constant 320 : i32
        %mul3A_818 = arith.muli %rem3A_604, %mul3A_817 : i32
        %add3A_819 = arith.constant 176 : i32
        %add3A_820 = arith.addi %mul3A_818, %add3A_819 : i32
        %swap3A_821 = arith.index_cast %add3A_820 : i32 to index
        %swap3A_822 = tpu.vector_load %arg17[%swap3A_821] {strides = array<i32>} : memref<960xi32, #tpu.memory_space<vmem>>, vector<16xi32>,
        tpu.vector_store %arg17[%swap3A_821], %gather3A_816 {strides = array<i32>} : memref<960xi32, #tpu.memory_space<vmem>>, vector<16xi32>,
        %mul3A_823 = arith.constant 16 : i32
        %mul3A_824 = arith.muli %rem3A_604, %mul3A_823 : i32
        %add3A_825 = vector.broadcast %mul3A_824 : i32 to vector<16xi32>
        %add3A_826 = arith.addi %add3A_825, %iota3A : vector<16xi32>
        %mul3A_827 = arith.constant 0 : i32
        %mul3A_828 = vector.broadcast %mul3A_827 : i32 to vector<16xi32>
        %mul3A_829 = arith.muli %iota3A, %mul3A_828 : vector<16xi32>
        %add3A_830 = arith.constant 12 : i32
        %add3A_831 = vector.broadcast %add3A_830 : i32 to vector<16xi32>
        %add3A_832 = arith.addi %mul3A_829, %add3A_831 : vector<16xi32>
        %gather3A_833 = tpu.vector_load_idx %arg16[%add3A_826, %add3A_832] : memref<48x128xi32, #tpu.memory_space<vmem>>[vector<16xi32>, vector<16xi32>], vector<16xi32>,
        %mul3A_834 = arith.constant 320 : i32
        %mul3A_835 = arith.muli %rem3A_604, %mul3A_834 : i32
        %add3A_836 = arith.constant 192 : i32
        %add3A_837 = arith.addi %mul3A_835, %add3A_836 : i32
        %swap3A_838 = arith.index_cast %add3A_837 : i32 to index
        %swap3A_839 = tpu.vector_load %arg17[%swap3A_838] {strides = array<i32>} : memref<960xi32, #tpu.memory_space<vmem>>, vector<16xi32>,
        tpu.vector_store %arg17[%swap3A_838], %gather3A_833 {strides = array<i32>} : memref<960xi32, #tpu.memory_space<vmem>>, vector<16xi32>,
        %mul3A_840 = arith.constant 16 : i32
        %mul3A_841 = arith.muli %rem3A_604, %mul3A_840 : i32
        %add3A_842 = vector.broadcast %mul3A_841 : i32 to vector<16xi32>
        %add3A_843 = arith.addi %add3A_842, %iota3A : vector<16xi32>
        %mul3A_844 = arith.constant 0 : i32
        %mul3A_845 = vector.broadcast %mul3A_844 : i32 to vector<16xi32>
        %mul3A_846 = arith.muli %iota3A, %mul3A_845 : vector<16xi32>
        %add3A_847 = arith.constant 13 : i32
        %add3A_848 = vector.broadcast %add3A_847 : i32 to vector<16xi32>
        %add3A_849 = arith.addi %mul3A_846, %add3A_848 : vector<16xi32>
        %gather3A_850 = tpu.vector_load_idx %arg16[%add3A_843, %add3A_849] : memref<48x128xi32, #tpu.memory_space<vmem>>[vector<16xi32>, vector<16xi32>], vector<16xi32>,
        %mul3A_851 = arith.constant 320 : i32
        %mul3A_852 = arith.muli %rem3A_604, %mul3A_851 : i32
        %add3A_853 = arith.constant 208 : i32
        %add3A_854 = arith.addi %mul3A_852, %add3A_853 : i32
        %swap3A_855 = arith.index_cast %add3A_854 : i32 to index
        %swap3A_856 = tpu.vector_load %arg17[%swap3A_855] {strides = array<i32>} : memref<960xi32, #tpu.memory_space<vmem>>, vector<16xi32>,
        tpu.vector_store %arg17[%swap3A_855], %gather3A_850 {strides = array<i32>} : memref<960xi32, #tpu.memory_space<vmem>>, vector<16xi32>,
        %mul3A_857 = arith.constant 16 : i32
        %mul3A_858 = arith.muli %rem3A_604, %mul3A_857 : i32
        %add3A_859 = vector.broadcast %mul3A_858 : i32 to vector<16xi32>
        %add3A_860 = arith.addi %add3A_859, %iota3A : vector<16xi32>
        %mul3A_861 = arith.constant 0 : i32
        %mul3A_862 = vector.broadcast %mul3A_861 : i32 to vector<16xi32>
        %mul3A_863 = arith.muli %iota3A, %mul3A_862 : vector<16xi32>
        %add3A_864 = arith.constant 14 : i32
        %add3A_865 = vector.broadcast %add3A_864 : i32 to vector<16xi32>
        %add3A_866 = arith.addi %mul3A_863, %add3A_865 : vector<16xi32>
        %gather3A_867 = tpu.vector_load_idx %arg16[%add3A_860, %add3A_866] : memref<48x128xi32, #tpu.memory_space<vmem>>[vector<16xi32>, vector<16xi32>], vector<16xi32>,
        %mul3A_868 = arith.constant 320 : i32
        %mul3A_869 = arith.muli %rem3A_604, %mul3A_868 : i32
        %add3A_870 = arith.constant 224 : i32
        %add3A_871 = arith.addi %mul3A_869, %add3A_870 : i32
        %swap3A_872 = arith.index_cast %add3A_871 : i32 to index
        %swap3A_873 = tpu.vector_load %arg17[%swap3A_872] {strides = array<i32>} : memref<960xi32, #tpu.memory_space<vmem>>, vector<16xi32>,
        tpu.vector_store %arg17[%swap3A_872], %gather3A_867 {strides = array<i32>} : memref<960xi32, #tpu.memory_space<vmem>>, vector<16xi32>,
        %mul3A_874 = arith.constant 16 : i32
        %mul3A_875 = arith.muli %rem3A_604, %mul3A_874 : i32
        %add3A_876 = vector.broadcast %mul3A_875 : i32 to vector<16xi32>
        %add3A_877 = arith.addi %add3A_876, %iota3A : vector<16xi32>
        %mul3A_878 = arith.constant 0 : i32
        %mul3A_879 = vector.broadcast %mul3A_878 : i32 to vector<16xi32>
        %mul3A_880 = arith.muli %iota3A, %mul3A_879 : vector<16xi32>
        %add3A_881 = arith.constant 15 : i32
        %add3A_882 = vector.broadcast %add3A_881 : i32 to vector<16xi32>
        %add3A_883 = arith.addi %mul3A_880, %add3A_882 : vector<16xi32>
        %gather3A_884 = tpu.vector_load_idx %arg16[%add3A_877, %add3A_883] : memref<48x128xi32, #tpu.memory_space<vmem>>[vector<16xi32>, vector<16xi32>], vector<16xi32>,
        %mul3A_885 = arith.constant 320 : i32
        %mul3A_886 = arith.muli %rem3A_604, %mul3A_885 : i32
        %add3A_887 = arith.constant 240 : i32
        %add3A_888 = arith.addi %mul3A_886, %add3A_887 : i32
        %swap3A_889 = arith.index_cast %add3A_888 : i32 to index
        %swap3A_890 = tpu.vector_load %arg17[%swap3A_889] {strides = array<i32>} : memref<960xi32, #tpu.memory_space<vmem>>, vector<16xi32>,
        tpu.vector_store %arg17[%swap3A_889], %gather3A_884 {strides = array<i32>} : memref<960xi32, #tpu.memory_space<vmem>>, vector<16xi32>,
        %mul3A_891 = arith.constant 16 : i32
        %mul3A_892 = arith.muli %rem3A_604, %mul3A_891 : i32
        %add3A_893 = vector.broadcast %mul3A_892 : i32 to vector<16xi32>
        %add3A_894 = arith.addi %add3A_893, %iota3A : vector<16xi32>
        %mul3A_895 = arith.constant 0 : i32
        %mul3A_896 = vector.broadcast %mul3A_895 : i32 to vector<16xi32>
        %mul3A_897 = arith.muli %iota3A, %mul3A_896 : vector<16xi32>
        %add3A_898 = arith.constant 16 : i32
        %add3A_899 = vector.broadcast %add3A_898 : i32 to vector<16xi32>
        %add3A_900 = arith.addi %mul3A_897, %add3A_899 : vector<16xi32>
        %gather3A_901 = tpu.vector_load_idx %arg16[%add3A_894, %add3A_900] : memref<48x128xi32, #tpu.memory_space<vmem>>[vector<16xi32>, vector<16xi32>], vector<16xi32>,
        %mul3A_902 = arith.constant 320 : i32
        %mul3A_903 = arith.muli %rem3A_604, %mul3A_902 : i32
        %add3A_904 = arith.constant 256 : i32
        %add3A_905 = arith.addi %mul3A_903, %add3A_904 : i32
        %swap3A_906 = arith.index_cast %add3A_905 : i32 to index
        %swap3A_907 = tpu.vector_load %arg17[%swap3A_906] {strides = array<i32>} : memref<960xi32, #tpu.memory_space<vmem>>, vector<16xi32>,
        tpu.vector_store %arg17[%swap3A_906], %gather3A_901 {strides = array<i32>} : memref<960xi32, #tpu.memory_space<vmem>>, vector<16xi32>,
        %mul3A_908 = arith.constant 16 : i32
        %mul3A_909 = arith.muli %rem3A_604, %mul3A_908 : i32
        %add3A_910 = vector.broadcast %mul3A_909 : i32 to vector<16xi32>
        %add3A_911 = arith.addi %add3A_910, %iota3A : vector<16xi32>
        %mul3A_912 = arith.constant 0 : i32
        %mul3A_913 = vector.broadcast %mul3A_912 : i32 to vector<16xi32>
        %mul3A_914 = arith.muli %iota3A, %mul3A_913 : vector<16xi32>
        %add3A_915 = arith.constant 17 : i32
        %add3A_916 = vector.broadcast %add3A_915 : i32 to vector<16xi32>
        %add3A_917 = arith.addi %mul3A_914, %add3A_916 : vector<16xi32>
        %gather3A_918 = tpu.vector_load_idx %arg16[%add3A_911, %add3A_917] : memref<48x128xi32, #tpu.memory_space<vmem>>[vector<16xi32>, vector<16xi32>], vector<16xi32>,
        %mul3A_919 = arith.constant 320 : i32
        %mul3A_920 = arith.muli %rem3A_604, %mul3A_919 : i32
        %add3A_921 = arith.constant 272 : i32
        %add3A_922 = arith.addi %mul3A_920, %add3A_921 : i32
        %swap3A_923 = arith.index_cast %add3A_922 : i32 to index
        %swap3A_924 = tpu.vector_load %arg17[%swap3A_923] {strides = array<i32>} : memref<960xi32, #tpu.memory_space<vmem>>, vector<16xi32>,
        tpu.vector_store %arg17[%swap3A_923], %gather3A_918 {strides = array<i32>} : memref<960xi32, #tpu.memory_space<vmem>>, vector<16xi32>,
        %mul3A_925 = arith.constant 16 : i32
        %mul3A_926 = arith.muli %rem3A_604, %mul3A_925 : i32
        %add3A_927 = vector.broadcast %mul3A_926 : i32 to vector<16xi32>
        %add3A_928 = arith.addi %add3A_927, %iota3A : vector<16xi32>
        %mul3A_929 = arith.constant 0 : i32
        %mul3A_930 = vector.broadcast %mul3A_929 : i32 to vector<16xi32>
        %mul3A_931 = arith.muli %iota3A, %mul3A_930 : vector<16xi32>
        %add3A_932 = arith.constant 18 : i32
        %add3A_933 = vector.broadcast %add3A_932 : i32 to vector<16xi32>
        %add3A_934 = arith.addi %mul3A_931, %add3A_933 : vector<16xi32>
        %gather3A_935 = tpu.vector_load_idx %arg16[%add3A_928, %add3A_934] : memref<48x128xi32, #tpu.memory_space<vmem>>[vector<16xi32>, vector<16xi32>], vector<16xi32>,
        %mul3A_936 = arith.constant 320 : i32
        %mul3A_937 = arith.muli %rem3A_604, %mul3A_936 : i32
        %add3A_938 = arith.constant 288 : i32
        %add3A_939 = arith.addi %mul3A_937, %add3A_938 : i32
        %swap3A_940 = arith.index_cast %add3A_939 : i32 to index
        %swap3A_941 = tpu.vector_load %arg17[%swap3A_940] {strides = array<i32>} : memref<960xi32, #tpu.memory_space<vmem>>, vector<16xi32>,
        tpu.vector_store %arg17[%swap3A_940], %gather3A_935 {strides = array<i32>} : memref<960xi32, #tpu.memory_space<vmem>>, vector<16xi32>,
        %mul3A_942 = arith.constant 16 : i32
        %mul3A_943 = arith.muli %rem3A_604, %mul3A_942 : i32
        %add3A_944 = vector.broadcast %mul3A_943 : i32 to vector<16xi32>
        %add3A_945 = arith.addi %add3A_944, %iota3A : vector<16xi32>
        %mul3A_946 = arith.constant 0 : i32
        %mul3A_947 = vector.broadcast %mul3A_946 : i32 to vector<16xi32>
        %mul3A_948 = arith.muli %iota3A, %mul3A_947 : vector<16xi32>
        %add3A_949 = arith.constant 19 : i32
        %add3A_950 = vector.broadcast %add3A_949 : i32 to vector<16xi32>
        %add3A_951 = arith.addi %mul3A_948, %add3A_950 : vector<16xi32>
        %gather3A_952 = tpu.vector_load_idx %arg16[%add3A_945, %add3A_951] : memref<48x128xi32, #tpu.memory_space<vmem>>[vector<16xi32>, vector<16xi32>], vector<16xi32>,
        %mul3A_953 = arith.constant 320 : i32
        %mul3A_954 = arith.muli %rem3A_604, %mul3A_953 : i32
        %add3A_955 = arith.constant 304 : i32
        %add3A_956 = arith.addi %mul3A_954, %add3A_955 : i32
        %swap3A_957 = arith.index_cast %add3A_956 : i32 to index
        %swap3A_958 = tpu.vector_load %arg17[%swap3A_957] {strides = array<i32>} : memref<960xi32, #tpu.memory_space<vmem>>, vector<16xi32>,
        tpu.vector_store %arg17[%swap3A_957], %gather3A_952 {strides = array<i32>} : memref<960xi32, #tpu.memory_space<vmem>>, vector<16xi32>,
        %mul3A_959 = arith.constant 320 : i32
        %mul3A_960 = arith.muli %rem3A_604, %mul3A_959 : i32
        %dma_start3A_961 = arith.constant 0 : i32
        %dma_start3A_962 = arith.constant 0 : i32
        %dma_start3A_963 = tpu.memref_slice %arg18[%rem3A_606, %dma_start3A_961, %dma_start3A_962] : memref<2x320x128xf32, #tpu.memory_space<vmem>> -> memref<1x320x128xf32, #tpu.memory_space<vmem>>
        %dma_start3A_964 = tpu.memref_squeeze %dma_start3A_963 : memref<1x320x128xf32, #tpu.memory_space<vmem>> -> memref<320x128xf32, #tpu.memory_space<vmem>>
        %dma_start3A_965 = tpu.memref_slice %arg17[%mul3A_960] : memref<960xi32, #tpu.memory_space<vmem>> -> memref<320xi32, #tpu.memory_space<vmem>>
        %dma_start3A_966 = arith.constant 0 : i32
        %dma_start3A_967 = arith.constant 0 : i32
        %dma_start3A_968 = tpu.memref_slice %arg6[%dma_start3A_966, %dma_start3A_967] : memref<100285x128xf32, #tpu.memory_space<hbm>> -> memref<100285x128xf32, #tpu.memory_space<hbm>>
        %dma_start3A_969 = tpu.memref_slice %arg27[%rem3A_606] : memref<2x!tpu.dma_semaphore, #tpu.memory_space<semaphore_mem>> -> memref<1x!tpu.dma_semaphore, #tpu.memory_space<semaphore_mem>>
        %dma_start3A_970 = tpu.memref_squeeze %dma_start3A_969 : memref<1x!tpu.dma_semaphore, #tpu.memory_space<semaphore_mem>> -> memref<!tpu.dma_semaphore, #tpu.memory_space<semaphore_mem>>
        tpu.enqueue_indirect_dma source(%dma_start3A_968 : memref<100285x128xf32, #tpu.memory_space<hbm>>) target(%dma_start3A_964 : memref<320x128xf32, #tpu.memory_space<vmem>>) offsets(%dma_start3A_965 : memref<320xi32, #tpu.memory_space<vmem>>) semaphore(%dma_start3A_970 : memref<!tpu.dma_semaphore, #tpu.memory_space<semaphore_mem>>)
        %mul3A_971 = arith.constant 16 : i32
        %mul3A_972 = arith.muli %add3A_602, %mul3A_971 : i32
        %dma_start3A_973 = arith.constant 0 : i32
        %dma_start3A_974 = arith.constant 0 : i32
        %dma_start3A_975 = tpu.memref_slice %arg19[%rem3A_606, %dma_start3A_973, %dma_start3A_974] : memref<2x16x128xf32, #tpu.memory_space<vmem>> -> memref<1x16x128xf32, #tpu.memory_space<vmem>>
        %dma_start3A_976 = tpu.memref_squeeze %dma_start3A_975 : memref<1x16x128xf32, #tpu.memory_space<vmem>> -> memref<16x128xf32, #tpu.memory_space<vmem>>
        %dma_start3A_977 = tpu.memref_slice %arg15[%mul3A_972] : memref<1536xi32, #tpu.memory_space<vmem>> -> memref<16xi32, #tpu.memory_space<vmem>>
        %dma_start3A_978 = arith.constant 0 : i32
        %dma_start3A_979 = arith.constant 0 : i32
        %dma_start3A_980 = tpu.memref_slice %arg6[%dma_start3A_978, %dma_start3A_979] : memref<100285x128xf32, #tpu.memory_space<hbm>> -> memref<100285x128xf32, #tpu.memory_space<hbm>>
        %dma_start3A_981 = tpu.memref_slice %arg28[%rem3A_606] : memref<2x!tpu.dma_semaphore, #tpu.memory_space<semaphore_mem>> -> memref<1x!tpu.dma_semaphore, #tpu.memory_space<semaphore_mem>>
        %dma_start3A_982 = tpu.memref_squeeze %dma_start3A_981 : memref<1x!tpu.dma_semaphore, #tpu.memory_space<semaphore_mem>> -> memref<!tpu.dma_semaphore, #tpu.memory_space<semaphore_mem>>
        tpu.enqueue_indirect_dma source(%dma_start3A_980 : memref<100285x128xf32, #tpu.memory_space<hbm>>) target(%dma_start3A_976 : memref<16x128xf32, #tpu.memory_space<vmem>>) offsets(%dma_start3A_977 : memref<16xi32, #tpu.memory_space<vmem>>) semaphore(%dma_start3A_982 : memref<!tpu.dma_semaphore, #tpu.memory_space<semaphore_mem>>)
      } else {
      }
      %add3A_513 = arith.constant 1 : i32
      %add3A_514 = arith.addi %scan3A_496, %add3A_513 : i32
      %lt3A_515 = arith.constant 16 : i32
      %lt3A_516 = arith.cmpi slt, %add3A_514, %lt3A_515 : i32
      %convert_element_type3A_517 = arith.extui %lt3A_516 : i1 to i32
      %cond3A_518 = arith.constant 0 : i32
      %cond3A_519 = arith.cmpi ne, %convert_element_type3A_517, %cond3A_518 : i32
      scf.if %cond3A_519 {
        %add3A_601 = arith.constant 1 : i32
        %add3A_602 = arith.addi %scan3A_496, %add3A_601 : i32
        %rem3A_603 = arith.constant 2 : i32
        %rem3A_604 = arith.remsi %add3A_602, %rem3A_603 : i32
        %mul3A_605 = arith.constant 8 : i32
        %mul3A_606 = arith.muli %add3A_602, %mul3A_605 : i32
        %dma_start3A_607 = arith.constant 0 : i32
        %dma_start3A_608 = arith.constant 0 : i32
        %dma_start3A_609 = tpu.memref_slice %arg21[%rem3A_604, %dma_start3A_607, %dma_start3A_608] : memref<2x8x512xf32, #tpu.memory_space<vmem>> -> memref<1x8x512xf32, #tpu.memory_space<vmem>>
        %dma_start3A_610 = tpu.memref_squeeze %dma_start3A_609 : memref<1x8x512xf32, #tpu.memory_space<vmem>> -> memref<8x512xf32, #tpu.memory_space<vmem>>
        %dma_start3A_611 = tpu.memref_slice %arg12[%mul3A_606] : memref<128xi32, #tpu.memory_space<vmem>> -> memref<8xi32, #tpu.memory_space<vmem>>
        %dma_start3A_612 = arith.constant 0 : i32
        %dma_start3A_613 = arith.constant 0 : i32
        %dma_start3A_614 = tpu.memref_slice %arg7[%dma_start3A_612, %dma_start3A_613] : memref<50000x512xf32, #tpu.memory_space<hbm>> -> memref<50000x512xf32, #tpu.memory_space<hbm>>
        %dma_start3A_615 = tpu.memref_slice %arg24[%rem3A_604] : memref<2x!tpu.dma_semaphore, #tpu.memory_space<semaphore_mem>> -> memref<1x!tpu.dma_semaphore, #tpu.memory_space<semaphore_mem>>
        %dma_start3A_616 = tpu.memref_squeeze %dma_start3A_615 : memref<1x!tpu.dma_semaphore, #tpu.memory_space<semaphore_mem>> -> memref<!tpu.dma_semaphore, #tpu.memory_space<semaphore_mem>>
        tpu.enqueue_indirect_dma source(%dma_start3A_614 : memref<50000x512xf32, #tpu.memory_space<hbm>>) target(%dma_start3A_610 : memref<8x512xf32, #tpu.memory_space<vmem>>) offsets(%dma_start3A_611 : memref<8xi32, #tpu.memory_space<vmem>>) semaphore(%dma_start3A_616 : memref<!tpu.dma_semaphore, #tpu.memory_space<semaphore_mem>>)
        %mul3A_617 = arith.constant 8 : i32
        %mul3A_618 = arith.muli %add3A_602, %mul3A_617 : i32
        %dma_start3A_619 = arith.constant 0 : i32
        %dma_start3A_620 = arith.constant 0 : i32
        %dma_start3A_621 = tpu.memref_slice %arg22[%rem3A_604, %dma_start3A_619, %dma_start3A_620] : memref<2x8x128xf32, #tpu.memory_space<vmem>> -> memref<1x8x128xf32, #tpu.memory_space<vmem>>
        %dma_start3A_622 = tpu.memref_squeeze %dma_start3A_621 : memref<1x8x128xf32, #tpu.memory_space<vmem>> -> memref<8x128xf32, #tpu.memory_space<vmem>>
        %dma_start3A_623 = tpu.memref_slice %arg13[%mul3A_618] : memref<128xi32, #tpu.memory_space<vmem>> -> memref<8xi32, #tpu.memory_space<vmem>>
        %dma_start3A_624 = arith.constant 0 : i32
        %dma_start3A_625 = arith.constant 0 : i32
        %dma_start3A_626 = tpu.memref_slice %arg8[%dma_start3A_624, %dma_start3A_625] : memref<50000x128xf32, #tpu.memory_space<hbm>> -> memref<50000x128xf32, #tpu.memory_space<hbm>>
        %dma_start3A_627 = tpu.memref_slice %arg25[%rem3A_604] : memref<2x!tpu.dma_semaphore, #tpu.memory_space<semaphore_mem>> -> memref<1x!tpu.dma_semaphore, #tpu.memory_space<semaphore_mem>>
        %dma_start3A_628 = tpu.memref_squeeze %dma_start3A_627 : memref<1x!tpu.dma_semaphore, #tpu.memory_space<semaphore_mem>> -> memref<!tpu.dma_semaphore, #tpu.memory_space<semaphore_mem>>
        tpu.enqueue_indirect_dma source(%dma_start3A_626 : memref<50000x128xf32, #tpu.memory_space<hbm>>) target(%dma_start3A_622 : memref<8x128xf32, #tpu.memory_space<vmem>>) offsets(%dma_start3A_623 : memref<8xi32, #tpu.memory_space<vmem>>) semaphore(%dma_start3A_628 : memref<!tpu.dma_semaphore, #tpu.memory_space<semaphore_mem>>)
      } else {
      }
      %lt3A_520 = arith.constant 16 : i32
      %lt3A_521 = arith.cmpi slt, %scan3A_496, %lt3A_520 : i32
      %convert_element_type3A_522 = arith.extui %lt3A_521 : i1 to i32
      %cond3A_523 = arith.constant 0 : i32
      %cond3A_524 = arith.cmpi ne, %convert_element_type3A_522, %cond3A_523 : i32
      scf.if %cond3A_524 {
        %rem3A_601 = arith.constant 2 : i32
        %rem3A_602 = arith.remsi %scan3A_496, %rem3A_601 : i32
        %mul3A_603 = arith.constant 8 : i32
        %mul3A_604 = arith.muli %scan3A_496, %mul3A_603 : i32
        %dma_wait3A_605 = arith.constant 0 : i32
        %dma_wait3A_606 = arith.constant 0 : i32
        %dma_wait3A_607 = tpu.memref_slice %arg21[%rem3A_602, %dma_wait3A_605, %dma_wait3A_606] : memref<2x8x512xf32, #tpu.memory_space<vmem>> -> memref<1x8x512xf32, #tpu.memory_space<vmem>>
        %dma_wait3A_608 = tpu.memref_squeeze %dma_wait3A_607 : memref<1x8x512xf32, #tpu.memory_space<vmem>> -> memref<8x512xf32, #tpu.memory_space<vmem>>
        %dma_wait3A_609 = tpu.memref_slice %arg12[%mul3A_604] : memref<128xi32, #tpu.memory_space<vmem>> -> memref<8xi32, #tpu.memory_space<vmem>>
        %dma_wait3A_610 = arith.constant 0 : i32
        %dma_wait3A_611 = arith.constant 0 : i32
        %dma_wait3A_612 = tpu.memref_slice %arg7[%dma_wait3A_610, %dma_wait3A_611] : memref<50000x512xf32, #tpu.memory_space<hbm>> -> memref<50000x512xf32, #tpu.memory_space<hbm>>
        %dma_wait3A_613 = tpu.memref_slice %arg24[%rem3A_602] : memref<2x!tpu.dma_semaphore, #tpu.memory_space<semaphore_mem>> -> memref<1x!tpu.dma_semaphore, #tpu.memory_space<semaphore_mem>>
        %dma_wait3A_614 = tpu.memref_squeeze %dma_wait3A_613 : memref<1x!tpu.dma_semaphore, #tpu.memory_space<semaphore_mem>> -> memref<!tpu.dma_semaphore, #tpu.memory_space<semaphore_mem>>
        tpu.wait_indirect_dma semaphore(%dma_wait3A_614 : memref<!tpu.dma_semaphore, #tpu.memory_space<semaphore_mem>>) src(%dma_wait3A_612 : memref<50000x512xf32, #tpu.memory_space<hbm>>) dst(%dma_wait3A_608 : memref<8x512xf32, #tpu.memory_space<vmem>>)
        %mul3A_615 = arith.constant 8 : i32
        %mul3A_616 = arith.muli %scan3A_496, %mul3A_615 : i32
        %add3A_617 = arith.addi %mul3A_2, %mul3A_616 : i32
        "tpu.region"() ({
          %run_scoped3A = tpu.sem_alloc : memref<!tpu.dma_semaphore, #tpu.memory_space<semaphore_mem>>
          %dma_start3A_633 = arith.constant 0 : i32
          %dma_start3A_634 = arith.constant 0 : i32
          %dma_start3A_635 = tpu.memref_slice %arg21[%rem3A_602, %dma_start3A_633, %dma_start3A_634] : memref<2x8x512xf32, #tpu.memory_space<vmem>> -> memref<1x8x512xf32, #tpu.memory_space<vmem>>
          %dma_start3A_636 = tpu.memref_squeeze %dma_start3A_635 : memref<1x8x512xf32, #tpu.memory_space<vmem>> -> memref<8x512xf32, #tpu.memory_space<vmem>>
          %dma_start3A_637 = arith.constant 0 : i32
          %dma_start3A_638 = tpu.memref_slice %arg9[%add3A_617, %dma_start3A_637] : memref<4096x512xf32, #tpu.memory_space<hbm>> -> memref<8x512xf32, #tpu.memory_space<hbm>>
          %dma_start3A_639 = arith.constant 0 : i32
          %dma_start3A_640 = tpu.memref_slice %arg9[%add3A_617, %dma_start3A_639] : memref<4096x512xf32, #tpu.memory_space<hbm>> -> memref<8x512xf32, #tpu.memory_space<hbm>>
          %dma_start3A_641 = arith.constant 0 : i32
          %dma_start3A_642 = arith.constant 0 : i32
          %dma_start3A_643 = tpu.memref_slice %arg21[%rem3A_602, %dma_start3A_641, %dma_start3A_642] : memref<2x8x512xf32, #tpu.memory_space<vmem>> -> memref<1x8x512xf32, #tpu.memory_space<vmem>>
          %dma_start3A_644 = tpu.memref_squeeze %dma_start3A_643 : memref<1x8x512xf32, #tpu.memory_space<vmem>> -> memref<8x512xf32, #tpu.memory_space<vmem>>
          tpu.enqueue_dma source(%dma_start3A_644 : memref<8x512xf32, #tpu.memory_space<vmem>>) target(%dma_start3A_640 : memref<8x512xf32, #tpu.memory_space<hbm>>) target_semaphore(%run_scoped3A : memref<!tpu.dma_semaphore, #tpu.memory_space<semaphore_mem>>)
          %dma_wait3A_645 = arith.constant 0 : i32
          %dma_wait3A_646 = arith.constant 0 : i32
          %dma_wait3A_647 = tpu.memref_slice %arg21[%rem3A_602, %dma_wait3A_645, %dma_wait3A_646] : memref<2x8x512xf32, #tpu.memory_space<vmem>> -> memref<1x8x512xf32, #tpu.memory_space<vmem>>
          %dma_wait3A_648 = tpu.memref_squeeze %dma_wait3A_647 : memref<1x8x512xf32, #tpu.memory_space<vmem>> -> memref<8x512xf32, #tpu.memory_space<vmem>>
          %dma_wait3A_649 = arith.constant 0 : i32
          %dma_wait3A_650 = tpu.memref_slice %arg9[%add3A_617, %dma_wait3A_649] : memref<4096x512xf32, #tpu.memory_space<hbm>> -> memref<8x512xf32, #tpu.memory_space<hbm>>
          %dma_wait3A_651 = arith.constant 0 : i32
          %dma_wait3A_652 = tpu.memref_slice %arg9[%add3A_617, %dma_wait3A_651] : memref<4096x512xf32, #tpu.memory_space<hbm>> -> memref<8x512xf32, #tpu.memory_space<hbm>>
          %dma_wait3A_653 = arith.constant 0 : i32
          %dma_wait3A_654 = arith.constant 0 : i32
          %dma_wait3A_655 = tpu.memref_slice %arg21[%rem3A_602, %dma_wait3A_653, %dma_wait3A_654] : memref<2x8x512xf32, #tpu.memory_space<vmem>> -> memref<1x8x512xf32, #tpu.memory_space<vmem>>
          %dma_wait3A_656 = tpu.memref_squeeze %dma_wait3A_655 : memref<1x8x512xf32, #tpu.memory_space<vmem>> -> memref<8x512xf32, #tpu.memory_space<vmem>>
          tpu.wait_dma2 semaphore(%run_scoped3A : memref<!tpu.dma_semaphore, #tpu.memory_space<semaphore_mem>>) src(%dma_wait3A_656 : memref<8x512xf32, #tpu.memory_space<vmem>>) dst(%dma_wait3A_652 : memref<8x512xf32, #tpu.memory_space<hbm>>)
          tpu.yield
        }) : () -> ()
        %mul3A_618 = arith.constant 8 : i32
        %mul3A_619 = arith.muli %scan3A_496, %mul3A_618 : i32
        %dma_wait3A_620 = arith.constant 0 : i32
        %dma_wait3A_621 = arith.constant 0 : i32
        %dma_wait3A_622 = tpu.memref_slice %arg22[%rem3A_602, %dma_wait3A_620, %dma_wait3A_621] : memref<2x8x128xf32, #tpu.memory_space<vmem>> -> memref<1x8x128xf32, #tpu.memory_space<vmem>>
        %dma_wait3A_623 = tpu.memref_squeeze %dma_wait3A_622 : memref<1x8x128xf32, #tpu.memory_space<vmem>> -> memref<8x128xf32, #tpu.memory_space<vmem>>
        %dma_wait3A_624 = tpu.memref_slice %arg13[%mul3A_619] : memref<128xi32, #tpu.memory_space<vmem>> -> memref<8xi32, #tpu.memory_space<vmem>>
        %dma_wait3A_625 = arith.constant 0 : i32
        %dma_wait3A_626 = arith.constant 0 : i32
        %dma_wait3A_627 = tpu.memref_slice %arg8[%dma_wait3A_625, %dma_wait3A_626] : memref<50000x128xf32, #tpu.memory_space<hbm>> -> memref<50000x128xf32, #tpu.memory_space<hbm>>
        %dma_wait3A_628 = tpu.memref_slice %arg25[%rem3A_602] : memref<2x!tpu.dma_semaphore, #tpu.memory_space<semaphore_mem>> -> memref<1x!tpu.dma_semaphore, #tpu.memory_space<semaphore_mem>>
        %dma_wait3A_629 = tpu.memref_squeeze %dma_wait3A_628 : memref<1x!tpu.dma_semaphore, #tpu.memory_space<semaphore_mem>> -> memref<!tpu.dma_semaphore, #tpu.memory_space<semaphore_mem>>
        tpu.wait_indirect_dma semaphore(%dma_wait3A_629 : memref<!tpu.dma_semaphore, #tpu.memory_space<semaphore_mem>>) src(%dma_wait3A_627 : memref<50000x128xf32, #tpu.memory_space<hbm>>) dst(%dma_wait3A_623 : memref<8x128xf32, #tpu.memory_space<vmem>>)
        %mul3A_630 = arith.constant 8 : i32
        %mul3A_631 = arith.muli %scan3A_496, %mul3A_630 : i32
        %add3A_632 = arith.addi %mul3A_2, %mul3A_631 : i32
        "tpu.region"() ({
          %run_scoped3A = tpu.sem_alloc : memref<!tpu.dma_semaphore, #tpu.memory_space<semaphore_mem>>
          %dma_start3A_633 = arith.constant 0 : i32
          %dma_start3A_634 = arith.constant 0 : i32
          %dma_start3A_635 = tpu.memref_slice %arg22[%rem3A_602, %dma_start3A_633, %dma_start3A_634] : memref<2x8x128xf32, #tpu.memory_space<vmem>> -> memref<1x8x128xf32, #tpu.memory_space<vmem>>
          %dma_start3A_636 = tpu.memref_squeeze %dma_start3A_635 : memref<1x8x128xf32, #tpu.memory_space<vmem>> -> memref<8x128xf32, #tpu.memory_space<vmem>>
          %dma_start3A_637 = arith.constant 0 : i32
          %dma_start3A_638 = tpu.memref_slice %arg10[%add3A_632, %dma_start3A_637] : memref<4096x128xf32, #tpu.memory_space<hbm>> -> memref<8x128xf32, #tpu.memory_space<hbm>>
          %dma_start3A_639 = arith.constant 0 : i32
          %dma_start3A_640 = tpu.memref_slice %arg10[%add3A_632, %dma_start3A_639] : memref<4096x128xf32, #tpu.memory_space<hbm>> -> memref<8x128xf32, #tpu.memory_space<hbm>>
          %dma_start3A_641 = arith.constant 0 : i32
          %dma_start3A_642 = arith.constant 0 : i32
          %dma_start3A_643 = tpu.memref_slice %arg22[%rem3A_602, %dma_start3A_641, %dma_start3A_642] : memref<2x8x128xf32, #tpu.memory_space<vmem>> -> memref<1x8x128xf32, #tpu.memory_space<vmem>>
          %dma_start3A_644 = tpu.memref_squeeze %dma_start3A_643 : memref<1x8x128xf32, #tpu.memory_space<vmem>> -> memref<8x128xf32, #tpu.memory_space<vmem>>
          tpu.enqueue_dma source(%dma_start3A_644 : memref<8x128xf32, #tpu.memory_space<vmem>>) target(%dma_start3A_640 : memref<8x128xf32, #tpu.memory_space<hbm>>) target_semaphore(%run_scoped3A : memref<!tpu.dma_semaphore, #tpu.memory_space<semaphore_mem>>)
          %dma_wait3A_645 = arith.constant 0 : i32
          %dma_wait3A_646 = arith.constant 0 : i32
          %dma_wait3A_647 = tpu.memref_slice %arg22[%rem3A_602, %dma_wait3A_645, %dma_wait3A_646] : memref<2x8x128xf32, #tpu.memory_space<vmem>> -> memref<1x8x128xf32, #tpu.memory_space<vmem>>
          %dma_wait3A_648 = tpu.memref_squeeze %dma_wait3A_647 : memref<1x8x128xf32, #tpu.memory_space<vmem>> -> memref<8x128xf32, #tpu.memory_space<vmem>>
          %dma_wait3A_649 = arith.constant 0 : i32
          %dma_wait3A_650 = tpu.memref_slice %arg10[%add3A_632, %dma_wait3A_649] : memref<4096x128xf32, #tpu.memory_space<hbm>> -> memref<8x128xf32, #tpu.memory_space<hbm>>
          %dma_wait3A_651 = arith.constant 0 : i32
          %dma_wait3A_652 = tpu.memref_slice %arg10[%add3A_632, %dma_wait3A_651] : memref<4096x128xf32, #tpu.memory_space<hbm>> -> memref<8x128xf32, #tpu.memory_space<hbm>>
          %dma_wait3A_653 = arith.constant 0 : i32
          %dma_wait3A_654 = arith.constant 0 : i32
          %dma_wait3A_655 = tpu.memref_slice %arg22[%rem3A_602, %dma_wait3A_653, %dma_wait3A_654] : memref<2x8x128xf32, #tpu.memory_space<vmem>> -> memref<1x8x128xf32, #tpu.memory_space<vmem>>
          %dma_wait3A_656 = tpu.memref_squeeze %dma_wait3A_655 : memref<1x8x128xf32, #tpu.memory_space<vmem>> -> memref<8x128xf32, #tpu.memory_space<vmem>>
          tpu.wait_dma2 semaphore(%run_scoped3A : memref<!tpu.dma_semaphore, #tpu.memory_space<semaphore_mem>>) src(%dma_wait3A_656 : memref<8x128xf32, #tpu.memory_space<vmem>>) dst(%dma_wait3A_652 : memref<8x128xf32, #tpu.memory_space<hbm>>)
          tpu.yield
        }) : () -> ()
      } else {
      }
      %mul3A_525 = arith.constant 320 : i32
      %mul3A_526 = arith.muli %rem3A_501, %mul3A_525 : i32
      %dma_wait3A_527 = arith.constant 0 : i32
      %dma_wait3A_528 = arith.constant 0 : i32
      %dma_wait3A_529 = tpu.memref_slice %arg18[%rem3A_499, %dma_wait3A_527, %dma_wait3A_528] : memref<2x320x128xf32, #tpu.memory_space<vmem>> -> memref<1x320x128xf32, #tpu.memory_space<vmem>>
      %dma_wait3A_530 = tpu.memref_squeeze %dma_wait3A_529 : memref<1x320x128xf32, #tpu.memory_space<vmem>> -> memref<320x128xf32, #tpu.memory_space<vmem>>
      %dma_wait3A_531 = tpu.memref_slice %arg17[%mul3A_526] : memref<960xi32, #tpu.memory_space<vmem>> -> memref<320xi32, #tpu.memory_space<vmem>>
      %dma_wait3A_532 = arith.constant 0 : i32
      %dma_wait3A_533 = arith.constant 0 : i32
      %dma_wait3A_534 = tpu.memref_slice %arg6[%dma_wait3A_532, %dma_wait3A_533] : memref<100285x128xf32, #tpu.memory_space<hbm>> -> memref<100285x128xf32, #tpu.memory_space<hbm>>
      %dma_wait3A_535 = tpu.memref_slice %arg27[%rem3A_499] : memref<2x!tpu.dma_semaphore, #tpu.memory_space<semaphore_mem>> -> memref<1x!tpu.dma_semaphore, #tpu.memory_space<semaphore_mem>>
      %dma_wait3A_536 = tpu.memref_squeeze %dma_wait3A_535 : memref<1x!tpu.dma_semaphore, #tpu.memory_space<semaphore_mem>> -> memref<!tpu.dma_semaphore, #tpu.memory_space<semaphore_mem>>
      tpu.wait_indirect_dma semaphore(%dma_wait3A_536 : memref<!tpu.dma_semaphore, #tpu.memory_space<semaphore_mem>>) src(%dma_wait3A_534 : memref<100285x128xf32, #tpu.memory_space<hbm>>) dst(%dma_wait3A_530 : memref<320x128xf32, #tpu.memory_space<vmem>>)
      %mul3A_537 = arith.constant 16 : i32
      %mul3A_538 = arith.muli %scan3A_496, %mul3A_537 : i32
      %dma_wait3A_539 = arith.constant 0 : i32
      %dma_wait3A_540 = arith.constant 0 : i32
      %dma_wait3A_541 = tpu.memref_slice %arg19[%rem3A_499, %dma_wait3A_539, %dma_wait3A_540] : memref<2x16x128xf32, #tpu.memory_space<vmem>> -> memref<1x16x128xf32, #tpu.memory_space<vmem>>
      %dma_wait3A_542 = tpu.memref_squeeze %dma_wait3A_541 : memref<1x16x128xf32, #tpu.memory_space<vmem>> -> memref<16x128xf32, #tpu.memory_space<vmem>>
      %dma_wait3A_543 = tpu.memref_slice %arg15[%mul3A_538] : memref<1536xi32, #tpu.memory_space<vmem>> -> memref<16xi32, #tpu.memory_space<vmem>>
      %dma_wait3A_544 = arith.constant 0 : i32
      %dma_wait3A_545 = arith.constant 0 : i32
      %dma_wait3A_546 = tpu.memref_slice %arg6[%dma_wait3A_544, %dma_wait3A_545] : memref<100285x128xf32, #tpu.memory_space<hbm>> -> memref<100285x128xf32, #tpu.memory_space<hbm>>
      %dma_wait3A_547 = tpu.memref_slice %arg28[%rem3A_499] : memref<2x!tpu.dma_semaphore, #tpu.memory_space<semaphore_mem>> -> memref<1x!tpu.dma_semaphore, #tpu.memory_space<semaphore_mem>>
      %dma_wait3A_548 = tpu.memref_squeeze %dma_wait3A_547 : memref<1x!tpu.dma_semaphore, #tpu.memory_space<semaphore_mem>> -> memref<!tpu.dma_semaphore, #tpu.memory_space<semaphore_mem>>
      tpu.wait_indirect_dma semaphore(%dma_wait3A_548 : memref<!tpu.dma_semaphore, #tpu.memory_space<semaphore_mem>>) src(%dma_wait3A_546 : memref<100285x128xf32, #tpu.memory_space<hbm>>) dst(%dma_wait3A_542 : memref<16x128xf32, #tpu.memory_space<vmem>>)
      %ge3A = arith.constant 2 : i32
      %ge3A_549 = arith.cmpi sge, %scan3A_496, %ge3A : i32
      %convert_element_type3A_550 = arith.extui %ge3A_549 : i1 to i32
      %cond3A_551 = arith.constant 0 : i32
      %cond3A_552 = arith.cmpi ne, %convert_element_type3A_550, %cond3A_551 : i32
      scf.if %cond3A_552 {
        %sub3A_601 = arith.constant 2 : i32
        %sub3A_602 = arith.subi %scan3A_496, %sub3A_601 : i32
        %rem3A_603 = arith.constant 2 : i32
        %rem3A_604 = arith.remsi %sub3A_602, %rem3A_603 : i32
        %jit3A_605 = arith.constant 8 : i32
        %div3A_606 = arith.divsi %sub3A_602, %jit3A_605 : i32
        %sign3A_607 = arith.constant 0 : i32
        %sign3A_608 = arith.cmpi sgt, %sub3A_602, %sign3A_607 : i32
        %sign3A_609 = arith.extui %sign3A_608 : i1 to i32
        %sign3A_610 = arith.constant 0 : i32
        %sign3A_611 = arith.cmpi slt, %sub3A_602, %sign3A_610 : i32
        %sign3A_612 = arith.extui %sign3A_611 : i1 to i32
        %sign3A_613 = arith.subi %sign3A_609, %sign3A_612 : i32
        %sign3A_614 = arith.constant 0 : i32
        %sign3A_615 = arith.cmpi sgt, %jit3A_605, %sign3A_614 : i32
        %sign3A_616 = arith.extui %sign3A_615 : i1 to i32
        %sign3A_617 = arith.constant 0 : i32
        %sign3A_618 = arith.cmpi slt, %jit3A_605, %sign3A_617 : i32
        %sign3A_619 = arith.extui %sign3A_618 : i1 to i32
        %sign3A_620 = arith.subi %sign3A_616, %sign3A_619 : i32
        %ne3A_621 = arith.cmpi ne, %sign3A_613, %sign3A_620 : i32
        %rem3A_622 = arith.remsi %sub3A_602, %jit3A_605 : i32
        %ne3A_623 = arith.constant 0 : i32
        %ne3A_624 = arith.cmpi ne, %rem3A_622, %ne3A_623 : i32
        %and3A_625 = arith.andi %ne3A_621, %ne3A_624 : i1
        %sub3A_626 = arith.constant 1 : i32
        %sub3A_627 = arith.subi %div3A_606, %sub3A_626 : i32
        %select_n3A_628 = arith.select %and3A_625, %sub3A_627, %div3A_606 : i32
        %rem3A_629 = arith.constant 8 : i32
        %rem3A_630 = arith.remsi %sub3A_602, %rem3A_629 : i32
        %mul3A_631 = arith.constant 16 : i32
        %mul3A_632 = arith.muli %rem3A_630, %mul3A_631 : i32
        %add3A_633 = arith.addi %mul3A_2, %mul3A_632 : i32
        %dma_wait3A_634 = arith.constant 0 : i32
        %dma_wait3A_635 = arith.constant 0 : i32
        %dma_wait3A_636 = tpu.memref_slice %arg20[%rem3A_604, %dma_wait3A_634, %dma_wait3A_635] : memref<2x16x128xf32, #tpu.memory_space<vmem>> -> memref<1x16x128xf32, #tpu.memory_space<vmem>>
        %dma_wait3A_637 = tpu.memref_squeeze %dma_wait3A_636 : memref<1x16x128xf32, #tpu.memory_space<vmem>> -> memref<16x128xf32, #tpu.memory_space<vmem>>
        %dma_wait3A_638 = arith.constant 0 : i32
        %dma_wait3A_639 = tpu.memref_slice %arg11[%select_n3A_628, %add3A_633, %dma_wait3A_638] : memref<12x4096x128xf32, #tpu.memory_space<hbm>> -> memref<1x16x128xf32, #tpu.memory_space<hbm>>
        %dma_wait3A_640 = tpu.memref_squeeze %dma_wait3A_639 : memref<1x16x128xf32, #tpu.memory_space<hbm>> -> memref<16x128xf32, #tpu.memory_space<hbm>>
        %dma_wait3A_641 = tpu.memref_slice %arg29[%rem3A_604] : memref<2x!tpu.dma_semaphore, #tpu.memory_space<semaphore_mem>> -> memref<1x!tpu.dma_semaphore, #tpu.memory_space<semaphore_mem>>
        %dma_wait3A_642 = tpu.memref_squeeze %dma_wait3A_641 : memref<1x!tpu.dma_semaphore, #tpu.memory_space<semaphore_mem>> -> memref<!tpu.dma_semaphore, #tpu.memory_space<semaphore_mem>>
        %dma_wait3A_643 = arith.constant 0 : i32
        %dma_wait3A_644 = tpu.memref_slice %arg11[%select_n3A_628, %add3A_633, %dma_wait3A_643] : memref<12x4096x128xf32, #tpu.memory_space<hbm>> -> memref<1x16x128xf32, #tpu.memory_space<hbm>>
        %dma_wait3A_645 = tpu.memref_squeeze %dma_wait3A_644 : memref<1x16x128xf32, #tpu.memory_space<hbm>> -> memref<16x128xf32, #tpu.memory_space<hbm>>
        %dma_wait3A_646 = arith.constant 0 : i32
        %dma_wait3A_647 = arith.constant 0 : i32
        %dma_wait3A_648 = tpu.memref_slice %arg20[%rem3A_604, %dma_wait3A_646, %dma_wait3A_647] : memref<2x16x128xf32, #tpu.memory_space<vmem>> -> memref<1x16x128xf32, #tpu.memory_space<vmem>>
        %dma_wait3A_649 = tpu.memref_squeeze %dma_wait3A_648 : memref<1x16x128xf32, #tpu.memory_space<vmem>> -> memref<16x128xf32, #tpu.memory_space<vmem>>
        tpu.wait_dma2 semaphore(%dma_wait3A_642 : memref<!tpu.dma_semaphore, #tpu.memory_space<semaphore_mem>>) src(%dma_wait3A_649 : memref<16x128xf32, #tpu.memory_space<vmem>>) dst(%dma_wait3A_645 : memref<16x128xf32, #tpu.memory_space<hbm>>)
      } else {
      }
      %scan3A_553 = arith.constant 0 : i32
      %scan3A_554 = arith.constant 0 : i32
      %scan3A_555 = arith.constant 16 : i32
      %scan3A_556 = arith.addi %scan3A_554, %scan3A_555 : i32
      %scan3A_557 = arith.constant 1 : i32
      %scan3A_558 = scf.for %scan3A_601 = %scan3A_554 to %scan3A_556 step %scan3A_557 iter_args(%scan3A_602 = %scan3A_553) -> (i32)  : i32 {
        %get3A = arith.index_cast %rem3A_499 : i32 to index
        %get3A_603 = arith.index_cast %scan3A_601 : i32 to index
        %get3A_604 = arith.constant 0 : index
        %get3A_605 = tpu.vector_load %arg18[%get3A, %get3A_603, %get3A_604] {strides = array<i32>} : memref<2x320x128xf32, #tpu.memory_space<vmem>>, vector<16xf32>,
        %add3A_606 = arith.constant 16 : i32
        %add3A_607 = arith.addi %add3A_606, %scan3A_601 : i32
        %get3A_608 = arith.index_cast %rem3A_499 : i32 to index
        %get3A_609 = arith.index_cast %add3A_607 : i32 to index
        %get3A_610 = arith.constant 0 : index
        %get3A_611 = tpu.vector_load %arg18[%get3A_608, %get3A_609, %get3A_610] {strides = array<i32>} : memref<2x320x128xf32, #tpu.memory_space<vmem>>, vector<16xf32>,
        %add3A_612 = arith.addf %get3A_605, %get3A_611 : vector<16xf32>
        %add3A_613 = arith.constant 32 : i32
        %add3A_614 = arith.addi %add3A_613, %scan3A_601 : i32
        %get3A_615 = arith.index_cast %rem3A_499 : i32 to index
        %get3A_616 = arith.index_cast %add3A_614 : i32 to index
        %get3A_617 = arith.constant 0 : index
        %get3A_618 = tpu.vector_load %arg18[%get3A_615, %get3A_616, %get3A_617] {strides = array<i32>} : memref<2x320x128xf32, #tpu.memory_space<vmem>>, vector<16xf32>,
        %add3A_619 = arith.addf %add3A_612, %get3A_618 : vector<16xf32>
        %add3A_620 = arith.constant 48 : i32
        %add3A_621 = arith.addi %add3A_620, %scan3A_601 : i32
        %get3A_622 = arith.index_cast %rem3A_499 : i32 to index
        %get3A_623 = arith.index_cast %add3A_621 : i32 to index
        %get3A_624 = arith.constant 0 : index
        %get3A_625 = tpu.vector_load %arg18[%get3A_622, %get3A_623, %get3A_624] {strides = array<i32>} : memref<2x320x128xf32, #tpu.memory_space<vmem>>, vector<16xf32>,
        %add3A_626 = arith.addf %add3A_619, %get3A_625 : vector<16xf32>
        %add3A_627 = arith.constant 64 : i32
        %add3A_628 = arith.addi %add3A_627, %scan3A_601 : i32
        %get3A_629 = arith.index_cast %rem3A_499 : i32 to index
        %get3A_630 = arith.index_cast %add3A_628 : i32 to index
        %get3A_631 = arith.constant 0 : index
        %get3A_632 = tpu.vector_load %arg18[%get3A_629, %get3A_630, %get3A_631] {strides = array<i32>} : memref<2x320x128xf32, #tpu.memory_space<vmem>>, vector<16xf32>,
        %add3A_633 = arith.addf %add3A_626, %get3A_632 : vector<16xf32>
        %add3A_634 = arith.constant 80 : i32
        %add3A_635 = arith.addi %add3A_634, %scan3A_601 : i32
        %get3A_636 = arith.index_cast %rem3A_499 : i32 to index
        %get3A_637 = arith.index_cast %add3A_635 : i32 to index
        %get3A_638 = arith.constant 0 : index
        %get3A_639 = tpu.vector_load %arg18[%get3A_636, %get3A_637, %get3A_638] {strides = array<i32>} : memref<2x320x128xf32, #tpu.memory_space<vmem>>, vector<16xf32>,
        %add3A_640 = arith.addf %add3A_633, %get3A_639 : vector<16xf32>
        %add3A_641 = arith.constant 96 : i32
        %add3A_642 = arith.addi %add3A_641, %scan3A_601 : i32
        %get3A_643 = arith.index_cast %rem3A_499 : i32 to index
        %get3A_644 = arith.index_cast %add3A_642 : i32 to index
        %get3A_645 = arith.constant 0 : index
        %get3A_646 = tpu.vector_load %arg18[%get3A_643, %get3A_644, %get3A_645] {strides = array<i32>} : memref<2x320x128xf32, #tpu.memory_space<vmem>>, vector<16xf32>,
        %add3A_647 = arith.addf %add3A_640, %get3A_646 : vector<16xf32>
        %add3A_648 = arith.constant 112 : i32
        %add3A_649 = arith.addi %add3A_648, %scan3A_601 : i32
        %get3A_650 = arith.index_cast %rem3A_499 : i32 to index
        %get3A_651 = arith.index_cast %add3A_649 : i32 to index
        %get3A_652 = arith.constant 0 : index
        %get3A_653 = tpu.vector_load %arg18[%get3A_650, %get3A_651, %get3A_652] {strides = array<i32>} : memref<2x320x128xf32, #tpu.memory_space<vmem>>, vector<16xf32>,
        %add3A_654 = arith.addf %add3A_647, %get3A_653 : vector<16xf32>
        %add3A_655 = arith.constant 128 : i32
        %add3A_656 = arith.addi %add3A_655, %scan3A_601 : i32
        %get3A_657 = arith.index_cast %rem3A_499 : i32 to index
        %get3A_658 = arith.index_cast %add3A_656 : i32 to index
        %get3A_659 = arith.constant 0 : index
        %get3A_660 = tpu.vector_load %arg18[%get3A_657, %get3A_658, %get3A_659] {strides = array<i32>} : memref<2x320x128xf32, #tpu.memory_space<vmem>>, vector<16xf32>,
        %add3A_661 = arith.addf %add3A_654, %get3A_660 : vector<16xf32>
        %add3A_662 = arith.constant 144 : i32
        %add3A_663 = arith.addi %add3A_662, %scan3A_601 : i32
        %get3A_664 = arith.index_cast %rem3A_499 : i32 to index
        %get3A_665 = arith.index_cast %add3A_663 : i32 to index
        %get3A_666 = arith.constant 0 : index
        %get3A_667 = tpu.vector_load %arg18[%get3A_664, %get3A_665, %get3A_666] {strides = array<i32>} : memref<2x320x128xf32, #tpu.memory_space<vmem>>, vector<16xf32>,
        %add3A_668 = arith.addf %add3A_661, %get3A_667 : vector<16xf32>
        %add3A_669 = arith.constant 160 : i32
        %add3A_670 = arith.addi %add3A_669, %scan3A_601 : i32
        %get3A_671 = arith.index_cast %rem3A_499 : i32 to index
        %get3A_672 = arith.index_cast %add3A_670 : i32 to index
        %get3A_673 = arith.constant 0 : index
        %get3A_674 = tpu.vector_load %arg18[%get3A_671, %get3A_672, %get3A_673] {strides = array<i32>} : memref<2x320x128xf32, #tpu.memory_space<vmem>>, vector<16xf32>,
        %add3A_675 = arith.addf %add3A_668, %get3A_674 : vector<16xf32>
        %add3A_676 = arith.constant 176 : i32
        %add3A_677 = arith.addi %add3A_676, %scan3A_601 : i32
        %get3A_678 = arith.index_cast %rem3A_499 : i32 to index
        %get3A_679 = arith.index_cast %add3A_677 : i32 to index
        %get3A_680 = arith.constant 0 : index
        %get3A_681 = tpu.vector_load %arg18[%get3A_678, %get3A_679, %get3A_680] {strides = array<i32>} : memref<2x320x128xf32, #tpu.memory_space<vmem>>, vector<16xf32>,
        %add3A_682 = arith.addf %add3A_675, %get3A_681 : vector<16xf32>
        %add3A_683 = arith.constant 192 : i32
        %add3A_684 = arith.addi %add3A_683, %scan3A_601 : i32
        %get3A_685 = arith.index_cast %rem3A_499 : i32 to index
        %get3A_686 = arith.index_cast %add3A_684 : i32 to index
        %get3A_687 = arith.constant 0 : index
        %get3A_688 = tpu.vector_load %arg18[%get3A_685, %get3A_686, %get3A_687] {strides = array<i32>} : memref<2x320x128xf32, #tpu.memory_space<vmem>>, vector<16xf32>,
        %add3A_689 = arith.addf %add3A_682, %get3A_688 : vector<16xf32>
        %add3A_690 = arith.constant 208 : i32
        %add3A_691 = arith.addi %add3A_690, %scan3A_601 : i32
        %get3A_692 = arith.index_cast %rem3A_499 : i32 to index
        %get3A_693 = arith.index_cast %add3A_691 : i32 to index
        %get3A_694 = arith.constant 0 : index
        %get3A_695 = tpu.vector_load %arg18[%get3A_692, %get3A_693, %get3A_694] {strides = array<i32>} : memref<2x320x128xf32, #tpu.memory_space<vmem>>, vector<16xf32>,
        %add3A_696 = arith.addf %add3A_689, %get3A_695 : vector<16xf32>
        %add3A_697 = arith.constant 224 : i32
        %add3A_698 = arith.addi %add3A_697, %scan3A_601 : i32
        %get3A_699 = arith.index_cast %rem3A_499 : i32 to index
        %get3A_700 = arith.index_cast %add3A_698 : i32 to index
        %get3A_701 = arith.constant 0 : index
        %get3A_702 = tpu.vector_load %arg18[%get3A_699, %get3A_700, %get3A_701] {strides = array<i32>} : memref<2x320x128xf32, #tpu.memory_space<vmem>>, vector<16xf32>,
        %add3A_703 = arith.addf %add3A_696, %get3A_702 : vector<16xf32>
        %add3A_704 = arith.constant 240 : i32
        %add3A_705 = arith.addi %add3A_704, %scan3A_601 : i32
        %get3A_706 = arith.index_cast %rem3A_499 : i32 to index
        %get3A_707 = arith.index_cast %add3A_705 : i32 to index
        %get3A_708 = arith.constant 0 : index
        %get3A_709 = tpu.vector_load %arg18[%get3A_706, %get3A_707, %get3A_708] {strides = array<i32>} : memref<2x320x128xf32, #tpu.memory_space<vmem>>, vector<16xf32>,
        %add3A_710 = arith.addf %add3A_703, %get3A_709 : vector<16xf32>
        %add3A_711 = arith.constant 256 : i32
        %add3A_712 = arith.addi %add3A_711, %scan3A_601 : i32
        %get3A_713 = arith.index_cast %rem3A_499 : i32 to index
        %get3A_714 = arith.index_cast %add3A_712 : i32 to index
        %get3A_715 = arith.constant 0 : index
        %get3A_716 = tpu.vector_load %arg18[%get3A_713, %get3A_714, %get3A_715] {strides = array<i32>} : memref<2x320x128xf32, #tpu.memory_space<vmem>>, vector<16xf32>,
        %add3A_717 = arith.addf %add3A_710, %get3A_716 : vector<16xf32>
        %add3A_718 = arith.constant 272 : i32
        %add3A_719 = arith.addi %add3A_718, %scan3A_601 : i32
        %get3A_720 = arith.index_cast %rem3A_499 : i32 to index
        %get3A_721 = arith.index_cast %add3A_719 : i32 to index
        %get3A_722 = arith.constant 0 : index
        %get3A_723 = tpu.vector_load %arg18[%get3A_720, %get3A_721, %get3A_722] {strides = array<i32>} : memref<2x320x128xf32, #tpu.memory_space<vmem>>, vector<16xf32>,
        %add3A_724 = arith.addf %add3A_717, %get3A_723 : vector<16xf32>
        %add3A_725 = arith.constant 288 : i32
        %add3A_726 = arith.addi %add3A_725, %scan3A_601 : i32
        %get3A_727 = arith.index_cast %rem3A_499 : i32 to index
        %get3A_728 = arith.index_cast %add3A_726 : i32 to index
        %get3A_729 = arith.constant 0 : index
        %get3A_730 = tpu.vector_load %arg18[%get3A_727, %get3A_728, %get3A_729] {strides = array<i32>} : memref<2x320x128xf32, #tpu.memory_space<vmem>>, vector<16xf32>,
        %add3A_731 = arith.addf %add3A_724, %get3A_730 : vector<16xf32>
        %add3A_732 = arith.constant 304 : i32
        %add3A_733 = arith.addi %add3A_732, %scan3A_601 : i32
        %get3A_734 = arith.index_cast %rem3A_499 : i32 to index
        %get3A_735 = arith.index_cast %add3A_733 : i32 to index
        %get3A_736 = arith.constant 0 : index
        %get3A_737 = tpu.vector_load %arg18[%get3A_734, %get3A_735, %get3A_736] {strides = array<i32>} : memref<2x320x128xf32, #tpu.memory_space<vmem>>, vector<16xf32>,
        %add3A_738 = arith.addf %add3A_731, %get3A_737 : vector<16xf32>
        %get3A_739 = arith.index_cast %rem3A_499 : i32 to index
        %get3A_740 = arith.index_cast %scan3A_601 : i32 to index
        %get3A_741 = arith.constant 0 : index
        %get3A_742 = tpu.vector_load %arg19[%get3A_739, %get3A_740, %get3A_741] {strides = array<i32>} : memref<2x16x128xf32, #tpu.memory_space<vmem>>, vector<16xf32>,
        %mul3A_743 = arith.constant 5.000000e-02 : f32
        %mul3A_744 = vector.broadcast %mul3A_743 : f32 to vector<16xf32>
        %mul3A_745 = arith.mulf %add3A_738, %mul3A_744 : vector<16xf32>
        %add3A_746 = arith.addf %get3A_742, %mul3A_745 : vector<16xf32>
        %swap3A_747 = arith.index_cast %rem3A_499 : i32 to index
        %swap3A_748 = arith.index_cast %scan3A_601 : i32 to index
        %swap3A_749 = arith.constant 0 : index
        %swap3A_750 = tpu.vector_load %arg20[%swap3A_747, %swap3A_748, %swap3A_749] {strides = array<i32>} : memref<2x16x128xf32, #tpu.memory_space<vmem>>, vector<16xf32>,
        tpu.vector_store %arg20[%swap3A_747, %swap3A_748, %swap3A_749], %add3A_746 {strides = array<i32>} : memref<2x16x128xf32, #tpu.memory_space<vmem>>, vector<16xf32>,
        %get3A_751 = arith.index_cast %rem3A_499 : i32 to index
        %get3A_752 = arith.index_cast %scan3A_601 : i32 to index
        %get3A_753 = arith.constant 16 : index
        %get3A_754 = tpu.vector_load %arg18[%get3A_751, %get3A_752, %get3A_753] {strides = array<i32>} : memref<2x320x128xf32, #tpu.memory_space<vmem>>, vector<16xf32>,
        %add3A_755 = arith.constant 16 : i32
        %add3A_756 = arith.addi %add3A_755, %scan3A_601 : i32
        %get3A_757 = arith.index_cast %rem3A_499 : i32 to index
        %get3A_758 = arith.index_cast %add3A_756 : i32 to index
        %get3A_759 = arith.constant 16 : index
        %get3A_760 = tpu.vector_load %arg18[%get3A_757, %get3A_758, %get3A_759] {strides = array<i32>} : memref<2x320x128xf32, #tpu.memory_space<vmem>>, vector<16xf32>,
        %add3A_761 = arith.addf %get3A_754, %get3A_760 : vector<16xf32>
        %add3A_762 = arith.constant 32 : i32
        %add3A_763 = arith.addi %add3A_762, %scan3A_601 : i32
        %get3A_764 = arith.index_cast %rem3A_499 : i32 to index
        %get3A_765 = arith.index_cast %add3A_763 : i32 to index
        %get3A_766 = arith.constant 16 : index
        %get3A_767 = tpu.vector_load %arg18[%get3A_764, %get3A_765, %get3A_766] {strides = array<i32>} : memref<2x320x128xf32, #tpu.memory_space<vmem>>, vector<16xf32>,
        %add3A_768 = arith.addf %add3A_761, %get3A_767 : vector<16xf32>
        %add3A_769 = arith.constant 48 : i32
        %add3A_770 = arith.addi %add3A_769, %scan3A_601 : i32
        %get3A_771 = arith.index_cast %rem3A_499 : i32 to index
        %get3A_772 = arith.index_cast %add3A_770 : i32 to index
        %get3A_773 = arith.constant 16 : index
        %get3A_774 = tpu.vector_load %arg18[%get3A_771, %get3A_772, %get3A_773] {strides = array<i32>} : memref<2x320x128xf32, #tpu.memory_space<vmem>>, vector<16xf32>,
        %add3A_775 = arith.addf %add3A_768, %get3A_774 : vector<16xf32>
        %add3A_776 = arith.constant 64 : i32
        %add3A_777 = arith.addi %add3A_776, %scan3A_601 : i32
        %get3A_778 = arith.index_cast %rem3A_499 : i32 to index
        %get3A_779 = arith.index_cast %add3A_777 : i32 to index
        %get3A_780 = arith.constant 16 : index
        %get3A_781 = tpu.vector_load %arg18[%get3A_778, %get3A_779, %get3A_780] {strides = array<i32>} : memref<2x320x128xf32, #tpu.memory_space<vmem>>, vector<16xf32>,
        %add3A_782 = arith.addf %add3A_775, %get3A_781 : vector<16xf32>
        %add3A_783 = arith.constant 80 : i32
        %add3A_784 = arith.addi %add3A_783, %scan3A_601 : i32
        %get3A_785 = arith.index_cast %rem3A_499 : i32 to index
        %get3A_786 = arith.index_cast %add3A_784 : i32 to index
        %get3A_787 = arith.constant 16 : index
        %get3A_788 = tpu.vector_load %arg18[%get3A_785, %get3A_786, %get3A_787] {strides = array<i32>} : memref<2x320x128xf32, #tpu.memory_space<vmem>>, vector<16xf32>,
        %add3A_789 = arith.addf %add3A_782, %get3A_788 : vector<16xf32>
        %add3A_790 = arith.constant 96 : i32
        %add3A_791 = arith.addi %add3A_790, %scan3A_601 : i32
        %get3A_792 = arith.index_cast %rem3A_499 : i32 to index
        %get3A_793 = arith.index_cast %add3A_791 : i32 to index
        %get3A_794 = arith.constant 16 : index
        %get3A_795 = tpu.vector_load %arg18[%get3A_792, %get3A_793, %get3A_794] {strides = array<i32>} : memref<2x320x128xf32, #tpu.memory_space<vmem>>, vector<16xf32>,
        %add3A_796 = arith.addf %add3A_789, %get3A_795 : vector<16xf32>
        %add3A_797 = arith.constant 112 : i32
        %add3A_798 = arith.addi %add3A_797, %scan3A_601 : i32
        %get3A_799 = arith.index_cast %rem3A_499 : i32 to index
        %get3A_800 = arith.index_cast %add3A_798 : i32 to index
        %get3A_801 = arith.constant 16 : index
        %get3A_802 = tpu.vector_load %arg18[%get3A_799, %get3A_800, %get3A_801] {strides = array<i32>} : memref<2x320x128xf32, #tpu.memory_space<vmem>>, vector<16xf32>,
        %add3A_803 = arith.addf %add3A_796, %get3A_802 : vector<16xf32>
        %add3A_804 = arith.constant 128 : i32
        %add3A_805 = arith.addi %add3A_804, %scan3A_601 : i32
        %get3A_806 = arith.index_cast %rem3A_499 : i32 to index
        %get3A_807 = arith.index_cast %add3A_805 : i32 to index
        %get3A_808 = arith.constant 16 : index
        %get3A_809 = tpu.vector_load %arg18[%get3A_806, %get3A_807, %get3A_808] {strides = array<i32>} : memref<2x320x128xf32, #tpu.memory_space<vmem>>, vector<16xf32>,
        %add3A_810 = arith.addf %add3A_803, %get3A_809 : vector<16xf32>
        %add3A_811 = arith.constant 144 : i32
        %add3A_812 = arith.addi %add3A_811, %scan3A_601 : i32
        %get3A_813 = arith.index_cast %rem3A_499 : i32 to index
        %get3A_814 = arith.index_cast %add3A_812 : i32 to index
        %get3A_815 = arith.constant 16 : index
        %get3A_816 = tpu.vector_load %arg18[%get3A_813, %get3A_814, %get3A_815] {strides = array<i32>} : memref<2x320x128xf32, #tpu.memory_space<vmem>>, vector<16xf32>,
        %add3A_817 = arith.addf %add3A_810, %get3A_816 : vector<16xf32>
        %add3A_818 = arith.constant 160 : i32
        %add3A_819 = arith.addi %add3A_818, %scan3A_601 : i32
        %get3A_820 = arith.index_cast %rem3A_499 : i32 to index
        %get3A_821 = arith.index_cast %add3A_819 : i32 to index
        %get3A_822 = arith.constant 16 : index
        %get3A_823 = tpu.vector_load %arg18[%get3A_820, %get3A_821, %get3A_822] {strides = array<i32>} : memref<2x320x128xf32, #tpu.memory_space<vmem>>, vector<16xf32>,
        %add3A_824 = arith.addf %add3A_817, %get3A_823 : vector<16xf32>
        %add3A_825 = arith.constant 176 : i32
        %add3A_826 = arith.addi %add3A_825, %scan3A_601 : i32
        %get3A_827 = arith.index_cast %rem3A_499 : i32 to index
        %get3A_828 = arith.index_cast %add3A_826 : i32 to index
        %get3A_829 = arith.constant 16 : index
        %get3A_830 = tpu.vector_load %arg18[%get3A_827, %get3A_828, %get3A_829] {strides = array<i32>} : memref<2x320x128xf32, #tpu.memory_space<vmem>>, vector<16xf32>,
        %add3A_831 = arith.addf %add3A_824, %get3A_830 : vector<16xf32>
        %add3A_832 = arith.constant 192 : i32
        %add3A_833 = arith.addi %add3A_832, %scan3A_601 : i32
        %get3A_834 = arith.index_cast %rem3A_499 : i32 to index
        %get3A_835 = arith.index_cast %add3A_833 : i32 to index
        %get3A_836 = arith.constant 16 : index
        %get3A_837 = tpu.vector_load %arg18[%get3A_834, %get3A_835, %get3A_836] {strides = array<i32>} : memref<2x320x128xf32, #tpu.memory_space<vmem>>, vector<16xf32>,
        %add3A_838 = arith.addf %add3A_831, %get3A_837 : vector<16xf32>
        %add3A_839 = arith.constant 208 : i32
        %add3A_840 = arith.addi %add3A_839, %scan3A_601 : i32
        %get3A_841 = arith.index_cast %rem3A_499 : i32 to index
        %get3A_842 = arith.index_cast %add3A_840 : i32 to index
        %get3A_843 = arith.constant 16 : index
        %get3A_844 = tpu.vector_load %arg18[%get3A_841, %get3A_842, %get3A_843] {strides = array<i32>} : memref<2x320x128xf32, #tpu.memory_space<vmem>>, vector<16xf32>,
        %add3A_845 = arith.addf %add3A_838, %get3A_844 : vector<16xf32>
        %add3A_846 = arith.constant 224 : i32
        %add3A_847 = arith.addi %add3A_846, %scan3A_601 : i32
        %get3A_848 = arith.index_cast %rem3A_499 : i32 to index
        %get3A_849 = arith.index_cast %add3A_847 : i32 to index
        %get3A_850 = arith.constant 16 : index
        %get3A_851 = tpu.vector_load %arg18[%get3A_848, %get3A_849, %get3A_850] {strides = array<i32>} : memref<2x320x128xf32, #tpu.memory_space<vmem>>, vector<16xf32>,
        %add3A_852 = arith.addf %add3A_845, %get3A_851 : vector<16xf32>
        %add3A_853 = arith.constant 240 : i32
        %add3A_854 = arith.addi %add3A_853, %scan3A_601 : i32
        %get3A_855 = arith.index_cast %rem3A_499 : i32 to index
        %get3A_856 = arith.index_cast %add3A_854 : i32 to index
        %get3A_857 = arith.constant 16 : index
        %get3A_858 = tpu.vector_load %arg18[%get3A_855, %get3A_856, %get3A_857] {strides = array<i32>} : memref<2x320x128xf32, #tpu.memory_space<vmem>>, vector<16xf32>,
        %add3A_859 = arith.addf %add3A_852, %get3A_858 : vector<16xf32>
        %add3A_860 = arith.constant 256 : i32
        %add3A_861 = arith.addi %add3A_860, %scan3A_601 : i32
        %get3A_862 = arith.index_cast %rem3A_499 : i32 to index
        %get3A_863 = arith.index_cast %add3A_861 : i32 to index
        %get3A_864 = arith.constant 16 : index
        %get3A_865 = tpu.vector_load %arg18[%get3A_862, %get3A_863, %get3A_864] {strides = array<i32>} : memref<2x320x128xf32, #tpu.memory_space<vmem>>, vector<16xf32>,
        %add3A_866 = arith.addf %add3A_859, %get3A_865 : vector<16xf32>
        %add3A_867 = arith.constant 272 : i32
        %add3A_868 = arith.addi %add3A_867, %scan3A_601 : i32
        %get3A_869 = arith.index_cast %rem3A_499 : i32 to index
        %get3A_870 = arith.index_cast %add3A_868 : i32 to index
        %get3A_871 = arith.constant 16 : index
        %get3A_872 = tpu.vector_load %arg18[%get3A_869, %get3A_870, %get3A_871] {strides = array<i32>} : memref<2x320x128xf32, #tpu.memory_space<vmem>>, vector<16xf32>,
        %add3A_873 = arith.addf %add3A_866, %get3A_872 : vector<16xf32>
        %add3A_874 = arith.constant 288 : i32
        %add3A_875 = arith.addi %add3A_874, %scan3A_601 : i32
        %get3A_876 = arith.index_cast %rem3A_499 : i32 to index
        %get3A_877 = arith.index_cast %add3A_875 : i32 to index
        %get3A_878 = arith.constant 16 : index
        %get3A_879 = tpu.vector_load %arg18[%get3A_876, %get3A_877, %get3A_878] {strides = array<i32>} : memref<2x320x128xf32, #tpu.memory_space<vmem>>, vector<16xf32>,
        %add3A_880 = arith.addf %add3A_873, %get3A_879 : vector<16xf32>
        %add3A_881 = arith.constant 304 : i32
        %add3A_882 = arith.addi %add3A_881, %scan3A_601 : i32
        %get3A_883 = arith.index_cast %rem3A_499 : i32 to index
        %get3A_884 = arith.index_cast %add3A_882 : i32 to index
        %get3A_885 = arith.constant 16 : index
        %get3A_886 = tpu.vector_load %arg18[%get3A_883, %get3A_884, %get3A_885] {strides = array<i32>} : memref<2x320x128xf32, #tpu.memory_space<vmem>>, vector<16xf32>,
        %add3A_887 = arith.addf %add3A_880, %get3A_886 : vector<16xf32>
        %get3A_888 = arith.index_cast %rem3A_499 : i32 to index
        %get3A_889 = arith.index_cast %scan3A_601 : i32 to index
        %get3A_890 = arith.constant 16 : index
        %get3A_891 = tpu.vector_load %arg19[%get3A_888, %get3A_889, %get3A_890] {strides = array<i32>} : memref<2x16x128xf32, #tpu.memory_space<vmem>>, vector<16xf32>,
        %mul3A_892 = arith.constant 5.000000e-02 : f32
        %mul3A_893 = vector.broadcast %mul3A_892 : f32 to vector<16xf32>
        %mul3A_894 = arith.mulf %add3A_887, %mul3A_893 : vector<16xf32>
        %add3A_895 = arith.addf %get3A_891, %mul3A_894 : vector<16xf32>
        %swap3A_896 = arith.index_cast %rem3A_499 : i32 to index
        %swap3A_897 = arith.index_cast %scan3A_601 : i32 to index
        %swap3A_898 = arith.constant 16 : index
        %swap3A_899 = tpu.vector_load %arg20[%swap3A_896, %swap3A_897, %swap3A_898] {strides = array<i32>} : memref<2x16x128xf32, #tpu.memory_space<vmem>>, vector<16xf32>,
        tpu.vector_store %arg20[%swap3A_896, %swap3A_897, %swap3A_898], %add3A_895 {strides = array<i32>} : memref<2x16x128xf32, #tpu.memory_space<vmem>>, vector<16xf32>,
        %get3A_900 = arith.index_cast %rem3A_499 : i32 to index
        %get3A_901 = arith.index_cast %scan3A_601 : i32 to index
        %get3A_902 = arith.constant 32 : index
        %get3A_903 = tpu.vector_load %arg18[%get3A_900, %get3A_901, %get3A_902] {strides = array<i32>} : memref<2x320x128xf32, #tpu.memory_space<vmem>>, vector<16xf32>,
        %add3A_904 = arith.constant 16 : i32
        %add3A_905 = arith.addi %add3A_904, %scan3A_601 : i32
        %get3A_906 = arith.index_cast %rem3A_499 : i32 to index
        %get3A_907 = arith.index_cast %add3A_905 : i32 to index
        %get3A_908 = arith.constant 32 : index
        %get3A_909 = tpu.vector_load %arg18[%get3A_906, %get3A_907, %get3A_908] {strides = array<i32>} : memref<2x320x128xf32, #tpu.memory_space<vmem>>, vector<16xf32>,
        %add3A_910 = arith.addf %get3A_903, %get3A_909 : vector<16xf32>
        %add3A_911 = arith.constant 32 : i32
        %add3A_912 = arith.addi %add3A_911, %scan3A_601 : i32
        %get3A_913 = arith.index_cast %rem3A_499 : i32 to index
        %get3A_914 = arith.index_cast %add3A_912 : i32 to index
        %get3A_915 = arith.constant 32 : index
        %get3A_916 = tpu.vector_load %arg18[%get3A_913, %get3A_914, %get3A_915] {strides = array<i32>} : memref<2x320x128xf32, #tpu.memory_space<vmem>>, vector<16xf32>,
        %add3A_917 = arith.addf %add3A_910, %get3A_916 : vector<16xf32>
        %add3A_918 = arith.constant 48 : i32
        %add3A_919 = arith.addi %add3A_918, %scan3A_601 : i32
        %get3A_920 = arith.index_cast %rem3A_499 : i32 to index
        %get3A_921 = arith.index_cast %add3A_919 : i32 to index
        %get3A_922 = arith.constant 32 : index
        %get3A_923 = tpu.vector_load %arg18[%get3A_920, %get3A_921, %get3A_922] {strides = array<i32>} : memref<2x320x128xf32, #tpu.memory_space<vmem>>, vector<16xf32>,
        %add3A_924 = arith.addf %add3A_917, %get3A_923 : vector<16xf32>
        %add3A_925 = arith.constant 64 : i32
        %add3A_926 = arith.addi %add3A_925, %scan3A_601 : i32
        %get3A_927 = arith.index_cast %rem3A_499 : i32 to index
        %get3A_928 = arith.index_cast %add3A_926 : i32 to index
        %get3A_929 = arith.constant 32 : index
        %get3A_930 = tpu.vector_load %arg18[%get3A_927, %get3A_928, %get3A_929] {strides = array<i32>} : memref<2x320x128xf32, #tpu.memory_space<vmem>>, vector<16xf32>,
        %add3A_931 = arith.addf %add3A_924, %get3A_930 : vector<16xf32>
        %add3A_932 = arith.constant 80 : i32
        %add3A_933 = arith.addi %add3A_932, %scan3A_601 : i32
        %get3A_934 = arith.index_cast %rem3A_499 : i32 to index
        %get3A_935 = arith.index_cast %add3A_933 : i32 to index
        %get3A_936 = arith.constant 32 : index
        %get3A_937 = tpu.vector_load %arg18[%get3A_934, %get3A_935, %get3A_936] {strides = array<i32>} : memref<2x320x128xf32, #tpu.memory_space<vmem>>, vector<16xf32>,
        %add3A_938 = arith.addf %add3A_931, %get3A_937 : vector<16xf32>
        %add3A_939 = arith.constant 96 : i32
        %add3A_940 = arith.addi %add3A_939, %scan3A_601 : i32
        %get3A_941 = arith.index_cast %rem3A_499 : i32 to index
        %get3A_942 = arith.index_cast %add3A_940 : i32 to index
        %get3A_943 = arith.constant 32 : index
        %get3A_944 = tpu.vector_load %arg18[%get3A_941, %get3A_942, %get3A_943] {strides = array<i32>} : memref<2x320x128xf32, #tpu.memory_space<vmem>>, vector<16xf32>,
        %add3A_945 = arith.addf %add3A_938, %get3A_944 : vector<16xf32>
        %add3A_946 = arith.constant 112 : i32
        %add3A_947 = arith.addi %add3A_946, %scan3A_601 : i32
        %get3A_948 = arith.index_cast %rem3A_499 : i32 to index
        %get3A_949 = arith.index_cast %add3A_947 : i32 to index
        %get3A_950 = arith.constant 32 : index
        %get3A_951 = tpu.vector_load %arg18[%get3A_948, %get3A_949, %get3A_950] {strides = array<i32>} : memref<2x320x128xf32, #tpu.memory_space<vmem>>, vector<16xf32>,
        %add3A_952 = arith.addf %add3A_945, %get3A_951 : vector<16xf32>
        %add3A_953 = arith.constant 128 : i32
        %add3A_954 = arith.addi %add3A_953, %scan3A_601 : i32
        %get3A_955 = arith.index_cast %rem3A_499 : i32 to index
        %get3A_956 = arith.index_cast %add3A_954 : i32 to index
        %get3A_957 = arith.constant 32 : index
        %get3A_958 = tpu.vector_load %arg18[%get3A_955, %get3A_956, %get3A_957] {strides = array<i32>} : memref<2x320x128xf32, #tpu.memory_space<vmem>>, vector<16xf32>,
        %add3A_959 = arith.addf %add3A_952, %get3A_958 : vector<16xf32>
        %add3A_960 = arith.constant 144 : i32
        %add3A_961 = arith.addi %add3A_960, %scan3A_601 : i32
        %get3A_962 = arith.index_cast %rem3A_499 : i32 to index
        %get3A_963 = arith.index_cast %add3A_961 : i32 to index
        %get3A_964 = arith.constant 32 : index
        %get3A_965 = tpu.vector_load %arg18[%get3A_962, %get3A_963, %get3A_964] {strides = array<i32>} : memref<2x320x128xf32, #tpu.memory_space<vmem>>, vector<16xf32>,
        %add3A_966 = arith.addf %add3A_959, %get3A_965 : vector<16xf32>
        %add3A_967 = arith.constant 160 : i32
        %add3A_968 = arith.addi %add3A_967, %scan3A_601 : i32
        %get3A_969 = arith.index_cast %rem3A_499 : i32 to index
        %get3A_970 = arith.index_cast %add3A_968 : i32 to index
        %get3A_971 = arith.constant 32 : index
        %get3A_972 = tpu.vector_load %arg18[%get3A_969, %get3A_970, %get3A_971] {strides = array<i32>} : memref<2x320x128xf32, #tpu.memory_space<vmem>>, vector<16xf32>,
        %add3A_973 = arith.addf %add3A_966, %get3A_972 : vector<16xf32>
        %add3A_974 = arith.constant 176 : i32
        %add3A_975 = arith.addi %add3A_974, %scan3A_601 : i32
        %get3A_976 = arith.index_cast %rem3A_499 : i32 to index
        %get3A_977 = arith.index_cast %add3A_975 : i32 to index
        %get3A_978 = arith.constant 32 : index
        %get3A_979 = tpu.vector_load %arg18[%get3A_976, %get3A_977, %get3A_978] {strides = array<i32>} : memref<2x320x128xf32, #tpu.memory_space<vmem>>, vector<16xf32>,
        %add3A_980 = arith.addf %add3A_973, %get3A_979 : vector<16xf32>
        %add3A_981 = arith.constant 192 : i32
        %add3A_982 = arith.addi %add3A_981, %scan3A_601 : i32
        %get3A_983 = arith.index_cast %rem3A_499 : i32 to index
        %get3A_984 = arith.index_cast %add3A_982 : i32 to index
        %get3A_985 = arith.constant 32 : index
        %get3A_986 = tpu.vector_load %arg18[%get3A_983, %get3A_984, %get3A_985] {strides = array<i32>} : memref<2x320x128xf32, #tpu.memory_space<vmem>>, vector<16xf32>,
        %add3A_987 = arith.addf %add3A_980, %get3A_986 : vector<16xf32>
        %add3A_988 = arith.constant 208 : i32
        %add3A_989 = arith.addi %add3A_988, %scan3A_601 : i32
        %get3A_990 = arith.index_cast %rem3A_499 : i32 to index
        %get3A_991 = arith.index_cast %add3A_989 : i32 to index
        %get3A_992 = arith.constant 32 : index
        %get3A_993 = tpu.vector_load %arg18[%get3A_990, %get3A_991, %get3A_992] {strides = array<i32>} : memref<2x320x128xf32, #tpu.memory_space<vmem>>, vector<16xf32>,
        %add3A_994 = arith.addf %add3A_987, %get3A_993 : vector<16xf32>
        %add3A_995 = arith.constant 224 : i32
        %add3A_996 = arith.addi %add3A_995, %scan3A_601 : i32
        %get3A_997 = arith.index_cast %rem3A_499 : i32 to index
        %get3A_998 = arith.index_cast %add3A_996 : i32 to index
        %get3A_999 = arith.constant 32 : index
        %get3A_1000 = tpu.vector_load %arg18[%get3A_997, %get3A_998, %get3A_999] {strides = array<i32>} : memref<2x320x128xf32, #tpu.memory_space<vmem>>, vector<16xf32>,
        %add3A_1001 = arith.addf %add3A_994, %get3A_1000 : vector<16xf32>
        %add3A_1002 = arith.constant 240 : i32
        %add3A_1003 = arith.addi %add3A_1002, %scan3A_601 : i32
        %get3A_1004 = arith.index_cast %rem3A_499 : i32 to index
        %get3A_1005 = arith.index_cast %add3A_1003 : i32 to index
        %get3A_1006 = arith.constant 32 : index
        %get3A_1007 = tpu.vector_load %arg18[%get3A_1004, %get3A_1005, %get3A_1006] {strides = array<i32>} : memref<2x320x128xf32, #tpu.memory_space<vmem>>, vector<16xf32>,
        %add3A_1008 = arith.addf %add3A_1001, %get3A_1007 : vector<16xf32>
        %add3A_1009 = arith.constant 256 : i32
        %add3A_1010 = arith.addi %add3A_1009, %scan3A_601 : i32
        %get3A_1011 = arith.index_cast %rem3A_499 : i32 to index
        %get3A_1012 = arith.index_cast %add3A_1010 : i32 to index
        %get3A_1013 = arith.constant 32 : index
        %get3A_1014 = tpu.vector_load %arg18[%get3A_1011, %get3A_1012, %get3A_1013] {strides = array<i32>} : memref<2x320x128xf32, #tpu.memory_space<vmem>>, vector<16xf32>,
        %add3A_1015 = arith.addf %add3A_1008, %get3A_1014 : vector<16xf32>
        %add3A_1016 = arith.constant 272 : i32
        %add3A_1017 = arith.addi %add3A_1016, %scan3A_601 : i32
        %get3A_1018 = arith.index_cast %rem3A_499 : i32 to index
        %get3A_1019 = arith.index_cast %add3A_1017 : i32 to index
        %get3A_1020 = arith.constant 32 : index
        %get3A_1021 = tpu.vector_load %arg18[%get3A_1018, %get3A_1019, %get3A_1020] {strides = array<i32>} : memref<2x320x128xf32, #tpu.memory_space<vmem>>, vector<16xf32>,
        %add3A_1022 = arith.addf %add3A_1015, %get3A_1021 : vector<16xf32>
        %add3A_1023 = arith.constant 288 : i32
        %add3A_1024 = arith.addi %add3A_1023, %scan3A_601 : i32
        %get3A_1025 = arith.index_cast %rem3A_499 : i32 to index
        %get3A_1026 = arith.index_cast %add3A_1024 : i32 to index
        %get3A_1027 = arith.constant 32 : index
        %get3A_1028 = tpu.vector_load %arg18[%get3A_1025, %get3A_1026, %get3A_1027] {strides = array<i32>} : memref<2x320x128xf32, #tpu.memory_space<vmem>>, vector<16xf32>,
        %add3A_1029 = arith.addf %add3A_1022, %get3A_1028 : vector<16xf32>
        %add3A_1030 = arith.constant 304 : i32
        %add3A_1031 = arith.addi %add3A_1030, %scan3A_601 : i32
        %get3A_1032 = arith.index_cast %rem3A_499 : i32 to index
        %get3A_1033 = arith.index_cast %add3A_1031 : i32 to index
        %get3A_1034 = arith.constant 32 : index
        %get3A_1035 = tpu.vector_load %arg18[%get3A_1032, %get3A_1033, %get3A_1034] {strides = array<i32>} : memref<2x320x128xf32, #tpu.memory_space<vmem>>, vector<16xf32>,
        %add3A_1036 = arith.addf %add3A_1029, %get3A_1035 : vector<16xf32>
        %get3A_1037 = arith.index_cast %rem3A_499 : i32 to index
        %get3A_1038 = arith.index_cast %scan3A_601 : i32 to index
        %get3A_1039 = arith.constant 32 : index
        %get3A_1040 = tpu.vector_load %arg19[%get3A_1037, %get3A_1038, %get3A_1039] {strides = array<i32>} : memref<2x16x128xf32, #tpu.memory_space<vmem>>, vector<16xf32>,
        %mul3A_1041 = arith.constant 5.000000e-02 : f32
        %mul3A_1042 = vector.broadcast %mul3A_1041 : f32 to vector<16xf32>
        %mul3A_1043 = arith.mulf %add3A_1036, %mul3A_1042 : vector<16xf32>
        %add3A_1044 = arith.addf %get3A_1040, %mul3A_1043 : vector<16xf32>
        %swap3A_1045 = arith.index_cast %rem3A_499 : i32 to index
        %swap3A_1046 = arith.index_cast %scan3A_601 : i32 to index
        %swap3A_1047 = arith.constant 32 : index
        %swap3A_1048 = tpu.vector_load %arg20[%swap3A_1045, %swap3A_1046, %swap3A_1047] {strides = array<i32>} : memref<2x16x128xf32, #tpu.memory_space<vmem>>, vector<16xf32>,
        tpu.vector_store %arg20[%swap3A_1045, %swap3A_1046, %swap3A_1047], %add3A_1044 {strides = array<i32>} : memref<2x16x128xf32, #tpu.memory_space<vmem>>, vector<16xf32>,
        %get3A_1049 = arith.index_cast %rem3A_499 : i32 to index
        %get3A_1050 = arith.index_cast %scan3A_601 : i32 to index
        %get3A_1051 = arith.constant 48 : index
        %get3A_1052 = tpu.vector_load %arg18[%get3A_1049, %get3A_1050, %get3A_1051] {strides = array<i32>} : memref<2x320x128xf32, #tpu.memory_space<vmem>>, vector<16xf32>,
        %add3A_1053 = arith.constant 16 : i32
        %add3A_1054 = arith.addi %add3A_1053, %scan3A_601 : i32
        %get3A_1055 = arith.index_cast %rem3A_499 : i32 to index
        %get3A_1056 = arith.index_cast %add3A_1054 : i32 to index
        %get3A_1057 = arith.constant 48 : index
        %get3A_1058 = tpu.vector_load %arg18[%get3A_1055, %get3A_1056, %get3A_1057] {strides = array<i32>} : memref<2x320x128xf32, #tpu.memory_space<vmem>>, vector<16xf32>,
        %add3A_1059 = arith.addf %get3A_1052, %get3A_1058 : vector<16xf32>
        %add3A_1060 = arith.constant 32 : i32
        %add3A_1061 = arith.addi %add3A_1060, %scan3A_601 : i32
        %get3A_1062 = arith.index_cast %rem3A_499 : i32 to index
        %get3A_1063 = arith.index_cast %add3A_1061 : i32 to index
        %get3A_1064 = arith.constant 48 : index
        %get3A_1065 = tpu.vector_load %arg18[%get3A_1062, %get3A_1063, %get3A_1064] {strides = array<i32>} : memref<2x320x128xf32, #tpu.memory_space<vmem>>, vector<16xf32>,
        %add3A_1066 = arith.addf %add3A_1059, %get3A_1065 : vector<16xf32>
        %add3A_1067 = arith.constant 48 : i32
        %add3A_1068 = arith.addi %add3A_1067, %scan3A_601 : i32
        %get3A_1069 = arith.index_cast %rem3A_499 : i32 to index
        %get3A_1070 = arith.index_cast %add3A_1068 : i32 to index
        %get3A_1071 = arith.constant 48 : index
        %get3A_1072 = tpu.vector_load %arg18[%get3A_1069, %get3A_1070, %get3A_1071] {strides = array<i32>} : memref<2x320x128xf32, #tpu.memory_space<vmem>>, vector<16xf32>,
        %add3A_1073 = arith.addf %add3A_1066, %get3A_1072 : vector<16xf32>
        %add3A_1074 = arith.constant 64 : i32
        %add3A_1075 = arith.addi %add3A_1074, %scan3A_601 : i32
        %get3A_1076 = arith.index_cast %rem3A_499 : i32 to index
        %get3A_1077 = arith.index_cast %add3A_1075 : i32 to index
        %get3A_1078 = arith.constant 48 : index
        %get3A_1079 = tpu.vector_load %arg18[%get3A_1076, %get3A_1077, %get3A_1078] {strides = array<i32>} : memref<2x320x128xf32, #tpu.memory_space<vmem>>, vector<16xf32>,
        %add3A_1080 = arith.addf %add3A_1073, %get3A_1079 : vector<16xf32>
        %add3A_1081 = arith.constant 80 : i32
        %add3A_1082 = arith.addi %add3A_1081, %scan3A_601 : i32
        %get3A_1083 = arith.index_cast %rem3A_499 : i32 to index
        %get3A_1084 = arith.index_cast %add3A_1082 : i32 to index
        %get3A_1085 = arith.constant 48 : index
        %get3A_1086 = tpu.vector_load %arg18[%get3A_1083, %get3A_1084, %get3A_1085] {strides = array<i32>} : memref<2x320x128xf32, #tpu.memory_space<vmem>>, vector<16xf32>,
        %add3A_1087 = arith.addf %add3A_1080, %get3A_1086 : vector<16xf32>
        %add3A_1088 = arith.constant 96 : i32
        %add3A_1089 = arith.addi %add3A_1088, %scan3A_601 : i32
        %get3A_1090 = arith.index_cast %rem3A_499 : i32 to index
        %get3A_1091 = arith.index_cast %add3A_1089 : i32 to index
        %get3A_1092 = arith.constant 48 : index
        %get3A_1093 = tpu.vector_load %arg18[%get3A_1090, %get3A_1091, %get3A_1092] {strides = array<i32>} : memref<2x320x128xf32, #tpu.memory_space<vmem>>, vector<16xf32>,
        %add3A_1094 = arith.addf %add3A_1087, %get3A_1093 : vector<16xf32>
        %add3A_1095 = arith.constant 112 : i32
        %add3A_1096 = arith.addi %add3A_1095, %scan3A_601 : i32
        %get3A_1097 = arith.index_cast %rem3A_499 : i32 to index
        %get3A_1098 = arith.index_cast %add3A_1096 : i32 to index
        %get3A_1099 = arith.constant 48 : index
        %get3A_1100 = tpu.vector_load %arg18[%get3A_1097, %get3A_1098, %get3A_1099] {strides = array<i32>} : memref<2x320x128xf32, #tpu.memory_space<vmem>>, vector<16xf32>,
        %add3A_1101 = arith.addf %add3A_1094, %get3A_1100 : vector<16xf32>
        %add3A_1102 = arith.constant 128 : i32
        %add3A_1103 = arith.addi %add3A_1102, %scan3A_601 : i32
        %get3A_1104 = arith.index_cast %rem3A_499 : i32 to index
        %get3A_1105 = arith.index_cast %add3A_1103 : i32 to index
        %get3A_1106 = arith.constant 48 : index
        %get3A_1107 = tpu.vector_load %arg18[%get3A_1104, %get3A_1105, %get3A_1106] {strides = array<i32>} : memref<2x320x128xf32, #tpu.memory_space<vmem>>, vector<16xf32>,
        %add3A_1108 = arith.addf %add3A_1101, %get3A_1107 : vector<16xf32>
        %add3A_1109 = arith.constant 144 : i32
        %add3A_1110 = arith.addi %add3A_1109, %scan3A_601 : i32
        %get3A_1111 = arith.index_cast %rem3A_499 : i32 to index
        %get3A_1112 = arith.index_cast %add3A_1110 : i32 to index
        %get3A_1113 = arith.constant 48 : index
        %get3A_1114 = tpu.vector_load %arg18[%get3A_1111, %get3A_1112, %get3A_1113] {strides = array<i32>} : memref<2x320x128xf32, #tpu.memory_space<vmem>>, vector<16xf32>,
        %add3A_1115 = arith.addf %add3A_1108, %get3A_1114 : vector<16xf32>
        %add3A_1116 = arith.constant 160 : i32
        %add3A_1117 = arith.addi %add3A_1116, %scan3A_601 : i32
        %get3A_1118 = arith.index_cast %rem3A_499 : i32 to index
        %get3A_1119 = arith.index_cast %add3A_1117 : i32 to index
        %get3A_1120 = arith.constant 48 : index
        %get3A_1121 = tpu.vector_load %arg18[%get3A_1118, %get3A_1119, %get3A_1120] {strides = array<i32>} : memref<2x320x128xf32, #tpu.memory_space<vmem>>, vector<16xf32>,
        %add3A_1122 = arith.addf %add3A_1115, %get3A_1121 : vector<16xf32>
        %add3A_1123 = arith.constant 176 : i32
        %add3A_1124 = arith.addi %add3A_1123, %scan3A_601 : i32
        %get3A_1125 = arith.index_cast %rem3A_499 : i32 to index
        %get3A_1126 = arith.index_cast %add3A_1124 : i32 to index
        %get3A_1127 = arith.constant 48 : index
        %get3A_1128 = tpu.vector_load %arg18[%get3A_1125, %get3A_1126, %get3A_1127] {strides = array<i32>} : memref<2x320x128xf32, #tpu.memory_space<vmem>>, vector<16xf32>,
        %add3A_1129 = arith.addf %add3A_1122, %get3A_1128 : vector<16xf32>
        %add3A_1130 = arith.constant 192 : i32
        %add3A_1131 = arith.addi %add3A_1130, %scan3A_601 : i32
        %get3A_1132 = arith.index_cast %rem3A_499 : i32 to index
        %get3A_1133 = arith.index_cast %add3A_1131 : i32 to index
        %get3A_1134 = arith.constant 48 : index
        %get3A_1135 = tpu.vector_load %arg18[%get3A_1132, %get3A_1133, %get3A_1134] {strides = array<i32>} : memref<2x320x128xf32, #tpu.memory_space<vmem>>, vector<16xf32>,
        %add3A_1136 = arith.addf %add3A_1129, %get3A_1135 : vector<16xf32>
        %add3A_1137 = arith.constant 208 : i32
        %add3A_1138 = arith.addi %add3A_1137, %scan3A_601 : i32
        %get3A_1139 = arith.index_cast %rem3A_499 : i32 to index
        %get3A_1140 = arith.index_cast %add3A_1138 : i32 to index
        %get3A_1141 = arith.constant 48 : index
        %get3A_1142 = tpu.vector_load %arg18[%get3A_1139, %get3A_1140, %get3A_1141] {strides = array<i32>} : memref<2x320x128xf32, #tpu.memory_space<vmem>>, vector<16xf32>,
        %add3A_1143 = arith.addf %add3A_1136, %get3A_1142 : vector<16xf32>
        %add3A_1144 = arith.constant 224 : i32
        %add3A_1145 = arith.addi %add3A_1144, %scan3A_601 : i32
        %get3A_1146 = arith.index_cast %rem3A_499 : i32 to index
        %get3A_1147 = arith.index_cast %add3A_1145 : i32 to index
        %get3A_1148 = arith.constant 48 : index
        %get3A_1149 = tpu.vector_load %arg18[%get3A_1146, %get3A_1147, %get3A_1148] {strides = array<i32>} : memref<2x320x128xf32, #tpu.memory_space<vmem>>, vector<16xf32>,
        %add3A_1150 = arith.addf %add3A_1143, %get3A_1149 : vector<16xf32>
        %add3A_1151 = arith.constant 240 : i32
        %add3A_1152 = arith.addi %add3A_1151, %scan3A_601 : i32
        %get3A_1153 = arith.index_cast %rem3A_499 : i32 to index
        %get3A_1154 = arith.index_cast %add3A_1152 : i32 to index
        %get3A_1155 = arith.constant 48 : index
        %get3A_1156 = tpu.vector_load %arg18[%get3A_1153, %get3A_1154, %get3A_1155] {strides = array<i32>} : memref<2x320x128xf32, #tpu.memory_space<vmem>>, vector<16xf32>,
        %add3A_1157 = arith.addf %add3A_1150, %get3A_1156 : vector<16xf32>
        %add3A_1158 = arith.constant 256 : i32
        %add3A_1159 = arith.addi %add3A_1158, %scan3A_601 : i32
        %get3A_1160 = arith.index_cast %rem3A_499 : i32 to index
        %get3A_1161 = arith.index_cast %add3A_1159 : i32 to index
        %get3A_1162 = arith.constant 48 : index
        %get3A_1163 = tpu.vector_load %arg18[%get3A_1160, %get3A_1161, %get3A_1162] {strides = array<i32>} : memref<2x320x128xf32, #tpu.memory_space<vmem>>, vector<16xf32>,
        %add3A_1164 = arith.addf %add3A_1157, %get3A_1163 : vector<16xf32>
        %add3A_1165 = arith.constant 272 : i32
        %add3A_1166 = arith.addi %add3A_1165, %scan3A_601 : i32
        %get3A_1167 = arith.index_cast %rem3A_499 : i32 to index
        %get3A_1168 = arith.index_cast %add3A_1166 : i32 to index
        %get3A_1169 = arith.constant 48 : index
        %get3A_1170 = tpu.vector_load %arg18[%get3A_1167, %get3A_1168, %get3A_1169] {strides = array<i32>} : memref<2x320x128xf32, #tpu.memory_space<vmem>>, vector<16xf32>,
        %add3A_1171 = arith.addf %add3A_1164, %get3A_1170 : vector<16xf32>
        %add3A_1172 = arith.constant 288 : i32
        %add3A_1173 = arith.addi %add3A_1172, %scan3A_601 : i32
        %get3A_1174 = arith.index_cast %rem3A_499 : i32 to index
        %get3A_1175 = arith.index_cast %add3A_1173 : i32 to index
        %get3A_1176 = arith.constant 48 : index
        %get3A_1177 = tpu.vector_load %arg18[%get3A_1174, %get3A_1175, %get3A_1176] {strides = array<i32>} : memref<2x320x128xf32, #tpu.memory_space<vmem>>, vector<16xf32>,
        %add3A_1178 = arith.addf %add3A_1171, %get3A_1177 : vector<16xf32>
        %add3A_1179 = arith.constant 304 : i32
        %add3A_1180 = arith.addi %add3A_1179, %scan3A_601 : i32
        %get3A_1181 = arith.index_cast %rem3A_499 : i32 to index
        %get3A_1182 = arith.index_cast %add3A_1180 : i32 to index
        %get3A_1183 = arith.constant 48 : index
        %get3A_1184 = tpu.vector_load %arg18[%get3A_1181, %get3A_1182, %get3A_1183] {strides = array<i32>} : memref<2x320x128xf32, #tpu.memory_space<vmem>>, vector<16xf32>,
        %add3A_1185 = arith.addf %add3A_1178, %get3A_1184 : vector<16xf32>
        %get3A_1186 = arith.index_cast %rem3A_499 : i32 to index
        %get3A_1187 = arith.index_cast %scan3A_601 : i32 to index
        %get3A_1188 = arith.constant 48 : index
        %get3A_1189 = tpu.vector_load %arg19[%get3A_1186, %get3A_1187, %get3A_1188] {strides = array<i32>} : memref<2x16x128xf32, #tpu.memory_space<vmem>>, vector<16xf32>,
        %mul3A_1190 = arith.constant 5.000000e-02 : f32
        %mul3A_1191 = vector.broadcast %mul3A_1190 : f32 to vector<16xf32>
        %mul3A_1192 = arith.mulf %add3A_1185, %mul3A_1191 : vector<16xf32>
        %add3A_1193 = arith.addf %get3A_1189, %mul3A_1192 : vector<16xf32>
        %swap3A_1194 = arith.index_cast %rem3A_499 : i32 to index
        %swap3A_1195 = arith.index_cast %scan3A_601 : i32 to index
        %swap3A_1196 = arith.constant 48 : index
        %swap3A_1197 = tpu.vector_load %arg20[%swap3A_1194, %swap3A_1195, %swap3A_1196] {strides = array<i32>} : memref<2x16x128xf32, #tpu.memory_space<vmem>>, vector<16xf32>,
        tpu.vector_store %arg20[%swap3A_1194, %swap3A_1195, %swap3A_1196], %add3A_1193 {strides = array<i32>} : memref<2x16x128xf32, #tpu.memory_space<vmem>>, vector<16xf32>,
        %get3A_1198 = arith.index_cast %rem3A_499 : i32 to index
        %get3A_1199 = arith.index_cast %scan3A_601 : i32 to index
        %get3A_1200 = arith.constant 64 : index
        %get3A_1201 = tpu.vector_load %arg18[%get3A_1198, %get3A_1199, %get3A_1200] {strides = array<i32>} : memref<2x320x128xf32, #tpu.memory_space<vmem>>, vector<16xf32>,
        %add3A_1202 = arith.constant 16 : i32
        %add3A_1203 = arith.addi %add3A_1202, %scan3A_601 : i32
        %get3A_1204 = arith.index_cast %rem3A_499 : i32 to index
        %get3A_1205 = arith.index_cast %add3A_1203 : i32 to index
        %get3A_1206 = arith.constant 64 : index
        %get3A_1207 = tpu.vector_load %arg18[%get3A_1204, %get3A_1205, %get3A_1206] {strides = array<i32>} : memref<2x320x128xf32, #tpu.memory_space<vmem>>, vector<16xf32>,
        %add3A_1208 = arith.addf %get3A_1201, %get3A_1207 : vector<16xf32>
        %add3A_1209 = arith.constant 32 : i32
        %add3A_1210 = arith.addi %add3A_1209, %scan3A_601 : i32
        %get3A_1211 = arith.index_cast %rem3A_499 : i32 to index
        %get3A_1212 = arith.index_cast %add3A_1210 : i32 to index
        %get3A_1213 = arith.constant 64 : index
        %get3A_1214 = tpu.vector_load %arg18[%get3A_1211, %get3A_1212, %get3A_1213] {strides = array<i32>} : memref<2x320x128xf32, #tpu.memory_space<vmem>>, vector<16xf32>,
        %add3A_1215 = arith.addf %add3A_1208, %get3A_1214 : vector<16xf32>
        %add3A_1216 = arith.constant 48 : i32
        %add3A_1217 = arith.addi %add3A_1216, %scan3A_601 : i32
        %get3A_1218 = arith.index_cast %rem3A_499 : i32 to index
        %get3A_1219 = arith.index_cast %add3A_1217 : i32 to index
        %get3A_1220 = arith.constant 64 : index
        %get3A_1221 = tpu.vector_load %arg18[%get3A_1218, %get3A_1219, %get3A_1220] {strides = array<i32>} : memref<2x320x128xf32, #tpu.memory_space<vmem>>, vector<16xf32>,
        %add3A_1222 = arith.addf %add3A_1215, %get3A_1221 : vector<16xf32>
        %add3A_1223 = arith.constant 64 : i32
        %add3A_1224 = arith.addi %add3A_1223, %scan3A_601 : i32
        %get3A_1225 = arith.index_cast %rem3A_499 : i32 to index
        %get3A_1226 = arith.index_cast %add3A_1224 : i32 to index
        %get3A_1227 = arith.constant 64 : index
        %get3A_1228 = tpu.vector_load %arg18[%get3A_1225, %get3A_1226, %get3A_1227] {strides = array<i32>} : memref<2x320x128xf32, #tpu.memory_space<vmem>>, vector<16xf32>,
        %add3A_1229 = arith.addf %add3A_1222, %get3A_1228 : vector<16xf32>
        %add3A_1230 = arith.constant 80 : i32
        %add3A_1231 = arith.addi %add3A_1230, %scan3A_601 : i32
        %get3A_1232 = arith.index_cast %rem3A_499 : i32 to index
        %get3A_1233 = arith.index_cast %add3A_1231 : i32 to index
        %get3A_1234 = arith.constant 64 : index
        %get3A_1235 = tpu.vector_load %arg18[%get3A_1232, %get3A_1233, %get3A_1234] {strides = array<i32>} : memref<2x320x128xf32, #tpu.memory_space<vmem>>, vector<16xf32>,
        %add3A_1236 = arith.addf %add3A_1229, %get3A_1235 : vector<16xf32>
        %add3A_1237 = arith.constant 96 : i32
        %add3A_1238 = arith.addi %add3A_1237, %scan3A_601 : i32
        %get3A_1239 = arith.index_cast %rem3A_499 : i32 to index
        %get3A_1240 = arith.index_cast %add3A_1238 : i32 to index
        %get3A_1241 = arith.constant 64 : index
        %get3A_1242 = tpu.vector_load %arg18[%get3A_1239, %get3A_1240, %get3A_1241] {strides = array<i32>} : memref<2x320x128xf32, #tpu.memory_space<vmem>>, vector<16xf32>,
        %add3A_1243 = arith.addf %add3A_1236, %get3A_1242 : vector<16xf32>
        %add3A_1244 = arith.constant 112 : i32
        %add3A_1245 = arith.addi %add3A_1244, %scan3A_601 : i32
        %get3A_1246 = arith.index_cast %rem3A_499 : i32 to index
        %get3A_1247 = arith.index_cast %add3A_1245 : i32 to index
        %get3A_1248 = arith.constant 64 : index
        %get3A_1249 = tpu.vector_load %arg18[%get3A_1246, %get3A_1247, %get3A_1248] {strides = array<i32>} : memref<2x320x128xf32, #tpu.memory_space<vmem>>, vector<16xf32>,
        %add3A_1250 = arith.addf %add3A_1243, %get3A_1249 : vector<16xf32>
        %add3A_1251 = arith.constant 128 : i32
        %add3A_1252 = arith.addi %add3A_1251, %scan3A_601 : i32
        %get3A_1253 = arith.index_cast %rem3A_499 : i32 to index
        %get3A_1254 = arith.index_cast %add3A_1252 : i32 to index
        %get3A_1255 = arith.constant 64 : index
        %get3A_1256 = tpu.vector_load %arg18[%get3A_1253, %get3A_1254, %get3A_1255] {strides = array<i32>} : memref<2x320x128xf32, #tpu.memory_space<vmem>>, vector<16xf32>,
        %add3A_1257 = arith.addf %add3A_1250, %get3A_1256 : vector<16xf32>
        %add3A_1258 = arith.constant 144 : i32
        %add3A_1259 = arith.addi %add3A_1258, %scan3A_601 : i32
        %get3A_1260 = arith.index_cast %rem3A_499 : i32 to index
        %get3A_1261 = arith.index_cast %add3A_1259 : i32 to index
        %get3A_1262 = arith.constant 64 : index
        %get3A_1263 = tpu.vector_load %arg18[%get3A_1260, %get3A_1261, %get3A_1262] {strides = array<i32>} : memref<2x320x128xf32, #tpu.memory_space<vmem>>, vector<16xf32>,
        %add3A_1264 = arith.addf %add3A_1257, %get3A_1263 : vector<16xf32>
        %add3A_1265 = arith.constant 160 : i32
        %add3A_1266 = arith.addi %add3A_1265, %scan3A_601 : i32
        %get3A_1267 = arith.index_cast %rem3A_499 : i32 to index
        %get3A_1268 = arith.index_cast %add3A_1266 : i32 to index
        %get3A_1269 = arith.constant 64 : index
        %get3A_1270 = tpu.vector_load %arg18[%get3A_1267, %get3A_1268, %get3A_1269] {strides = array<i32>} : memref<2x320x128xf32, #tpu.memory_space<vmem>>, vector<16xf32>,
        %add3A_1271 = arith.addf %add3A_1264, %get3A_1270 : vector<16xf32>
        %add3A_1272 = arith.constant 176 : i32
        %add3A_1273 = arith.addi %add3A_1272, %scan3A_601 : i32
        %get3A_1274 = arith.index_cast %rem3A_499 : i32 to index
        %get3A_1275 = arith.index_cast %add3A_1273 : i32 to index
        %get3A_1276 = arith.constant 64 : index
        %get3A_1277 = tpu.vector_load %arg18[%get3A_1274, %get3A_1275, %get3A_1276] {strides = array<i32>} : memref<2x320x128xf32, #tpu.memory_space<vmem>>, vector<16xf32>,
        %add3A_1278 = arith.addf %add3A_1271, %get3A_1277 : vector<16xf32>
        %add3A_1279 = arith.constant 192 : i32
        %add3A_1280 = arith.addi %add3A_1279, %scan3A_601 : i32
        %get3A_1281 = arith.index_cast %rem3A_499 : i32 to index
        %get3A_1282 = arith.index_cast %add3A_1280 : i32 to index
        %get3A_1283 = arith.constant 64 : index
        %get3A_1284 = tpu.vector_load %arg18[%get3A_1281, %get3A_1282, %get3A_1283] {strides = array<i32>} : memref<2x320x128xf32, #tpu.memory_space<vmem>>, vector<16xf32>,
        %add3A_1285 = arith.addf %add3A_1278, %get3A_1284 : vector<16xf32>
        %add3A_1286 = arith.constant 208 : i32
        %add3A_1287 = arith.addi %add3A_1286, %scan3A_601 : i32
        %get3A_1288 = arith.index_cast %rem3A_499 : i32 to index
        %get3A_1289 = arith.index_cast %add3A_1287 : i32 to index
        %get3A_1290 = arith.constant 64 : index
        %get3A_1291 = tpu.vector_load %arg18[%get3A_1288, %get3A_1289, %get3A_1290] {strides = array<i32>} : memref<2x320x128xf32, #tpu.memory_space<vmem>>, vector<16xf32>,
        %add3A_1292 = arith.addf %add3A_1285, %get3A_1291 : vector<16xf32>
        %add3A_1293 = arith.constant 224 : i32
        %add3A_1294 = arith.addi %add3A_1293, %scan3A_601 : i32
        %get3A_1295 = arith.index_cast %rem3A_499 : i32 to index
        %get3A_1296 = arith.index_cast %add3A_1294 : i32 to index
        %get3A_1297 = arith.constant 64 : index
        %get3A_1298 = tpu.vector_load %arg18[%get3A_1295, %get3A_1296, %get3A_1297] {strides = array<i32>} : memref<2x320x128xf32, #tpu.memory_space<vmem>>, vector<16xf32>,
        %add3A_1299 = arith.addf %add3A_1292, %get3A_1298 : vector<16xf32>
        %add3A_1300 = arith.constant 240 : i32
        %add3A_1301 = arith.addi %add3A_1300, %scan3A_601 : i32
        %get3A_1302 = arith.index_cast %rem3A_499 : i32 to index
        %get3A_1303 = arith.index_cast %add3A_1301 : i32 to index
        %get3A_1304 = arith.constant 64 : index
        %get3A_1305 = tpu.vector_load %arg18[%get3A_1302, %get3A_1303, %get3A_1304] {strides = array<i32>} : memref<2x320x128xf32, #tpu.memory_space<vmem>>, vector<16xf32>,
        %add3A_1306 = arith.addf %add3A_1299, %get3A_1305 : vector<16xf32>
        %add3A_1307 = arith.constant 256 : i32
        %add3A_1308 = arith.addi %add3A_1307, %scan3A_601 : i32
        %get3A_1309 = arith.index_cast %rem3A_499 : i32 to index
        %get3A_1310 = arith.index_cast %add3A_1308 : i32 to index
        %get3A_1311 = arith.constant 64 : index
        %get3A_1312 = tpu.vector_load %arg18[%get3A_1309, %get3A_1310, %get3A_1311] {strides = array<i32>} : memref<2x320x128xf32, #tpu.memory_space<vmem>>, vector<16xf32>,
        %add3A_1313 = arith.addf %add3A_1306, %get3A_1312 : vector<16xf32>
        %add3A_1314 = arith.constant 272 : i32
        %add3A_1315 = arith.addi %add3A_1314, %scan3A_601 : i32
        %get3A_1316 = arith.index_cast %rem3A_499 : i32 to index
        %get3A_1317 = arith.index_cast %add3A_1315 : i32 to index
        %get3A_1318 = arith.constant 64 : index
        %get3A_1319 = tpu.vector_load %arg18[%get3A_1316, %get3A_1317, %get3A_1318] {strides = array<i32>} : memref<2x320x128xf32, #tpu.memory_space<vmem>>, vector<16xf32>,
        %add3A_1320 = arith.addf %add3A_1313, %get3A_1319 : vector<16xf32>
        %add3A_1321 = arith.constant 288 : i32
        %add3A_1322 = arith.addi %add3A_1321, %scan3A_601 : i32
        %get3A_1323 = arith.index_cast %rem3A_499 : i32 to index
        %get3A_1324 = arith.index_cast %add3A_1322 : i32 to index
        %get3A_1325 = arith.constant 64 : index
        %get3A_1326 = tpu.vector_load %arg18[%get3A_1323, %get3A_1324, %get3A_1325] {strides = array<i32>} : memref<2x320x128xf32, #tpu.memory_space<vmem>>, vector<16xf32>,
        %add3A_1327 = arith.addf %add3A_1320, %get3A_1326 : vector<16xf32>
        %add3A_1328 = arith.constant 304 : i32
        %add3A_1329 = arith.addi %add3A_1328, %scan3A_601 : i32
        %get3A_1330 = arith.index_cast %rem3A_499 : i32 to index
        %get3A_1331 = arith.index_cast %add3A_1329 : i32 to index
        %get3A_1332 = arith.constant 64 : index
        %get3A_1333 = tpu.vector_load %arg18[%get3A_1330, %get3A_1331, %get3A_1332] {strides = array<i32>} : memref<2x320x128xf32, #tpu.memory_space<vmem>>, vector<16xf32>,
        %add3A_1334 = arith.addf %add3A_1327, %get3A_1333 : vector<16xf32>
        %get3A_1335 = arith.index_cast %rem3A_499 : i32 to index
        %get3A_1336 = arith.index_cast %scan3A_601 : i32 to index
        %get3A_1337 = arith.constant 64 : index
        %get3A_1338 = tpu.vector_load %arg19[%get3A_1335, %get3A_1336, %get3A_1337] {strides = array<i32>} : memref<2x16x128xf32, #tpu.memory_space<vmem>>, vector<16xf32>,
        %mul3A_1339 = arith.constant 5.000000e-02 : f32
        %mul3A_1340 = vector.broadcast %mul3A_1339 : f32 to vector<16xf32>
        %mul3A_1341 = arith.mulf %add3A_1334, %mul3A_1340 : vector<16xf32>
        %add3A_1342 = arith.addf %get3A_1338, %mul3A_1341 : vector<16xf32>
        %swap3A_1343 = arith.index_cast %rem3A_499 : i32 to index
        %swap3A_1344 = arith.index_cast %scan3A_601 : i32 to index
        %swap3A_1345 = arith.constant 64 : index
        %swap3A_1346 = tpu.vector_load %arg20[%swap3A_1343, %swap3A_1344, %swap3A_1345] {strides = array<i32>} : memref<2x16x128xf32, #tpu.memory_space<vmem>>, vector<16xf32>,
        tpu.vector_store %arg20[%swap3A_1343, %swap3A_1344, %swap3A_1345], %add3A_1342 {strides = array<i32>} : memref<2x16x128xf32, #tpu.memory_space<vmem>>, vector<16xf32>,
        %get3A_1347 = arith.index_cast %rem3A_499 : i32 to index
        %get3A_1348 = arith.index_cast %scan3A_601 : i32 to index
        %get3A_1349 = arith.constant 80 : index
        %get3A_1350 = tpu.vector_load %arg18[%get3A_1347, %get3A_1348, %get3A_1349] {strides = array<i32>} : memref<2x320x128xf32, #tpu.memory_space<vmem>>, vector<16xf32>,
        %add3A_1351 = arith.constant 16 : i32
        %add3A_1352 = arith.addi %add3A_1351, %scan3A_601 : i32
        %get3A_1353 = arith.index_cast %rem3A_499 : i32 to index
        %get3A_1354 = arith.index_cast %add3A_1352 : i32 to index
        %get3A_1355 = arith.constant 80 : index
        %get3A_1356 = tpu.vector_load %arg18[%get3A_1353, %get3A_1354, %get3A_1355] {strides = array<i32>} : memref<2x320x128xf32, #tpu.memory_space<vmem>>, vector<16xf32>,
        %add3A_1357 = arith.addf %get3A_1350, %get3A_1356 : vector<16xf32>
        %add3A_1358 = arith.constant 32 : i32
        %add3A_1359 = arith.addi %add3A_1358, %scan3A_601 : i32
        %get3A_1360 = arith.index_cast %rem3A_499 : i32 to index
        %get3A_1361 = arith.index_cast %add3A_1359 : i32 to index
        %get3A_1362 = arith.constant 80 : index
        %get3A_1363 = tpu.vector_load %arg18[%get3A_1360, %get3A_1361, %get3A_1362] {strides = array<i32>} : memref<2x320x128xf32, #tpu.memory_space<vmem>>, vector<16xf32>,
        %add3A_1364 = arith.addf %add3A_1357, %get3A_1363 : vector<16xf32>
        %add3A_1365 = arith.constant 48 : i32
        %add3A_1366 = arith.addi %add3A_1365, %scan3A_601 : i32
        %get3A_1367 = arith.index_cast %rem3A_499 : i32 to index
        %get3A_1368 = arith.index_cast %add3A_1366 : i32 to index
        %get3A_1369 = arith.constant 80 : index
        %get3A_1370 = tpu.vector_load %arg18[%get3A_1367, %get3A_1368, %get3A_1369] {strides = array<i32>} : memref<2x320x128xf32, #tpu.memory_space<vmem>>, vector<16xf32>,
        %add3A_1371 = arith.addf %add3A_1364, %get3A_1370 : vector<16xf32>
        %add3A_1372 = arith.constant 64 : i32
        %add3A_1373 = arith.addi %add3A_1372, %scan3A_601 : i32
        %get3A_1374 = arith.index_cast %rem3A_499 : i32 to index
        %get3A_1375 = arith.index_cast %add3A_1373 : i32 to index
        %get3A_1376 = arith.constant 80 : index
        %get3A_1377 = tpu.vector_load %arg18[%get3A_1374, %get3A_1375, %get3A_1376] {strides = array<i32>} : memref<2x320x128xf32, #tpu.memory_space<vmem>>, vector<16xf32>,
        %add3A_1378 = arith.addf %add3A_1371, %get3A_1377 : vector<16xf32>
        %add3A_1379 = arith.constant 80 : i32
        %add3A_1380 = arith.addi %add3A_1379, %scan3A_601 : i32
        %get3A_1381 = arith.index_cast %rem3A_499 : i32 to index
        %get3A_1382 = arith.index_cast %add3A_1380 : i32 to index
        %get3A_1383 = arith.constant 80 : index
        %get3A_1384 = tpu.vector_load %arg18[%get3A_1381, %get3A_1382, %get3A_1383] {strides = array<i32>} : memref<2x320x128xf32, #tpu.memory_space<vmem>>, vector<16xf32>,
        %add3A_1385 = arith.addf %add3A_1378, %get3A_1384 : vector<16xf32>
        %add3A_1386 = arith.constant 96 : i32
        %add3A_1387 = arith.addi %add3A_1386, %scan3A_601 : i32
        %get3A_1388 = arith.index_cast %rem3A_499 : i32 to index
        %get3A_1389 = arith.index_cast %add3A_1387 : i32 to index
        %get3A_1390 = arith.constant 80 : index
        %get3A_1391 = tpu.vector_load %arg18[%get3A_1388, %get3A_1389, %get3A_1390] {strides = array<i32>} : memref<2x320x128xf32, #tpu.memory_space<vmem>>, vector<16xf32>,
        %add3A_1392 = arith.addf %add3A_1385, %get3A_1391 : vector<16xf32>
        %add3A_1393 = arith.constant 112 : i32
        %add3A_1394 = arith.addi %add3A_1393, %scan3A_601 : i32
        %get3A_1395 = arith.index_cast %rem3A_499 : i32 to index
        %get3A_1396 = arith.index_cast %add3A_1394 : i32 to index
        %get3A_1397 = arith.constant 80 : index
        %get3A_1398 = tpu.vector_load %arg18[%get3A_1395, %get3A_1396, %get3A_1397] {strides = array<i32>} : memref<2x320x128xf32, #tpu.memory_space<vmem>>, vector<16xf32>,
        %add3A_1399 = arith.addf %add3A_1392, %get3A_1398 : vector<16xf32>
        %add3A_1400 = arith.constant 128 : i32
        %add3A_1401 = arith.addi %add3A_1400, %scan3A_601 : i32
        %get3A_1402 = arith.index_cast %rem3A_499 : i32 to index
        %get3A_1403 = arith.index_cast %add3A_1401 : i32 to index
        %get3A_1404 = arith.constant 80 : index
        %get3A_1405 = tpu.vector_load %arg18[%get3A_1402, %get3A_1403, %get3A_1404] {strides = array<i32>} : memref<2x320x128xf32, #tpu.memory_space<vmem>>, vector<16xf32>,
        %add3A_1406 = arith.addf %add3A_1399, %get3A_1405 : vector<16xf32>
        %add3A_1407 = arith.constant 144 : i32
        %add3A_1408 = arith.addi %add3A_1407, %scan3A_601 : i32
        %get3A_1409 = arith.index_cast %rem3A_499 : i32 to index
        %get3A_1410 = arith.index_cast %add3A_1408 : i32 to index
        %get3A_1411 = arith.constant 80 : index
        %get3A_1412 = tpu.vector_load %arg18[%get3A_1409, %get3A_1410, %get3A_1411] {strides = array<i32>} : memref<2x320x128xf32, #tpu.memory_space<vmem>>, vector<16xf32>,
        %add3A_1413 = arith.addf %add3A_1406, %get3A_1412 : vector<16xf32>
        %add3A_1414 = arith.constant 160 : i32
        %add3A_1415 = arith.addi %add3A_1414, %scan3A_601 : i32
        %get3A_1416 = arith.index_cast %rem3A_499 : i32 to index
        %get3A_1417 = arith.index_cast %add3A_1415 : i32 to index
        %get3A_1418 = arith.constant 80 : index
        %get3A_1419 = tpu.vector_load %arg18[%get3A_1416, %get3A_1417, %get3A_1418] {strides = array<i32>} : memref<2x320x128xf32, #tpu.memory_space<vmem>>, vector<16xf32>,
        %add3A_1420 = arith.addf %add3A_1413, %get3A_1419 : vector<16xf32>
        %add3A_1421 = arith.constant 176 : i32
        %add3A_1422 = arith.addi %add3A_1421, %scan3A_601 : i32
        %get3A_1423 = arith.index_cast %rem3A_499 : i32 to index
        %get3A_1424 = arith.index_cast %add3A_1422 : i32 to index
        %get3A_1425 = arith.constant 80 : index
        %get3A_1426 = tpu.vector_load %arg18[%get3A_1423, %get3A_1424, %get3A_1425] {strides = array<i32>} : memref<2x320x128xf32, #tpu.memory_space<vmem>>, vector<16xf32>,
        %add3A_1427 = arith.addf %add3A_1420, %get3A_1426 : vector<16xf32>
        %add3A_1428 = arith.constant 192 : i32
        %add3A_1429 = arith.addi %add3A_1428, %scan3A_601 : i32
        %get3A_1430 = arith.index_cast %rem3A_499 : i32 to index
        %get3A_1431 = arith.index_cast %add3A_1429 : i32 to index
        %get3A_1432 = arith.constant 80 : index
        %get3A_1433 = tpu.vector_load %arg18[%get3A_1430, %get3A_1431, %get3A_1432] {strides = array<i32>} : memref<2x320x128xf32, #tpu.memory_space<vmem>>, vector<16xf32>,
        %add3A_1434 = arith.addf %add3A_1427, %get3A_1433 : vector<16xf32>
        %add3A_1435 = arith.constant 208 : i32
        %add3A_1436 = arith.addi %add3A_1435, %scan3A_601 : i32
        %get3A_1437 = arith.index_cast %rem3A_499 : i32 to index
        %get3A_1438 = arith.index_cast %add3A_1436 : i32 to index
        %get3A_1439 = arith.constant 80 : index
        %get3A_1440 = tpu.vector_load %arg18[%get3A_1437, %get3A_1438, %get3A_1439] {strides = array<i32>} : memref<2x320x128xf32, #tpu.memory_space<vmem>>, vector<16xf32>,
        %add3A_1441 = arith.addf %add3A_1434, %get3A_1440 : vector<16xf32>
        %add3A_1442 = arith.constant 224 : i32
        %add3A_1443 = arith.addi %add3A_1442, %scan3A_601 : i32
        %get3A_1444 = arith.index_cast %rem3A_499 : i32 to index
        %get3A_1445 = arith.index_cast %add3A_1443 : i32 to index
        %get3A_1446 = arith.constant 80 : index
        %get3A_1447 = tpu.vector_load %arg18[%get3A_1444, %get3A_1445, %get3A_1446] {strides = array<i32>} : memref<2x320x128xf32, #tpu.memory_space<vmem>>, vector<16xf32>,
        %add3A_1448 = arith.addf %add3A_1441, %get3A_1447 : vector<16xf32>
        %add3A_1449 = arith.constant 240 : i32
        %add3A_1450 = arith.addi %add3A_1449, %scan3A_601 : i32
        %get3A_1451 = arith.index_cast %rem3A_499 : i32 to index
        %get3A_1452 = arith.index_cast %add3A_1450 : i32 to index
        %get3A_1453 = arith.constant 80 : index
        %get3A_1454 = tpu.vector_load %arg18[%get3A_1451, %get3A_1452, %get3A_1453] {strides = array<i32>} : memref<2x320x128xf32, #tpu.memory_space<vmem>>, vector<16xf32>,
        %add3A_1455 = arith.addf %add3A_1448, %get3A_1454 : vector<16xf32>
        %add3A_1456 = arith.constant 256 : i32
        %add3A_1457 = arith.addi %add3A_1456, %scan3A_601 : i32
        %get3A_1458 = arith.index_cast %rem3A_499 : i32 to index
        %get3A_1459 = arith.index_cast %add3A_1457 : i32 to index
        %get3A_1460 = arith.constant 80 : index
        %get3A_1461 = tpu.vector_load %arg18[%get3A_1458, %get3A_1459, %get3A_1460] {strides = array<i32>} : memref<2x320x128xf32, #tpu.memory_space<vmem>>, vector<16xf32>,
        %add3A_1462 = arith.addf %add3A_1455, %get3A_1461 : vector<16xf32>
        %add3A_1463 = arith.constant 272 : i32
        %add3A_1464 = arith.addi %add3A_1463, %scan3A_601 : i32
        %get3A_1465 = arith.index_cast %rem3A_499 : i32 to index
        %get3A_1466 = arith.index_cast %add3A_1464 : i32 to index
        %get3A_1467 = arith.constant 80 : index
        %get3A_1468 = tpu.vector_load %arg18[%get3A_1465, %get3A_1466, %get3A_1467] {strides = array<i32>} : memref<2x320x128xf32, #tpu.memory_space<vmem>>, vector<16xf32>,
        %add3A_1469 = arith.addf %add3A_1462, %get3A_1468 : vector<16xf32>
        %add3A_1470 = arith.constant 288 : i32
        %add3A_1471 = arith.addi %add3A_1470, %scan3A_601 : i32
        %get3A_1472 = arith.index_cast %rem3A_499 : i32 to index
        %get3A_1473 = arith.index_cast %add3A_1471 : i32 to index
        %get3A_1474 = arith.constant 80 : index
        %get3A_1475 = tpu.vector_load %arg18[%get3A_1472, %get3A_1473, %get3A_1474] {strides = array<i32>} : memref<2x320x128xf32, #tpu.memory_space<vmem>>, vector<16xf32>,
        %add3A_1476 = arith.addf %add3A_1469, %get3A_1475 : vector<16xf32>
        %add3A_1477 = arith.constant 304 : i32
        %add3A_1478 = arith.addi %add3A_1477, %scan3A_601 : i32
        %get3A_1479 = arith.index_cast %rem3A_499 : i32 to index
        %get3A_1480 = arith.index_cast %add3A_1478 : i32 to index
        %get3A_1481 = arith.constant 80 : index
        %get3A_1482 = tpu.vector_load %arg18[%get3A_1479, %get3A_1480, %get3A_1481] {strides = array<i32>} : memref<2x320x128xf32, #tpu.memory_space<vmem>>, vector<16xf32>,
        %add3A_1483 = arith.addf %add3A_1476, %get3A_1482 : vector<16xf32>
        %get3A_1484 = arith.index_cast %rem3A_499 : i32 to index
        %get3A_1485 = arith.index_cast %scan3A_601 : i32 to index
        %get3A_1486 = arith.constant 80 : index
        %get3A_1487 = tpu.vector_load %arg19[%get3A_1484, %get3A_1485, %get3A_1486] {strides = array<i32>} : memref<2x16x128xf32, #tpu.memory_space<vmem>>, vector<16xf32>,
        %mul3A_1488 = arith.constant 5.000000e-02 : f32
        %mul3A_1489 = vector.broadcast %mul3A_1488 : f32 to vector<16xf32>
        %mul3A_1490 = arith.mulf %add3A_1483, %mul3A_1489 : vector<16xf32>
        %add3A_1491 = arith.addf %get3A_1487, %mul3A_1490 : vector<16xf32>
        %swap3A_1492 = arith.index_cast %rem3A_499 : i32 to index
        %swap3A_1493 = arith.index_cast %scan3A_601 : i32 to index
        %swap3A_1494 = arith.constant 80 : index
        %swap3A_1495 = tpu.vector_load %arg20[%swap3A_1492, %swap3A_1493, %swap3A_1494] {strides = array<i32>} : memref<2x16x128xf32, #tpu.memory_space<vmem>>, vector<16xf32>,
        tpu.vector_store %arg20[%swap3A_1492, %swap3A_1493, %swap3A_1494], %add3A_1491 {strides = array<i32>} : memref<2x16x128xf32, #tpu.memory_space<vmem>>, vector<16xf32>,
        %get3A_1496 = arith.index_cast %rem3A_499 : i32 to index
        %get3A_1497 = arith.index_cast %scan3A_601 : i32 to index
        %get3A_1498 = arith.constant 96 : index
        %get3A_1499 = tpu.vector_load %arg18[%get3A_1496, %get3A_1497, %get3A_1498] {strides = array<i32>} : memref<2x320x128xf32, #tpu.memory_space<vmem>>, vector<16xf32>,
        %add3A_1500 = arith.constant 16 : i32
        %add3A_1501 = arith.addi %add3A_1500, %scan3A_601 : i32
        %get3A_1502 = arith.index_cast %rem3A_499 : i32 to index
        %get3A_1503 = arith.index_cast %add3A_1501 : i32 to index
        %get3A_1504 = arith.constant 96 : index
        %get3A_1505 = tpu.vector_load %arg18[%get3A_1502, %get3A_1503, %get3A_1504] {strides = array<i32>} : memref<2x320x128xf32, #tpu.memory_space<vmem>>, vector<16xf32>,
        %add3A_1506 = arith.addf %get3A_1499, %get3A_1505 : vector<16xf32>
        %add3A_1507 = arith.constant 32 : i32
        %add3A_1508 = arith.addi %add3A_1507, %scan3A_601 : i32
        %get3A_1509 = arith.index_cast %rem3A_499 : i32 to index
        %get3A_1510 = arith.index_cast %add3A_1508 : i32 to index
        %get3A_1511 = arith.constant 96 : index
        %get3A_1512 = tpu.vector_load %arg18[%get3A_1509, %get3A_1510, %get3A_1511] {strides = array<i32>} : memref<2x320x128xf32, #tpu.memory_space<vmem>>, vector<16xf32>,
        %add3A_1513 = arith.addf %add3A_1506, %get3A_1512 : vector<16xf32>
        %add3A_1514 = arith.constant 48 : i32
        %add3A_1515 = arith.addi %add3A_1514, %scan3A_601 : i32
        %get3A_1516 = arith.index_cast %rem3A_499 : i32 to index
        %get3A_1517 = arith.index_cast %add3A_1515 : i32 to index
        %get3A_1518 = arith.constant 96 : index
        %get3A_1519 = tpu.vector_load %arg18[%get3A_1516, %get3A_1517, %get3A_1518] {strides = array<i32>} : memref<2x320x128xf32, #tpu.memory_space<vmem>>, vector<16xf32>,
        %add3A_1520 = arith.addf %add3A_1513, %get3A_1519 : vector<16xf32>
        %add3A_1521 = arith.constant 64 : i32
        %add3A_1522 = arith.addi %add3A_1521, %scan3A_601 : i32
        %get3A_1523 = arith.index_cast %rem3A_499 : i32 to index
        %get3A_1524 = arith.index_cast %add3A_1522 : i32 to index
        %get3A_1525 = arith.constant 96 : index
        %get3A_1526 = tpu.vector_load %arg18[%get3A_1523, %get3A_1524, %get3A_1525] {strides = array<i32>} : memref<2x320x128xf32, #tpu.memory_space<vmem>>, vector<16xf32>,
        %add3A_1527 = arith.addf %add3A_1520, %get3A_1526 : vector<16xf32>
        %add3A_1528 = arith.constant 80 : i32
        %add3A_1529 = arith.addi %add3A_1528, %scan3A_601 : i32
        %get3A_1530 = arith.index_cast %rem3A_499 : i32 to index
        %get3A_1531 = arith.index_cast %add3A_1529 : i32 to index
        %get3A_1532 = arith.constant 96 : index
        %get3A_1533 = tpu.vector_load %arg18[%get3A_1530, %get3A_1531, %get3A_1532] {strides = array<i32>} : memref<2x320x128xf32, #tpu.memory_space<vmem>>, vector<16xf32>,
        %add3A_1534 = arith.addf %add3A_1527, %get3A_1533 : vector<16xf32>
        %add3A_1535 = arith.constant 96 : i32
        %add3A_1536 = arith.addi %add3A_1535, %scan3A_601 : i32
        %get3A_1537 = arith.index_cast %rem3A_499 : i32 to index
        %get3A_1538 = arith.index_cast %add3A_1536 : i32 to index
        %get3A_1539 = arith.constant 96 : index
        %get3A_1540 = tpu.vector_load %arg18[%get3A_1537, %get3A_1538, %get3A_1539] {strides = array<i32>} : memref<2x320x128xf32, #tpu.memory_space<vmem>>, vector<16xf32>,
        %add3A_1541 = arith.addf %add3A_1534, %get3A_1540 : vector<16xf32>
        %add3A_1542 = arith.constant 112 : i32
        %add3A_1543 = arith.addi %add3A_1542, %scan3A_601 : i32
        %get3A_1544 = arith.index_cast %rem3A_499 : i32 to index
        %get3A_1545 = arith.index_cast %add3A_1543 : i32 to index
        %get3A_1546 = arith.constant 96 : index
        %get3A_1547 = tpu.vector_load %arg18[%get3A_1544, %get3A_1545, %get3A_1546] {strides = array<i32>} : memref<2x320x128xf32, #tpu.memory_space<vmem>>, vector<16xf32>,
        %add3A_1548 = arith.addf %add3A_1541, %get3A_1547 : vector<16xf32>
        %add3A_1549 = arith.constant 128 : i32
        %add3A_1550 = arith.addi %add3A_1549, %scan3A_601 : i32
        %get3A_1551 = arith.index_cast %rem3A_499 : i32 to index
        %get3A_1552 = arith.index_cast %add3A_1550 : i32 to index
        %get3A_1553 = arith.constant 96 : index
        %get3A_1554 = tpu.vector_load %arg18[%get3A_1551, %get3A_1552, %get3A_1553] {strides = array<i32>} : memref<2x320x128xf32, #tpu.memory_space<vmem>>, vector<16xf32>,
        %add3A_1555 = arith.addf %add3A_1548, %get3A_1554 : vector<16xf32>
        %add3A_1556 = arith.constant 144 : i32
        %add3A_1557 = arith.addi %add3A_1556, %scan3A_601 : i32
        %get3A_1558 = arith.index_cast %rem3A_499 : i32 to index
        %get3A_1559 = arith.index_cast %add3A_1557 : i32 to index
        %get3A_1560 = arith.constant 96 : index
        %get3A_1561 = tpu.vector_load %arg18[%get3A_1558, %get3A_1559, %get3A_1560] {strides = array<i32>} : memref<2x320x128xf32, #tpu.memory_space<vmem>>, vector<16xf32>,
        %add3A_1562 = arith.addf %add3A_1555, %get3A_1561 : vector<16xf32>
        %add3A_1563 = arith.constant 160 : i32
        %add3A_1564 = arith.addi %add3A_1563, %scan3A_601 : i32
        %get3A_1565 = arith.index_cast %rem3A_499 : i32 to index
        %get3A_1566 = arith.index_cast %add3A_1564 : i32 to index
        %get3A_1567 = arith.constant 96 : index
        %get3A_1568 = tpu.vector_load %arg18[%get3A_1565, %get3A_1566, %get3A_1567] {strides = array<i32>} : memref<2x320x128xf32, #tpu.memory_space<vmem>>, vector<16xf32>,
        %add3A_1569 = arith.addf %add3A_1562, %get3A_1568 : vector<16xf32>
        %add3A_1570 = arith.constant 176 : i32
        %add3A_1571 = arith.addi %add3A_1570, %scan3A_601 : i32
        %get3A_1572 = arith.index_cast %rem3A_499 : i32 to index
        %get3A_1573 = arith.index_cast %add3A_1571 : i32 to index
        %get3A_1574 = arith.constant 96 : index
        %get3A_1575 = tpu.vector_load %arg18[%get3A_1572, %get3A_1573, %get3A_1574] {strides = array<i32>} : memref<2x320x128xf32, #tpu.memory_space<vmem>>, vector<16xf32>,
        %add3A_1576 = arith.addf %add3A_1569, %get3A_1575 : vector<16xf32>
        %add3A_1577 = arith.constant 192 : i32
        %add3A_1578 = arith.addi %add3A_1577, %scan3A_601 : i32
        %get3A_1579 = arith.index_cast %rem3A_499 : i32 to index
        %get3A_1580 = arith.index_cast %add3A_1578 : i32 to index
        %get3A_1581 = arith.constant 96 : index
        %get3A_1582 = tpu.vector_load %arg18[%get3A_1579, %get3A_1580, %get3A_1581] {strides = array<i32>} : memref<2x320x128xf32, #tpu.memory_space<vmem>>, vector<16xf32>,
        %add3A_1583 = arith.addf %add3A_1576, %get3A_1582 : vector<16xf32>
        %add3A_1584 = arith.constant 208 : i32
        %add3A_1585 = arith.addi %add3A_1584, %scan3A_601 : i32
        %get3A_1586 = arith.index_cast %rem3A_499 : i32 to index
        %get3A_1587 = arith.index_cast %add3A_1585 : i32 to index
        %get3A_1588 = arith.constant 96 : index
        %get3A_1589 = tpu.vector_load %arg18[%get3A_1586, %get3A_1587, %get3A_1588] {strides = array<i32>} : memref<2x320x128xf32, #tpu.memory_space<vmem>>, vector<16xf32>,
        %add3A_1590 = arith.addf %add3A_1583, %get3A_1589 : vector<16xf32>
        %add3A_1591 = arith.constant 224 : i32
        %add3A_1592 = arith.addi %add3A_1591, %scan3A_601 : i32
        %get3A_1593 = arith.index_cast %rem3A_499 : i32 to index
        %get3A_1594 = arith.index_cast %add3A_1592 : i32 to index
        %get3A_1595 = arith.constant 96 : index
        %get3A_1596 = tpu.vector_load %arg18[%get3A_1593, %get3A_1594, %get3A_1595] {strides = array<i32>} : memref<2x320x128xf32, #tpu.memory_space<vmem>>, vector<16xf32>,
        %add3A_1597 = arith.addf %add3A_1590, %get3A_1596 : vector<16xf32>
        %add3A_1598 = arith.constant 240 : i32
        %add3A_1599 = arith.addi %add3A_1598, %scan3A_601 : i32
        %get3A_1600 = arith.index_cast %rem3A_499 : i32 to index
        %get3A_1601 = arith.index_cast %add3A_1599 : i32 to index
        %get3A_1602 = arith.constant 96 : index
        %get3A_1603 = tpu.vector_load %arg18[%get3A_1600, %get3A_1601, %get3A_1602] {strides = array<i32>} : memref<2x320x128xf32, #tpu.memory_space<vmem>>, vector<16xf32>,
        %add3A_1604 = arith.addf %add3A_1597, %get3A_1603 : vector<16xf32>
        %add3A_1605 = arith.constant 256 : i32
        %add3A_1606 = arith.addi %add3A_1605, %scan3A_601 : i32
        %get3A_1607 = arith.index_cast %rem3A_499 : i32 to index
        %get3A_1608 = arith.index_cast %add3A_1606 : i32 to index
        %get3A_1609 = arith.constant 96 : index
        %get3A_1610 = tpu.vector_load %arg18[%get3A_1607, %get3A_1608, %get3A_1609] {strides = array<i32>} : memref<2x320x128xf32, #tpu.memory_space<vmem>>, vector<16xf32>,
        %add3A_1611 = arith.addf %add3A_1604, %get3A_1610 : vector<16xf32>
        %add3A_1612 = arith.constant 272 : i32
        %add3A_1613 = arith.addi %add3A_1612, %scan3A_601 : i32
        %get3A_1614 = arith.index_cast %rem3A_499 : i32 to index
        %get3A_1615 = arith.index_cast %add3A_1613 : i32 to index
        %get3A_1616 = arith.constant 96 : index
        %get3A_1617 = tpu.vector_load %arg18[%get3A_1614, %get3A_1615, %get3A_1616] {strides = array<i32>} : memref<2x320x128xf32, #tpu.memory_space<vmem>>, vector<16xf32>,
        %add3A_1618 = arith.addf %add3A_1611, %get3A_1617 : vector<16xf32>
        %add3A_1619 = arith.constant 288 : i32
        %add3A_1620 = arith.addi %add3A_1619, %scan3A_601 : i32
        %get3A_1621 = arith.index_cast %rem3A_499 : i32 to index
        %get3A_1622 = arith.index_cast %add3A_1620 : i32 to index
        %get3A_1623 = arith.constant 96 : index
        %get3A_1624 = tpu.vector_load %arg18[%get3A_1621, %get3A_1622, %get3A_1623] {strides = array<i32>} : memref<2x320x128xf32, #tpu.memory_space<vmem>>, vector<16xf32>,
        %add3A_1625 = arith.addf %add3A_1618, %get3A_1624 : vector<16xf32>
        %add3A_1626 = arith.constant 304 : i32
        %add3A_1627 = arith.addi %add3A_1626, %scan3A_601 : i32
        %get3A_1628 = arith.index_cast %rem3A_499 : i32 to index
        %get3A_1629 = arith.index_cast %add3A_1627 : i32 to index
        %get3A_1630 = arith.constant 96 : index
        %get3A_1631 = tpu.vector_load %arg18[%get3A_1628, %get3A_1629, %get3A_1630] {strides = array<i32>} : memref<2x320x128xf32, #tpu.memory_space<vmem>>, vector<16xf32>,
        %add3A_1632 = arith.addf %add3A_1625, %get3A_1631 : vector<16xf32>
        %get3A_1633 = arith.index_cast %rem3A_499 : i32 to index
        %get3A_1634 = arith.index_cast %scan3A_601 : i32 to index
        %get3A_1635 = arith.constant 96 : index
        %get3A_1636 = tpu.vector_load %arg19[%get3A_1633, %get3A_1634, %get3A_1635] {strides = array<i32>} : memref<2x16x128xf32, #tpu.memory_space<vmem>>, vector<16xf32>,
        %mul3A_1637 = arith.constant 5.000000e-02 : f32
        %mul3A_1638 = vector.broadcast %mul3A_1637 : f32 to vector<16xf32>
        %mul3A_1639 = arith.mulf %add3A_1632, %mul3A_1638 : vector<16xf32>
        %add3A_1640 = arith.addf %get3A_1636, %mul3A_1639 : vector<16xf32>
        %swap3A_1641 = arith.index_cast %rem3A_499 : i32 to index
        %swap3A_1642 = arith.index_cast %scan3A_601 : i32 to index
        %swap3A_1643 = arith.constant 96 : index
        %swap3A_1644 = tpu.vector_load %arg20[%swap3A_1641, %swap3A_1642, %swap3A_1643] {strides = array<i32>} : memref<2x16x128xf32, #tpu.memory_space<vmem>>, vector<16xf32>,
        tpu.vector_store %arg20[%swap3A_1641, %swap3A_1642, %swap3A_1643], %add3A_1640 {strides = array<i32>} : memref<2x16x128xf32, #tpu.memory_space<vmem>>, vector<16xf32>,
        %scan3A_1645 = arith.constant 0 : i32
        scf.yield %scan3A_1645 : i32
      }
      %scan3A_559 = arith.constant 16 : i32
      %rem3A_560 = arith.constant 2 : i32
      %rem3A_561 = arith.remsi %scan3A_496, %rem3A_560 : i32
      %jit3A = arith.constant 8 : i32
      %div3A = arith.divsi %scan3A_496, %jit3A : i32
      %sign3A = arith.constant 0 : i32
      %sign3A_562 = arith.cmpi sgt, %scan3A_496, %sign3A : i32
      %sign3A_563 = arith.extui %sign3A_562 : i1 to i32
      %sign3A_564 = arith.constant 0 : i32
      %sign3A_565 = arith.cmpi slt, %scan3A_496, %sign3A_564 : i32
      %sign3A_566 = arith.extui %sign3A_565 : i1 to i32
      %sign3A_567 = arith.subi %sign3A_563, %sign3A_566 : i32
      %sign3A_568 = arith.constant 0 : i32
      %sign3A_569 = arith.cmpi sgt, %jit3A, %sign3A_568 : i32
      %sign3A_570 = arith.extui %sign3A_569 : i1 to i32
      %sign3A_571 = arith.constant 0 : i32
      %sign3A_572 = arith.cmpi slt, %jit3A, %sign3A_571 : i32
      %sign3A_573 = arith.extui %sign3A_572 : i1 to i32
      %sign3A_574 = arith.subi %sign3A_570, %sign3A_573 : i32
      %ne3A = arith.cmpi ne, %sign3A_567, %sign3A_574 : i32
      %rem3A_575 = arith.remsi %scan3A_496, %jit3A : i32
      %ne3A_576 = arith.constant 0 : i32
      %ne3A_577 = arith.cmpi ne, %rem3A_575, %ne3A_576 : i32
      %and3A = arith.andi %ne3A, %ne3A_577 : i1
      %sub3A = arith.constant 1 : i32
      %sub3A_578 = arith.subi %div3A, %sub3A : i32
      %select_n3A = arith.select %and3A, %sub3A_578, %div3A : i32
      %rem3A_579 = arith.constant 8 : i32
      %rem3A_580 = arith.remsi %scan3A_496, %rem3A_579 : i32
      %mul3A_581 = arith.constant 16 : i32
      %mul3A_582 = arith.muli %rem3A_580, %mul3A_581 : i32
      %add3A_583 = arith.addi %mul3A_2, %mul3A_582 : i32
      %dma_start3A_584 = arith.constant 0 : i32
      %dma_start3A_585 = arith.constant 0 : i32
      %dma_start3A_586 = tpu.memref_slice %arg20[%rem3A_561, %dma_start3A_584, %dma_start3A_585] : memref<2x16x128xf32, #tpu.memory_space<vmem>> -> memref<1x16x128xf32, #tpu.memory_space<vmem>>
      %dma_start3A_587 = tpu.memref_squeeze %dma_start3A_586 : memref<1x16x128xf32, #tpu.memory_space<vmem>> -> memref<16x128xf32, #tpu.memory_space<vmem>>
      %dma_start3A_588 = arith.constant 0 : i32
      %dma_start3A_589 = tpu.memref_slice %arg11[%select_n3A, %add3A_583, %dma_start3A_588] : memref<12x4096x128xf32, #tpu.memory_space<hbm>> -> memref<1x16x128xf32, #tpu.memory_space<hbm>>
      %dma_start3A_590 = tpu.memref_squeeze %dma_start3A_589 : memref<1x16x128xf32, #tpu.memory_space<hbm>> -> memref<16x128xf32, #tpu.memory_space<hbm>>
      %dma_start3A_591 = tpu.memref_slice %arg29[%rem3A_561] : memref<2x!tpu.dma_semaphore, #tpu.memory_space<semaphore_mem>> -> memref<1x!tpu.dma_semaphore, #tpu.memory_space<semaphore_mem>>
      %dma_start3A_592 = tpu.memref_squeeze %dma_start3A_591 : memref<1x!tpu.dma_semaphore, #tpu.memory_space<semaphore_mem>> -> memref<!tpu.dma_semaphore, #tpu.memory_space<semaphore_mem>>
      %dma_start3A_593 = arith.constant 0 : i32
      %dma_start3A_594 = tpu.memref_slice %arg11[%select_n3A, %add3A_583, %dma_start3A_593] : memref<12x4096x128xf32, #tpu.memory_space<hbm>> -> memref<1x16x128xf32, #tpu.memory_space<hbm>>
      %dma_start3A_595 = tpu.memref_squeeze %dma_start3A_594 : memref<1x16x128xf32, #tpu.memory_space<hbm>> -> memref<16x128xf32, #tpu.memory_space<hbm>>
      %dma_start3A_596 = arith.constant 0 : i32
      %dma_start3A_597 = arith.constant 0 : i32
      %dma_start3A_598 = tpu.memref_slice %arg20[%rem3A_561, %dma_start3A_596, %dma_start3A_597] : memref<2x16x128xf32, #tpu.memory_space<vmem>> -> memref<1x16x128xf32, #tpu.memory_space<vmem>>
      %dma_start3A_599 = tpu.memref_squeeze %dma_start3A_598 : memref<1x16x128xf32, #tpu.memory_space<vmem>> -> memref<16x128xf32, #tpu.memory_space<vmem>>
      tpu.enqueue_dma source(%dma_start3A_599 : memref<16x128xf32, #tpu.memory_space<vmem>>) target(%dma_start3A_595 : memref<16x128xf32, #tpu.memory_space<hbm>>) target_semaphore(%dma_start3A_592 : memref<!tpu.dma_semaphore, #tpu.memory_space<semaphore_mem>>)
      %scan3A_600 = arith.constant 0 : i32
      scf.yield %scan3A_600 : i32
    }
    %scan3A_443 = arith.constant 96 : i32
    %rem3A_444 = arith.constant 94 : i32
    %rem3A_445 = arith.constant 2 : i32
    %rem3A_446 = arith.remsi %rem3A_444, %rem3A_445 : i32
    %rem3A_447 = arith.constant 94 : i32
    %rem3A_448 = arith.constant 8 : i32
    %rem3A_449 = arith.remsi %rem3A_447, %rem3A_448 : i32
    %mul3A_450 = arith.constant 16 : i32
    %mul3A_451 = arith.muli %rem3A_449, %mul3A_450 : i32
    %add3A_452 = arith.addi %mul3A_2, %mul3A_451 : i32
    %dma_wait3A_453 = arith.constant 11 : i32
    %dma_wait3A_454 = arith.constant 0 : i32
    %dma_wait3A_455 = arith.constant 0 : i32
    %dma_wait3A_456 = tpu.memref_slice %arg20[%rem3A_446, %dma_wait3A_454, %dma_wait3A_455] : memref<2x16x128xf32, #tpu.memory_space<vmem>> -> memref<1x16x128xf32, #tpu.memory_space<vmem>>
    %dma_wait3A_457 = tpu.memref_squeeze %dma_wait3A_456 : memref<1x16x128xf32, #tpu.memory_space<vmem>> -> memref<16x128xf32, #tpu.memory_space<vmem>>
    %dma_wait3A_458 = arith.constant 0 : i32
    %dma_wait3A_459 = tpu.memref_slice %arg11[%dma_wait3A_453, %add3A_452, %dma_wait3A_458] : memref<12x4096x128xf32, #tpu.memory_space<hbm>> -> memref<1x16x128xf32, #tpu.memory_space<hbm>>
    %dma_wait3A_460 = tpu.memref_squeeze %dma_wait3A_459 : memref<1x16x128xf32, #tpu.memory_space<hbm>> -> memref<16x128xf32, #tpu.memory_space<hbm>>
    %dma_wait3A_461 = tpu.memref_slice %arg29[%rem3A_446] : memref<2x!tpu.dma_semaphore, #tpu.memory_space<semaphore_mem>> -> memref<1x!tpu.dma_semaphore, #tpu.memory_space<semaphore_mem>>
    %dma_wait3A_462 = tpu.memref_squeeze %dma_wait3A_461 : memref<1x!tpu.dma_semaphore, #tpu.memory_space<semaphore_mem>> -> memref<!tpu.dma_semaphore, #tpu.memory_space<semaphore_mem>>
    %dma_wait3A_463 = arith.constant 0 : i32
    %dma_wait3A_464 = tpu.memref_slice %arg11[%dma_wait3A_453, %add3A_452, %dma_wait3A_463] : memref<12x4096x128xf32, #tpu.memory_space<hbm>> -> memref<1x16x128xf32, #tpu.memory_space<hbm>>
    %dma_wait3A_465 = tpu.memref_squeeze %dma_wait3A_464 : memref<1x16x128xf32, #tpu.memory_space<hbm>> -> memref<16x128xf32, #tpu.memory_space<hbm>>
    %dma_wait3A_466 = arith.constant 0 : i32
    %dma_wait3A_467 = arith.constant 0 : i32
    %dma_wait3A_468 = tpu.memref_slice %arg20[%rem3A_446, %dma_wait3A_466, %dma_wait3A_467] : memref<2x16x128xf32, #tpu.memory_space<vmem>> -> memref<1x16x128xf32, #tpu.memory_space<vmem>>
    %dma_wait3A_469 = tpu.memref_squeeze %dma_wait3A_468 : memref<1x16x128xf32, #tpu.memory_space<vmem>> -> memref<16x128xf32, #tpu.memory_space<vmem>>
    tpu.wait_dma2 semaphore(%dma_wait3A_462 : memref<!tpu.dma_semaphore, #tpu.memory_space<semaphore_mem>>) src(%dma_wait3A_469 : memref<16x128xf32, #tpu.memory_space<vmem>>) dst(%dma_wait3A_465 : memref<16x128xf32, #tpu.memory_space<hbm>>)
    %rem3A_470 = arith.constant 95 : i32
    %rem3A_471 = arith.constant 2 : i32
    %rem3A_472 = arith.remsi %rem3A_470, %rem3A_471 : i32
    %rem3A_473 = arith.constant 95 : i32
    %rem3A_474 = arith.constant 8 : i32
    %rem3A_475 = arith.remsi %rem3A_473, %rem3A_474 : i32
    %mul3A_476 = arith.constant 16 : i32
    %mul3A_477 = arith.muli %rem3A_475, %mul3A_476 : i32
    %add3A_478 = arith.addi %mul3A_2, %mul3A_477 : i32
    %dma_wait3A_479 = arith.constant 11 : i32
    %dma_wait3A_480 = arith.constant 0 : i32
    %dma_wait3A_481 = arith.constant 0 : i32
    %dma_wait3A_482 = tpu.memref_slice %arg20[%rem3A_472, %dma_wait3A_480, %dma_wait3A_481] : memref<2x16x128xf32, #tpu.memory_space<vmem>> -> memref<1x16x128xf32, #tpu.memory_space<vmem>>
    %dma_wait3A_483 = tpu.memref_squeeze %dma_wait3A_482 : memref<1x16x128xf32, #tpu.memory_space<vmem>> -> memref<16x128xf32, #tpu.memory_space<vmem>>
    %dma_wait3A_484 = arith.constant 0 : i32
    %dma_wait3A_485 = tpu.memref_slice %arg11[%dma_wait3A_479, %add3A_478, %dma_wait3A_484] : memref<12x4096x128xf32, #tpu.memory_space<hbm>> -> memref<1x16x128xf32, #tpu.memory_space<hbm>>
    %dma_wait3A_486 = tpu.memref_squeeze %dma_wait3A_485 : memref<1x16x128xf32, #tpu.memory_space<hbm>> -> memref<16x128xf32, #tpu.memory_space<hbm>>
    %dma_wait3A_487 = tpu.memref_slice %arg29[%rem3A_472] : memref<2x!tpu.dma_semaphore, #tpu.memory_space<semaphore_mem>> -> memref<1x!tpu.dma_semaphore, #tpu.memory_space<semaphore_mem>>
    %dma_wait3A_488 = tpu.memref_squeeze %dma_wait3A_487 : memref<1x!tpu.dma_semaphore, #tpu.memory_space<semaphore_mem>> -> memref<!tpu.dma_semaphore, #tpu.memory_space<semaphore_mem>>
    %dma_wait3A_489 = arith.constant 0 : i32
    %dma_wait3A_490 = tpu.memref_slice %arg11[%dma_wait3A_479, %add3A_478, %dma_wait3A_489] : memref<12x4096x128xf32, #tpu.memory_space<hbm>> -> memref<1x16x128xf32, #tpu.memory_space<hbm>>
    %dma_wait3A_491 = tpu.memref_squeeze %dma_wait3A_490 : memref<1x16x128xf32, #tpu.memory_space<hbm>> -> memref<16x128xf32, #tpu.memory_space<hbm>>
    %dma_wait3A_492 = arith.constant 0 : i32
    %dma_wait3A_493 = arith.constant 0 : i32
    %dma_wait3A_494 = tpu.memref_slice %arg20[%rem3A_472, %dma_wait3A_492, %dma_wait3A_493] : memref<2x16x128xf32, #tpu.memory_space<vmem>> -> memref<1x16x128xf32, #tpu.memory_space<vmem>>
    %dma_wait3A_495 = tpu.memref_squeeze %dma_wait3A_494 : memref<1x16x128xf32, #tpu.memory_space<vmem>> -> memref<16x128xf32, #tpu.memory_space<vmem>>
    tpu.wait_dma2 semaphore(%dma_wait3A_488 : memref<!tpu.dma_semaphore, #tpu.memory_space<semaphore_mem>>) src(%dma_wait3A_495 : memref<16x128xf32, #tpu.memory_space<vmem>>) dst(%dma_wait3A_491 : memref<16x128xf32, #tpu.memory_space<hbm>>)
    return
  }
}

module attributes {stable_mosaic.version = 14 : i64} {
  func.func @body(%arg0: i32, %arg1: memref<100x2048xf32, #tpu.memory_space<vmem>>, %arg2: memref<2048x128xf32, #tpu.memory_space<vmem>>) attributes {dimension_semantics = [#tpu.dimension_semantics<arbitrary>], iteration_bounds = array<i64: 49>, scalar_prefetch = 0 : i64, scratch_operands = 0 : i64, tpu.core_type = #tpu.core_type<tc>, window_params = [{transform_indices = @transform_0, window_bounds = array<i64: 100, 2048>}, {transform_indices = @transform_1, window_bounds = array<i64: 2048, 128>}]} {
    %get3A = arith.constant 0 : index
    %get3A_0 = arith.constant 0 : index
    %get3A_1 = vector.load %arg1[%get3A, %get3A_0] : memref<100x2048xf32, #tpu.memory_space<vmem>>, vector<100x2048xf32>
    %transpose3A = tpu.transpose %get3A_1, [1, 0] : vector<100x2048xf32> -> vector<2048x100xf32>
    %broadcast_in_dim3A = arith.constant 0.000000e+00 : f32
    %broadcast_in_dim3A_2 = vector.broadcast %broadcast_in_dim3A : f32 to vector<2048x28xf32>
    %concatenate3A = tpu.concatenate %transpose3A, %broadcast_in_dim3A_2 in 1 : vector<2048x100xf32>, vector<2048x28xf32> -> vector<2048x128xf32>
    %swap3A = arith.constant 0 : index
    %swap3A_3 = arith.constant 0 : index
    %swap3A_4 = vector.load %arg2[%swap3A, %swap3A_3] : memref<2048x128xf32, #tpu.memory_space<vmem>>, vector<2048x128xf32>
    tpu.vector_store %arg2[%swap3A, %swap3A_3], %concatenate3A {strides = array<i32>} : memref<2048x128xf32, #tpu.memory_space<vmem>>, vector<2048x128xf32>,
    return
  }
  func.func @transform_0(%arg0: i32) -> (i32, i32) {
    %c0_i32 = arith.constant 0 : i32
    %c0_i32_0 = arith.constant 0 : i32
    return %c0_i32, %arg0 : i32, i32
  }
  func.func @transform_1(%arg0: i32) -> (i32, i32) {
    %c0_i32 = arith.constant 0 : i32
    %c0_i32_0 = arith.constant 0 : i32
    return %arg0, %c0_i32 : i32, i32
  }
}

module attributes {stable_mosaic.version = 14 : i64} {
  func.func @body(%arg0: i32, %arg1: memref<400x2048xf32, #tpu.memory_space<vmem>>, %arg2: memref<2048x512xf32, #tpu.memory_space<vmem>>) attributes {dimension_semantics = [#tpu.dimension_semantics<arbitrary>], iteration_bounds = array<i64: 25>, scalar_prefetch = 0 : i64, scratch_operands = 0 : i64, tpu.core_type = #tpu.core_type<tc>, window_params = [{transform_indices = @transform_0, window_bounds = array<i64: 400, 2048>}, {transform_indices = @transform_1, window_bounds = array<i64: 2048, 512>}]} {
    %get3A = arith.constant 0 : index
    %get3A_0 = arith.constant 0 : index
    %get3A_1 = vector.load %arg1[%get3A, %get3A_0] : memref<400x2048xf32, #tpu.memory_space<vmem>>, vector<400x2048xf32>
    %transpose3A = tpu.transpose %get3A_1, [1, 0] : vector<400x2048xf32> -> vector<2048x400xf32>
    %broadcast_in_dim3A = arith.constant 0.000000e+00 : f32
    %broadcast_in_dim3A_2 = vector.broadcast %broadcast_in_dim3A : f32 to vector<2048x112xf32>
    %concatenate3A = tpu.concatenate %transpose3A, %broadcast_in_dim3A_2 in 1 : vector<2048x400xf32>, vector<2048x112xf32> -> vector<2048x512xf32>
    %swap3A = arith.constant 0 : index
    %swap3A_3 = arith.constant 0 : index
    %swap3A_4 = vector.load %arg2[%swap3A, %swap3A_3] : memref<2048x512xf32, #tpu.memory_space<vmem>>, vector<2048x512xf32>
    tpu.vector_store %arg2[%swap3A, %swap3A_3], %concatenate3A {strides = array<i32>} : memref<2048x512xf32, #tpu.memory_space<vmem>>, vector<2048x512xf32>,
    return
  }
  func.func @transform_0(%arg0: i32) -> (i32, i32) {
    %c0_i32 = arith.constant 0 : i32
    %c0_i32_0 = arith.constant 0 : i32
    return %c0_i32, %arg0 : i32, i32
  }
  func.func @transform_1(%arg0: i32) -> (i32, i32) {
    %c0_i32 = arith.constant 0 : i32
    %c0_i32_0 = arith.constant 0 : i32
    return %arg0, %c0_i32 : i32, i32
  }
}

module attributes {stable_mosaic.version = 14 : i64} {
  func.func @body(%arg0: i32, %arg1: memref<100x2048xf32, #tpu.memory_space<vmem>>, %arg2: memref<2048x128xf32, #tpu.memory_space<vmem>>) attributes {dimension_semantics = [#tpu.dimension_semantics<arbitrary>], iteration_bounds = array<i64: 25>, scalar_prefetch = 0 : i64, scratch_operands = 0 : i64, tpu.core_type = #tpu.core_type<tc>, window_params = [{transform_indices = @transform_0, window_bounds = array<i64: 100, 2048>}, {transform_indices = @transform_1, window_bounds = array<i64: 2048, 128>}]} {
    %get3A = arith.constant 0 : index
    %get3A_0 = arith.constant 0 : index
    %get3A_1 = vector.load %arg1[%get3A, %get3A_0] : memref<100x2048xf32, #tpu.memory_space<vmem>>, vector<100x2048xf32>
    %transpose3A = tpu.transpose %get3A_1, [1, 0] : vector<100x2048xf32> -> vector<2048x100xf32>
    %broadcast_in_dim3A = arith.constant 0.000000e+00 : f32
    %broadcast_in_dim3A_2 = vector.broadcast %broadcast_in_dim3A : f32 to vector<2048x28xf32>
    %concatenate3A = tpu.concatenate %transpose3A, %broadcast_in_dim3A_2 in 1 : vector<2048x100xf32>, vector<2048x28xf32> -> vector<2048x128xf32>
    %swap3A = arith.constant 0 : index
    %swap3A_3 = arith.constant 0 : index
    %swap3A_4 = vector.load %arg2[%swap3A, %swap3A_3] : memref<2048x128xf32, #tpu.memory_space<vmem>>, vector<2048x128xf32>
    tpu.vector_store %arg2[%swap3A, %swap3A_3], %concatenate3A {strides = array<i32>} : memref<2048x128xf32, #tpu.memory_space<vmem>>, vector<2048x128xf32>,
    return
  }
  func.func @transform_0(%arg0: i32) -> (i32, i32) {
    %c0_i32 = arith.constant 0 : i32
    %c0_i32_0 = arith.constant 0 : i32
    return %c0_i32, %arg0 : i32, i32
  }
  func.func @transform_1(%arg0: i32) -> (i32, i32) {
    %c0_i32 = arith.constant 0 : i32
    %c0_i32_0 = arith.constant 0 : i32
    return %arg0, %c0_i32 : i32, i32
  }
}

module attributes {stable_mosaic.version = 14 : i64} {
  func.func @_tc_mlp_body(%arg0: i32, %arg1: memref<256x512xf32, #tpu.memory_space<vmem>>, %arg2: memref<256x128xf32, #tpu.memory_space<vmem>>, %arg3: memref<12x256x128xf32, #tpu.memory_space<vmem>>, %arg4: memref<400x100xf32, #tpu.memory_space<vmem>>, %arg5: memref<1x100xf32, #tpu.memory_space<vmem>>, %arg6: memref<100x100xf32, #tpu.memory_space<vmem>>, %arg7: memref<1x100xf32, #tpu.memory_space<vmem>>, %arg8: memref<200x100xf32, #tpu.memory_space<vmem>>, %arg9: memref<100x100xf32, #tpu.memory_space<vmem>>, %arg10: memref<1x100xf32, #tpu.memory_space<vmem>>, %arg11: memref<100x100xf32, #tpu.memory_space<vmem>>, %arg12: memref<1x100xf32, #tpu.memory_space<vmem>>, %arg13: memref<1x100xf32, #tpu.memory_space<vmem>>, %arg14: memref<1x1xf32, #tpu.memory_space<vmem>>, %arg15: memref<200x100xf32, #tpu.memory_space<vmem>>, %arg16: memref<100x100xf32, #tpu.memory_space<vmem>>, %arg17: memref<1x100xf32, #tpu.memory_space<vmem>>, %arg18: memref<100x100xf32, #tpu.memory_space<vmem>>, %arg19: memref<1x100xf32, #tpu.memory_space<vmem>>, %arg20: memref<1x100xf32, #tpu.memory_space<vmem>>, %arg21: memref<1x1xf32, #tpu.memory_space<vmem>>, %arg22: memref<12x256xf32, #tpu.memory_space<vmem>>, %arg23: memref<12x256xf32, #tpu.memory_space<vmem>>) attributes {dimension_semantics = [#tpu.dimension_semantics<arbitrary>], iteration_bounds = array<i64: 16>, scalar_prefetch = 0 : i64, scratch_operands = 0 : i64, tpu.core_type = #tpu.core_type<tc>, window_params = [{transform_indices = @transform_0, window_bounds = array<i64: 256, 512>}, {transform_indices = @transform_1, window_bounds = array<i64: 256, 128>}, {transform_indices = @transform_2, window_bounds = array<i64: 12, 256, 128>}, {pipeline_mode = #tpu.pipeline_mode<synchronous>, transform_indices = @transform_3, window_bounds = array<i64: 400, 100>}, {pipeline_mode = #tpu.pipeline_mode<synchronous>, transform_indices = @transform_4, window_bounds = array<i64: 1, 100>}, {pipeline_mode = #tpu.pipeline_mode<synchronous>, transform_indices = @transform_5, window_bounds = array<i64: 100, 100>}, {pipeline_mode = #tpu.pipeline_mode<synchronous>, transform_indices = @transform_6, window_bounds = array<i64: 1, 100>}, {pipeline_mode = #tpu.pipeline_mode<synchronous>, transform_indices = @transform_7, window_bounds = array<i64: 200, 100>}, {pipeline_mode = #tpu.pipeline_mode<synchronous>, transform_indices = @transform_8, window_bounds = array<i64: 100, 100>}, {pipeline_mode = #tpu.pipeline_mode<synchronous>, transform_indices = @transform_9, window_bounds = array<i64: 1, 100>}, {pipeline_mode = #tpu.pipeline_mode<synchronous>, transform_indices = @transform_10, window_bounds = array<i64: 100, 100>}, {pipeline_mode = #tpu.pipeline_mode<synchronous>, transform_indices = @transform_11, window_bounds = array<i64: 1, 100>}, {pipeline_mode = #tpu.pipeline_mode<synchronous>, transform_indices = @transform_12, window_bounds = array<i64: 1, 100>}, {pipeline_mode = #tpu.pipeline_mode<synchronous>, transform_indices = @transform_13, window_bounds = array<i64: 1, 1>}, {pipeline_mode = #tpu.pipeline_mode<synchronous>, transform_indices = @transform_14, window_bounds = array<i64: 200, 100>}, {pipeline_mode = #tpu.pipeline_mode<synchronous>, transform_indices = @transform_15, window_bounds = array<i64: 100, 100>}, {pipeline_mode = #tpu.pipeline_mode<synchronous>, transform_indices = @transform_16, window_bounds = array<i64: 1, 100>}, {pipeline_mode = #tpu.pipeline_mode<synchronous>, transform_indices = @transform_17, window_bounds = array<i64: 100, 100>}, {pipeline_mode = #tpu.pipeline_mode<synchronous>, transform_indices = @transform_18, window_bounds = array<i64: 1, 100>}, {pipeline_mode = #tpu.pipeline_mode<synchronous>, transform_indices = @transform_19, window_bounds = array<i64: 1, 100>}, {pipeline_mode = #tpu.pipeline_mode<synchronous>, transform_indices = @transform_20, window_bounds = array<i64: 1, 1>}, {transform_indices = @transform_21, window_bounds = array<i64: 12, 256>}, {transform_indices = @transform_22, window_bounds = array<i64: 12, 256>}]} {
    %get3A = arith.constant 0 : index
    %get3A_0 = arith.constant 0 : index
    %get3A_1 = vector.load %arg1[%get3A, %get3A_0] : memref<256x512xf32, #tpu.memory_space<vmem>>, vector<256x400xf32>
    %get3A_2 = arith.constant 0 : index
    %get3A_3 = arith.constant 0 : index
    %get3A_4 = vector.load %arg4[%get3A_2, %get3A_3] : memref<400x100xf32, #tpu.memory_space<vmem>>, vector<400x100xf32>
    %dot_general3A = arith.constant dense<0.000000e+00> : vector<256x100xf32>
    %dot_general3A_5 = tpu.matmul %get3A_1, %get3A_4, %dot_general3A {dimension_numbers = #tpu.dot_dimension_numbers<[1], [0], [0], [1], [0, 0, 1, 1], [], []>, transpose_lhs_hint = false} : vector<256x400xf32>, vector<400x100xf32>, vector<256x100xf32> -> vector<256x100xf32>
    %get3A_6 = arith.constant 0 : index
    %get3A_7 = arith.constant 0 : index
    %get3A_8 = vector.load %arg5[%get3A_6, %get3A_7] : memref<1x100xf32, #tpu.memory_space<vmem>>, vector<1x100xf32>
    %add3A = vector.broadcast %get3A_8 : vector<1x100xf32> to vector<256x100xf32>
    %add3A_9 = arith.addf %dot_general3A_5, %add3A : vector<256x100xf32>
    %gt3A = arith.constant 0.000000e+00 : f32
    %gt3A_10 = vector.broadcast %gt3A : f32 to vector<256x100xf32>
    %gt3A_11 = arith.cmpf ogt, %add3A_9, %gt3A_10 : vector<256x100xf32>
    %exp3A = math.exp %add3A_9 : vector<256x100xf32>
    %sub3A = arith.constant 1.000000e+00 : f32
    %sub3A_12 = vector.broadcast %sub3A : f32 to vector<256x100xf32>
    %sub3A_13 = arith.subf %exp3A, %sub3A_12 : vector<256x100xf32>
    %select_n3A = arith.select %gt3A_11, %add3A_9, %sub3A_13 : vector<256x100xi1>, vector<256x100xf32>
    %get3A_14 = arith.constant 0 : index
    %get3A_15 = arith.constant 0 : index
    %get3A_16 = vector.load %arg6[%get3A_14, %get3A_15] : memref<100x100xf32, #tpu.memory_space<vmem>>, vector<100x100xf32>
    %dot_general3A_17 = arith.constant dense<0.000000e+00> : vector<256x100xf32>
    %dot_general3A_18 = tpu.matmul %select_n3A, %get3A_16, %dot_general3A_17 {dimension_numbers = #tpu.dot_dimension_numbers<[1], [0], [0], [1], [0, 0, 1, 1], [], []>, transpose_lhs_hint = false} : vector<256x100xf32>, vector<100x100xf32>, vector<256x100xf32> -> vector<256x100xf32>
    %get3A_19 = arith.constant 0 : index
    %get3A_20 = arith.constant 0 : index
    %get3A_21 = vector.load %arg7[%get3A_19, %get3A_20] : memref<1x100xf32, #tpu.memory_space<vmem>>, vector<1x100xf32>
    %add3A_22 = vector.broadcast %get3A_21 : vector<1x100xf32> to vector<256x100xf32>
    %add3A_23 = arith.addf %dot_general3A_18, %add3A_22 : vector<256x100xf32>
    %tanh3A = math.tanh %add3A_23 : vector<256x100xf32>
    %get3A_24 = arith.constant 0 : index
    %get3A_25 = arith.constant 0 : index
    %get3A_26 = vector.load %arg2[%get3A_24, %get3A_25] : memref<256x128xf32, #tpu.memory_space<vmem>>, vector<256x100xf32>
    %concatenate3A = tpu.concatenate %tanh3A, %get3A_26 in 1 : vector<256x100xf32>, vector<256x100xf32> -> vector<256x200xf32>
    %get3A_27 = arith.constant 0 : index
    %get3A_28 = arith.constant 0 : index
    %get3A_29 = vector.load %arg8[%get3A_27, %get3A_28] : memref<200x100xf32, #tpu.memory_space<vmem>>, vector<200x100xf32>
    %dot_general3A_30 = arith.constant dense<0.000000e+00> : vector<256x100xf32>
    %dot_general3A_31 = tpu.matmul %concatenate3A, %get3A_29, %dot_general3A_30 {dimension_numbers = #tpu.dot_dimension_numbers<[1], [0], [0], [1], [0, 0, 1, 1], [], []>, transpose_lhs_hint = false} : vector<256x200xf32>, vector<200x100xf32>, vector<256x100xf32> -> vector<256x100xf32>
    %get3A_32 = arith.constant 0 : index
    %get3A_33 = arith.constant 0 : index
    %get3A_34 = vector.load %arg10[%get3A_32, %get3A_33] : memref<1x100xf32, #tpu.memory_space<vmem>>, vector<1x100xf32>
    %add3A_35 = vector.broadcast %get3A_34 : vector<1x100xf32> to vector<256x100xf32>
    %add3A_36 = arith.addf %dot_general3A_31, %add3A_35 : vector<256x100xf32>
    %get3A_37 = arith.constant 0 : index
    %get3A_38 = arith.constant 0 : index
    %get3A_39 = vector.load %arg15[%get3A_37, %get3A_38] : memref<200x100xf32, #tpu.memory_space<vmem>>, vector<200x100xf32>
    %dot_general3A_40 = arith.constant dense<0.000000e+00> : vector<256x100xf32>
    %dot_general3A_41 = tpu.matmul %concatenate3A, %get3A_39, %dot_general3A_40 {dimension_numbers = #tpu.dot_dimension_numbers<[1], [0], [0], [1], [0, 0, 1, 1], [], []>, transpose_lhs_hint = false} : vector<256x200xf32>, vector<200x100xf32>, vector<256x100xf32> -> vector<256x100xf32>
    %get3A_42 = arith.constant 0 : index
    %get3A_43 = arith.constant 0 : index
    %get3A_44 = vector.load %arg17[%get3A_42, %get3A_43] : memref<1x100xf32, #tpu.memory_space<vmem>>, vector<1x100xf32>
    %add3A_45 = vector.broadcast %get3A_44 : vector<1x100xf32> to vector<256x100xf32>
    %add3A_46 = arith.addf %dot_general3A_41, %add3A_45 : vector<256x100xf32>
    %broadcast_in_dim3A = vector.shape_cast %add3A_36 : vector<256x100xf32> to vector<1x256x100xf32>
    %broadcast_in_dim3A_47 = vector.shape_cast %broadcast_in_dim3A : vector<1x256x100xf32> to vector<1x256x100xf32>
    %broadcast_in_dim3A_48 = vector.broadcast %broadcast_in_dim3A_47 : vector<1x256x100xf32> to vector<12x256x100xf32>
    %reshape3A = vector.shape_cast %broadcast_in_dim3A_48 : vector<12x256x100xf32> to vector<3072x100xf32>
    %broadcast_in_dim3A_49 = vector.shape_cast %add3A_46 : vector<256x100xf32> to vector<1x256x100xf32>
    %broadcast_in_dim3A_50 = vector.shape_cast %broadcast_in_dim3A_49 : vector<1x256x100xf32> to vector<1x256x100xf32>
    %broadcast_in_dim3A_51 = vector.broadcast %broadcast_in_dim3A_50 : vector<1x256x100xf32> to vector<12x256x100xf32>
    %reshape3A_52 = vector.shape_cast %broadcast_in_dim3A_51 : vector<12x256x100xf32> to vector<3072x100xf32>
    %get3A_53 = arith.constant 0 : index
    %get3A_54 = arith.constant 0 : index
    %get3A_55 = arith.constant 0 : index
    %get3A_56 = vector.load %arg3[%get3A_53, %get3A_54, %get3A_55] : memref<12x256x128xf32, #tpu.memory_space<vmem>>, vector<12x256x128xf32>
    %reshape3A_57 = vector.shape_cast %get3A_56 : vector<12x256x128xf32> to vector<3072x128xf32>
    %slice3A = vector.extract_strided_slice %reshape3A_57 {offsets = [0, 0], sizes = [3072, 100], strides = [1, 1]} : vector<3072x128xf32> to vector<3072x100xf32>
    %tanh3A_58 = math.tanh %slice3A : vector<3072x100xf32>
    %get3A_59 = arith.constant 0 : index
    %get3A_60 = arith.constant 0 : index
    %get3A_61 = vector.load %arg9[%get3A_59, %get3A_60] : memref<100x100xf32, #tpu.memory_space<vmem>>, vector<100x100xf32>
    %dot_general3A_62 = arith.constant dense<0.000000e+00> : vector<3072x100xf32>
    %dot_general3A_63 = tpu.matmul %tanh3A_58, %get3A_61, %dot_general3A_62 {dimension_numbers = #tpu.dot_dimension_numbers<[1], [0], [0], [1], [0, 0, 1, 1], [], []>, transpose_lhs_hint = false} : vector<3072x100xf32>, vector<100x100xf32>, vector<3072x100xf32> -> vector<3072x100xf32>
    %add3A_64 = arith.addf %dot_general3A_63, %reshape3A : vector<3072x100xf32>
    %tanh3A_65 = math.tanh %add3A_64 : vector<3072x100xf32>
    %get3A_66 = arith.constant 0 : index
    %get3A_67 = arith.constant 0 : index
    %get3A_68 = vector.load %arg11[%get3A_66, %get3A_67] : memref<100x100xf32, #tpu.memory_space<vmem>>, vector<100x100xf32>
    %dot_general3A_69 = arith.constant dense<0.000000e+00> : vector<3072x100xf32>
    %dot_general3A_70 = tpu.matmul %tanh3A_65, %get3A_68, %dot_general3A_69 {dimension_numbers = #tpu.dot_dimension_numbers<[1], [0], [0], [1], [0, 0, 1, 1], [], []>, transpose_lhs_hint = false} : vector<3072x100xf32>, vector<100x100xf32>, vector<3072x100xf32> -> vector<3072x100xf32>
    %get3A_71 = arith.constant 0 : index
    %get3A_72 = arith.constant 0 : index
    %get3A_73 = vector.load %arg12[%get3A_71, %get3A_72] : memref<1x100xf32, #tpu.memory_space<vmem>>, vector<1x100xf32>
    %add3A_74 = vector.broadcast %get3A_73 : vector<1x100xf32> to vector<3072x100xf32>
    %add3A_75 = arith.addf %dot_general3A_70, %add3A_74 : vector<3072x100xf32>
    %tanh3A_76 = math.tanh %add3A_75 : vector<3072x100xf32>
    %get3A_77 = arith.constant 0 : index
    %get3A_78 = arith.constant 0 : index
    %get3A_79 = vector.load %arg13[%get3A_77, %get3A_78] : memref<1x100xf32, #tpu.memory_space<vmem>>, vector<1x100xf32>
    %mul3A = vector.broadcast %get3A_79 : vector<1x100xf32> to vector<3072x100xf32>
    %mul3A_80 = arith.mulf %tanh3A_76, %mul3A : vector<3072x100xf32>
    %reduce_sum3A = arith.constant dense<0.000000e+00> : vector<3072xf32>
    %reduce_sum3A_81 = vector.multi_reduction <add>, %mul3A_80, %reduce_sum3A [1] : vector<3072x100xf32> to vector<3072xf32>
    %get3A_82 = arith.constant 0 : index
    %get3A_83 = arith.constant 0 : index
    %get3A_84 = vector.load %arg14[%get3A_82, %get3A_83] : memref<1x1xf32, #tpu.memory_space<vmem>>, vector<1x1xf32>
    %get3A_85 = vector.extract %get3A_84[0, 0] : f32 from vector<1x1xf32>
    %add3A_86 = vector.broadcast %get3A_85 : f32 to vector<3072xf32>
    %add3A_87 = arith.addf %reduce_sum3A_81, %add3A_86 : vector<3072xf32>
    %logistic3A = arith.negf %add3A_87 : vector<3072xf32>
    %logistic3A_88 = math.exp %logistic3A : vector<3072xf32>
    %logistic3A_89 = arith.constant 1.000000e+00 : f32
    %logistic3A_90 = vector.broadcast %logistic3A_89 : f32 to vector<3072xf32>
    %logistic3A_91 = arith.addf %logistic3A_90, %logistic3A_88 : vector<3072xf32>
    %logistic3A_92 = arith.divf %logistic3A_90, %logistic3A_91 : vector<3072xf32>
    %reshape3A_93 = vector.shape_cast %logistic3A_92 : vector<3072xf32> to vector<12x256xf32>
    %swap3A = arith.constant 0 : index
    %swap3A_94 = arith.constant 0 : index
    %swap3A_95 = vector.load %arg22[%swap3A, %swap3A_94] : memref<12x256xf32, #tpu.memory_space<vmem>>, vector<12x256xf32>
    tpu.vector_store %arg22[%swap3A, %swap3A_94], %reshape3A_93 {strides = array<i32>} : memref<12x256xf32, #tpu.memory_space<vmem>>, vector<12x256xf32>,
    %get3A_96 = arith.constant 0 : index
    %get3A_97 = arith.constant 0 : index
    %get3A_98 = vector.load %arg16[%get3A_96, %get3A_97] : memref<100x100xf32, #tpu.memory_space<vmem>>, vector<100x100xf32>
    %dot_general3A_99 = arith.constant dense<0.000000e+00> : vector<3072x100xf32>
    %dot_general3A_100 = tpu.matmul %tanh3A_58, %get3A_98, %dot_general3A_99 {dimension_numbers = #tpu.dot_dimension_numbers<[1], [0], [0], [1], [0, 0, 1, 1], [], []>, transpose_lhs_hint = false} : vector<3072x100xf32>, vector<100x100xf32>, vector<3072x100xf32> -> vector<3072x100xf32>
    %add3A_101 = arith.addf %dot_general3A_100, %reshape3A_52 : vector<3072x100xf32>
    %tanh3A_102 = math.tanh %add3A_101 : vector<3072x100xf32>
    %get3A_103 = arith.constant 0 : index
    %get3A_104 = arith.constant 0 : index
    %get3A_105 = vector.load %arg18[%get3A_103, %get3A_104] : memref<100x100xf32, #tpu.memory_space<vmem>>, vector<100x100xf32>
    %dot_general3A_106 = arith.constant dense<0.000000e+00> : vector<3072x100xf32>
    %dot_general3A_107 = tpu.matmul %tanh3A_102, %get3A_105, %dot_general3A_106 {dimension_numbers = #tpu.dot_dimension_numbers<[1], [0], [0], [1], [0, 0, 1, 1], [], []>, transpose_lhs_hint = false} : vector<3072x100xf32>, vector<100x100xf32>, vector<3072x100xf32> -> vector<3072x100xf32>
    %get3A_108 = arith.constant 0 : index
    %get3A_109 = arith.constant 0 : index
    %get3A_110 = vector.load %arg19[%get3A_108, %get3A_109] : memref<1x100xf32, #tpu.memory_space<vmem>>, vector<1x100xf32>
    %add3A_111 = vector.broadcast %get3A_110 : vector<1x100xf32> to vector<3072x100xf32>
    %add3A_112 = arith.addf %dot_general3A_107, %add3A_111 : vector<3072x100xf32>
    %tanh3A_113 = math.tanh %add3A_112 : vector<3072x100xf32>
    %get3A_114 = arith.constant 0 : index
    %get3A_115 = arith.constant 0 : index
    %get3A_116 = vector.load %arg20[%get3A_114, %get3A_115] : memref<1x100xf32, #tpu.memory_space<vmem>>, vector<1x100xf32>
    %mul3A_117 = vector.broadcast %get3A_116 : vector<1x100xf32> to vector<3072x100xf32>
    %mul3A_118 = arith.mulf %tanh3A_113, %mul3A_117 : vector<3072x100xf32>
    %reduce_sum3A_119 = arith.constant dense<0.000000e+00> : vector<3072xf32>
    %reduce_sum3A_120 = vector.multi_reduction <add>, %mul3A_118, %reduce_sum3A_119 [1] : vector<3072x100xf32> to vector<3072xf32>
    %get3A_121 = arith.constant 0 : index
    %get3A_122 = arith.constant 0 : index
    %get3A_123 = vector.load %arg21[%get3A_121, %get3A_122] : memref<1x1xf32, #tpu.memory_space<vmem>>, vector<1x1xf32>
    %get3A_124 = vector.extract %get3A_123[0, 0] : f32 from vector<1x1xf32>
    %add3A_125 = vector.broadcast %get3A_124 : f32 to vector<3072xf32>
    %add3A_126 = arith.addf %reduce_sum3A_120, %add3A_125 : vector<3072xf32>
    %logistic3A_127 = arith.negf %add3A_126 : vector<3072xf32>
    %logistic3A_128 = math.exp %logistic3A_127 : vector<3072xf32>
    %logistic3A_129 = arith.constant 1.000000e+00 : f32
    %logistic3A_130 = vector.broadcast %logistic3A_129 : f32 to vector<3072xf32>
    %logistic3A_131 = arith.addf %logistic3A_130, %logistic3A_128 : vector<3072xf32>
    %logistic3A_132 = arith.divf %logistic3A_130, %logistic3A_131 : vector<3072xf32>
    %reshape3A_133 = vector.shape_cast %logistic3A_132 : vector<3072xf32> to vector<12x256xf32>
    %swap3A_134 = arith.constant 0 : index
    %swap3A_135 = arith.constant 0 : index
    %swap3A_136 = vector.load %arg23[%swap3A_134, %swap3A_135] : memref<12x256xf32, #tpu.memory_space<vmem>>, vector<12x256xf32>
    tpu.vector_store %arg23[%swap3A_134, %swap3A_135], %reshape3A_133 {strides = array<i32>} : memref<12x256xf32, #tpu.memory_space<vmem>>, vector<12x256xf32>,
    return
  }
  func.func @transform_0(%arg0: i32) -> (i32, i32) {
    %c0_i32 = arith.constant 0 : i32
    %c0_i32_0 = arith.constant 0 : i32
    return %arg0, %c0_i32 : i32, i32
  }
  func.func @transform_1(%arg0: i32) -> (i32, i32) {
    %c0_i32 = arith.constant 0 : i32
    %c0_i32_0 = arith.constant 0 : i32
    return %arg0, %c0_i32 : i32, i32
  }
  func.func @transform_2(%arg0: i32) -> (i32, i32, i32) {
    %c0_i32 = arith.constant 0 : i32
    %c0_i32_0 = arith.constant 0 : i32
    %c0_i32_1 = arith.constant 0 : i32
    return %c0_i32, %arg0, %c0_i32_0 : i32, i32, i32
  }
  func.func @transform_3(%arg0: i32) -> (i32, i32) {
    %c0_i32 = arith.constant 0 : i32
    %c0_i32_0 = arith.constant 0 : i32
    %c0_i32_1 = arith.constant 0 : i32
    return %c0_i32, %c0_i32_0 : i32, i32
  }
  func.func @transform_4(%arg0: i32) -> (i32, i32) {
    %c0_i32 = arith.constant 0 : i32
    %c0_i32_0 = arith.constant 0 : i32
    %c0_i32_1 = arith.constant 0 : i32
    return %c0_i32, %c0_i32_0 : i32, i32
  }
  func.func @transform_5(%arg0: i32) -> (i32, i32) {
    %c0_i32 = arith.constant 0 : i32
    %c0_i32_0 = arith.constant 0 : i32
    %c0_i32_1 = arith.constant 0 : i32
    return %c0_i32, %c0_i32_0 : i32, i32
  }
  func.func @transform_6(%arg0: i32) -> (i32, i32) {
    %c0_i32 = arith.constant 0 : i32
    %c0_i32_0 = arith.constant 0 : i32
    %c0_i32_1 = arith.constant 0 : i32
    return %c0_i32, %c0_i32_0 : i32, i32
  }
  func.func @transform_7(%arg0: i32) -> (i32, i32) {
    %c0_i32 = arith.constant 0 : i32
    %c0_i32_0 = arith.constant 0 : i32
    %c0_i32_1 = arith.constant 0 : i32
    return %c0_i32, %c0_i32_0 : i32, i32
  }
  func.func @transform_8(%arg0: i32) -> (i32, i32) {
    %c0_i32 = arith.constant 0 : i32
    %c0_i32_0 = arith.constant 0 : i32
    %c0_i32_1 = arith.constant 0 : i32
    return %c0_i32, %c0_i32_0 : i32, i32
  }
  func.func @transform_9(%arg0: i32) -> (i32, i32) {
    %c0_i32 = arith.constant 0 : i32
    %c0_i32_0 = arith.constant 0 : i32
    %c0_i32_1 = arith.constant 0 : i32
    return %c0_i32, %c0_i32_0 : i32, i32
  }
  func.func @transform_10(%arg0: i32) -> (i32, i32) {
    %c0_i32 = arith.constant 0 : i32
    %c0_i32_0 = arith.constant 0 : i32
    %c0_i32_1 = arith.constant 0 : i32
    return %c0_i32, %c0_i32_0 : i32, i32
  }
  func.func @transform_11(%arg0: i32) -> (i32, i32) {
    %c0_i32 = arith.constant 0 : i32
    %c0_i32_0 = arith.constant 0 : i32
    %c0_i32_1 = arith.constant 0 : i32
    return %c0_i32, %c0_i32_0 : i32, i32
  }
  func.func @transform_12(%arg0: i32) -> (i32, i32) {
    %c0_i32 = arith.constant 0 : i32
    %c0_i32_0 = arith.constant 0 : i32
    %c0_i32_1 = arith.constant 0 : i32
    return %c0_i32, %c0_i32_0 : i32, i32
  }
  func.func @transform_13(%arg0: i32) -> (i32, i32) {
    %c0_i32 = arith.constant 0 : i32
    %c0_i32_0 = arith.constant 0 : i32
    %c0_i32_1 = arith.constant 0 : i32
    return %c0_i32, %c0_i32_0 : i32, i32
  }
  func.func @transform_14(%arg0: i32) -> (i32, i32) {
    %c0_i32 = arith.constant 0 : i32
    %c0_i32_0 = arith.constant 0 : i32
    %c0_i32_1 = arith.constant 0 : i32
    return %c0_i32, %c0_i32_0 : i32, i32
  }
  func.func @transform_15(%arg0: i32) -> (i32, i32) {
    %c0_i32 = arith.constant 0 : i32
    %c0_i32_0 = arith.constant 0 : i32
    %c0_i32_1 = arith.constant 0 : i32
    return %c0_i32, %c0_i32_0 : i32, i32
  }
  func.func @transform_16(%arg0: i32) -> (i32, i32) {
    %c0_i32 = arith.constant 0 : i32
    %c0_i32_0 = arith.constant 0 : i32
    %c0_i32_1 = arith.constant 0 : i32
    return %c0_i32, %c0_i32_0 : i32, i32
  }
  func.func @transform_17(%arg0: i32) -> (i32, i32) {
    %c0_i32 = arith.constant 0 : i32
    %c0_i32_0 = arith.constant 0 : i32
    %c0_i32_1 = arith.constant 0 : i32
    return %c0_i32, %c0_i32_0 : i32, i32
  }
  func.func @transform_18(%arg0: i32) -> (i32, i32) {
    %c0_i32 = arith.constant 0 : i32
    %c0_i32_0 = arith.constant 0 : i32
    %c0_i32_1 = arith.constant 0 : i32
    return %c0_i32, %c0_i32_0 : i32, i32
  }
  func.func @transform_19(%arg0: i32) -> (i32, i32) {
    %c0_i32 = arith.constant 0 : i32
    %c0_i32_0 = arith.constant 0 : i32
    %c0_i32_1 = arith.constant 0 : i32
    return %c0_i32, %c0_i32_0 : i32, i32
  }
  func.func @transform_20(%arg0: i32) -> (i32, i32) {
    %c0_i32 = arith.constant 0 : i32
    %c0_i32_0 = arith.constant 0 : i32
    %c0_i32_1 = arith.constant 0 : i32
    return %c0_i32, %c0_i32_0 : i32, i32
  }
  func.func @transform_21(%arg0: i32) -> (i32, i32) {
    %c0_i32 = arith.constant 0 : i32
    %c0_i32_0 = arith.constant 0 : i32
    return %c0_i32, %arg0 : i32, i32
  }
  func.func @transform_22(%arg0: i32) -> (i32, i32) {
    %c0_i32 = arith.constant 0 : i32
    %c0_i32_0 = arith.constant 0 : i32
    return %c0_i32, %arg0 : i32, i32
  }
}

</mosaic_0001>

<sc_bundles>
// kernel: kernel.7.cloned.1.call-start
scs
__scs_entry_jumppad:
0x0: {  	(pc) =	sbr.rel $0x88, $3  }
0x1: {  	(tag) =	ssettag $0x0;
	lr =	simm.s32 $0x1  }
0x2: {  	[smem:$0x3F8A] =	sst lr;
	_ =	strace $0xD0000000  }
0x3: {  	_ = 	snop  }
0x4: {  	_ = 	snop  }
0x5: {  	_ = 	snop  }
0x6: {  	_ = 	snop  }
0x7: {  	_ = 	snop  }
__scs_overlays_trampoline_lowered:
0x8: {  	[smem:$0x3F99] =	sst s0  }
0x9: {  	[smem:$0x3F9A] =	sst s1  }
0xa: {  	[smem:$0x3F9B] =	sst s2  }
0xb: {  	[smem:$0x3F9C] =	sst s3  }
0xc: {  	[smem:$0x3F9D] =	sst s4  }
0xd: {  	[smem:$0x3F9E] =	sst s5  }
0xe: {  	[smem:$0x3F9F] =	sst s6  }
0xf: {  	[smem:$0x3FA0] =	sst s7  }
0x10: {  	[smem:$0x3FA1] =	sst s8  }
0x11: {  	[smem:$0x3FA2] =	sst s9;
	s0 =	simm.s32 @!p0 $0x0  }
0x12: {  	s1 =	sld [smem:$0x3F88];
	s0 =	simm.s32 @p0 $0x1  }
0x13: {  	[smem:$0x3FA3] =	sst s0;
	s0 =	simm.s32 @!p1 $0x0  }
0x14: {  	s2 =	sld [smem:$0x3F87];
	s0 =	simm.s32 @p1 $0x1  }
0x15: {  	[smem:$0x3FA4] =	sst s0;
	s0 =	simm.s32 @!p2 $0x0  }
0x16: {  	s3 =	sld [smem:$0x3FDB];
	s0 =	simm.s32 @p2 $0x1  }
0x17: {  	s4 =	simm.s32 $0x1BF5;
	[smem:$0x3FA6] =	sst s0  }
0x18: {  	s0 =	sld [smem:$0x3F89];
	_ =	swait.ge [sflag:s4], $0x0  }
0x19: {  	s7 =	sld [smem:$0x3F8A]  }
0x1a: {  	s8 =	sadd.s32 $0xFFFFE003, lr  }
0x1b: {  	s9 =	sadd.s32 $0xFFFFFEF7, lr;
	s5 =	simm.s32 $0xFFFFFFFF;
	p2 =	slt.u32 s8, $0xFFFFF086  }
0x1c: {  	p1 =	slt.u32 s9, $0xF7A;
	s5 =	simm.s32 @!p2 $0x0  }
0x1d: {  	s5 =	simm.s32 @p1 $0x1;
	p0 =	seq.s32 s7, s2  }
0x1e: {  	s7 =	smul.u32 @!p0 $0xF7A, s2;
	p2 =	seq.s32 @!p0 s5, $0x0  }
0x1f: {  	s9 =	smul.u32 $0xF7A, s1;
	s8 =	simm.s32 @!p0 $0x1BF5;
	p2 =	por !p2, p0  }
0x20: {  	[sflag:s8] =	ssyncset.s32 @!p0 $0xFFFFF086;
	s6 =	sadd.s32 @!p0 s3, s7;
	s7 =	simm.s32 @!p0 $0x108  }
0x21: {  	s3 =	sadd.s32 s3, s9;
	s6 =	sadd.s32 @!p0 $0x88, s6;
	s7 =	simm.s32 @p2 $0x1082  }
0x22: {  	[simem:s7], [sflag:s8] =	dma.local @!p0 [hbm:s6], $0xF7A  }
0x23: {  	s9 =	sor.u32 $0xD0000000, s2;
	s6 =	simm.s32 $0x108;
	_ =	swait.ge @!p0 [sflag:s8], $0x0  }
0x24: {  	s3 =	sadd.s32 $0x88, s3;
	s6 =	simm.s32 @!p1 $0x1082;
	[sflag:s4] =	ssyncset.s32 $0xFFFFF086  }
0x25: {  	[simem:s6], [sflag:s4] =	dma.local [hbm:s3], $0xF7A  }
0x26: {  	[smem:$0x3F8A] =	sst s1;
	(tag) =	ssettag s2;
	_ =	strace s9  }
0x27: {  	s1 =	sld [smem:$0x3F9A]  }
0x28: {  	s2 =	sld [smem:$0x3F9B]  }
0x29: {  	s4 =	sld [smem:$0x3F9D]  }
0x2a: {  	p0 =	seq.s32 s5, $0x0;
	s5 =	sld [smem:$0x3F9E]  }
0x2b: {  	s6 =	sld [smem:$0x3F9F]  }
0x2c: {  	s7 =	sld [smem:$0x3FA0]  }
0x2d: {  	s3 =	simm.s32 $0x108;
	s8 =	sld [smem:$0x3FA1]  }
0x2e: {  	s3 =	simm.s32 @!p0 $0x1082;
	s9 =	sld [smem:$0x3FA2]  }
0x2f: {  	lr =	sadd.s32 s0, s3;
	s0 =	sld [smem:$0x3F99]  }
0x30: {  	s3 =	sld [smem:$0x3F9C]  }
0x31: {  	[smem:$0x3FA5] =	sst s10  }
0x32: {  	s10 =	sld [smem:$0x3FA3];
	_ =	sdelay $0x3  }
0x33: {  	p0 =	seq.s32 s10, $0x1;
	s10 =	sld [smem:$0x3FA5];
	_ =	sdelay $0x3  }
0x34: {  	[smem:$0x3FA5] =	sst s10  }
0x35: {  	s10 =	sld [smem:$0x3FA4];
	_ =	sdelay $0x3  }
0x36: {  	p1 =	seq.s32 s10, $0x1;
	s10 =	sld [smem:$0x3FA5];
	_ =	sdelay $0x3  }
0x37: {  	[smem:$0x3FA5] =	sst s10  }
0x38: {  	s10 =	sld [smem:$0x3FA6]  }
0x39: {  	_ = 	snop;
	(pc) =	sbr.ind lr, $3  }
0x3a: {  	_ = 	snop  }
0x3b: {  	_ = 	snop  }
0x3c: {  	p2 =	seq.s32 s10, $0x1;
	s10 =	sld [smem:$0x3FA5]  }
0x3d: {  	_ =	shalt  }
0x3e: {  	_ =	shalt  }
0x3f: {  	_ =	shalt  }
0x40: {  	_ =	shalt  }
0x41: {  	_ =	shalt  }
0x42: {  	_ =	shalt  }
0x43: {  	_ =	shalt  }
0x44: {  	_ =	shalt  }
0x45: {  	_ =	shalt  }
0x46: {  	_ =	shalt  }
0x47: {  	_ =	shalt  }
0x48: {  	_ =	shalt  }
0x49: {  	_ =	shalt  }
0x4a: {  	_ =	shalt  }
0x4b: {  	_ =	shalt  }
0x4c: {  	_ =	shalt  }
0x4d: {  	_ =	shalt  }
0x4e: {  	_ =	shalt  }
0x4f: {  	_ =	shalt  }
0x50: {  	_ =	shalt  }
0x51: {  	_ =	shalt  }
0x52: {  	_ =	shalt  }
0x53: {  	_ =	shalt  }
0x54: {  	_ =	shalt  }
0x55: {  	_ =	shalt  }
0x56: {  	_ =	shalt  }
0x57: {  	_ =	shalt  }
0x58: {  	_ =	shalt  }
0x59: {  	_ =	shalt  }
0x5a: {  	_ =	shalt  }
0x5b: {  	_ =	shalt  }
0x5c: {  	_ =	shalt  }
0x5d: {  	_ =	shalt  }
0x5e: {  	_ =	shalt  }
0x5f: {  	_ =	shalt  }
0x60: {  	_ =	shalt  }
0x61: {  	_ =	shalt  }
0x62: {  	_ =	shalt  }
0x63: {  	_ =	shalt  }
0x64: {  	_ =	shalt  }
0x65: {  	_ =	shalt  }
0x66: {  	_ =	shalt  }
0x67: {  	_ =	shalt  }
0x68: {  	_ =	shalt  }
0x69: {  	_ =	shalt  }
0x6a: {  	_ =	shalt  }
0x6b: {  	_ =	shalt  }
0x6c: {  	_ =	shalt  }
0x6d: {  	_ =	shalt  }
0x6e: {  	_ =	shalt  }
0x6f: {  	_ =	shalt  }
0x70: {  	_ =	shalt  }
0x71: {  	_ =	shalt  }
0x72: {  	_ =	shalt  }
0x73: {  	_ =	shalt  }
0x74: {  	_ =	shalt  }
0x75: {  	_ =	shalt  }
0x76: {  	_ =	shalt  }
0x77: {  	_ =	shalt  }
0x78: {  	_ =	shalt  }
0x79: {  	_ =	shalt  }
0x7a: {  	_ =	shalt  }
0x7b: {  	_ =	shalt  }
0x7c: {  	_ =	shalt  }
0x7d: {  	_ =	shalt  }
0x7e: {  	_ =	shalt  }
0x7f: {  	_ =	shalt  }
0x80: {  	_ =	shalt  }
0x81: {  	_ =	shalt  }
0x82: {  	_ =	shalt  }
0x83: {  	_ =	shalt  }
0x84: {  	_ =	shalt  }
0x85: {  	_ =	shalt  }
0x86: {  	_ =	shalt  }
0x87: {  	_ =	shalt  }
.Lfunc_end0:
.L_simem_size_0:
called_computation_lowered:
.L_overlay_start_0:
0x88: {  	s2 =	sld [smem:$0x3FD9]  }
0x89: {  	s3 =	sld [smem:$0x3FFE];
	_ =	sdelay $0x1  }
0x8a: {  	s1 =	srdreg.scid  }
0x8b: {  	s0 =	sand.u32 $0x1, s1  }
0x8c: {  	s17 =	sshll.u32 s0, $0xA;
	s2 =	sadd.s32 s3, s2  }
0x8d: {  	s2 =	sadd.s32 s2, s17  }
0x8e: {  	[smem:$0x3FB1] =	sst s2  }
0x8f: {  	_ = 	snop  }
0x90: {  	s2 =	sld [smem:$0x3FC9]  }
0x91: {  	s18 =	sld [smem:$0x3FC8];
	(tm) =	ssettm $0x1  }
0x92: {  	s4 =	sld [smem:$0x3FFB];
	_ =	sdelay $0x3  }
0x93: {  	_ =	strace s4  }
0x94: {  	s4 =	sld [smem:$0x3FFC];
	_ =	sdelay $0x3  }
0x95: {  	_ =	strace s4  }
0x96: {  	s4 =	sld [smem:$0x3FFD];
	_ =	sdelay $0x3  }
0x97: {  	_ =	strace s4  }
0x98: {  	_ =	strace $0x8FFFFFFF  }
0x99: {  	s19 =	sld [smem:$0x3FDB];
	_ =	sdelay $0x1  }
0x9a: {  	s5 =	simm.s32 $_scs_section_size  }
0x9b: {  	s6 =	simm.s32 $_size__tile_overlayer_lowered;
	s7 =	simm.s32 $_tile_overlayer_lowered  }
0x9c: {  	s22 =	simm.s32 $0x1BFF;
	s21 =	sshll.u32 s7, $0x1;
	s4 =	sadd.s32 s5, s19  }
0x9d: {  	s8 =	simm.s32 $0x0;
	s20 =	sshll.u32 s6, $0x1;
	s6 =	sadd.s32 s21, s4  }
0x9e: {  	[timem:s8], [sflag:s22] =	dma.local [hbm:s6], s20  }
0x9f: {  	_ =	swait.ge [sflag:s22], s20  }
0xa0: {  	s5 =	ssub.s32 $0x0, s20;
	[sflag:s22] =	ssyncset.done $0x0  }
0xa1: {  	[sflag:s22] =	ssyncadd.s32 s5;
	_ =	sdelay $0x1  }
0xa2: {  	s23 =	simm.s32 $0x1B8B  }
0xa3: {  	_ =	swait.ge [sflag:s23], $0x1  }
0xa4: {  	[sflag:s23] =	ssyncset.done $0x0  }
0xa5: {  	s25 =	simm.s32 $0x1B8E;
	s24 =	sld [smem:$0x3FFE];
	[sflag:s23] =	ssyncadd.s32 $0xFFFFFFFF  }
0xa6: {  	s26 =	simm.s32 $execute0_lowered;
	[smem:$0x3FD2] =	sst s25  }
0xa7: {  	s6 =	sshll.u32 s26, $0x1;
	_ =	strace $0x80000046;
	[dreg:$0x1] =	wrdreg $0xFFFFFFFF  }
0xa8: {  	s28 =	simm.s32 $_size_execute0_lowered;
	s4 =	sadd.s32 s4, s6;
	[dreg:$0x0] =	wrdreg $0x0  }
0xa9: {  	s6 =	sshll.u32 s28, $0x1;
	[dreg:$0x2] =	wrdreg s4  }
0xaa: {  	[dreg:$0x3] =	wrdreg s6  }
0xab: {  	[dreg:$0x4] =	wrdreg $0xC0  }
0xac: {  	_ =	task [dreg:s8], $0x5FFFF  }
0xad: {  	[dreg:$0x1] =	wrdreg $0xFFFFFFFF  }
0xae: {  	[dreg:$0x0] =	wrdreg $0x60  }
0xaf: {  	[dreg:$0x2] =	wrdreg s2  }
0xb0: {  	[dreg:$0x3] =	wrdreg s18  }
0xb1: {  	[dreg:$0x4] =	wrdreg s24  }
0xb2: {  	[dreg:$0x5] =	wrdreg $0x9  }
0xb3: {  	_ =	task.clear_ibuf [dreg:s8], $0x6FFFF;
	_ =	strace $0x90000046  }
0xb4: {  	s29 =	simm.s32 $0x9;
	_ =	strace $0x80000048  }
0xb5: {  	_ =	swait.ge [sflag:s29], $0x1  }
0xb6: {  	[sflag:s29] =	ssyncadd.s32 $0xFFFFFFFF  }
0xb7: {  	_ =	strace $0x90000048  }
0xb8: {  	_ =	sfence  }
0xb9: {  	s30 =	sld [smem:$0x0];
	_ =	sdelay $0x2  }
0xba: {  	s31 =	sshll.u32 s1, $0xD;
	s1 =	sshrl.u32 s1, $0x2  }
0xbb: {  	s3 =	sand.u32 $0x4000, s31;
	s1 =	sadd.s32 s1, s30  }
0xbc: {  	s0 =	sor.u32 s3, s0;
	s1 =	sshll.u32 s1, $0x11  }
0xbd: {  	s0 =	sor.u32 s1, s0  }
0xbe: {  	s0 =	sadd.s32 $0x8F2B, s0  }
0xbf: {  	[sflag:s0] =	ssyncadd.remote.s32 $0x1  }
0xc0: {  	_ =	sfence.sel $0xFFFF  }
0xc1: {  	[dreg:$0x0] =	wrdreg $0xFFFFFFFF;
	(pc) =	sbr.abs _section_cstart, $3  }
0xc2: {  	[dreg:$0x1] =	wrdreg $0xFFFFFFFF  }
0xc3: {  	_ =	task.clear_ibuf [dreg:s8], $0x2FFFF;
	_ =	strace $0x9FFFFFFF  }
0xc4: {  	(tm) =	ssettm $0x7FFFFFFF  }
0xc5: {  	_ =	shalt  }
tec
execute0_lowered:
.L_overlay_start_1:
0x0: {  	(tag) =	ssettag $0x1  }
0x1: {  	s0 =	rddreg [dreg:$0x0]  }
0x2: {  	s2 =	rddreg [dreg:$0x1]  }
0x3: {  	s11 =	rddreg [dreg:$0x2];
	s1 =	simm.s32 $0x0  }
0x4: {  	s6 =	srdreg.scid;
	s7 =	stileid.u32;
	s18 =	simm.s32 $0x10  }
0x5: {  	s19 =	simm.s32 $0x100;
	s20 =	simm.s32 $0x1;
	s29 =	simm.s32 $0xF00  }
0x6: {  	s26 =	simm.s32 $0x8;
	s31 =	simm.s32 $0xD;
	s21 =	simm.s32 $0xE  }
0x7: {  	v20 =	vlaneseq.u32;
	s22 =	simm.s32 $0x0;
	[smem:$0x7FF] =	sst s1;
	s3 =	sadd.s32 $0x6E4200, s11  }
0x8: {  	s4 =	sadd.s32 $0x18BC00, s11;
	s5 =	sadd.s32 $0x4000, s11;
	s10 =	sand.u32 $0x1, s6;
	v0 =	vmul.u32 $0x80, v20  }
0x9: {  	vm0 =	vmmov $0xffff;
	s6 =	sadd.s32 $0x313800, s11;
	s9 =	sshll.u32 s7, $0x8;
	s7 =	sadd.s32 $0x620C00, s11;
	v21 =	vshrl.u32 v20, $0x3  }
0xa: {  	s8 =	sadd.s32 $0x7A7800, s11;
	v20 =	vand.u32 $0x7, v20;
	_ =	strace $0x80000047;
	s12 =	sshll.u32 s10, $0x7;
	v21 =	vmul.u32 $0x8, v21;
	v1 =	vor.u32 $0x1, v0  }
0xb: {  	s14 =	ssub.s32 $0x2, s10;
	s12 =	sor.u32 s12, s9;
	s9 =	sadd.s32 $0x7E7800, s11;
	v2 =	vor.u32 $0x2, v0;
	v3 =	vor.u32 $0x3, v0;
	v4 =	vor.u32 $0x4, v0  }
0xc: {  	s28 =	sshrl.u32 s14, $0x1;
	v5 =	vor.u32 $0x5, v0;
	v6 =	vor.u32 $0x6, v0;
	v7 =	vor.u32 $0x7, v0;
	s13 =	sshll.u32 s12, $0x4;
	s10 =	sshrl.u32 s12, $0x3  }
0xd: {  	v8 =	vor.u32 $0x8, v0;
	v9 =	vor.u32 $0x9, v0;
	v10 =	vor.u32 $0xA, v0;
	s16 =	ssub.s32 s14, s28;
	s15 =	sadd.s32 s13, s11;
	s0 =	sadd.s32 s0, s10  }
0xe: {  	v11 =	vor.u32 $0xB, v0;
	v12 =	vor.u32 $0xC, v0;
	v13 =	vor.u32 $0xD, v0;
	s30 =	sadd.s32 s2, s10;
	s13 =	sadd.s32 $0x313900, s11;
	[dreg:$0x4] =	wrdreg s0  }
0xf: {  	v14 =	vor.u32 $0xE, v0;
	v15 =	vor.u32 $0xF, v0;
	v16 =	vor.u32 $0x10, v0;
	s2 =	simm.s32 $0x140;
	[dreg:$0x5] =	wrdreg s30;
	s14 =	sadd.s32 $0x7F7800, s15  }
0x10: {  	v17 =	vor.u32 $0x11, v0;
	v18 =	vor.u32 $0x12, v0;
	v19 =	vor.u32 $0x13, v0;
	s15 =	smax.u32 s16, $0x1;
	s16 =	simm.s32 $0xF;
	s0 =	simm.s32 $0x6  }
.LBB2_1:
0x11: {  	s11 =	rddreg [dreg:$0x4]  }
0x12: {  	[tilespmem:s1], [sflag:$0xF] =	stream.linear.gather [hbm4b:s11+s1], $0x80, $0x38;
	[tilespmem:$0x1B300] =	vst v63  }
0x13: {  	_ =	swait.ge [sflag:s16], $0x80  }
0x14: {  	[sflag:s16] =	ssyncset.done $0x0  }
0x15: {  	s12 =	simm.s32 $0x80;
	s24 =	rddreg [dreg:$0x5];
	[sflag:s16] =	ssyncadd.s32 $0xFFFFFF80  }
0x16: {  	[tilespmem:s12], [sflag:$0xF] =	stream.linear.gather [hbm4b:s24+s1], $0x80, $0x38;
	[tilespmem:$0x1B300] =	vst v63  }
0x17: {  	_ =	swait.ge [sflag:s16], $0x80  }
0x18: {  	[sflag:s16] =	ssyncset.done $0x0  }
0x19: {  	[sflag:s16] =	ssyncadd.s32 $0xFFFFFF80  }
0x1a: {  	[tilespmem:s19], [sflag:$0x1] =	stream.indirect.gather [hbm4b:s3+s18], $0x80, s1, s18, $0xb8;
	[tilespmem:$0x1B300] =	vst v63  }
0x1b: {  	_ =	swait.ge [sflag:s20], $0x800  }
0x1c: {  	[sflag:s20] =	ssyncset.done $0x0  }
0x1d: {  	[sflag:s20] =	ssyncadd.s32 $0xFFFFF800  }
0x1e: {  	v22 =	vld.idx.msk [tilespmem:v0+s19+$0x0], $0xffff;
	_ =	sdelay $0x4  }
0x1f: {  	[tilespmem:$0x900] =	vst v22  }
0x20: {  	v22 =	vld.idx.msk [tilespmem:v1+s19+$0x0], $0xffff;
	_ =	sdelay $0x4  }
0x21: {  	[tilespmem:$0x980] =	vst v22  }
0x22: {  	v22 =	vld.idx.msk [tilespmem:v2+s19+$0x0], $0xffff;
	_ =	sdelay $0x4  }
0x23: {  	[tilespmem:$0xA00] =	vst v22  }
0x24: {  	v22 =	vld.idx.msk [tilespmem:v3+s19+$0x0], $0xffff;
	_ =	sdelay $0x4  }
0x25: {  	[tilespmem:$0xA80] =	vst v22  }
0x26: {  	v22 =	vld.idx.msk [tilespmem:v4+s19+$0x0], $0xffff;
	_ =	sdelay $0x4  }
0x27: {  	[tilespmem:$0xB00] =	vst v22  }
0x28: {  	v22 =	vld.idx.msk [tilespmem:v5+s19+$0x0], $0xffff;
	_ =	sdelay $0x4  }
0x29: {  	[tilespmem:$0xB80] =	vst v22  }
0x2a: {  	v22 =	vld.idx.msk [tilespmem:v6+s19+$0x0], $0xffff;
	_ =	sdelay $0x4  }
0x2b: {  	[tilespmem:$0xC00] =	vst v22  }
0x2c: {  	v22 =	vld.idx.msk [tilespmem:v7+s19+$0x0], $0xffff;
	_ =	sdelay $0x4  }
0x2d: {  	[tilespmem:$0xC80] =	vst v22  }
0x2e: {  	v22 =	vld.idx.msk [tilespmem:v8+s19+$0x0], $0xffff;
	_ =	sdelay $0x4  }
0x2f: {  	[tilespmem:$0xD00] =	vst v22  }
0x30: {  	v22 =	vld.idx.msk [tilespmem:v9+s19+$0x0], $0xffff;
	_ =	sdelay $0x4  }
0x31: {  	[tilespmem:$0xD80] =	vst v22  }
0x32: {  	v22 =	vld.idx.msk [tilespmem:v10+s19+$0x0], $0xffff;
	_ =	sdelay $0x4  }
0x33: {  	[tilespmem:$0xE00] =	vst v22  }
0x34: {  	v22 =	vld.idx.msk [tilespmem:v11+s19+$0x0], $0xffff;
	_ =	sdelay $0x4  }
0x35: {  	[tilespmem:$0xE80] =	vst v22  }
0x36: {  	[tilespmem:s19], [sflag:$0x1] =	stream.indirect.gather [hbm4b:s3+s18], $0x80, s18, s18, $0xb8;
	[tilespmem:$0x1B300] =	vst v63  }
0x37: {  	_ =	swait.ge [sflag:s20], $0x800  }
0x38: {  	[sflag:s20] =	ssyncset.done $0x0  }
0x39: {  	[sflag:s20] =	ssyncadd.s32 $0xFFFFF800  }
0x3a: {  	v22 =	vld.idx.msk [tilespmem:v0+s19+$0x0], $0xffff;
	_ =	sdelay $0x4  }
0x3b: {  	[tilespmem:$0x910] =	vst v22  }
0x3c: {  	v22 =	vld.idx.msk [tilespmem:v1+s19+$0x0], $0xffff;
	_ =	sdelay $0x4  }
0x3d: {  	[tilespmem:$0x990] =	vst v22  }
0x3e: {  	v22 =	vld.idx.msk [tilespmem:v2+s19+$0x0], $0xffff;
	_ =	sdelay $0x4  }
0x3f: {  	[tilespmem:$0xA10] =	vst v22  }
0x40: {  	v22 =	vld.idx.msk [tilespmem:v3+s19+$0x0], $0xffff;
	_ =	sdelay $0x4  }
0x41: {  	[tilespmem:$0xA90] =	vst v22  }
0x42: {  	v22 =	vld.idx.msk [tilespmem:v4+s19+$0x0], $0xffff;
	_ =	sdelay $0x4  }
0x43: {  	[tilespmem:$0xB10] =	vst v22  }
0x44: {  	v22 =	vld.idx.msk [tilespmem:v5+s19+$0x0], $0xffff;
	_ =	sdelay $0x4  }
0x45: {  	[tilespmem:$0xB90] =	vst v22  }
0x46: {  	v22 =	vld.idx.msk [tilespmem:v6+s19+$0x0], $0xffff;
	_ =	sdelay $0x4  }
0x47: {  	[tilespmem:$0xC10] =	vst v22  }
0x48: {  	v22 =	vld.idx.msk [tilespmem:v7+s19+$0x0], $0xffff;
	_ =	sdelay $0x4  }
0x49: {  	[tilespmem:$0xC90] =	vst v22  }
0x4a: {  	v22 =	vld.idx.msk [tilespmem:v8+s19+$0x0], $0xffff;
	_ =	sdelay $0x4  }
0x4b: {  	[tilespmem:$0xD10] =	vst v22  }
0x4c: {  	v22 =	vld.idx.msk [tilespmem:v9+s19+$0x0], $0xffff;
	_ =	sdelay $0x4  }
0x4d: {  	[tilespmem:$0xD90] =	vst v22  }
0x4e: {  	v22 =	vld.idx.msk [tilespmem:v10+s19+$0x0], $0xffff;
	_ =	sdelay $0x4  }
0x4f: {  	[tilespmem:$0xE10] =	vst v22  }
0x50: {  	v22 =	vld.idx.msk [tilespmem:v11+s19+$0x0], $0xffff;
	_ =	sdelay $0x4  }
0x51: {  	s25 =	simm.s32 $0x20;
	[tilespmem:$0xE90] =	vst v22  }
0x52: {  	[tilespmem:s19], [sflag:$0x1] =	stream.indirect.gather [hbm4b:s3+s18], $0x80, s25, s18, $0xb8;
	[tilespmem:$0x1B300] =	vst v63  }
0x53: {  	_ =	swait.ge [sflag:s20], $0x800  }
0x54: {  	[sflag:s20] =	ssyncset.done $0x0  }
0x55: {  	[sflag:s20] =	ssyncadd.s32 $0xFFFFF800  }
0x56: {  	v22 =	vld.idx.msk [tilespmem:v0+s19+$0x0], $0xffff;
	_ =	sdelay $0x4  }
0x57: {  	[tilespmem:$0x920] =	vst v22  }
0x58: {  	v22 =	vld.idx.msk [tilespmem:v1+s19+$0x0], $0xffff;
	_ =	sdelay $0x4  }
0x59: {  	[tilespmem:$0x9A0] =	vst v22  }
0x5a: {  	v22 =	vld.idx.msk [tilespmem:v2+s19+$0x0], $0xffff;
	_ =	sdelay $0x4  }
0x5b: {  	[tilespmem:$0xA20] =	vst v22  }
0x5c: {  	v22 =	vld.idx.msk [tilespmem:v3+s19+$0x0], $0xffff;
	_ =	sdelay $0x4  }
0x5d: {  	[tilespmem:$0xAA0] =	vst v22  }
0x5e: {  	v22 =	vld.idx.msk [tilespmem:v4+s19+$0x0], $0xffff;
	_ =	sdelay $0x4  }
0x5f: {  	[tilespmem:$0xB20] =	vst v22  }
0x60: {  	v22 =	vld.idx.msk [tilespmem:v5+s19+$0x0], $0xffff;
	_ =	sdelay $0x4  }
0x61: {  	[tilespmem:$0xBA0] =	vst v22  }
0x62: {  	v22 =	vld.idx.msk [tilespmem:v6+s19+$0x0], $0xffff;
	_ =	sdelay $0x4  }
0x63: {  	[tilespmem:$0xC20] =	vst v22  }
0x64: {  	v22 =	vld.idx.msk [tilespmem:v7+s19+$0x0], $0xffff;
	_ =	sdelay $0x4  }
0x65: {  	[tilespmem:$0xCA0] =	vst v22  }
0x66: {  	v22 =	vld.idx.msk [tilespmem:v8+s19+$0x0], $0xffff;
	_ =	sdelay $0x4  }
0x67: {  	[tilespmem:$0xD20] =	vst v22  }
0x68: {  	v22 =	vld.idx.msk [tilespmem:v9+s19+$0x0], $0xffff;
	_ =	sdelay $0x4  }
0x69: {  	[tilespmem:$0xDA0] =	vst v22  }
0x6a: {  	v22 =	vld.idx.msk [tilespmem:v10+s19+$0x0], $0xffff;
	_ =	sdelay $0x4  }
0x6b: {  	[tilespmem:$0xE20] =	vst v22  }
0x6c: {  	v22 =	vld.idx.msk [tilespmem:v11+s19+$0x0], $0xffff;
	_ =	sdelay $0x4  }
0x6d: {  	s28 =	simm.s32 $0x30;
	[tilespmem:$0xEA0] =	vst v22  }
0x6e: {  	[tilespmem:s19], [sflag:$0x1] =	stream.indirect.gather [hbm4b:s3+s18], $0x80, s28, s18, $0xb8;
	[tilespmem:$0x1B300] =	vst v63  }
0x6f: {  	_ =	swait.ge [sflag:s20], $0x800  }
0x70: {  	[sflag:s20] =	ssyncset.done $0x0  }
0x71: {  	[sflag:s20] =	ssyncadd.s32 $0xFFFFF800  }
0x72: {  	v22 =	vld.idx.msk [tilespmem:v0+s19+$0x0], $0xffff;
	_ =	sdelay $0x4  }
0x73: {  	[tilespmem:$0x930] =	vst v22  }
0x74: {  	v22 =	vld.idx.msk [tilespmem:v1+s19+$0x0], $0xffff;
	_ =	sdelay $0x4  }
0x75: {  	[tilespmem:$0x9B0] =	vst v22  }
0x76: {  	v22 =	vld.idx.msk [tilespmem:v2+s19+$0x0], $0xffff;
	_ =	sdelay $0x4  }
0x77: {  	[tilespmem:$0xA30] =	vst v22  }
0x78: {  	v22 =	vld.idx.msk [tilespmem:v3+s19+$0x0], $0xffff;
	_ =	sdelay $0x4  }
0x79: {  	[tilespmem:$0xAB0] =	vst v22  }
0x7a: {  	v22 =	vld.idx.msk [tilespmem:v4+s19+$0x0], $0xffff;
	_ =	sdelay $0x4  }
0x7b: {  	[tilespmem:$0xB30] =	vst v22  }
0x7c: {  	v22 =	vld.idx.msk [tilespmem:v5+s19+$0x0], $0xffff;
	_ =	sdelay $0x4  }
0x7d: {  	[tilespmem:$0xBB0] =	vst v22  }
0x7e: {  	v22 =	vld.idx.msk [tilespmem:v6+s19+$0x0], $0xffff;
	_ =	sdelay $0x4  }
0x7f: {  	[tilespmem:$0xC30] =	vst v22  }
0x80: {  	v22 =	vld.idx.msk [tilespmem:v7+s19+$0x0], $0xffff;
	_ =	sdelay $0x4  }
0x81: {  	[tilespmem:$0xCB0] =	vst v22  }
0x82: {  	v22 =	vld.idx.msk [tilespmem:v8+s19+$0x0], $0xffff;
	_ =	sdelay $0x4  }
0x83: {  	[tilespmem:$0xD30] =	vst v22  }
0x84: {  	v22 =	vld.idx.msk [tilespmem:v9+s19+$0x0], $0xffff;
	_ =	sdelay $0x4  }
0x85: {  	[tilespmem:$0xDB0] =	vst v22  }
0x86: {  	v22 =	vld.idx.msk [tilespmem:v10+s19+$0x0], $0xffff;
	_ =	sdelay $0x4  }
0x87: {  	[tilespmem:$0xE30] =	vst v22  }
0x88: {  	v22 =	vld.idx.msk [tilespmem:v11+s19+$0x0], $0xffff;
	_ =	sdelay $0x4  }
0x89: {  	s30 =	simm.s32 $0x40;
	[tilespmem:$0xEB0] =	vst v22  }
0x8a: {  	[tilespmem:s19], [sflag:$0x1] =	stream.indirect.gather [hbm4b:s3+s18], $0x80, s30, s18, $0xb8;
	[tilespmem:$0x1B300] =	vst v63  }
0x8b: {  	_ =	swait.ge [sflag:s20], $0x800  }
0x8c: {  	[sflag:s20] =	ssyncset.done $0x0  }
0x8d: {  	[sflag:s20] =	ssyncadd.s32 $0xFFFFF800  }
0x8e: {  	v22 =	vld.idx.msk [tilespmem:v0+s19+$0x0], $0xffff;
	_ =	sdelay $0x4  }
0x8f: {  	[tilespmem:$0x940] =	vst v22  }
0x90: {  	v22 =	vld.idx.msk [tilespmem:v1+s19+$0x0], $0xffff;
	_ =	sdelay $0x4  }
0x91: {  	[tilespmem:$0x9C0] =	vst v22  }
0x92: {  	v22 =	vld.idx.msk [tilespmem:v2+s19+$0x0], $0xffff;
	_ =	sdelay $0x4  }
0x93: {  	[tilespmem:$0xA40] =	vst v22  }
0x94: {  	v22 =	vld.idx.msk [tilespmem:v3+s19+$0x0], $0xffff;
	_ =	sdelay $0x4  }
0x95: {  	[tilespmem:$0xAC0] =	vst v22  }
0x96: {  	v22 =	vld.idx.msk [tilespmem:v4+s19+$0x0], $0xffff;
	_ =	sdelay $0x4  }
0x97: {  	[tilespmem:$0xB40] =	vst v22  }
0x98: {  	v22 =	vld.idx.msk [tilespmem:v5+s19+$0x0], $0xffff;
	_ =	sdelay $0x4  }
0x99: {  	[tilespmem:$0xBC0] =	vst v22  }
0x9a: {  	v22 =	vld.idx.msk [tilespmem:v6+s19+$0x0], $0xffff;
	_ =	sdelay $0x4  }
0x9b: {  	[tilespmem:$0xC40] =	vst v22  }
0x9c: {  	v22 =	vld.idx.msk [tilespmem:v7+s19+$0x0], $0xffff;
	_ =	sdelay $0x4  }
0x9d: {  	[tilespmem:$0xCC0] =	vst v22  }
0x9e: {  	v22 =	vld.idx.msk [tilespmem:v8+s19+$0x0], $0xffff;
	_ =	sdelay $0x4  }
0x9f: {  	[tilespmem:$0xD40] =	vst v22  }
0xa0: {  	v22 =	vld.idx.msk [tilespmem:v9+s19+$0x0], $0xffff;
	_ =	sdelay $0x4  }
0xa1: {  	[tilespmem:$0xDC0] =	vst v22  }
0xa2: {  	v22 =	vld.idx.msk [tilespmem:v10+s19+$0x0], $0xffff;
	_ =	sdelay $0x4  }
0xa3: {  	[tilespmem:$0xE40] =	vst v22  }
0xa4: {  	v22 =	vld.idx.msk [tilespmem:v11+s19+$0x0], $0xffff;
	_ =	sdelay $0x4  }
0xa5: {  	s17 =	simm.s32 $0x50;
	[tilespmem:$0xEC0] =	vst v22  }
0xa6: {  	[tilespmem:s19], [sflag:$0x1] =	stream.indirect.gather [hbm4b:s3+s18], $0x80, s17, s18, $0xb8;
	[tilespmem:$0x1B300] =	vst v63  }
0xa7: {  	_ =	swait.ge [sflag:s20], $0x800  }
0xa8: {  	[sflag:s20] =	ssyncset.done $0x0  }
0xa9: {  	[sflag:s20] =	ssyncadd.s32 $0xFFFFF800  }
0xaa: {  	v22 =	vld.idx.msk [tilespmem:v0+s19+$0x0], $0xffff;
	_ =	sdelay $0x4  }
0xab: {  	[tilespmem:$0x950] =	vst v22  }
0xac: {  	v22 =	vld.idx.msk [tilespmem:v1+s19+$0x0], $0xffff;
	_ =	sdelay $0x4  }
0xad: {  	[tilespmem:$0x9D0] =	vst v22  }
0xae: {  	v22 =	vld.idx.msk [tilespmem:v2+s19+$0x0], $0xffff;
	_ =	sdelay $0x4  }
0xaf: {  	[tilespmem:$0xA50] =	vst v22  }
0xb0: {  	v22 =	vld.idx.msk [tilespmem:v3+s19+$0x0], $0xffff;
	_ =	sdelay $0x4  }
0xb1: {  	[tilespmem:$0xAD0] =	vst v22  }
0xb2: {  	v22 =	vld.idx.msk [tilespmem:v4+s19+$0x0], $0xffff;
	_ =	sdelay $0x4  }
0xb3: {  	[tilespmem:$0xB50] =	vst v22  }
0xb4: {  	v22 =	vld.idx.msk [tilespmem:v5+s19+$0x0], $0xffff;
	_ =	sdelay $0x4  }
0xb5: {  	[tilespmem:$0xBD0] =	vst v22  }
0xb6: {  	v22 =	vld.idx.msk [tilespmem:v6+s19+$0x0], $0xffff;
	_ =	sdelay $0x4  }
0xb7: {  	[tilespmem:$0xC50] =	vst v22  }
0xb8: {  	v22 =	vld.idx.msk [tilespmem:v7+s19+$0x0], $0xffff;
	_ =	sdelay $0x4  }
0xb9: {  	[tilespmem:$0xCD0] =	vst v22  }
0xba: {  	v22 =	vld.idx.msk [tilespmem:v8+s19+$0x0], $0xffff;
	_ =	sdelay $0x4  }
0xbb: {  	[tilespmem:$0xD50] =	vst v22  }
0xbc: {  	v22 =	vld.idx.msk [tilespmem:v9+s19+$0x0], $0xffff;
	_ =	sdelay $0x4  }
0xbd: {  	[tilespmem:$0xDD0] =	vst v22  }
0xbe: {  	v22 =	vld.idx.msk [tilespmem:v10+s19+$0x0], $0xffff;
	_ =	sdelay $0x4  }
0xbf: {  	[tilespmem:$0xE50] =	vst v22  }
0xc0: {  	v22 =	vld.idx.msk [tilespmem:v11+s19+$0x0], $0xffff;
	_ =	sdelay $0x4  }
0xc1: {  	s23 =	simm.s32 $0x60;
	[tilespmem:$0xED0] =	vst v22  }
0xc2: {  	[tilespmem:s19], [sflag:$0x1] =	stream.indirect.gather [hbm4b:s3+s18], $0x80, s23, s18, $0xb8;
	[tilespmem:$0x1B300] =	vst v63  }
0xc3: {  	_ =	swait.ge [sflag:s20], $0x800  }
0xc4: {  	[sflag:s20] =	ssyncset.done $0x0  }
0xc5: {  	[sflag:s20] =	ssyncadd.s32 $0xFFFFF800  }
0xc6: {  	v22 =	vld.idx.msk [tilespmem:v0+s19+$0x0], $0xffff;
	_ =	sdelay $0x4  }
0xc7: {  	[tilespmem:$0x960] =	vst v22  }
0xc8: {  	v22 =	vld.idx.msk [tilespmem:v1+s19+$0x0], $0xffff;
	_ =	sdelay $0x4  }
0xc9: {  	[tilespmem:$0x9E0] =	vst v22  }
0xca: {  	v22 =	vld.idx.msk [tilespmem:v2+s19+$0x0], $0xffff;
	_ =	sdelay $0x4  }
0xcb: {  	[tilespmem:$0xA60] =	vst v22  }
0xcc: {  	v22 =	vld.idx.msk [tilespmem:v3+s19+$0x0], $0xffff;
	_ =	sdelay $0x4  }
0xcd: {  	[tilespmem:$0xAE0] =	vst v22  }
0xce: {  	v22 =	vld.idx.msk [tilespmem:v4+s19+$0x0], $0xffff;
	_ =	sdelay $0x4  }
0xcf: {  	[tilespmem:$0xB60] =	vst v22  }
0xd0: {  	v22 =	vld.idx.msk [tilespmem:v5+s19+$0x0], $0xffff;
	_ =	sdelay $0x4  }
0xd1: {  	[tilespmem:$0xBE0] =	vst v22  }
0xd2: {  	v22 =	vld.idx.msk [tilespmem:v6+s19+$0x0], $0xffff;
	_ =	sdelay $0x4  }
0xd3: {  	[tilespmem:$0xC60] =	vst v22  }
0xd4: {  	v22 =	vld.idx.msk [tilespmem:v7+s19+$0x0], $0xffff;
	_ =	sdelay $0x4  }
0xd5: {  	[tilespmem:$0xCE0] =	vst v22  }
0xd6: {  	v22 =	vld.idx.msk [tilespmem:v8+s19+$0x0], $0xffff;
	_ =	sdelay $0x4  }
0xd7: {  	[tilespmem:$0xD60] =	vst v22  }
0xd8: {  	v22 =	vld.idx.msk [tilespmem:v9+s19+$0x0], $0xffff;
	_ =	sdelay $0x4  }
0xd9: {  	[tilespmem:$0xDE0] =	vst v22  }
0xda: {  	v22 =	vld.idx.msk [tilespmem:v10+s19+$0x0], $0xffff;
	_ =	sdelay $0x4  }
0xdb: {  	[tilespmem:$0xE60] =	vst v22  }
0xdc: {  	v22 =	vld.idx.msk [tilespmem:v11+s19+$0x0], $0xffff;
	_ =	sdelay $0x4  }
0xdd: {  	s24 =	simm.s32 $0x70;
	[tilespmem:$0xEE0] =	vst v22  }
0xde: {  	[tilespmem:s19], [sflag:$0x1] =	stream.indirect.gather [hbm4b:s3+s18], $0x80, s24, s18, $0xb8;
	[tilespmem:$0x1B300] =	vst v63  }
0xdf: {  	_ =	swait.ge [sflag:s20], $0x800  }
0xe0: {  	[sflag:s20] =	ssyncset.done $0x0  }
0xe1: {  	[sflag:s20] =	ssyncadd.s32 $0xFFFFF800  }
0xe2: {  	v22 =	vld.idx.msk [tilespmem:v0+s19+$0x0], $0xffff;
	_ =	sdelay $0x4  }
0xe3: {  	[tilespmem:$0x970] =	vst v22  }
0xe4: {  	v22 =	vld.idx.msk [tilespmem:v1+s19+$0x0], $0xffff;
	_ =	sdelay $0x4  }
0xe5: {  	[tilespmem:$0x9F0] =	vst v22  }
0xe6: {  	v22 =	vld.idx.msk [tilespmem:v2+s19+$0x0], $0xffff;
	_ =	sdelay $0x4  }
0xe7: {  	[tilespmem:$0xA70] =	vst v22  }
0xe8: {  	v22 =	vld.idx.msk [tilespmem:v3+s19+$0x0], $0xffff;
	_ =	sdelay $0x4  }
0xe9: {  	[tilespmem:$0xAF0] =	vst v22  }
0xea: {  	v22 =	vld.idx.msk [tilespmem:v4+s19+$0x0], $0xffff;
	_ =	sdelay $0x4  }
0xeb: {  	[tilespmem:$0xB70] =	vst v22  }
0xec: {  	v22 =	vld.idx.msk [tilespmem:v5+s19+$0x0], $0xffff;
	_ =	sdelay $0x4  }
0xed: {  	[tilespmem:$0xBF0] =	vst v22  }
0xee: {  	v22 =	vld.idx.msk [tilespmem:v6+s19+$0x0], $0xffff;
	_ =	sdelay $0x4  }
0xef: {  	[tilespmem:$0xC70] =	vst v22  }
0xf0: {  	v22 =	vld.idx.msk [tilespmem:v7+s19+$0x0], $0xffff;
	_ =	sdelay $0x4  }
0xf1: {  	[tilespmem:$0xCF0] =	vst v22  }
0xf2: {  	v22 =	vld.idx.msk [tilespmem:v8+s19+$0x0], $0xffff;
	_ =	sdelay $0x4  }
0xf3: {  	[tilespmem:$0xD70] =	vst v22  }
0xf4: {  	v22 =	vld.idx.msk [tilespmem:v9+s19+$0x0], $0xffff;
	_ =	sdelay $0x4  }
0xf5: {  	[tilespmem:$0xDF0] =	vst v22  }
0xf6: {  	v22 =	vld.idx.msk [tilespmem:v10+s19+$0x0], $0xffff;
	_ =	sdelay $0x4  }
0xf7: {  	[tilespmem:$0xE70] =	vst v22  }
0xf8: {  	v22 =	vld.idx.msk [tilespmem:v11+s19+$0x0], $0xffff;
	_ =	sdelay $0x4  }
0xf9: {  	s25 =	simm.s32 $0x900;
	[tilespmem:$0xEF0] =	vst v22  }
0xfa: {  	[tilespmem:s29], [sflag:$0x6] =	stream.indirect.gather [hbm4b:s4+s18], $0x80, s25, s18, $0xb8;
	[tilespmem:$0x1B300] =	vst v63  }
0xfb: {  	s17 =	simm.s32 $0x910;
	s23 =	simm.s32 $0x1700  }
0xfc: {  	[tilespmem:s23], [sflag:$0x7] =	stream.indirect.gather [hbm4b:s4+s18], $0x80, s17, s18, $0xb8;
	[tilespmem:$0x1B300] =	vst v63  }
0xfd: {  	_ =	swait.ge [sflag:s0], $0x800  }
0xfe: {  	[sflag:s0] =	ssyncset.done $0x0  }
0xff: {  	[sflag:s0] =	ssyncadd.s32 $0xFFFFF800  }
0x100: {  	v22 =	vld.idx.msk [tilespmem:v0+s29+$0x0], $0xffff;
	_ =	sdelay $0x4  }
0x101: {  	[tilespmem:$0x2700] =	vst v22  }
0x102: {  	v22 =	vld.idx.msk [tilespmem:v1+s29+$0x0], $0xffff;
	_ =	sdelay $0x4  }
0x103: {  	[tilespmem:$0x2710] =	vst v22  }
0x104: {  	v22 =	vld.idx.msk [tilespmem:v2+s29+$0x0], $0xffff;
	_ =	sdelay $0x4  }
0x105: {  	[tilespmem:$0x2720] =	vst v22  }
0x106: {  	v22 =	vld.idx.msk [tilespmem:v3+s29+$0x0], $0xffff;
	_ =	sdelay $0x4  }
0x107: {  	[tilespmem:$0x2730] =	vst v22  }
0x108: {  	v22 =	vld.idx.msk [tilespmem:v4+s29+$0x0], $0xffff;
	_ =	sdelay $0x4  }
0x109: {  	[tilespmem:$0x2740] =	vst v22  }
0x10a: {  	v22 =	vld.idx.msk [tilespmem:v5+s29+$0x0], $0xffff;
	_ =	sdelay $0x4  }
0x10b: {  	[tilespmem:$0x2750] =	vst v22  }
0x10c: {  	v22 =	vld.idx.msk [tilespmem:v6+s29+$0x0], $0xffff;
	_ =	sdelay $0x4  }
0x10d: {  	[tilespmem:$0x2760] =	vst v22  }
0x10e: {  	v22 =	vld.idx.msk [tilespmem:v7+s29+$0x0], $0xffff;
	_ =	sdelay $0x4  }
0x10f: {  	[tilespmem:$0x2770] =	vst v22  }
0x110: {  	v22 =	vld.idx.msk [tilespmem:v8+s29+$0x0], $0xffff;
	_ =	sdelay $0x4  }
0x111: {  	[tilespmem:$0x2780] =	vst v22  }
0x112: {  	v22 =	vld.idx.msk [tilespmem:v9+s29+$0x0], $0xffff;
	_ =	sdelay $0x4  }
0x113: {  	[tilespmem:$0x2790] =	vst v22  }
0x114: {  	v22 =	vld.idx.msk [tilespmem:v10+s29+$0x0], $0xffff;
	_ =	sdelay $0x4  }
0x115: {  	[tilespmem:$0x27A0] =	vst v22  }
0x116: {  	v22 =	vld.idx.msk [tilespmem:v11+s29+$0x0], $0xffff;
	_ =	sdelay $0x4  }
0x117: {  	[tilespmem:$0x27B0] =	vst v22  }
0x118: {  	v22 =	vld.idx.msk [tilespmem:v12+s29+$0x0], $0xffff;
	_ =	sdelay $0x4  }
0x119: {  	[tilespmem:$0x27C0] =	vst v22  }
0x11a: {  	v22 =	vld.idx.msk [tilespmem:v13+s29+$0x0], $0xffff;
	_ =	sdelay $0x4  }
0x11b: {  	[tilespmem:$0x27D0] =	vst v22  }
0x11c: {  	v22 =	vld.idx.msk [tilespmem:v14+s29+$0x0], $0xffff;
	_ =	sdelay $0x4  }
0x11d: {  	[tilespmem:$0x27E0] =	vst v22  }
0x11e: {  	v22 =	vld.idx.msk [tilespmem:v15+s29+$0x0], $0xffff;
	_ =	sdelay $0x4  }
0x11f: {  	[tilespmem:$0x27F0] =	vst v22  }
0x120: {  	v22 =	vld.idx.msk [tilespmem:v16+s29+$0x0], $0xffff;
	_ =	sdelay $0x4  }
0x121: {  	[tilespmem:$0x2800] =	vst v22  }
0x122: {  	v22 =	vld.idx.msk [tilespmem:v17+s29+$0x0], $0xffff;
	_ =	sdelay $0x4  }
0x123: {  	[tilespmem:$0x2810] =	vst v22  }
0x124: {  	v22 =	vld.idx.msk [tilespmem:v18+s29+$0x0], $0xffff;
	_ =	sdelay $0x4  }
0x125: {  	[tilespmem:$0x2820] =	vst v22  }
0x126: {  	v22 =	vld.idx.msk [tilespmem:v19+s29+$0x0], $0xffff;
	_ =	sdelay $0x4  }
0x127: {  	s28 =	simm.s32 $0x2700;
	s30 =	simm.s32 $0x2B00;
	[tilespmem:$0x2830] =	vst v22  }
0x128: {  	[tilespmem:s30], [sflag:$0x9] =	stream.indirect.gather [hbm4b:s5+s2], $0x80, s28, s2, $0xb8;
	[tilespmem:$0x1B300] =	vst v63  }
0x129: {  	s24 =	simm.s32 $0x16B00  }
0x12a: {  	[tilespmem:s24], [sflag:$0xB] =	stream.indirect.gather [hbm4b:s5+s18], $0x80, s25, s18, $0xb8;
	[tilespmem:$0x1B300] =	vst v63  }
0x12b: {  	v22 =	vld.msk [tilespmem:$0x0], $0xff;
	_ =	sdelay $0x4  }
0x12c: {  	v23 =	vshll.u32 v22, $0x2  }
0x12d: {  	v22 =	vand.u32 $0x7, v22;
	v23 =	vand.u32 $0xFFFFFFE0, v23  }
0x12e: {  	v22 =	vor.u32 v22, v23  }
0x12f: {  	v22 =	vperm.xlane v22, v20;
	_ =	sdelay $0x1  }
0x130: {  	v22 =	vadd.s32 v21, v22;
	_ =	sdelay $0x3  }
0x131: {  	s25 =	simm.s32 $0x18B00  }
0x132: {  	[tilespmem:s25], [sflag:$0x2] =	stream.indirect_vreg.gather [hbm4b:s6+s1], $0x80, v22, vm0, $0xb8;
	[tilespmem:$0x1B300] =	vst v63  }
0x133: {  	s28 =	simm.s32 $0x19300  }
0x134: {  	[tilespmem:s28], [sflag:$0x2] =	stream.indirect_vreg.gather [hbm4b:s13+s1], $0x80, v22, vm0, $0xb8;
	[tilespmem:$0x1B300] =	vst v63  }
0x135: {  	s23 =	simm.s32 $0x0;
	s30 =	simm.s32 $0x1AB00  }
0x136: {  	[tilespmem:s30], [sflag:$0x4] =	stream.indirect.gather [hbm4b:s7+s26], $0x80, s12, s26, $0xb8;
	[tilespmem:$0x1B300] =	vst v63  }
.LBB2_2:
0x137: {  	p0 =	sgt.u32 s23, $0x5D  }
.Ltmp0:
0x138: {  	_ = 	snop;
	(pc) =	sbr.rel @p0 .LBB2_4-.Ltmp0, $2  }
0x139: {  	_ =	sdelay $0x2  }
0x13a: {  	s24 =	sand.u32 $0x1, s23  }
0x13b: {  	s11 =	sadd.s32 $0x2, s23  }
0x13c: {  	s17 =	smul.u32 $0xAB, s11;
	_ =	sdelay $0x1  }
0x13d: {  	s17 =	sshrl.u32 s17, $0x9  }
0x13e: {  	s17 =	sand.u32 $0x7F, s17  }
0x13f: {  	s17 =	smul.u32 $0x3, s17;
	_ =	sdelay $0x1  }
0x140: {  	s17 =	ssub.s32 s11, s17  }
.Ltmp1:
0x141: {  	s11 =	sshll.u32 s11, $0x4;
	s17 =	sand.u32 $0xFF, s17;
	(pc) =	sbr.rel .LBB2_5-.Ltmp1, $4  }
0x142: {  	s11 =	sand.u32 $0x3FFFFFF0, s11;
	s25 =	sshll.u32 s17, $0xB  }
0x143: {  	s11 =	sadd.s32 $0x900, s11;
	s17 =	sadd.s32 $0x6, s17;
	s25 =	sadd.s32 $0xF00, s25  }
0x144: {  	[tilespmem:s25], [sflag:s17] =	stream.indirect.gather [hbm4b:s4+s18], $0x80, s11, s18, $0xb8;
	[tilespmem:$0x1B300] =	vst v63  }
0x145: {  	s11 =	sadd.s32 $0x1, s23  }
.LBB2_4:
0x146: {  	p0 =	seq.s32 s23, $0x5F  }
.Ltmp2:
0x147: {  	_ = 	snop;
	(pc) =	sbr.rel @p0 .LBB2_10-.Ltmp2, $2  }
0x148: {  	_ =	sdelay $0x2  }
0x149: {  	s11 =	simm.s32 $0x5F;
	s25 =	simm.s32 $0x60  }
.LBB2_5:
0x14a: {  	s17 =	smul.u32 $0xAB, s11;
	_ =	sdelay $0x1  }
0x14b: {  	s17 =	sshrl.u32 s17, $0x9  }
0x14c: {  	s17 =	sand.u32 $0x7F, s17  }
0x14d: {  	s17 =	smul.u32 $0x3, s17;
	_ =	sdelay $0x1  }
0x14e: {  	s17 =	ssub.s32 s11, s17  }
0x14f: {  	s17 =	sand.u32 $0xFF, s17  }
0x150: {  	s25 =	sshll.u32 s17, $0x4  }
0x151: {  	v22 =	vmov s25  }
0x152: {  	v22 =	vshll.u32 v22, $0x7  }
0x153: {  	v22 =	vor.u32 v0, v22  }
0x154: {  	s12 =	sadd.s32 $0x6, s17  }
0x155: {  	_ =	swait.ge [sflag:s12], $0x800  }
0x156: {  	[sflag:s12] =	ssyncset.done $0x0  }
0x157: {  	[sflag:s12] =	ssyncadd.s32 $0xFFFFF800  }
0x158: {  	v23 =	vld.idx.msk [tilespmem:v22+s29+$0x0], $0xffff  }
0x159: {  	v24 =	vor.u32 $0x1, v22;
	_ =	sdelay $0x1  }
0x15a: {  	s17 =	smul.u32 $0x140, s17;
	_ =	sdelay $0x1  }
0x15b: {  	[tilespmem:s17+$0x2700] =	vst v23  }
0x15c: {  	v23 =	vld.idx.msk [tilespmem:v24+s29+$0x0], $0xffff  }
0x15d: {  	v47 =	vor.u32 $0x2, v22;
	_ =	sdelay $0x3  }
0x15e: {  	[tilespmem:s17+$0x2710] =	vst v23  }
0x15f: {  	v23 =	vld.idx.msk [tilespmem:v47+s29+$0x0], $0xffff  }
0x160: {  	v48 =	vor.u32 $0x3, v22;
	_ =	sdelay $0x3  }
0x161: {  	[tilespmem:s17+$0x2720] =	vst v23  }
0x162: {  	v23 =	vld.idx.msk [tilespmem:v48+s29+$0x0], $0xffff  }
0x163: {  	v49 =	vor.u32 $0x4, v22;
	_ =	sdelay $0x3  }
0x164: {  	[tilespmem:s17+$0x2730] =	vst v23  }
0x165: {  	v23 =	vld.idx.msk [tilespmem:v49+s29+$0x0], $0xffff  }
0x166: {  	v50 =	vor.u32 $0x5, v22;
	_ =	sdelay $0x3  }
0x167: {  	[tilespmem:s17+$0x2740] =	vst v23  }
0x168: {  	v23 =	vld.idx.msk [tilespmem:v50+s29+$0x0], $0xffff  }
0x169: {  	v51 =	vor.u32 $0x6, v22;
	_ =	sdelay $0x3  }
0x16a: {  	[tilespmem:s17+$0x2750] =	vst v23  }
0x16b: {  	v23 =	vld.idx.msk [tilespmem:v51+s29+$0x0], $0xffff  }
0x16c: {  	v52 =	vor.u32 $0x7, v22;
	_ =	sdelay $0x3  }
0x16d: {  	[tilespmem:s17+$0x2760] =	vst v23  }
0x16e: {  	v23 =	vld.idx.msk [tilespmem:v52+s29+$0x0], $0xffff  }
0x16f: {  	v53 =	vor.u32 $0x8, v22;
	_ =	sdelay $0x3  }
0x170: {  	[tilespmem:s17+$0x2770] =	vst v23  }
0x171: {  	v23 =	vld.idx.msk [tilespmem:v53+s29+$0x0], $0xffff  }
0x172: {  	v54 =	vor.u32 $0x9, v22;
	_ =	sdelay $0x3  }
0x173: {  	[tilespmem:s17+$0x2780] =	vst v23  }
0x174: {  	v23 =	vld.idx.msk [tilespmem:v54+s29+$0x0], $0xffff  }
0x175: {  	v55 =	vor.u32 $0xA, v22;
	_ =	sdelay $0x3  }
0x176: {  	[tilespmem:s17+$0x2790] =	vst v23  }
0x177: {  	v23 =	vld.idx.msk [tilespmem:v55+s29+$0x0], $0xffff  }
0x178: {  	v56 =	vor.u32 $0xB, v22;
	_ =	sdelay $0x3  }
0x179: {  	[tilespmem:s17+$0x27A0] =	vst v23  }
0x17a: {  	v23 =	vld.idx.msk [tilespmem:v56+s29+$0x0], $0xffff  }
0x17b: {  	v57 =	vor.u32 $0xC, v22;
	_ =	sdelay $0x3  }
0x17c: {  	[tilespmem:s17+$0x27B0] =	vst v23  }
0x17d: {  	v23 =	vld.idx.msk [tilespmem:v57+s29+$0x0], $0xffff  }
0x17e: {  	v58 =	vor.u32 $0xD, v22;
	_ =	sdelay $0x3  }
0x17f: {  	[tilespmem:s17+$0x27C0] =	vst v23  }
0x180: {  	v23 =	vld.idx.msk [tilespmem:v58+s29+$0x0], $0xffff  }
0x181: {  	v59 =	vor.u32 $0xE, v22;
	_ =	sdelay $0x3  }
0x182: {  	[tilespmem:s17+$0x27D0] =	vst v23  }
0x183: {  	v23 =	vld.idx.msk [tilespmem:v59+s29+$0x0], $0xffff  }
0x184: {  	v60 =	vor.u32 $0xF, v22;
	_ =	sdelay $0x3  }
0x185: {  	[tilespmem:s17+$0x27E0] =	vst v23  }
0x186: {  	v23 =	vld.idx.msk [tilespmem:v60+s29+$0x0], $0xffff  }
0x187: {  	v61 =	vor.u32 $0x10, v22;
	_ =	sdelay $0x3  }
0x188: {  	[tilespmem:s17+$0x27F0] =	vst v23  }
0x189: {  	v23 =	vld.idx.msk [tilespmem:v61+s29+$0x0], $0xffff  }
0x18a: {  	v62 =	vor.u32 $0x11, v22;
	_ =	sdelay $0x2  }
0x18b: {  	s28 =	sor.u32 $0x2800, s17  }
0x18c: {  	[tilespmem:s28+$0x0] =	vst v23  }
0x18d: {  	v23 =	vld.idx.msk [tilespmem:v62+s29+$0x0], $0xffff  }
0x18e: {  	v63 =	vor.u32 $0x12, v22;
	_ =	sdelay $0x2  }
0x18f: {  	s30 =	sor.u32 $0x2810, s17  }
0x190: {  	[tilespmem:s30+$0x0] =	vst v23  }
0x191: {  	v23 =	vld.idx.msk [tilespmem:v63+s29+$0x0], $0xffff  }
0x192: {  	v22 =	vor.u32 $0x13, v22;
	_ =	sdelay $0x2  }
0x193: {  	s12 =	sor.u32 $0x2820, s17  }
0x194: {  	[tilespmem:s12+$0x0] =	vst v23  }
0x195: {  	v22 =	vld.idx.msk [tilespmem:v22+s29+$0x0], $0xffff  }
0x196: {  	s25 =	sand.u32 $0x1, s11  }
0x197: {  	s30 =	smul.u32 $0x28000, s25;
	_ =	sdelay $0x1  }
0x198: {  	p0 =	sgt.u32 s23, $0xE;
	s30 =	sshrl.u32 s30, $0x2;
	s12 =	sor.u32 $0x2830, s17  }
0x199: {  	s28 =	sadd.s32 $0x9, s25;
	s17 =	sadd.s32 $0x2700, s17;
	[tilespmem:s12+$0x0] =	vst v22;
	s12 =	sadd.s32 $0x2B00, s30  }
0x19a: {  	[tilespmem:s12], [sflag:s28] =	stream.indirect.gather [hbm4b:s5+s2], $0x80, s17, s2, $0xb8;
	[tilespmem:$0x1B300] =	vst v63  }
.Ltmp3:
0x19b: {  	_ = 	snop;
	(pc) =	sbr.rel @p0 .LBB2_8-.Ltmp3, $4  }
0x19c: {  	s28 =	sshll.u32 s11, $0x4  }
0x19d: {  	s30 =	sshll.u32 s25, $0xB;
	s12 =	sand.u32 $0x3FFFFFF0, s28  }
0x19e: {  	s17 =	sadd.s32 $0x16B00, s30;
	s28 =	sadd.s32 $0xB, s25;
	s12 =	sadd.s32 $0x900, s12  }
0x19f: {  	[tilespmem:s17], [sflag:s28] =	stream.indirect.gather [hbm4b:s5+s18], $0x80, s12, s18, $0xb8;
	[tilespmem:$0x1B300] =	vst v63  }
0x1a0: {  	s12 =	sshll.u32 s11, $0x3  }
0x1a1: {  	v22 =	vld.msk [tilespmem:s12+$0x0], $0xff;
	_ =	sdelay $0x4  }
0x1a2: {  	v23 =	vshll.u32 v22, $0x2  }
0x1a3: {  	v22 =	vand.u32 $0x7, v22;
	v23 =	vand.u32 $0xFFFFFFE0, v23  }
0x1a4: {  	v22 =	vor.u32 v22, v23  }
0x1a5: {  	v22 =	vperm.xlane v22, v20;
	_ =	sdelay $0x1  }
0x1a6: {  	v22 =	vadd.s32 v21, v22;
	_ =	sdelay $0x2  }
0x1a7: {  	s17 =	sshll.u32 s25, $0xC  }
0x1a8: {  	s28 =	sor.u32 $0x2, s25;
	s30 =	sor.u32 $0x18B00, s17  }
0x1a9: {  	[tilespmem:s30], [sflag:s28] =	stream.indirect_vreg.gather [hbm4b:s6+s1], $0x80, v22, vm0, $0xb8;
	[tilespmem:$0x1B300] =	vst v63  }
.Ltmp4:
0x1aa: {  	s17 =	sadd.s32 $0x19300, s17;
	(pc) =	sbr.rel .LBB2_7-.Ltmp4, $4  }
0x1ab: {  	[tilespmem:s17], [sflag:s28] =	stream.indirect_vreg.gather [hbm4b:s13+s1], $0x80, v22, vm0, $0xb8;
	[tilespmem:$0x1B300] =	vst v63  }
0x1ac: {  	s28 =	sshll.u32 s25, $0xA  }
0x1ad: {  	s12 =	sadd.s32 $0x80, s12;
	s30 =	sor.u32 $0x4, s25;
	s17 =	sor.u32 $0x1AB00, s28  }
0x1ae: {  	[tilespmem:s17], [sflag:s30] =	stream.indirect.gather [hbm4b:s7+s26], $0x80, s12, s26, $0xb8;
	[tilespmem:$0x1B300] =	vst v63  }
.LBB2_8:
0x1af: {  	p0 =	sne.s32 s23, $0xF  }
.Ltmp5:
0x1b0: {  	_ = 	snop;
	(pc) =	sbr.rel @p0 .LBB2_9-.Ltmp5, $1  }
0x1b1: {  	_ =	sdelay $0x3  }
.LBB2_7:
0x1b2: {  	s12 =	sor.u32 $0x2, s24;
	s17 =	sor.u32 s10, s23  }
0x1b3: {  	_ =	swait.ge [sflag:s12], $0x1000;
	s25 =	sshll.u32 s17, $0x9  }
0x1b4: {  	s28 =	sshll.u32 s24, $0xC;
	[sflag:s12] =	ssyncset.done $0x0;
	s25 =	sand.u32 $0x1FFFFE00, s25  }
0x1b5: {  	s30 =	sor.u32 $0x18B00, s28;
	[sflag:s12] =	ssyncadd.s32 $0xFFFFF000;
	s25 =	sadd.s32 s8, s25  }
0x1b6: {  	[hbm4b:s25+s1] =	stream.linear.scatter [tilespmem:s30], [sflag:$0xF], $0x1000, $0x38;
	[tilespmem:$0x1B300] =	vst v63  }
0x1b7: {  	_ =	swait.ge [sflag:s16], $0x1000  }
0x1b8: {  	[sflag:s16] =	ssyncset.done $0x0  }
0x1b9: {  	s17 =	sshll.u32 s17, $0x7;
	s25 =	sor.u32 $0x4, s24;
	[sflag:s16] =	ssyncadd.s32 $0xFFFFF000  }
0x1ba: {  	s17 =	sand.u32 $0x1FFFFF80, s17;
	_ =	swait.ge [sflag:s25], $0x400  }
0x1bb: {  	s28 =	sshll.u32 s24, $0xA;
	s17 =	sadd.s32 s9, s17;
	[sflag:s25] =	ssyncset.done $0x0  }
.Ltmp6:
0x1bc: {  	s30 =	sor.u32 $0x1AB00, s28;
	[sflag:s25] =	ssyncadd.s32 $0xFFFFFC00;
	(pc) =	sbr.rel .LBB2_10-.Ltmp6, $4  }
0x1bd: {  	[hbm4b:s17+s1] =	stream.linear.scatter [tilespmem:s30], [sflag:$0xF], $0x400, $0x38;
	[tilespmem:$0x1B300] =	vst v63  }
0x1be: {  	_ =	swait.ge [sflag:s16], $0x400  }
0x1bf: {  	[sflag:s16] =	ssyncset.done $0x0  }
0x1c0: {  	s25 =	smov.u32 s11;
	[sflag:s16] =	ssyncadd.s32 $0xFFFFFC00  }
.LBB2_9:
0x1c1: {  	s25 =	smov.u32 s11  }
.LBB2_10:
0x1c2: {  	s11 =	sadd.s32 $0x9, s24  }
0x1c3: {  	s12 =	smul.u32 $0x28000, s24;
	_ =	swait.ge [sflag:s11], $0xA000  }
0x1c4: {  	[sflag:s11] =	ssyncset.done $0x0  }
0x1c5: {  	s28 =	sadd.s32 $0xB, s24;
	s12 =	sshrl.u32 s12, $0x2;
	[sflag:s11] =	ssyncadd.s32 $0xFFFF6000  }
0x1c6: {  	s12 =	sadd.s32 $0x2B00, s12;
	_ =	swait.ge [sflag:s28], $0x800  }
0x1c7: {  	p0 =	slt.u32 s23, $0x2;
	v22 =	vmov s12;
	[sflag:s28] =	ssyncset.done $0x0  }
0x1c8: {  	s11 =	sadd.s32 @!p0 $0xD, s24;
	[sflag:s28] =	ssyncadd.s32 $0xFFFFF800  }
0x1c9: {  	_ =	swait.ge @!p0 [sflag:s11], $0x800  }
0x1ca: {  	[sflag:s11] =	ssyncset.done @!p0 $0x0  }
0x1cb: {  	s30 =	simm.s32 $0x0;
	[sflag:s11] =	ssyncadd.s32 @!p0 $0xFFFFF800  }
0x1cc: {  	v23 =	vld.idx.msk [tilespmem:v22+s30+$0x0 ss:$0x1], $0xffff  }
0x1cd: {  	v24 =	vld.idx.msk [tilespmem:v22+s30+$0x800 ss:$0x1], $0xffff;
	_ =	sdelay $0x1  }
0x1ce: {  	v25 =	vld.idx.msk [tilespmem:v22+s30+$0x1000 ss:$0x1], $0xffff;
	_ =	sdelay $0x1  }
0x1cf: {  	v26 =	vld.idx.msk [tilespmem:v22+s30+$0x1800 ss:$0x1], $0xffff  }
0x1d0: {  	v23 =	vadd.f32 v24, v23  }
0x1d1: {  	v24 =	vld.idx.msk [tilespmem:v22+s30+$0x2000 ss:$0x1], $0xffff  }
0x1d2: {  	v23 =	vadd.f32 v25, v23  }
0x1d3: {  	v25 =	vld.idx.msk [tilespmem:v22+s30+$0x2800 ss:$0x1], $0xffff  }
0x1d4: {  	v23 =	vadd.f32 v26, v23  }
0x1d5: {  	v26 =	vld.idx.msk [tilespmem:v22+s30+$0x3000 ss:$0x1], $0xffff  }
0x1d6: {  	v23 =	vadd.f32 v24, v23  }
0x1d7: {  	v24 =	vld.idx.msk [tilespmem:v22+s30+$0x3800 ss:$0x1], $0xffff  }
0x1d8: {  	v23 =	vadd.f32 v25, v23  }
0x1d9: {  	v25 =	vld.idx.msk [tilespmem:v22+s30+$0x4000 ss:$0x1], $0xffff  }
0x1da: {  	v23 =	vadd.f32 v26, v23  }
0x1db: {  	v26 =	vld.idx.msk [tilespmem:v22+s30+$0x4800 ss:$0x1], $0xffff  }
0x1dc: {  	v23 =	vadd.f32 v24, v23  }
0x1dd: {  	v24 =	vld.idx.msk [tilespmem:v22+s30+$0x5000 ss:$0x1], $0xffff  }
0x1de: {  	v23 =	vadd.f32 v25, v23  }
0x1df: {  	v25 =	vld.idx.msk [tilespmem:v22+s30+$0x5800 ss:$0x1], $0xffff  }
0x1e0: {  	v23 =	vadd.f32 v26, v23  }
0x1e1: {  	v26 =	vld.idx.msk [tilespmem:v22+s30+$0x6000 ss:$0x1], $0xffff  }
0x1e2: {  	v23 =	vadd.f32 v24, v23  }
0x1e3: {  	v24 =	vld.idx.msk [tilespmem:v22+s30+$0x6800 ss:$0x1], $0xffff  }
0x1e4: {  	v23 =	vadd.f32 v25, v23  }
0x1e5: {  	v25 =	vld.idx.msk [tilespmem:v22+s30+$0x7000 ss:$0x1], $0xffff  }
0x1e6: {  	v23 =	vadd.f32 v26, v23  }
0x1e7: {  	v26 =	vld.idx.msk [tilespmem:v22+s30+$0x7800 ss:$0x1], $0xffff  }
0x1e8: {  	v23 =	vadd.f32 v24, v23  }
0x1e9: {  	v27 =	vld.idx.msk [tilespmem:v22+s30+$0x8000 ss:$0x1], $0xffff  }
0x1ea: {  	v23 =	vadd.f32 v25, v23  }
0x1eb: {  	v25 =	vld.idx.msk [tilespmem:v22+s30+$0x8800 ss:$0x1], $0xffff  }
0x1ec: {  	s17 =	sshll.u32 s24, $0xB;
	v23 =	vadd.f32 v26, v23  }
0x1ed: {  	s28 =	sadd.s32 $0x16B00, s17;
	v26 =	vld.idx.msk [tilespmem:v22+s30+$0x9000 ss:$0x1], $0xffff  }
0x1ee: {  	v24 =	vmov s28;
	v23 =	vadd.f32 v27, v23  }
0x1ef: {  	v27 =	vld.idx.msk [tilespmem:v22+s30+$0x9800 ss:$0x1], $0xffff  }
0x1f0: {  	v23 =	vadd.f32 v25, v23;
	_ =	sdelay $0x1  }
0x1f1: {  	v23 =	vadd.f32 v26, v23  }
0x1f2: {  	v25 =	vld.idx.msk [tilespmem:v24+s30+$0x0 ss:$0x1], $0xffff  }
0x1f3: {  	s17 =	sadd.s32 $0x17B00, s17;
	v26 =	vadd.f32 v27, v23  }
0x1f4: {  	v23 =	vmov s17  }
0x1f5: {  	v26 =	vmul.f32 $5.000000070e-02, v26;
	_ =	sdelay $0x1  }
0x1f6: {  	v25 =	vadd.f32 v26, v25;
	_ =	sdelay $0x1  }
0x1f7: {  	[tilespmem:v23+s30+$0x0 ss:$0x1] =	vst.idx.msk $0xffff, v25  }
0x1f8: {  	v25 =	vld.idx.msk [tilespmem:v22+s30+$0x10 ss:$0x1], $0xffff  }
0x1f9: {  	v26 =	vld.idx.msk [tilespmem:v22+s30+$0x810 ss:$0x1], $0xffff;
	_ =	sdelay $0x1  }
0x1fa: {  	v27 =	vld.idx.msk [tilespmem:v22+s30+$0x1010 ss:$0x1], $0xffff;
	_ =	sdelay $0x1  }
0x1fb: {  	v28 =	vld.idx.msk [tilespmem:v22+s30+$0x1810 ss:$0x1], $0xffff  }
0x1fc: {  	v25 =	vadd.f32 v26, v25  }
0x1fd: {  	v26 =	vld.idx.msk [tilespmem:v22+s30+$0x2010 ss:$0x1], $0xffff  }
0x1fe: {  	v25 =	vadd.f32 v27, v25  }
0x1ff: {  	v27 =	vld.idx.msk [tilespmem:v22+s30+$0x2810 ss:$0x1], $0xffff  }
0x200: {  	v25 =	vadd.f32 v28, v25  }
0x201: {  	v28 =	vld.idx.msk [tilespmem:v22+s30+$0x3010 ss:$0x1], $0xffff  }
0x202: {  	v25 =	vadd.f32 v26, v25  }
0x203: {  	v26 =	vld.idx.msk [tilespmem:v22+s30+$0x3810 ss:$0x1], $0xffff  }
0x204: {  	v25 =	vadd.f32 v27, v25  }
0x205: {  	v27 =	vld.idx.msk [tilespmem:v22+s30+$0x4010 ss:$0x1], $0xffff  }
0x206: {  	v25 =	vadd.f32 v28, v25  }
0x207: {  	v28 =	vld.idx.msk [tilespmem:v22+s30+$0x4810 ss:$0x1], $0xffff  }
0x208: {  	v25 =	vadd.f32 v26, v25  }
0x209: {  	v26 =	vld.idx.msk [tilespmem:v22+s30+$0x5010 ss:$0x1], $0xffff  }
0x20a: {  	v25 =	vadd.f32 v27, v25  }
0x20b: {  	v27 =	vld.idx.msk [tilespmem:v22+s30+$0x5810 ss:$0x1], $0xffff  }
0x20c: {  	v25 =	vadd.f32 v28, v25  }
0x20d: {  	v28 =	vld.idx.msk [tilespmem:v22+s30+$0x6010 ss:$0x1], $0xffff  }
0x20e: {  	v25 =	vadd.f32 v26, v25  }
0x20f: {  	v26 =	vld.idx.msk [tilespmem:v22+s30+$0x6810 ss:$0x1], $0xffff  }
0x210: {  	v25 =	vadd.f32 v27, v25  }
0x211: {  	v27 =	vld.idx.msk [tilespmem:v22+s30+$0x7010 ss:$0x1], $0xffff  }
0x212: {  	v25 =	vadd.f32 v28, v25  }
0x213: {  	v28 =	vld.idx.msk [tilespmem:v22+s30+$0x7810 ss:$0x1], $0xffff  }
0x214: {  	v25 =	vadd.f32 v26, v25  }
0x215: {  	v26 =	vld.idx.msk [tilespmem:v22+s30+$0x8010 ss:$0x1], $0xffff  }
0x216: {  	v25 =	vadd.f32 v27, v25  }
0x217: {  	v27 =	vld.idx.msk [tilespmem:v22+s30+$0x8810 ss:$0x1], $0xffff  }
0x218: {  	v25 =	vadd.f32 v28, v25  }
0x219: {  	v28 =	vld.idx.msk [tilespmem:v22+s30+$0x9010 ss:$0x1], $0xffff  }
0x21a: {  	v25 =	vadd.f32 v26, v25  }
0x21b: {  	v26 =	vld.idx.msk [tilespmem:v22+s30+$0x9810 ss:$0x1], $0xffff  }
0x21c: {  	v25 =	vadd.f32 v27, v25;
	_ =	sdelay $0x1  }
0x21d: {  	v25 =	vadd.f32 v28, v25  }
0x21e: {  	v27 =	vld.idx.msk [tilespmem:v24+s30+$0x10 ss:$0x1], $0xffff  }
0x21f: {  	v25 =	vadd.f32 v26, v25;
	_ =	sdelay $0x1  }
0x220: {  	v25 =	vmul.f32 $5.000000070e-02, v25;
	_ =	sdelay $0x1  }
0x221: {  	v25 =	vadd.f32 v25, v27;
	_ =	sdelay $0x1  }
0x222: {  	[tilespmem:v23+s30+$0x10 ss:$0x1] =	vst.idx.msk $0xffff, v25  }
0x223: {  	v25 =	vld.idx.msk [tilespmem:v22+s30+$0x20 ss:$0x1], $0xffff  }
0x224: {  	v26 =	vld.idx.msk [tilespmem:v22+s30+$0x820 ss:$0x1], $0xffff;
	_ =	sdelay $0x1  }
0x225: {  	v27 =	vld.idx.msk [tilespmem:v22+s30+$0x1020 ss:$0x1], $0xffff;
	_ =	sdelay $0x1  }
0x226: {  	v28 =	vld.idx.msk [tilespmem:v22+s30+$0x1820 ss:$0x1], $0xffff  }
0x227: {  	v25 =	vadd.f32 v26, v25  }
0x228: {  	v26 =	vld.idx.msk [tilespmem:v22+s30+$0x2020 ss:$0x1], $0xffff  }
0x229: {  	v25 =	vadd.f32 v27, v25  }
0x22a: {  	v27 =	vld.idx.msk [tilespmem:v22+s30+$0x2820 ss:$0x1], $0xffff  }
0x22b: {  	v25 =	vadd.f32 v28, v25  }
0x22c: {  	v28 =	vld.idx.msk [tilespmem:v22+s30+$0x3020 ss:$0x1], $0xffff  }
0x22d: {  	v25 =	vadd.f32 v26, v25  }
0x22e: {  	v26 =	vld.idx.msk [tilespmem:v22+s30+$0x3820 ss:$0x1], $0xffff  }
0x22f: {  	v25 =	vadd.f32 v27, v25  }
0x230: {  	v27 =	vld.idx.msk [tilespmem:v22+s30+$0x4020 ss:$0x1], $0xffff  }
0x231: {  	v25 =	vadd.f32 v28, v25  }
0x232: {  	v28 =	vld.idx.msk [tilespmem:v22+s30+$0x4820 ss:$0x1], $0xffff  }
0x233: {  	v25 =	vadd.f32 v26, v25  }
0x234: {  	v26 =	vld.idx.msk [tilespmem:v22+s30+$0x5020 ss:$0x1], $0xffff  }
0x235: {  	v25 =	vadd.f32 v27, v25  }
0x236: {  	v27 =	vld.idx.msk [tilespmem:v22+s30+$0x5820 ss:$0x1], $0xffff  }
0x237: {  	v25 =	vadd.f32 v28, v25  }
0x238: {  	v28 =	vld.idx.msk [tilespmem:v22+s30+$0x6020 ss:$0x1], $0xffff  }
0x239: {  	v25 =	vadd.f32 v26, v25  }
0x23a: {  	v26 =	vld.idx.msk [tilespmem:v22+s30+$0x6820 ss:$0x1], $0xffff  }
0x23b: {  	v25 =	vadd.f32 v27, v25  }
0x23c: {  	v27 =	vld.idx.msk [tilespmem:v22+s30+$0x7020 ss:$0x1], $0xffff  }
0x23d: {  	v25 =	vadd.f32 v28, v25  }
0x23e: {  	v28 =	vld.idx.msk [tilespmem:v22+s30+$0x7820 ss:$0x1], $0xffff  }
0x23f: {  	v25 =	vadd.f32 v26, v25  }
0x240: {  	v26 =	vld.idx.msk [tilespmem:v22+s30+$0x8020 ss:$0x1], $0xffff  }
0x241: {  	v25 =	vadd.f32 v27, v25  }
0x242: {  	v27 =	vld.idx.msk [tilespmem:v22+s30+$0x8820 ss:$0x1], $0xffff  }
0x243: {  	v25 =	vadd.f32 v28, v25  }
0x244: {  	v28 =	vld.idx.msk [tilespmem:v22+s30+$0x9020 ss:$0x1], $0xffff  }
0x245: {  	v25 =	vadd.f32 v26, v25  }
0x246: {  	v26 =	vld.idx.msk [tilespmem:v22+s30+$0x9820 ss:$0x1], $0xffff  }
0x247: {  	v25 =	vadd.f32 v27, v25;
	_ =	sdelay $0x1  }
0x248: {  	v25 =	vadd.f32 v28, v25  }
0x249: {  	v27 =	vld.idx.msk [tilespmem:v24+s30+$0x20 ss:$0x1], $0xffff  }
0x24a: {  	v25 =	vadd.f32 v26, v25;
	_ =	sdelay $0x1  }
0x24b: {  	v25 =	vmul.f32 $5.000000070e-02, v25;
	_ =	sdelay $0x1  }
0x24c: {  	v25 =	vadd.f32 v25, v27;
	_ =	sdelay $0x1  }
0x24d: {  	[tilespmem:v23+s30+$0x20 ss:$0x1] =	vst.idx.msk $0xffff, v25  }
0x24e: {  	v25 =	vld.idx.msk [tilespmem:v22+s30+$0x30 ss:$0x1], $0xffff  }
0x24f: {  	v26 =	vld.idx.msk [tilespmem:v22+s30+$0x830 ss:$0x1], $0xffff;
	_ =	sdelay $0x1  }
0x250: {  	v27 =	vld.idx.msk [tilespmem:v22+s30+$0x1030 ss:$0x1], $0xffff;
	_ =	sdelay $0x1  }
0x251: {  	v28 =	vld.idx.msk [tilespmem:v22+s30+$0x1830 ss:$0x1], $0xffff  }
0x252: {  	v25 =	vadd.f32 v26, v25  }
0x253: {  	v26 =	vld.idx.msk [tilespmem:v22+s30+$0x2030 ss:$0x1], $0xffff  }
0x254: {  	v25 =	vadd.f32 v27, v25  }
0x255: {  	v27 =	vld.idx.msk [tilespmem:v22+s30+$0x2830 ss:$0x1], $0xffff  }
0x256: {  	v25 =	vadd.f32 v28, v25  }
0x257: {  	v28 =	vld.idx.msk [tilespmem:v22+s30+$0x3030 ss:$0x1], $0xffff  }
0x258: {  	v25 =	vadd.f32 v26, v25  }
0x259: {  	v26 =	vld.idx.msk [tilespmem:v22+s30+$0x3830 ss:$0x1], $0xffff  }
0x25a: {  	v25 =	vadd.f32 v27, v25  }
0x25b: {  	v27 =	vld.idx.msk [tilespmem:v22+s30+$0x4030 ss:$0x1], $0xffff  }
0x25c: {  	v25 =	vadd.f32 v28, v25  }
0x25d: {  	v28 =	vld.idx.msk [tilespmem:v22+s30+$0x4830 ss:$0x1], $0xffff  }
0x25e: {  	v25 =	vadd.f32 v26, v25  }
0x25f: {  	v26 =	vld.idx.msk [tilespmem:v22+s30+$0x5030 ss:$0x1], $0xffff  }
0x260: {  	v25 =	vadd.f32 v27, v25  }
0x261: {  	v27 =	vld.idx.msk [tilespmem:v22+s30+$0x5830 ss:$0x1], $0xffff  }
0x262: {  	v25 =	vadd.f32 v28, v25  }
0x263: {  	v28 =	vld.idx.msk [tilespmem:v22+s30+$0x6030 ss:$0x1], $0xffff  }
0x264: {  	v25 =	vadd.f32 v26, v25  }
0x265: {  	v26 =	vld.idx.msk [tilespmem:v22+s30+$0x6830 ss:$0x1], $0xffff  }
0x266: {  	v25 =	vadd.f32 v27, v25  }
0x267: {  	v27 =	vld.idx.msk [tilespmem:v22+s30+$0x7030 ss:$0x1], $0xffff  }
0x268: {  	v25 =	vadd.f32 v28, v25  }
0x269: {  	v28 =	vld.idx.msk [tilespmem:v22+s30+$0x7830 ss:$0x1], $0xffff  }
0x26a: {  	v25 =	vadd.f32 v26, v25  }
0x26b: {  	v26 =	vld.idx.msk [tilespmem:v22+s30+$0x8030 ss:$0x1], $0xffff  }
0x26c: {  	v25 =	vadd.f32 v27, v25  }
0x26d: {  	v27 =	vld.idx.msk [tilespmem:v22+s30+$0x8830 ss:$0x1], $0xffff  }
0x26e: {  	v25 =	vadd.f32 v28, v25  }
0x26f: {  	v28 =	vld.idx.msk [tilespmem:v22+s30+$0x9030 ss:$0x1], $0xffff  }
0x270: {  	v25 =	vadd.f32 v26, v25  }
0x271: {  	v26 =	vld.idx.msk [tilespmem:v22+s30+$0x9830 ss:$0x1], $0xffff  }
0x272: {  	v25 =	vadd.f32 v27, v25;
	_ =	sdelay $0x1  }
0x273: {  	v25 =	vadd.f32 v28, v25  }
0x274: {  	v27 =	vld.idx.msk [tilespmem:v24+s30+$0x30 ss:$0x1], $0xffff  }
0x275: {  	v25 =	vadd.f32 v26, v25;
	_ =	sdelay $0x1  }
0x276: {  	v25 =	vmul.f32 $5.000000070e-02, v25;
	_ =	sdelay $0x1  }
0x277: {  	v25 =	vadd.f32 v25, v27;
	_ =	sdelay $0x1  }
0x278: {  	[tilespmem:v23+s30+$0x30 ss:$0x1] =	vst.idx.msk $0xffff, v25  }
0x279: {  	v25 =	vld.idx.msk [tilespmem:v22+s30+$0x40 ss:$0x1], $0xffff  }
0x27a: {  	v26 =	vld.idx.msk [tilespmem:v22+s30+$0x840 ss:$0x1], $0xffff;
	_ =	sdelay $0x1  }
0x27b: {  	v27 =	vld.idx.msk [tilespmem:v22+s30+$0x1040 ss:$0x1], $0xffff;
	_ =	sdelay $0x1  }
0x27c: {  	v28 =	vld.idx.msk [tilespmem:v22+s30+$0x1840 ss:$0x1], $0xffff  }
0x27d: {  	v25 =	vadd.f32 v26, v25  }
0x27e: {  	v26 =	vld.idx.msk [tilespmem:v22+s30+$0x2040 ss:$0x1], $0xffff  }
0x27f: {  	v25 =	vadd.f32 v27, v25  }
0x280: {  	v27 =	vld.idx.msk [tilespmem:v22+s30+$0x2840 ss:$0x1], $0xffff  }
0x281: {  	v25 =	vadd.f32 v28, v25  }
0x282: {  	v28 =	vld.idx.msk [tilespmem:v22+s30+$0x3040 ss:$0x1], $0xffff  }
0x283: {  	v25 =	vadd.f32 v26, v25  }
0x284: {  	v26 =	vld.idx.msk [tilespmem:v22+s30+$0x3840 ss:$0x1], $0xffff  }
0x285: {  	v25 =	vadd.f32 v27, v25  }
0x286: {  	v27 =	vld.idx.msk [tilespmem:v22+s30+$0x4040 ss:$0x1], $0xffff  }
0x287: {  	v25 =	vadd.f32 v28, v25  }
0x288: {  	v28 =	vld.idx.msk [tilespmem:v22+s30+$0x4840 ss:$0x1], $0xffff  }
0x289: {  	v25 =	vadd.f32 v26, v25  }
0x28a: {  	v26 =	vld.idx.msk [tilespmem:v22+s30+$0x5040 ss:$0x1], $0xffff  }
0x28b: {  	v25 =	vadd.f32 v27, v25  }
0x28c: {  	v27 =	vld.idx.msk [tilespmem:v22+s30+$0x5840 ss:$0x1], $0xffff  }
0x28d: {  	v25 =	vadd.f32 v28, v25  }
0x28e: {  	v28 =	vld.idx.msk [tilespmem:v22+s30+$0x6040 ss:$0x1], $0xffff  }
0x28f: {  	v25 =	vadd.f32 v26, v25  }
0x290: {  	v26 =	vld.idx.msk [tilespmem:v22+s30+$0x6840 ss:$0x1], $0xffff  }
0x291: {  	v25 =	vadd.f32 v27, v25  }
0x292: {  	v27 =	vld.idx.msk [tilespmem:v22+s30+$0x7040 ss:$0x1], $0xffff  }
0x293: {  	v25 =	vadd.f32 v28, v25  }
0x294: {  	v28 =	vld.idx.msk [tilespmem:v22+s30+$0x7840 ss:$0x1], $0xffff  }
0x295: {  	v25 =	vadd.f32 v26, v25  }
0x296: {  	v26 =	vld.idx.msk [tilespmem:v22+s30+$0x8040 ss:$0x1], $0xffff  }
0x297: {  	v25 =	vadd.f32 v27, v25  }
0x298: {  	v27 =	vld.idx.msk [tilespmem:v22+s30+$0x8840 ss:$0x1], $0xffff  }
0x299: {  	v25 =	vadd.f32 v28, v25  }
0x29a: {  	v28 =	vld.idx.msk [tilespmem:v22+s30+$0x9040 ss:$0x1], $0xffff  }
0x29b: {  	v25 =	vadd.f32 v26, v25  }
0x29c: {  	v26 =	vld.idx.msk [tilespmem:v22+s30+$0x9840 ss:$0x1], $0xffff  }
0x29d: {  	v25 =	vadd.f32 v27, v25;
	_ =	sdelay $0x1  }
0x29e: {  	v25 =	vadd.f32 v28, v25  }
0x29f: {  	v27 =	vld.idx.msk [tilespmem:v24+s30+$0x40 ss:$0x1], $0xffff  }
0x2a0: {  	v25 =	vadd.f32 v26, v25;
	_ =	sdelay $0x1  }
0x2a1: {  	v25 =	vmul.f32 $5.000000070e-02, v25;
	_ =	sdelay $0x1  }
0x2a2: {  	v25 =	vadd.f32 v25, v27;
	_ =	sdelay $0x1  }
0x2a3: {  	[tilespmem:v23+s30+$0x40 ss:$0x1] =	vst.idx.msk $0xffff, v25  }
0x2a4: {  	v25 =	vld.idx.msk [tilespmem:v22+s30+$0x50 ss:$0x1], $0xffff  }
0x2a5: {  	v26 =	vld.idx.msk [tilespmem:v22+s30+$0x850 ss:$0x1], $0xffff;
	_ =	sdelay $0x1  }
0x2a6: {  	v27 =	vld.idx.msk [tilespmem:v22+s30+$0x1050 ss:$0x1], $0xffff;
	_ =	sdelay $0x1  }
0x2a7: {  	v28 =	vld.idx.msk [tilespmem:v22+s30+$0x1850 ss:$0x1], $0xffff  }
0x2a8: {  	v25 =	vadd.f32 v26, v25  }
0x2a9: {  	v26 =	vld.idx.msk [tilespmem:v22+s30+$0x2050 ss:$0x1], $0xffff  }
0x2aa: {  	v25 =	vadd.f32 v27, v25  }
0x2ab: {  	v27 =	vld.idx.msk [tilespmem:v22+s30+$0x2850 ss:$0x1], $0xffff  }
0x2ac: {  	v25 =	vadd.f32 v28, v25  }
0x2ad: {  	v28 =	vld.idx.msk [tilespmem:v22+s30+$0x3050 ss:$0x1], $0xffff  }
0x2ae: {  	v25 =	vadd.f32 v26, v25  }
0x2af: {  	v26 =	vld.idx.msk [tilespmem:v22+s30+$0x3850 ss:$0x1], $0xffff  }
0x2b0: {  	v25 =	vadd.f32 v27, v25  }
0x2b1: {  	v27 =	vld.idx.msk [tilespmem:v22+s30+$0x4050 ss:$0x1], $0xffff  }
0x2b2: {  	v25 =	vadd.f32 v28, v25  }
0x2b3: {  	v28 =	vld.idx.msk [tilespmem:v22+s30+$0x4850 ss:$0x1], $0xffff  }
0x2b4: {  	v25 =	vadd.f32 v26, v25  }
0x2b5: {  	v26 =	vld.idx.msk [tilespmem:v22+s30+$0x5050 ss:$0x1], $0xffff  }
0x2b6: {  	v25 =	vadd.f32 v27, v25  }
0x2b7: {  	v27 =	vld.idx.msk [tilespmem:v22+s30+$0x5850 ss:$0x1], $0xffff  }
0x2b8: {  	v25 =	vadd.f32 v28, v25  }
0x2b9: {  	v28 =	vld.idx.msk [tilespmem:v22+s30+$0x6050 ss:$0x1], $0xffff  }
0x2ba: {  	v25 =	vadd.f32 v26, v25  }
0x2bb: {  	v26 =	vld.idx.msk [tilespmem:v22+s30+$0x6850 ss:$0x1], $0xffff  }
0x2bc: {  	v25 =	vadd.f32 v27, v25  }
0x2bd: {  	v27 =	vld.idx.msk [tilespmem:v22+s30+$0x7050 ss:$0x1], $0xffff  }
0x2be: {  	v25 =	vadd.f32 v28, v25  }
0x2bf: {  	v28 =	vld.idx.msk [tilespmem:v22+s30+$0x7850 ss:$0x1], $0xffff  }
0x2c0: {  	v25 =	vadd.f32 v26, v25  }
0x2c1: {  	v26 =	vld.idx.msk [tilespmem:v22+s30+$0x8050 ss:$0x1], $0xffff  }
0x2c2: {  	v25 =	vadd.f32 v27, v25  }
0x2c3: {  	v27 =	vld.idx.msk [tilespmem:v22+s30+$0x8850 ss:$0x1], $0xffff  }
0x2c4: {  	v25 =	vadd.f32 v28, v25  }
0x2c5: {  	v28 =	vld.idx.msk [tilespmem:v22+s30+$0x9050 ss:$0x1], $0xffff  }
0x2c6: {  	v25 =	vadd.f32 v26, v25  }
0x2c7: {  	v26 =	vld.idx.msk [tilespmem:v22+s30+$0x9850 ss:$0x1], $0xffff  }
0x2c8: {  	v25 =	vadd.f32 v27, v25;
	_ =	sdelay $0x1  }
0x2c9: {  	v25 =	vadd.f32 v28, v25  }
0x2ca: {  	v27 =	vld.idx.msk [tilespmem:v24+s30+$0x50 ss:$0x1], $0xffff  }
0x2cb: {  	v25 =	vadd.f32 v26, v25;
	_ =	sdelay $0x1  }
0x2cc: {  	v25 =	vmul.f32 $5.000000070e-02, v25;
	_ =	sdelay $0x1  }
0x2cd: {  	v25 =	vadd.f32 v25, v27;
	_ =	sdelay $0x1  }
0x2ce: {  	[tilespmem:v23+s30+$0x50 ss:$0x1] =	vst.idx.msk $0xffff, v25  }
0x2cf: {  	v25 =	vld.idx.msk [tilespmem:v22+s30+$0x60 ss:$0x1], $0xffff  }
0x2d0: {  	v26 =	vld.idx.msk [tilespmem:v22+s30+$0x860 ss:$0x1], $0xffff;
	_ =	sdelay $0x1  }
0x2d1: {  	v27 =	vld.idx.msk [tilespmem:v22+s30+$0x1060 ss:$0x1], $0xffff;
	_ =	sdelay $0x1  }
0x2d2: {  	v28 =	vld.idx.msk [tilespmem:v22+s30+$0x1860 ss:$0x1], $0xffff  }
0x2d3: {  	v25 =	vadd.f32 v26, v25  }
0x2d4: {  	v26 =	vld.idx.msk [tilespmem:v22+s30+$0x2060 ss:$0x1], $0xffff  }
0x2d5: {  	v25 =	vadd.f32 v27, v25  }
0x2d6: {  	v27 =	vld.idx.msk [tilespmem:v22+s30+$0x2860 ss:$0x1], $0xffff  }
0x2d7: {  	v25 =	vadd.f32 v28, v25  }
0x2d8: {  	v28 =	vld.idx.msk [tilespmem:v22+s30+$0x3060 ss:$0x1], $0xffff  }
0x2d9: {  	v25 =	vadd.f32 v26, v25  }
0x2da: {  	v26 =	vld.idx.msk [tilespmem:v22+s30+$0x3860 ss:$0x1], $0xffff  }
0x2db: {  	v25 =	vadd.f32 v27, v25  }
0x2dc: {  	v27 =	vld.idx.msk [tilespmem:v22+s30+$0x4060 ss:$0x1], $0xffff  }
0x2dd: {  	v25 =	vadd.f32 v28, v25  }
0x2de: {  	v28 =	vld.idx.msk [tilespmem:v22+s30+$0x4860 ss:$0x1], $0xffff  }
0x2df: {  	v25 =	vadd.f32 v26, v25  }
0x2e0: {  	v26 =	vld.idx.msk [tilespmem:v22+s30+$0x5060 ss:$0x1], $0xffff  }
0x2e1: {  	v25 =	vadd.f32 v27, v25  }
0x2e2: {  	v27 =	vld.idx.msk [tilespmem:v22+s30+$0x5860 ss:$0x1], $0xffff  }
0x2e3: {  	v25 =	vadd.f32 v28, v25  }
0x2e4: {  	v28 =	vld.idx.msk [tilespmem:v22+s30+$0x6060 ss:$0x1], $0xffff  }
0x2e5: {  	v25 =	vadd.f32 v26, v25  }
0x2e6: {  	v26 =	vld.idx.msk [tilespmem:v22+s30+$0x6860 ss:$0x1], $0xffff  }
0x2e7: {  	v25 =	vadd.f32 v27, v25  }
0x2e8: {  	v27 =	vld.idx.msk [tilespmem:v22+s30+$0x7060 ss:$0x1], $0xffff  }
0x2e9: {  	v25 =	vadd.f32 v28, v25  }
0x2ea: {  	v28 =	vld.idx.msk [tilespmem:v22+s30+$0x7860 ss:$0x1], $0xffff  }
0x2eb: {  	v25 =	vadd.f32 v26, v25  }
0x2ec: {  	v26 =	vld.idx.msk [tilespmem:v22+s30+$0x8060 ss:$0x1], $0xffff  }
0x2ed: {  	v25 =	vadd.f32 v27, v25  }
0x2ee: {  	v29 =	vld.idx.msk [tilespmem:v22+s30+$0x8860 ss:$0x1], $0xffff  }
0x2ef: {  	v25 =	vadd.f32 v28, v25  }
0x2f0: {  	v27 =	vld.idx.msk [tilespmem:v22+s30+$0x9060 ss:$0x1], $0xffff  }
0x2f1: {  	v28 =	vadd.f32 v26, v25  }
0x2f2: {  	v26 =	vld.idx.msk [tilespmem:v22+s30+$0x9860 ss:$0x1], $0xffff  }
0x2f3: {  	s11 =	simm.s32 $0x200;
	v25 =	vld.idx.msk [tilespmem:v24+s30+$0x60 ss:$0x1], $0xffff;
	v28 =	vadd.f32 v29, v28  }
.LBB2_11:
0x2f4: {  	_ = 	snop  }
0x2f5: {  	p0 =	sne.s32 s11, $0x1E00;
	s12 =	smov.u32 s11;
	s11 =	sadd.s32 $0x200, s11;
	v27 =	vadd.f32 v27, v28  }
0x2f6: {  	_ = 	snop  }
0x2f7: {  	v26 =	vadd.f32 v26, v27;
	_ =	sdelay $0x1  }
0x2f8: {  	v26 =	vmul.f32 $5.000000070e-02, v26;
	_ =	sdelay $0x1  }
0x2f9: {  	v25 =	vadd.f32 v26, v25  }
0x2fa: {  	s12 =	sshra.s32 s12, $0x2  }
0x2fb: {  	[tilespmem:v23+s30+$0x60 ss:$0x1] =	vst.idx.msk $0xffff, v25;
	s30 =	smov.u32 s12  }
0x2fc: {  	v25 =	vld.idx.msk [tilespmem:v22+s30+$0x0 ss:$0x1], $0xffff  }
0x2fd: {  	v26 =	vld.idx.msk [tilespmem:v22+s30+$0x800 ss:$0x1], $0xffff  }
0x2fe: {  	v27 =	vld.idx.msk [tilespmem:v22+s30+$0x1000 ss:$0x1], $0xffff;
	_ =	sdelay $0x2  }
0x2ff: {  	v28 =	vld.idx.msk [tilespmem:v22+s30+$0x1800 ss:$0x1], $0xffff;
	_ =	sdelay $0x1  }
0x300: {  	v25 =	vadd.f32 v26, v25;
	v26 =	vld.idx.msk [tilespmem:v22+s30+$0x2000 ss:$0x1], $0xffff;
	_ =	sdelay $0x1  }
0x301: {  	v25 =	vadd.f32 v27, v25;
	v27 =	vld.idx.msk [tilespmem:v22+s30+$0x2800 ss:$0x1], $0xffff;
	_ =	sdelay $0x1  }
0x302: {  	v25 =	vadd.f32 v28, v25;
	v28 =	vld.idx.msk [tilespmem:v22+s30+$0x3000 ss:$0x1], $0xffff;
	_ =	sdelay $0x1  }
0x303: {  	v25 =	vadd.f32 v26, v25;
	v26 =	vld.idx.msk [tilespmem:v22+s30+$0x3800 ss:$0x1], $0xffff;
	_ =	sdelay $0x1  }
0x304: {  	v25 =	vadd.f32 v27, v25;
	v27 =	vld.idx.msk [tilespmem:v22+s30+$0x4000 ss:$0x1], $0xffff;
	_ =	sdelay $0x1  }
0x305: {  	v25 =	vadd.f32 v28, v25;
	v28 =	vld.idx.msk [tilespmem:v22+s30+$0x4800 ss:$0x1], $0xffff;
	_ =	sdelay $0x1  }
0x306: {  	v25 =	vadd.f32 v26, v25;
	v26 =	vld.idx.msk [tilespmem:v22+s30+$0x5000 ss:$0x1], $0xffff;
	_ =	sdelay $0x1  }
0x307: {  	v25 =	vadd.f32 v27, v25;
	v27 =	vld.idx.msk [tilespmem:v22+s30+$0x5800 ss:$0x1], $0xffff;
	_ =	sdelay $0x1  }
0x308: {  	v25 =	vadd.f32 v28, v25;
	v28 =	vld.idx.msk [tilespmem:v22+s30+$0x6000 ss:$0x1], $0xffff;
	_ =	sdelay $0x1  }
0x309: {  	v25 =	vadd.f32 v26, v25;
	v26 =	vld.idx.msk [tilespmem:v22+s30+$0x6800 ss:$0x1], $0xffff;
	_ =	sdelay $0x1  }
0x30a: {  	v25 =	vadd.f32 v27, v25;
	v27 =	vld.idx.msk [tilespmem:v22+s30+$0x7000 ss:$0x1], $0xffff;
	_ =	sdelay $0x1  }
0x30b: {  	v25 =	vadd.f32 v28, v25;
	v28 =	vld.idx.msk [tilespmem:v22+s30+$0x7800 ss:$0x1], $0xffff;
	_ =	sdelay $0x1  }
0x30c: {  	v25 =	vadd.f32 v26, v25;
	v26 =	vld.idx.msk [tilespmem:v22+s30+$0x8000 ss:$0x1], $0xffff;
	_ =	sdelay $0x1  }
0x30d: {  	v25 =	vadd.f32 v27, v25;
	v27 =	vld.idx.msk [tilespmem:v22+s30+$0x8800 ss:$0x1], $0xffff;
	_ =	sdelay $0x1  }
0x30e: {  	v25 =	vadd.f32 v28, v25;
	v28 =	vld.idx.msk [tilespmem:v22+s30+$0x9000 ss:$0x1], $0xffff;
	_ =	sdelay $0x1  }
0x30f: {  	v25 =	vadd.f32 v26, v25;
	v26 =	vld.idx.msk [tilespmem:v22+s30+$0x9800 ss:$0x1], $0xffff;
	_ =	sdelay $0x1  }
0x310: {  	v25 =	vadd.f32 v27, v25;
	_ =	sdelay $0x1  }
0x311: {  	v25 =	vadd.f32 v28, v25;
	v27 =	vld.idx.msk [tilespmem:v24+s30+$0x0 ss:$0x1], $0xffff;
	_ =	sdelay $0x1  }
0x312: {  	v25 =	vadd.f32 v26, v25;
	_ =	sdelay $0x1  }
0x313: {  	v25 =	vmul.f32 $5.000000070e-02, v25;
	_ =	sdelay $0x1  }
0x314: {  	v25 =	vadd.f32 v25, v27;
	_ =	sdelay $0x1  }
0x315: {  	[tilespmem:v23+s30+$0x0 ss:$0x1] =	vst.idx.msk $0xffff, v25  }
0x316: {  	v25 =	vld.idx.msk [tilespmem:v22+s30+$0x10 ss:$0x1], $0xffff  }
0x317: {  	v26 =	vld.idx.msk [tilespmem:v22+s30+$0x810 ss:$0x1], $0xffff;
	_ =	sdelay $0x1  }
0x318: {  	v27 =	vld.idx.msk [tilespmem:v22+s30+$0x1010 ss:$0x1], $0xffff;
	_ =	sdelay $0x1  }
0x319: {  	v28 =	vld.idx.msk [tilespmem:v22+s30+$0x1810 ss:$0x1], $0xffff;
	_ =	sdelay $0x1  }
0x31a: {  	v25 =	vadd.f32 v26, v25;
	v26 =	vld.idx.msk [tilespmem:v22+s30+$0x2010 ss:$0x1], $0xffff;
	_ =	sdelay $0x1  }
0x31b: {  	v25 =	vadd.f32 v27, v25;
	v27 =	vld.idx.msk [tilespmem:v22+s30+$0x2810 ss:$0x1], $0xffff;
	_ =	sdelay $0x1  }
0x31c: {  	v25 =	vadd.f32 v28, v25;
	v28 =	vld.idx.msk [tilespmem:v22+s30+$0x3010 ss:$0x1], $0xffff;
	_ =	sdelay $0x1  }
0x31d: {  	v25 =	vadd.f32 v26, v25;
	v26 =	vld.idx.msk [tilespmem:v22+s30+$0x3810 ss:$0x1], $0xffff;
	_ =	sdelay $0x1  }
0x31e: {  	v25 =	vadd.f32 v27, v25;
	v27 =	vld.idx.msk [tilespmem:v22+s30+$0x4010 ss:$0x1], $0xffff;
	_ =	sdelay $0x1  }
0x31f: {  	v25 =	vadd.f32 v28, v25;
	v28 =	vld.idx.msk [tilespmem:v22+s30+$0x4810 ss:$0x1], $0xffff;
	_ =	sdelay $0x1  }
0x320: {  	v25 =	vadd.f32 v26, v25;
	v26 =	vld.idx.msk [tilespmem:v22+s30+$0x5010 ss:$0x1], $0xffff;
	_ =	sdelay $0x1  }
0x321: {  	v25 =	vadd.f32 v27, v25;
	v27 =	vld.idx.msk [tilespmem:v22+s30+$0x5810 ss:$0x1], $0xffff;
	_ =	sdelay $0x1  }
0x322: {  	v25 =	vadd.f32 v28, v25;
	v28 =	vld.idx.msk [tilespmem:v22+s30+$0x6010 ss:$0x1], $0xffff;
	_ =	sdelay $0x1  }
0x323: {  	v25 =	vadd.f32 v26, v25;
	v26 =	vld.idx.msk [tilespmem:v22+s30+$0x6810 ss:$0x1], $0xffff;
	_ =	sdelay $0x1  }
0x324: {  	v25 =	vadd.f32 v27, v25;
	v27 =	vld.idx.msk [tilespmem:v22+s30+$0x7010 ss:$0x1], $0xffff;
	_ =	sdelay $0x1  }
0x325: {  	v25 =	vadd.f32 v28, v25;
	v28 =	vld.idx.msk [tilespmem:v22+s30+$0x7810 ss:$0x1], $0xffff;
	_ =	sdelay $0x1  }
0x326: {  	v25 =	vadd.f32 v26, v25;
	v26 =	vld.idx.msk [tilespmem:v22+s30+$0x8010 ss:$0x1], $0xffff;
	_ =	sdelay $0x1  }
0x327: {  	v25 =	vadd.f32 v27, v25;
	v27 =	vld.idx.msk [tilespmem:v22+s30+$0x8810 ss:$0x1], $0xffff;
	_ =	sdelay $0x1  }
0x328: {  	v25 =	vadd.f32 v28, v25;
	v28 =	vld.idx.msk [tilespmem:v22+s30+$0x9010 ss:$0x1], $0xffff;
	_ =	sdelay $0x1  }
0x329: {  	v25 =	vadd.f32 v26, v25;
	v26 =	vld.idx.msk [tilespmem:v22+s30+$0x9810 ss:$0x1], $0xffff;
	_ =	sdelay $0x1  }
0x32a: {  	v25 =	vadd.f32 v27, v25;
	_ =	sdelay $0x1  }
0x32b: {  	v25 =	vadd.f32 v28, v25;
	v27 =	vld.idx.msk [tilespmem:v24+s30+$0x10 ss:$0x1], $0xffff;
	_ =	sdelay $0x1  }
0x32c: {  	v25 =	vadd.f32 v26, v25;
	_ =	sdelay $0x1  }
0x32d: {  	v25 =	vmul.f32 $5.000000070e-02, v25;
	_ =	sdelay $0x1  }
0x32e: {  	v25 =	vadd.f32 v25, v27;
	_ =	sdelay $0x1  }
0x32f: {  	[tilespmem:v23+s30+$0x10 ss:$0x1] =	vst.idx.msk $0xffff, v25  }
0x330: {  	v25 =	vld.idx.msk [tilespmem:v22+s30+$0x20 ss:$0x1], $0xffff  }
0x331: {  	v26 =	vld.idx.msk [tilespmem:v22+s30+$0x820 ss:$0x1], $0xffff;
	_ =	sdelay $0x1  }
0x332: {  	v27 =	vld.idx.msk [tilespmem:v22+s30+$0x1020 ss:$0x1], $0xffff;
	_ =	sdelay $0x1  }
0x333: {  	v28 =	vld.idx.msk [tilespmem:v22+s30+$0x1820 ss:$0x1], $0xffff;
	_ =	sdelay $0x1  }
0x334: {  	v25 =	vadd.f32 v26, v25;
	v26 =	vld.idx.msk [tilespmem:v22+s30+$0x2020 ss:$0x1], $0xffff;
	_ =	sdelay $0x1  }
0x335: {  	v25 =	vadd.f32 v27, v25;
	v27 =	vld.idx.msk [tilespmem:v22+s30+$0x2820 ss:$0x1], $0xffff;
	_ =	sdelay $0x1  }
0x336: {  	v25 =	vadd.f32 v28, v25;
	v28 =	vld.idx.msk [tilespmem:v22+s30+$0x3020 ss:$0x1], $0xffff;
	_ =	sdelay $0x1  }
0x337: {  	v25 =	vadd.f32 v26, v25;
	v26 =	vld.idx.msk [tilespmem:v22+s30+$0x3820 ss:$0x1], $0xffff;
	_ =	sdelay $0x1  }
0x338: {  	v25 =	vadd.f32 v27, v25;
	v27 =	vld.idx.msk [tilespmem:v22+s30+$0x4020 ss:$0x1], $0xffff;
	_ =	sdelay $0x1  }
0x339: {  	v25 =	vadd.f32 v28, v25;
	v28 =	vld.idx.msk [tilespmem:v22+s30+$0x4820 ss:$0x1], $0xffff;
	_ =	sdelay $0x1  }
0x33a: {  	v25 =	vadd.f32 v26, v25;
	v26 =	vld.idx.msk [tilespmem:v22+s30+$0x5020 ss:$0x1], $0xffff;
	_ =	sdelay $0x1  }
0x33b: {  	v25 =	vadd.f32 v27, v25;
	v27 =	vld.idx.msk [tilespmem:v22+s30+$0x5820 ss:$0x1], $0xffff;
	_ =	sdelay $0x1  }
0x33c: {  	v25 =	vadd.f32 v28, v25;
	v28 =	vld.idx.msk [tilespmem:v22+s30+$0x6020 ss:$0x1], $0xffff;
	_ =	sdelay $0x1  }
0x33d: {  	v25 =	vadd.f32 v26, v25;
	v26 =	vld.idx.msk [tilespmem:v22+s30+$0x6820 ss:$0x1], $0xffff;
	_ =	sdelay $0x1  }
0x33e: {  	v25 =	vadd.f32 v27, v25;
	v27 =	vld.idx.msk [tilespmem:v22+s30+$0x7020 ss:$0x1], $0xffff;
	_ =	sdelay $0x1  }
0x33f: {  	v25 =	vadd.f32 v28, v25;
	v28 =	vld.idx.msk [tilespmem:v22+s30+$0x7820 ss:$0x1], $0xffff;
	_ =	sdelay $0x1  }
0x340: {  	v25 =	vadd.f32 v26, v25;
	v26 =	vld.idx.msk [tilespmem:v22+s30+$0x8020 ss:$0x1], $0xffff;
	_ =	sdelay $0x1  }
0x341: {  	v25 =	vadd.f32 v27, v25;
	v27 =	vld.idx.msk [tilespmem:v22+s30+$0x8820 ss:$0x1], $0xffff;
	_ =	sdelay $0x1  }
0x342: {  	v25 =	vadd.f32 v28, v25;
	v28 =	vld.idx.msk [tilespmem:v22+s30+$0x9020 ss:$0x1], $0xffff;
	_ =	sdelay $0x1  }
0x343: {  	v25 =	vadd.f32 v26, v25;
	v26 =	vld.idx.msk [tilespmem:v22+s30+$0x9820 ss:$0x1], $0xffff;
	_ =	sdelay $0x1  }
0x344: {  	v25 =	vadd.f32 v27, v25;
	_ =	sdelay $0x1  }
0x345: {  	v25 =	vadd.f32 v28, v25;
	v27 =	vld.idx.msk [tilespmem:v24+s30+$0x20 ss:$0x1], $0xffff;
	_ =	sdelay $0x1  }
0x346: {  	v25 =	vadd.f32 v26, v25;
	_ =	sdelay $0x1  }
0x347: {  	v25 =	vmul.f32 $5.000000070e-02, v25;
	_ =	sdelay $0x1  }
0x348: {  	v25 =	vadd.f32 v25, v27;
	_ =	sdelay $0x1  }
0x349: {  	[tilespmem:v23+s30+$0x20 ss:$0x1] =	vst.idx.msk $0xffff, v25  }
0x34a: {  	v25 =	vld.idx.msk [tilespmem:v22+s30+$0x30 ss:$0x1], $0xffff  }
0x34b: {  	v26 =	vld.idx.msk [tilespmem:v22+s30+$0x830 ss:$0x1], $0xffff;
	_ =	sdelay $0x1  }
0x34c: {  	v27 =	vld.idx.msk [tilespmem:v22+s30+$0x1030 ss:$0x1], $0xffff;
	_ =	sdelay $0x1  }
0x34d: {  	v28 =	vld.idx.msk [tilespmem:v22+s30+$0x1830 ss:$0x1], $0xffff;
	_ =	sdelay $0x1  }
0x34e: {  	v25 =	vadd.f32 v26, v25;
	v26 =	vld.idx.msk [tilespmem:v22+s30+$0x2030 ss:$0x1], $0xffff;
	_ =	sdelay $0x1  }
0x34f: {  	v25 =	vadd.f32 v27, v25;
	v27 =	vld.idx.msk [tilespmem:v22+s30+$0x2830 ss:$0x1], $0xffff;
	_ =	sdelay $0x1  }
0x350: {  	v25 =	vadd.f32 v28, v25;
	v28 =	vld.idx.msk [tilespmem:v22+s30+$0x3030 ss:$0x1], $0xffff;
	_ =	sdelay $0x1  }
0x351: {  	v25 =	vadd.f32 v26, v25;
	v26 =	vld.idx.msk [tilespmem:v22+s30+$0x3830 ss:$0x1], $0xffff;
	_ =	sdelay $0x1  }
0x352: {  	v25 =	vadd.f32 v27, v25;
	v27 =	vld.idx.msk [tilespmem:v22+s30+$0x4030 ss:$0x1], $0xffff;
	_ =	sdelay $0x1  }
0x353: {  	v25 =	vadd.f32 v28, v25;
	v28 =	vld.idx.msk [tilespmem:v22+s30+$0x4830 ss:$0x1], $0xffff;
	_ =	sdelay $0x1  }
0x354: {  	v25 =	vadd.f32 v26, v25;
	v26 =	vld.idx.msk [tilespmem:v22+s30+$0x5030 ss:$0x1], $0xffff;
	_ =	sdelay $0x1  }
0x355: {  	v25 =	vadd.f32 v27, v25;
	v27 =	vld.idx.msk [tilespmem:v22+s30+$0x5830 ss:$0x1], $0xffff;
	_ =	sdelay $0x1  }
0x356: {  	v25 =	vadd.f32 v28, v25;
	v28 =	vld.idx.msk [tilespmem:v22+s30+$0x6030 ss:$0x1], $0xffff;
	_ =	sdelay $0x1  }
0x357: {  	v25 =	vadd.f32 v26, v25;
	v26 =	vld.idx.msk [tilespmem:v22+s30+$0x6830 ss:$0x1], $0xffff;
	_ =	sdelay $0x1  }
0x358: {  	v25 =	vadd.f32 v27, v25;
	v27 =	vld.idx.msk [tilespmem:v22+s30+$0x7030 ss:$0x1], $0xffff;
	_ =	sdelay $0x1  }
0x359: {  	v25 =	vadd.f32 v28, v25;
	v28 =	vld.idx.msk [tilespmem:v22+s30+$0x7830 ss:$0x1], $0xffff;
	_ =	sdelay $0x1  }
0x35a: {  	v25 =	vadd.f32 v26, v25;
	v26 =	vld.idx.msk [tilespmem:v22+s30+$0x8030 ss:$0x1], $0xffff;
	_ =	sdelay $0x1  }
0x35b: {  	v25 =	vadd.f32 v27, v25;
	v27 =	vld.idx.msk [tilespmem:v22+s30+$0x8830 ss:$0x1], $0xffff;
	_ =	sdelay $0x1  }
0x35c: {  	v25 =	vadd.f32 v28, v25;
	v28 =	vld.idx.msk [tilespmem:v22+s30+$0x9030 ss:$0x1], $0xffff;
	_ =	sdelay $0x1  }
0x35d: {  	v25 =	vadd.f32 v26, v25;
	v26 =	vld.idx.msk [tilespmem:v22+s30+$0x9830 ss:$0x1], $0xffff;
	_ =	sdelay $0x1  }
0x35e: {  	v25 =	vadd.f32 v27, v25;
	_ =	sdelay $0x1  }
0x35f: {  	v25 =	vadd.f32 v28, v25;
	v27 =	vld.idx.msk [tilespmem:v24+s30+$0x30 ss:$0x1], $0xffff;
	_ =	sdelay $0x1  }
0x360: {  	v25 =	vadd.f32 v26, v25;
	_ =	sdelay $0x1  }
0x361: {  	v25 =	vmul.f32 $5.000000070e-02, v25;
	_ =	sdelay $0x1  }
0x362: {  	v25 =	vadd.f32 v25, v27;
	_ =	sdelay $0x1  }
0x363: {  	[tilespmem:v23+s30+$0x30 ss:$0x1] =	vst.idx.msk $0xffff, v25  }
0x364: {  	v25 =	vld.idx.msk [tilespmem:v22+s30+$0x40 ss:$0x1], $0xffff  }
0x365: {  	v26 =	vld.idx.msk [tilespmem:v22+s30+$0x840 ss:$0x1], $0xffff  }
0x366: {  	v27 =	vld.idx.msk [tilespmem:v22+s30+$0x1040 ss:$0x1], $0xffff  }
0x367: {  	v28 =	vld.idx.msk [tilespmem:v22+s30+$0x1840 ss:$0x1], $0xffff  }
0x368: {  	v29 =	vld.idx.msk [tilespmem:v22+s30+$0x2040 ss:$0x1], $0xffff  }
0x369: {  	v30 =	vld.idx.msk [tilespmem:v22+s30+$0x2840 ss:$0x1], $0xffff  }
0x36a: {  	v31 =	vld.idx.msk [tilespmem:v22+s30+$0x3040 ss:$0x1], $0xffff  }
0x36b: {  	v25 =	vadd.f32 v26, v25;
	v26 =	vld.idx.msk [tilespmem:v22+s30+$0x3840 ss:$0x1], $0xffff  }
0x36c: {  	v32 =	vld.idx.msk [tilespmem:v22+s30+$0x4040 ss:$0x1], $0xffff  }
0x36d: {  	v25 =	vadd.f32 v27, v25;
	v27 =	vld.idx.msk [tilespmem:v22+s30+$0x4840 ss:$0x1], $0xffff  }
0x36e: {  	v33 =	vld.idx.msk [tilespmem:v22+s30+$0x5040 ss:$0x1], $0xffff  }
0x36f: {  	v25 =	vadd.f32 v28, v25;
	v28 =	vld.idx.msk [tilespmem:v22+s30+$0x5840 ss:$0x1], $0xffff  }
0x370: {  	v34 =	vld.idx.msk [tilespmem:v22+s30+$0x6040 ss:$0x1], $0xffff  }
0x371: {  	v25 =	vadd.f32 v29, v25;
	v29 =	vld.idx.msk [tilespmem:v22+s30+$0x6840 ss:$0x1], $0xffff  }
0x372: {  	v35 =	vld.idx.msk [tilespmem:v22+s30+$0x7040 ss:$0x1], $0xffff  }
0x373: {  	v25 =	vadd.f32 v30, v25;
	v30 =	vld.idx.msk [tilespmem:v22+s30+$0x7840 ss:$0x1], $0xffff  }
0x374: {  	v36 =	vld.idx.msk [tilespmem:v22+s30+$0x8040 ss:$0x1], $0xffff  }
0x375: {  	v25 =	vadd.f32 v31, v25;
	v31 =	vld.idx.msk [tilespmem:v22+s30+$0x8840 ss:$0x1], $0xffff  }
0x376: {  	v37 =	vld.idx.msk [tilespmem:v22+s30+$0x9040 ss:$0x1], $0xffff  }
0x377: {  	v25 =	vadd.f32 v26, v25;
	v26 =	vld.idx.msk [tilespmem:v22+s30+$0x9840 ss:$0x1], $0xffff  }
0x378: {  	v38 =	vld.idx.msk [tilespmem:v24+s30+$0x40 ss:$0x1], $0xffff  }
0x379: {  	v25 =	vadd.f32 v32, v25;
	_ =	sdelay $0x1  }
0x37a: {  	v25 =	vadd.f32 v27, v25;
	_ =	sdelay $0x1  }
0x37b: {  	v25 =	vadd.f32 v33, v25;
	_ =	sdelay $0x1  }
0x37c: {  	v25 =	vadd.f32 v28, v25;
	_ =	sdelay $0x1  }
0x37d: {  	v25 =	vadd.f32 v34, v25;
	_ =	sdelay $0x1  }
0x37e: {  	v25 =	vadd.f32 v29, v25;
	_ =	sdelay $0x1  }
0x37f: {  	v25 =	vadd.f32 v35, v25;
	_ =	sdelay $0x1  }
0x380: {  	v25 =	vadd.f32 v30, v25;
	_ =	sdelay $0x1  }
0x381: {  	v25 =	vadd.f32 v36, v25;
	_ =	sdelay $0x1  }
0x382: {  	v25 =	vadd.f32 v31, v25;
	_ =	sdelay $0x1  }
0x383: {  	v25 =	vadd.f32 v37, v25;
	_ =	sdelay $0x1  }
0x384: {  	v25 =	vadd.f32 v26, v25;
	_ =	sdelay $0x1  }
0x385: {  	v25 =	vmul.f32 $5.000000070e-02, v25;
	_ =	sdelay $0x1  }
0x386: {  	v25 =	vadd.f32 v25, v38;
	_ =	sdelay $0x1  }
0x387: {  	[tilespmem:v23+s30+$0x40 ss:$0x1] =	vst.idx.msk $0xffff, v25  }
0x388: {  	v25 =	vld.idx.msk [tilespmem:v22+s30+$0x50 ss:$0x1], $0xffff  }
0x389: {  	v26 =	vld.idx.msk [tilespmem:v22+s30+$0x850 ss:$0x1], $0xffff  }
0x38a: {  	v27 =	vld.idx.msk [tilespmem:v22+s30+$0x1050 ss:$0x1], $0xffff  }
0x38b: {  	v28 =	vld.idx.msk [tilespmem:v22+s30+$0x1850 ss:$0x1], $0xffff  }
0x38c: {  	v29 =	vld.idx.msk [tilespmem:v22+s30+$0x2050 ss:$0x1], $0xffff  }
0x38d: {  	v30 =	vld.idx.msk [tilespmem:v22+s30+$0x2850 ss:$0x1], $0xffff  }
0x38e: {  	v31 =	vld.idx.msk [tilespmem:v22+s30+$0x3050 ss:$0x1], $0xffff  }
0x38f: {  	v25 =	vadd.f32 v26, v25;
	v26 =	vld.idx.msk [tilespmem:v22+s30+$0x3850 ss:$0x1], $0xffff  }
0x390: {  	v32 =	vld.idx.msk [tilespmem:v22+s30+$0x4050 ss:$0x1], $0xffff  }
0x391: {  	v25 =	vadd.f32 v27, v25;
	v27 =	vld.idx.msk [tilespmem:v22+s30+$0x4850 ss:$0x1], $0xffff  }
0x392: {  	v33 =	vld.idx.msk [tilespmem:v22+s30+$0x5050 ss:$0x1], $0xffff  }
0x393: {  	v25 =	vadd.f32 v28, v25;
	v28 =	vld.idx.msk [tilespmem:v22+s30+$0x5850 ss:$0x1], $0xffff  }
0x394: {  	v34 =	vld.idx.msk [tilespmem:v22+s30+$0x6050 ss:$0x1], $0xffff  }
0x395: {  	v25 =	vadd.f32 v29, v25;
	v29 =	vld.idx.msk [tilespmem:v22+s30+$0x6850 ss:$0x1], $0xffff  }
0x396: {  	v35 =	vld.idx.msk [tilespmem:v22+s30+$0x7050 ss:$0x1], $0xffff  }
0x397: {  	v25 =	vadd.f32 v30, v25;
	v30 =	vld.idx.msk [tilespmem:v22+s30+$0x7850 ss:$0x1], $0xffff  }
0x398: {  	v36 =	vld.idx.msk [tilespmem:v22+s30+$0x8050 ss:$0x1], $0xffff  }
0x399: {  	v25 =	vadd.f32 v31, v25;
	v31 =	vld.idx.msk [tilespmem:v22+s30+$0x8850 ss:$0x1], $0xffff  }
0x39a: {  	v37 =	vld.idx.msk [tilespmem:v22+s30+$0x9050 ss:$0x1], $0xffff  }
0x39b: {  	v25 =	vadd.f32 v26, v25;
	v26 =	vld.idx.msk [tilespmem:v22+s30+$0x9850 ss:$0x1], $0xffff  }
0x39c: {  	v38 =	vld.idx.msk [tilespmem:v24+s30+$0x50 ss:$0x1], $0xffff  }
0x39d: {  	v25 =	vadd.f32 v32, v25;
	_ =	sdelay $0x1  }
0x39e: {  	v25 =	vadd.f32 v27, v25;
	_ =	sdelay $0x1  }
0x39f: {  	v25 =	vadd.f32 v33, v25;
	_ =	sdelay $0x1  }
0x3a0: {  	v25 =	vadd.f32 v28, v25;
	_ =	sdelay $0x1  }
0x3a1: {  	v25 =	vadd.f32 v34, v25;
	_ =	sdelay $0x1  }
0x3a2: {  	v25 =	vadd.f32 v29, v25;
	_ =	sdelay $0x1  }
0x3a3: {  	v25 =	vadd.f32 v35, v25;
	_ =	sdelay $0x1  }
0x3a4: {  	v25 =	vadd.f32 v30, v25;
	_ =	sdelay $0x1  }
0x3a5: {  	v25 =	vadd.f32 v36, v25;
	_ =	sdelay $0x1  }
0x3a6: {  	v25 =	vadd.f32 v31, v25;
	_ =	sdelay $0x1  }
0x3a7: {  	v25 =	vadd.f32 v37, v25;
	_ =	sdelay $0x1  }
0x3a8: {  	v25 =	vadd.f32 v26, v25;
	_ =	sdelay $0x1  }
0x3a9: {  	v25 =	vmul.f32 $5.000000070e-02, v25;
	_ =	sdelay $0x1  }
0x3aa: {  	v25 =	vadd.f32 v25, v38;
	_ =	sdelay $0x1  }
0x3ab: {  	[tilespmem:v23+s30+$0x50 ss:$0x1] =	vst.idx.msk $0xffff, v25  }
0x3ac: {  	v25 =	vld.idx.msk [tilespmem:v22+s30+$0x60 ss:$0x1], $0xffff  }
0x3ad: {  	v26 =	vld.idx.msk [tilespmem:v22+s30+$0x860 ss:$0x1], $0xffff  }
0x3ae: {  	v27 =	vld.idx.msk [tilespmem:v22+s30+$0x1060 ss:$0x1], $0xffff  }
0x3af: {  	v28 =	vld.idx.msk [tilespmem:v22+s30+$0x1860 ss:$0x1], $0xffff  }
0x3b0: {  	v29 =	vld.idx.msk [tilespmem:v22+s30+$0x2060 ss:$0x1], $0xffff  }
0x3b1: {  	v30 =	vld.idx.msk [tilespmem:v22+s30+$0x2860 ss:$0x1], $0xffff  }
0x3b2: {  	v31 =	vld.idx.msk [tilespmem:v22+s30+$0x3060 ss:$0x1], $0xffff  }
0x3b3: {  	v25 =	vadd.f32 v26, v25;
	v26 =	vld.idx.msk [tilespmem:v22+s30+$0x3860 ss:$0x1], $0xffff  }
0x3b4: {  	v32 =	vld.idx.msk [tilespmem:v22+s30+$0x4060 ss:$0x1], $0xffff  }
0x3b5: {  	v25 =	vadd.f32 v27, v25;
	v33 =	vld.idx.msk [tilespmem:v22+s30+$0x4860 ss:$0x1], $0xffff  }
0x3b6: {  	v34 =	vld.idx.msk [tilespmem:v22+s30+$0x5060 ss:$0x1], $0xffff  }
0x3b7: {  	v25 =	vadd.f32 v28, v25;
	v28 =	vld.idx.msk [tilespmem:v22+s30+$0x5860 ss:$0x1], $0xffff  }
0x3b8: {  	v35 =	vld.idx.msk [tilespmem:v22+s30+$0x6060 ss:$0x1], $0xffff  }
0x3b9: {  	v25 =	vadd.f32 v29, v25;
	v29 =	vld.idx.msk [tilespmem:v22+s30+$0x6860 ss:$0x1], $0xffff  }
0x3ba: {  	v36 =	vld.idx.msk [tilespmem:v22+s30+$0x7060 ss:$0x1], $0xffff  }
0x3bb: {  	v25 =	vadd.f32 v30, v25;
	v30 =	vld.idx.msk [tilespmem:v22+s30+$0x7860 ss:$0x1], $0xffff  }
0x3bc: {  	v37 =	vld.idx.msk [tilespmem:v22+s30+$0x8060 ss:$0x1], $0xffff  }
0x3bd: {  	v25 =	vadd.f32 v31, v25;
	v31 =	vld.idx.msk [tilespmem:v22+s30+$0x8860 ss:$0x1], $0xffff  }
0x3be: {  	v27 =	vld.idx.msk [tilespmem:v22+s30+$0x9060 ss:$0x1], $0xffff  }
0x3bf: {  	v38 =	vadd.f32 v26, v25;
	v26 =	vld.idx.msk [tilespmem:v22+s30+$0x9860 ss:$0x1], $0xffff  }
0x3c0: {  	v25 =	vld.idx.msk [tilespmem:v24+s30+$0x60 ss:$0x1], $0xffff  }
0x3c1: {  	v32 =	vadd.f32 v32, v38;
	_ =	sdelay $0x1  }
0x3c2: {  	v32 =	vadd.f32 v33, v32;
	_ =	sdelay $0x1  }
0x3c3: {  	v32 =	vadd.f32 v34, v32;
	_ =	sdelay $0x1  }
0x3c4: {  	v28 =	vadd.f32 v28, v32;
	_ =	sdelay $0x1  }
0x3c5: {  	v28 =	vadd.f32 v35, v28;
	_ =	sdelay $0x1  }
0x3c6: {  	v28 =	vadd.f32 v29, v28;
	_ =	sdelay $0x1  }
0x3c7: {  	v28 =	vadd.f32 v36, v28;
	_ =	sdelay $0x1  }
.Ltmp7:
0x3c8: {  	v28 =	vadd.f32 v30, v28;
	(pc) =	sbr.rel @p0 .LBB2_11-.Ltmp7, $3  }
0x3c9: {  	_ = 	snop  }
0x3ca: {  	v28 =	vadd.f32 v37, v28;
	_ =	sdelay $0x1  }
0x3cb: {  	v28 =	vadd.f32 v31, v28  }
0x3cc: {  	_ = 	snop  }
0x3cd: {  	v22 =	vadd.f32 v27, v28;
	_ =	sdelay $0x1  }
0x3ce: {  	v22 =	vadd.f32 v26, v22;
	_ =	sdelay $0x1  }
0x3cf: {  	p0 =	slt.u32 s25, $0x60;
	v22 =	vmul.f32 $5.000000070e-02, v22  }
.Ltmp8:
0x3d0: {  	s11 =	sshll.u32 s23, $0x8;
	(pc) =	sbr.rel @p0 .LBB2_2-.Ltmp8, $4  }
0x3d1: {  	s12 =	sshll.u32 s23, $0xD;
	s11 =	sand.u32 $0x700, s11;
	v22 =	vadd.f32 v22, v25  }
0x3d2: {  	s12 =	sand.u32 $0xF0000, s12;
	s11 =	sadd.s32 s11, s14  }
0x3d3: {  	s23 =	smov.u32 s25;
	s11 =	sadd.s32 s12, s11;
	[tilespmem:v23+s30+$0x60 ss:$0x1] =	vst.idx.msk $0xffff, v22;
	s30 =	sadd.s32 $0xD, s24  }
0x3d4: {  	[hbm4b:s11+s1] =	stream.linear.scatter [tilespmem:s17], [sflag:s30], $0x800, $0x38;
	[tilespmem:$0x1B300] =	vst v63  }
0x3d5: {  	s22 =	sadd.s32 $0x1, s22  }
0x3d6: {  	_ =	swait.ge [sflag:s31], $0x800;
	p0 =	sne.s32 s22, s15  }
.Ltmp9:
0x3d7: {  	[sflag:s31] =	ssyncset.done $0x0;
	(pc) =	sbr.rel @p0 .LBB2_1-.Ltmp9, $4  }
0x3d8: {  	[sflag:s31] =	ssyncadd.s32 $0xFFFFF800  }
0x3d9: {  	_ =	swait.ge [sflag:s21], $0x800  }
0x3da: {  	[sflag:s21] =	ssyncset.done $0x0  }
0x3db: {  	[sflag:s21] =	ssyncadd.s32 $0xFFFFF800  }
0x3dc: {  	_ =	sfence.sel $0x180000  }
0x3dd: {  	[bflag:$0x0] =	sbarrier.arrive $0xFFFF  }
0x3de: {  	_ =	strace $0x90000047  }
0x3df: {  	s0 =	stileid.u32;
	[bflag:$0x2] =	sbarrier.arrive $0xFFFF  }
0x3e0: {  	p0 =	sne.s32 s0, $0x0;
	s0 =	rddreg [dreg:$0x3]  }
0x3e1: {  	s0 =	sadd.s32 @!p0 $0x100000, s0  }
0x3e2: {  	[sflag:s0] =	ssyncadd.tile.s32 @!p0 $0x1;
	_ =	shalt  }
.Lfunc_end2:
_tile_overlayer_lowered:
.L_overlay_start_2:
0x3e3: {  	(tag) =	ssettag $0x2  }
0x3e4: {  	s0 =	rddreg [dreg:$0x0];
	s2 =	stileid.u32  }
0x3e5: {  	s1 =	rddreg [dreg:$0x1];
	p0 =	sne.s32 s2, $0x0  }
0x3e6: {  	s3 =	rddreg [dreg:$0x2];
	[bflag:$0x3] =	sbarrier.arrive $0xFFFF;
	s2 =	simm.s32 @!p0 $0x1C0F  }
0x3e7: {  	[timem:s3], [sflag:s2] =	dma.local @!p0 [hbm:s0], s1  }
0x3e8: {  	s0 =	simm.s32 @!p0 $0xF  }
0x3e9: {  	_ =	swait.ge @!p0 [sflag:s0], s1  }
0x3ea: {  	s1 =	ssub.s32 @!p0 $0x0, s1;
	[sflag:s0] =	ssyncset.done @!p0 $0x0  }
0x3eb: {  	[sflag:s0] =	ssyncadd.s32 @!p0 s1  }
0x3ec: {  	[bflag:$0x3] =	sbarrier.arrive $0xFFFF  }
0x3ed: {  	_ =	shalt  }

</sc_bundles>
